<compile_context>
chip_gen: v7x
topology: tpu7x:2x2x1
jax: 0.10.2.dev20260603
libtpu: 0.0.44.dev20260713+nightly
codegen_flags: <defaults>
</compile_context>

<pallas_src>
import functools

import jax
import jax.numpy as jnp
from jax import lax
from jax.experimental import pallas as pl
from jax.experimental.pallas import tpu as pltpu
from jax.experimental.pallas import tpu_sc as plsc

BATCH = 16384
FEATS = 20
DIM = 16

NC, NS = 2, 16
NW = NC * NS
B_PER_W = BATCH // NW

CHUNK_B = 64
CHUNK_R = CHUNK_B * FEATS
NCHUNK = B_PER_W // CHUNK_B


def _lane_sum(v, perms):
    dnums = lax.GatherDimensionNumbers(
        offset_dims=(), collapsed_slice_dims=(0,), start_index_map=(0,))
    for p in perms:
        v = v + lax.gather(
            v, p[:, None], dimension_numbers=dnums, slice_sizes=(1,),
            mode=lax.GatherScatterMode.PROMISE_IN_BOUNDS)
    return v


def _vrsqrt(x):
    i = plsc.bitcast(x, jnp.int32)
    i = jnp.int32(0x5F3759DF) - (i >> 1)
    y = plsc.bitcast(i, jnp.float32)
    for _ in range(3):
        y = y * (1.5 - 0.5 * x * y * y)
    return y


@functools.partial(
    pl.kernel,
    mesh=plsc.VectorSubcoreMesh(core_axis_name="c", subcore_axis_name="s"),
    out_type=jax.ShapeDtypeStruct((BATCH, DIM), jnp.float32),
    compiler_params=pltpu.CompilerParams(
        needs_layout_passes=False, use_tc_tiling_on_sc=False),
    scratch_types=[
        pltpu.VMEM((B_PER_W, FEATS), jnp.int32),
        pltpu.VMEM((CHUNK_R, DIM), jnp.float32),
        pltpu.VMEM((B_PER_W, DIM), jnp.float32),
        pltpu.SemaphoreType.DMA,
    ],
)
def _encode(idx_hbm, table_hbm, out_hbm, idx_v, rows_v, out_v, sem):
    wid = lax.axis_index("s") * NC + lax.axis_index("c")
    pltpu.sync_copy(idx_hbm.at[pl.ds(wid * B_PER_W, B_PER_W)], idx_v)
    iota = lax.iota(jnp.int32, DIM)
    perms = [iota ^ s for s in (8, 4, 2, 1)]

    def chunk_body(c, _):
        copies = [
            pltpu.async_copy(
                table_hbm.at[idx_v.at[c * CHUNK_B + p]],
                rows_v.at[pl.ds(p * FEATS, FEATS)],
                sem,
            )
            for p in range(CHUNK_B)
        ]
        for cp in copies:
            cp.wait()

        def point_body(bb, _):
            acc = jnp.zeros((DIM,), jnp.float32)
            for j in range(FEATS):
                r = rows_v[bb * FEATS + j]
                acc = acc + r * _vrsqrt(_lane_sum(r * r, perms))
            out_v[c * CHUNK_B + bb] = acc * _vrsqrt(_lane_sum(acc * acc, perms))
            return 0

        lax.fori_loop(0, CHUNK_B, point_body, 0)
        return 0

    lax.fori_loop(0, NCHUNK, chunk_body, 0)
    pltpu.sync_copy(out_v, out_hbm.at[pl.ds(wid * B_PER_W, B_PER_W)])


def kernel(indices, table):
    tl = lax.optimization_barrier(table.reshape(125000, 128))
    return _encode(indices.astype(jnp.int32), tl.reshape(1000000, DIM))

# --- scband reference (transcript-rebuilt; emitter-appended) ---
"""Pipeline reference for scband-point-feature-encoder-4294967296652 (READ-ONLY COPY).

The authoritative reference and input builder live on the scoring server;
editing this copy changes nothing except your own understanding.
"""

import jax, jax.numpy as jnp
import numpy as np

VOCAB = 1000000
EMBED_DIM = 16
BATCH = 16384
FEATS_PER_POINT = 20

def setup_inputs(seed: int = 0) -> dict:
    key = jax.random.key(seed)
    k1, k2 = jax.random.split(key)
    indices = jax.random.randint(k1, (BATCH, FEATS_PER_POINT), 0, VOCAB, dtype=jnp.int64)
    table = jax.random.normal(k2, (VOCAB, EMBED_DIM), dtype=jnp.float32)
    return {"indices": indices, "table": table}

def reference(indices, table):
    # feature embedding lookup: [B, L, D]
    embeds = jnp.take(table, indices, axis=0)
    # L2-normalize each feature embedding along embed dim (dim=2)
    norm = jnp.linalg.norm(embeds, ord=2, axis=2, keepdims=True)
    embeds_norm = embeds / norm
    # aggregate over the feature axis (dim=1) with mean
    aggs = jnp.mean(embeds_norm, axis=1)
    # L2-normalize the aggregated embedding (dim=1)
    aggs_norm = jnp.linalg.norm(aggs, ord=2, axis=1, keepdims=True)
    aggs_normalize = aggs / aggs_norm
    return aggs_normalize

if __name__ == "__main__":
    import jax
    _d = setup_inputs()
    print(jax.jit(kernel)(*tuple(_d.values())))

</pallas_src>

<mosaic_0001>
#map = affine_map<(d0, d1) -> (0, 0)>
module attributes {stable_mosaic.version = 14 : i64} {
  func.func @_encode(%arg0: i32, %arg1: i32, %arg2: memref<16384x20xi32, #tpu.memory_space<hbm>>, %arg3: memref<1000000x16xf32, #tpu.memory_space<hbm>>, %arg4: memref<16384x16xf32, #tpu.memory_space<hbm>>, %arg5: memref<512x20xi32, #tpu.memory_space<vmem>>, %arg6: memref<1280x16xf32, #tpu.memory_space<vmem>>, %arg7: memref<512x16xf32, #tpu.memory_space<vmem>>, %arg8: memref<!tpu.dma_semaphore, #tpu.memory_space<semaphore_mem>>) attributes {dimension_semantics = [#tpu.dimension_semantics<core_parallel>, #tpu.dimension_semantics<subcore_parallel>], iteration_bounds = array<i64: 2, 16>, scalar_prefetch = 0 : i64, scratch_operands = 4 : i64, tpu.core_type = #tpu.core_type<sc_vector_subcore>, window_params = [{transform_indices = #map}, {transform_indices = #map}, {transform_indices = #map}]} {
    %mul3A = arith.constant 2 : i32
    %mul3A_0 = arith.muli %arg1, %mul3A : i32
    %add3A = arith.addi %mul3A_0, %arg0 : i32
    %mul3A_1 = arith.constant 512 : i32
    %mul3A_2 = arith.muli %add3A, %mul3A_1 : i32
    "tpu.region"() ({
      %run_scoped3A = tpu.sem_alloc : memref<!tpu.dma_semaphore, #tpu.memory_space<semaphore_mem>>
      %dma_start3A = arith.constant 0 : i32
      %dma_start3A_22 = tpu.memref_slice %arg2[%mul3A_2, %dma_start3A] : memref<16384x20xi32, #tpu.memory_space<hbm>> -> memref<512x20xi32, #tpu.memory_space<hbm>>
      %dma_start3A_23 = arith.constant 0 : i32
      %dma_start3A_24 = tpu.memref_slice %arg2[%mul3A_2, %dma_start3A_23] : memref<16384x20xi32, #tpu.memory_space<hbm>> -> memref<512x20xi32, #tpu.memory_space<hbm>>
      tpu.enqueue_dma source(%dma_start3A_24 : memref<512x20xi32, #tpu.memory_space<hbm>>) target(%arg5 : memref<512x20xi32, #tpu.memory_space<vmem>>) target_semaphore(%run_scoped3A : memref<!tpu.dma_semaphore, #tpu.memory_space<semaphore_mem>>)
      %dma_wait3A = arith.constant 0 : i32
      %dma_wait3A_25 = tpu.memref_slice %arg2[%mul3A_2, %dma_wait3A] : memref<16384x20xi32, #tpu.memory_space<hbm>> -> memref<512x20xi32, #tpu.memory_space<hbm>>
      %dma_wait3A_26 = arith.constant 0 : i32
      %dma_wait3A_27 = tpu.memref_slice %arg2[%mul3A_2, %dma_wait3A_26] : memref<16384x20xi32, #tpu.memory_space<hbm>> -> memref<512x20xi32, #tpu.memory_space<hbm>>
      tpu.wait_dma2 semaphore(%run_scoped3A : memref<!tpu.dma_semaphore, #tpu.memory_space<semaphore_mem>>) src(%dma_wait3A_27 : memref<512x20xi32, #tpu.memory_space<hbm>>) dst(%arg5 : memref<512x20xi32, #tpu.memory_space<vmem>>)
      tpu.yield
    }) : () -> ()
    %iota3A = tpu.iota {dimensions = array<i32: 0>} : vector<16xi32>
    %xor3A = arith.constant 8 : i32
    %xor3A_3 = vector.broadcast %xor3A : i32 to vector<16xi32>
    %xor3A_4 = arith.xori %iota3A, %xor3A_3 : vector<16xi32>
    %xor3A_5 = arith.constant 4 : i32
    %xor3A_6 = vector.broadcast %xor3A_5 : i32 to vector<16xi32>
    %xor3A_7 = arith.xori %iota3A, %xor3A_6 : vector<16xi32>
    %xor3A_8 = arith.constant 2 : i32
    %xor3A_9 = vector.broadcast %xor3A_8 : i32 to vector<16xi32>
    %xor3A_10 = arith.xori %iota3A, %xor3A_9 : vector<16xi32>
    %xor3A_11 = arith.constant 1 : i32
    %xor3A_12 = vector.broadcast %xor3A_11 : i32 to vector<16xi32>
    %xor3A_13 = arith.xori %iota3A, %xor3A_12 : vector<16xi32>
    %scan3A = arith.constant 0 : i32
    %scan3A_14 = arith.constant 0 : i32
    %scan3A_15 = arith.constant 8 : i32
    %scan3A_16 = arith.addi %scan3A_14, %scan3A_15 : i32
    %scan3A_17 = arith.constant 1 : i32
    %scan3A_18 = scf.for %scan3A_22 = %scan3A_14 to %scan3A_16 step %scan3A_17 iter_args(%scan3A_23 = %scan3A) -> (i32)  : i32 {
      %mul3A_24 = arith.constant 64 : i32
      %mul3A_25 = arith.muli %scan3A_22, %mul3A_24 : i32
      %add3A_26 = arith.constant 0 : i32
      %add3A_27 = arith.addi %mul3A_25, %add3A_26 : i32
      %dma_start3A = arith.constant 0 : i32
      %dma_start3A_28 = arith.constant 0 : i32
      %dma_start3A_29 = tpu.memref_slice %arg6[%dma_start3A, %dma_start3A_28] : memref<1280x16xf32, #tpu.memory_space<vmem>> -> memref<20x16xf32, #tpu.memory_space<vmem>>
      %dma_start3A_30 = arith.constant 0 : i32
      %dma_start3A_31 = tpu.memref_slice %arg5[%add3A_27, %dma_start3A_30] : memref<512x20xi32, #tpu.memory_space<vmem>> -> memref<1x20xi32, #tpu.memory_space<vmem>>
      %dma_start3A_32 = tpu.memref_squeeze %dma_start3A_31 : memref<1x20xi32, #tpu.memory_space<vmem>> -> memref<20xi32, #tpu.memory_space<vmem>>
      %dma_start3A_33 = arith.constant 0 : i32
      %dma_start3A_34 = arith.constant 0 : i32
      %dma_start3A_35 = tpu.memref_slice %arg3[%dma_start3A_33, %dma_start3A_34] : memref<1000000x16xf32, #tpu.memory_space<hbm>> -> memref<1000000x16xf32, #tpu.memory_space<hbm>>
      tpu.enqueue_indirect_dma source(%dma_start3A_35 : memref<1000000x16xf32, #tpu.memory_space<hbm>>) target(%dma_start3A_29 : memref<20x16xf32, #tpu.memory_space<vmem>>) offsets(%dma_start3A_32 : memref<20xi32, #tpu.memory_space<vmem>>) semaphore(%arg8 : memref<!tpu.dma_semaphore, #tpu.memory_space<semaphore_mem>>)
      %mul3A_36 = arith.constant 64 : i32
      %mul3A_37 = arith.muli %scan3A_22, %mul3A_36 : i32
      %add3A_38 = arith.constant 1 : i32
      %add3A_39 = arith.addi %mul3A_37, %add3A_38 : i32
      %dma_start3A_40 = arith.constant 20 : i32
      %dma_start3A_41 = arith.constant 0 : i32
      %dma_start3A_42 = tpu.memref_slice %arg6[%dma_start3A_40, %dma_start3A_41] : memref<1280x16xf32, #tpu.memory_space<vmem>> -> memref<20x16xf32, #tpu.memory_space<vmem>>
      %dma_start3A_43 = arith.constant 0 : i32
      %dma_start3A_44 = tpu.memref_slice %arg5[%add3A_39, %dma_start3A_43] : memref<512x20xi32, #tpu.memory_space<vmem>> -> memref<1x20xi32, #tpu.memory_space<vmem>>
      %dma_start3A_45 = tpu.memref_squeeze %dma_start3A_44 : memref<1x20xi32, #tpu.memory_space<vmem>> -> memref<20xi32, #tpu.memory_space<vmem>>
      %dma_start3A_46 = arith.constant 0 : i32
      %dma_start3A_47 = arith.constant 0 : i32
      %dma_start3A_48 = tpu.memref_slice %arg3[%dma_start3A_46, %dma_start3A_47] : memref<1000000x16xf32, #tpu.memory_space<hbm>> -> memref<1000000x16xf32, #tpu.memory_space<hbm>>
      tpu.enqueue_indirect_dma source(%dma_start3A_48 : memref<1000000x16xf32, #tpu.memory_space<hbm>>) target(%dma_start3A_42 : memref<20x16xf32, #tpu.memory_space<vmem>>) offsets(%dma_start3A_45 : memref<20xi32, #tpu.memory_space<vmem>>) semaphore(%arg8 : memref<!tpu.dma_semaphore, #tpu.memory_space<semaphore_mem>>)
      %mul3A_49 = arith.constant 64 : i32
      %mul3A_50 = arith.muli %scan3A_22, %mul3A_49 : i32
      %add3A_51 = arith.constant 2 : i32
      %add3A_52 = arith.addi %mul3A_50, %add3A_51 : i32
      %dma_start3A_53 = arith.constant 40 : i32
      %dma_start3A_54 = arith.constant 0 : i32
      %dma_start3A_55 = tpu.memref_slice %arg6[%dma_start3A_53, %dma_start3A_54] : memref<1280x16xf32, #tpu.memory_space<vmem>> -> memref<20x16xf32, #tpu.memory_space<vmem>>
      %dma_start3A_56 = arith.constant 0 : i32
      %dma_start3A_57 = tpu.memref_slice %arg5[%add3A_52, %dma_start3A_56] : memref<512x20xi32, #tpu.memory_space<vmem>> -> memref<1x20xi32, #tpu.memory_space<vmem>>
      %dma_start3A_58 = tpu.memref_squeeze %dma_start3A_57 : memref<1x20xi32, #tpu.memory_space<vmem>> -> memref<20xi32, #tpu.memory_space<vmem>>
      %dma_start3A_59 = arith.constant 0 : i32
      %dma_start3A_60 = arith.constant 0 : i32
      %dma_start3A_61 = tpu.memref_slice %arg3[%dma_start3A_59, %dma_start3A_60] : memref<1000000x16xf32, #tpu.memory_space<hbm>> -> memref<1000000x16xf32, #tpu.memory_space<hbm>>
      tpu.enqueue_indirect_dma source(%dma_start3A_61 : memref<1000000x16xf32, #tpu.memory_space<hbm>>) target(%dma_start3A_55 : memref<20x16xf32, #tpu.memory_space<vmem>>) offsets(%dma_start3A_58 : memref<20xi32, #tpu.memory_space<vmem>>) semaphore(%arg8 : memref<!tpu.dma_semaphore, #tpu.memory_space<semaphore_mem>>)
      %mul3A_62 = arith.constant 64 : i32
      %mul3A_63 = arith.muli %scan3A_22, %mul3A_62 : i32
      %add3A_64 = arith.constant 3 : i32
      %add3A_65 = arith.addi %mul3A_63, %add3A_64 : i32
      %dma_start3A_66 = arith.constant 60 : i32
      %dma_start3A_67 = arith.constant 0 : i32
      %dma_start3A_68 = tpu.memref_slice %arg6[%dma_start3A_66, %dma_start3A_67] : memref<1280x16xf32, #tpu.memory_space<vmem>> -> memref<20x16xf32, #tpu.memory_space<vmem>>
      %dma_start3A_69 = arith.constant 0 : i32
      %dma_start3A_70 = tpu.memref_slice %arg5[%add3A_65, %dma_start3A_69] : memref<512x20xi32, #tpu.memory_space<vmem>> -> memref<1x20xi32, #tpu.memory_space<vmem>>
      %dma_start3A_71 = tpu.memref_squeeze %dma_start3A_70 : memref<1x20xi32, #tpu.memory_space<vmem>> -> memref<20xi32, #tpu.memory_space<vmem>>
      %dma_start3A_72 = arith.constant 0 : i32
      %dma_start3A_73 = arith.constant 0 : i32
      %dma_start3A_74 = tpu.memref_slice %arg3[%dma_start3A_72, %dma_start3A_73] : memref<1000000x16xf32, #tpu.memory_space<hbm>> -> memref<1000000x16xf32, #tpu.memory_space<hbm>>
      tpu.enqueue_indirect_dma source(%dma_start3A_74 : memref<1000000x16xf32, #tpu.memory_space<hbm>>) target(%dma_start3A_68 : memref<20x16xf32, #tpu.memory_space<vmem>>) offsets(%dma_start3A_71 : memref<20xi32, #tpu.memory_space<vmem>>) semaphore(%arg8 : memref<!tpu.dma_semaphore, #tpu.memory_space<semaphore_mem>>)
      %mul3A_75 = arith.constant 64 : i32
      %mul3A_76 = arith.muli %scan3A_22, %mul3A_75 : i32
      %add3A_77 = arith.constant 4 : i32
      %add3A_78 = arith.addi %mul3A_76, %add3A_77 : i32
      %dma_start3A_79 = arith.constant 80 : i32
      %dma_start3A_80 = arith.constant 0 : i32
      %dma_start3A_81 = tpu.memref_slice %arg6[%dma_start3A_79, %dma_start3A_80] : memref<1280x16xf32, #tpu.memory_space<vmem>> -> memref<20x16xf32, #tpu.memory_space<vmem>>
      %dma_start3A_82 = arith.constant 0 : i32
      %dma_start3A_83 = tpu.memref_slice %arg5[%add3A_78, %dma_start3A_82] : memref<512x20xi32, #tpu.memory_space<vmem>> -> memref<1x20xi32, #tpu.memory_space<vmem>>
      %dma_start3A_84 = tpu.memref_squeeze %dma_start3A_83 : memref<1x20xi32, #tpu.memory_space<vmem>> -> memref<20xi32, #tpu.memory_space<vmem>>
      %dma_start3A_85 = arith.constant 0 : i32
      %dma_start3A_86 = arith.constant 0 : i32
      %dma_start3A_87 = tpu.memref_slice %arg3[%dma_start3A_85, %dma_start3A_86] : memref<1000000x16xf32, #tpu.memory_space<hbm>> -> memref<1000000x16xf32, #tpu.memory_space<hbm>>
      tpu.enqueue_indirect_dma source(%dma_start3A_87 : memref<1000000x16xf32, #tpu.memory_space<hbm>>) target(%dma_start3A_81 : memref<20x16xf32, #tpu.memory_space<vmem>>) offsets(%dma_start3A_84 : memref<20xi32, #tpu.memory_space<vmem>>) semaphore(%arg8 : memref<!tpu.dma_semaphore, #tpu.memory_space<semaphore_mem>>)
      %mul3A_88 = arith.constant 64 : i32
      %mul3A_89 = arith.muli %scan3A_22, %mul3A_88 : i32
      %add3A_90 = arith.constant 5 : i32
      %add3A_91 = arith.addi %mul3A_89, %add3A_90 : i32
      %dma_start3A_92 = arith.constant 100 : i32
      %dma_start3A_93 = arith.constant 0 : i32
      %dma_start3A_94 = tpu.memref_slice %arg6[%dma_start3A_92, %dma_start3A_93] : memref<1280x16xf32, #tpu.memory_space<vmem>> -> memref<20x16xf32, #tpu.memory_space<vmem>>
      %dma_start3A_95 = arith.constant 0 : i32
      %dma_start3A_96 = tpu.memref_slice %arg5[%add3A_91, %dma_start3A_95] : memref<512x20xi32, #tpu.memory_space<vmem>> -> memref<1x20xi32, #tpu.memory_space<vmem>>
      %dma_start3A_97 = tpu.memref_squeeze %dma_start3A_96 : memref<1x20xi32, #tpu.memory_space<vmem>> -> memref<20xi32, #tpu.memory_space<vmem>>
      %dma_start3A_98 = arith.constant 0 : i32
      %dma_start3A_99 = arith.constant 0 : i32
      %dma_start3A_100 = tpu.memref_slice %arg3[%dma_start3A_98, %dma_start3A_99] : memref<1000000x16xf32, #tpu.memory_space<hbm>> -> memref<1000000x16xf32, #tpu.memory_space<hbm>>
      tpu.enqueue_indirect_dma source(%dma_start3A_100 : memref<1000000x16xf32, #tpu.memory_space<hbm>>) target(%dma_start3A_94 : memref<20x16xf32, #tpu.memory_space<vmem>>) offsets(%dma_start3A_97 : memref<20xi32, #tpu.memory_space<vmem>>) semaphore(%arg8 : memref<!tpu.dma_semaphore, #tpu.memory_space<semaphore_mem>>)
      %mul3A_101 = arith.constant 64 : i32
      %mul3A_102 = arith.muli %scan3A_22, %mul3A_101 : i32
      %add3A_103 = arith.constant 6 : i32
      %add3A_104 = arith.addi %mul3A_102, %add3A_103 : i32
      %dma_start3A_105 = arith.constant 120 : i32
      %dma_start3A_106 = arith.constant 0 : i32
      %dma_start3A_107 = tpu.memref_slice %arg6[%dma_start3A_105, %dma_start3A_106] : memref<1280x16xf32, #tpu.memory_space<vmem>> -> memref<20x16xf32, #tpu.memory_space<vmem>>
      %dma_start3A_108 = arith.constant 0 : i32
      %dma_start3A_109 = tpu.memref_slice %arg5[%add3A_104, %dma_start3A_108] : memref<512x20xi32, #tpu.memory_space<vmem>> -> memref<1x20xi32, #tpu.memory_space<vmem>>
      %dma_start3A_110 = tpu.memref_squeeze %dma_start3A_109 : memref<1x20xi32, #tpu.memory_space<vmem>> -> memref<20xi32, #tpu.memory_space<vmem>>
      %dma_start3A_111 = arith.constant 0 : i32
      %dma_start3A_112 = arith.constant 0 : i32
      %dma_start3A_113 = tpu.memref_slice %arg3[%dma_start3A_111, %dma_start3A_112] : memref<1000000x16xf32, #tpu.memory_space<hbm>> -> memref<1000000x16xf32, #tpu.memory_space<hbm>>
      tpu.enqueue_indirect_dma source(%dma_start3A_113 : memref<1000000x16xf32, #tpu.memory_space<hbm>>) target(%dma_start3A_107 : memref<20x16xf32, #tpu.memory_space<vmem>>) offsets(%dma_start3A_110 : memref<20xi32, #tpu.memory_space<vmem>>) semaphore(%arg8 : memref<!tpu.dma_semaphore, #tpu.memory_space<semaphore_mem>>)
      %mul3A_114 = arith.constant 64 : i32
      %mul3A_115 = arith.muli %scan3A_22, %mul3A_114 : i32
      %add3A_116 = arith.constant 7 : i32
      %add3A_117 = arith.addi %mul3A_115, %add3A_116 : i32
      %dma_start3A_118 = arith.constant 140 : i32
      %dma_start3A_119 = arith.constant 0 : i32
      %dma_start3A_120 = tpu.memref_slice %arg6[%dma_start3A_118, %dma_start3A_119] : memref<1280x16xf32, #tpu.memory_space<vmem>> -> memref<20x16xf32, #tpu.memory_space<vmem>>
      %dma_start3A_121 = arith.constant 0 : i32
      %dma_start3A_122 = tpu.memref_slice %arg5[%add3A_117, %dma_start3A_121] : memref<512x20xi32, #tpu.memory_space<vmem>> -> memref<1x20xi32, #tpu.memory_space<vmem>>
      %dma_start3A_123 = tpu.memref_squeeze %dma_start3A_122 : memref<1x20xi32, #tpu.memory_space<vmem>> -> memref<20xi32, #tpu.memory_space<vmem>>
      %dma_start3A_124 = arith.constant 0 : i32
      %dma_start3A_125 = arith.constant 0 : i32
      %dma_start3A_126 = tpu.memref_slice %arg3[%dma_start3A_124, %dma_start3A_125] : memref<1000000x16xf32, #tpu.memory_space<hbm>> -> memref<1000000x16xf32, #tpu.memory_space<hbm>>
      tpu.enqueue_indirect_dma source(%dma_start3A_126 : memref<1000000x16xf32, #tpu.memory_space<hbm>>) target(%dma_start3A_120 : memref<20x16xf32, #tpu.memory_space<vmem>>) offsets(%dma_start3A_123 : memref<20xi32, #tpu.memory_space<vmem>>) semaphore(%arg8 : memref<!tpu.dma_semaphore, #tpu.memory_space<semaphore_mem>>)
      %mul3A_127 = arith.constant 64 : i32
      %mul3A_128 = arith.muli %scan3A_22, %mul3A_127 : i32
      %add3A_129 = arith.constant 8 : i32
      %add3A_130 = arith.addi %mul3A_128, %add3A_129 : i32
      %dma_start3A_131 = arith.constant 160 : i32
      %dma_start3A_132 = arith.constant 0 : i32
      %dma_start3A_133 = tpu.memref_slice %arg6[%dma_start3A_131, %dma_start3A_132] : memref<1280x16xf32, #tpu.memory_space<vmem>> -> memref<20x16xf32, #tpu.memory_space<vmem>>
      %dma_start3A_134 = arith.constant 0 : i32
      %dma_start3A_135 = tpu.memref_slice %arg5[%add3A_130, %dma_start3A_134] : memref<512x20xi32, #tpu.memory_space<vmem>> -> memref<1x20xi32, #tpu.memory_space<vmem>>
      %dma_start3A_136 = tpu.memref_squeeze %dma_start3A_135 : memref<1x20xi32, #tpu.memory_space<vmem>> -> memref<20xi32, #tpu.memory_space<vmem>>
      %dma_start3A_137 = arith.constant 0 : i32
      %dma_start3A_138 = arith.constant 0 : i32
      %dma_start3A_139 = tpu.memref_slice %arg3[%dma_start3A_137, %dma_start3A_138] : memref<1000000x16xf32, #tpu.memory_space<hbm>> -> memref<1000000x16xf32, #tpu.memory_space<hbm>>
      tpu.enqueue_indirect_dma source(%dma_start3A_139 : memref<1000000x16xf32, #tpu.memory_space<hbm>>) target(%dma_start3A_133 : memref<20x16xf32, #tpu.memory_space<vmem>>) offsets(%dma_start3A_136 : memref<20xi32, #tpu.memory_space<vmem>>) semaphore(%arg8 : memref<!tpu.dma_semaphore, #tpu.memory_space<semaphore_mem>>)
      %mul3A_140 = arith.constant 64 : i32
      %mul3A_141 = arith.muli %scan3A_22, %mul3A_140 : i32
      %add3A_142 = arith.constant 9 : i32
      %add3A_143 = arith.addi %mul3A_141, %add3A_142 : i32
      %dma_start3A_144 = arith.constant 180 : i32
      %dma_start3A_145 = arith.constant 0 : i32
      %dma_start3A_146 = tpu.memref_slice %arg6[%dma_start3A_144, %dma_start3A_145] : memref<1280x16xf32, #tpu.memory_space<vmem>> -> memref<20x16xf32, #tpu.memory_space<vmem>>
      %dma_start3A_147 = arith.constant 0 : i32
      %dma_start3A_148 = tpu.memref_slice %arg5[%add3A_143, %dma_start3A_147] : memref<512x20xi32, #tpu.memory_space<vmem>> -> memref<1x20xi32, #tpu.memory_space<vmem>>
      %dma_start3A_149 = tpu.memref_squeeze %dma_start3A_148 : memref<1x20xi32, #tpu.memory_space<vmem>> -> memref<20xi32, #tpu.memory_space<vmem>>
      %dma_start3A_150 = arith.constant 0 : i32
      %dma_start3A_151 = arith.constant 0 : i32
      %dma_start3A_152 = tpu.memref_slice %arg3[%dma_start3A_150, %dma_start3A_151] : memref<1000000x16xf32, #tpu.memory_space<hbm>> -> memref<1000000x16xf32, #tpu.memory_space<hbm>>
      tpu.enqueue_indirect_dma source(%dma_start3A_152 : memref<1000000x16xf32, #tpu.memory_space<hbm>>) target(%dma_start3A_146 : memref<20x16xf32, #tpu.memory_space<vmem>>) offsets(%dma_start3A_149 : memref<20xi32, #tpu.memory_space<vmem>>) semaphore(%arg8 : memref<!tpu.dma_semaphore, #tpu.memory_space<semaphore_mem>>)
      %mul3A_153 = arith.constant 64 : i32
      %mul3A_154 = arith.muli %scan3A_22, %mul3A_153 : i32
      %add3A_155 = arith.constant 10 : i32
      %add3A_156 = arith.addi %mul3A_154, %add3A_155 : i32
      %dma_start3A_157 = arith.constant 200 : i32
      %dma_start3A_158 = arith.constant 0 : i32
      %dma_start3A_159 = tpu.memref_slice %arg6[%dma_start3A_157, %dma_start3A_158] : memref<1280x16xf32, #tpu.memory_space<vmem>> -> memref<20x16xf32, #tpu.memory_space<vmem>>
      %dma_start3A_160 = arith.constant 0 : i32
      %dma_start3A_161 = tpu.memref_slice %arg5[%add3A_156, %dma_start3A_160] : memref<512x20xi32, #tpu.memory_space<vmem>> -> memref<1x20xi32, #tpu.memory_space<vmem>>
      %dma_start3A_162 = tpu.memref_squeeze %dma_start3A_161 : memref<1x20xi32, #tpu.memory_space<vmem>> -> memref<20xi32, #tpu.memory_space<vmem>>
      %dma_start3A_163 = arith.constant 0 : i32
      %dma_start3A_164 = arith.constant 0 : i32
      %dma_start3A_165 = tpu.memref_slice %arg3[%dma_start3A_163, %dma_start3A_164] : memref<1000000x16xf32, #tpu.memory_space<hbm>> -> memref<1000000x16xf32, #tpu.memory_space<hbm>>
      tpu.enqueue_indirect_dma source(%dma_start3A_165 : memref<1000000x16xf32, #tpu.memory_space<hbm>>) target(%dma_start3A_159 : memref<20x16xf32, #tpu.memory_space<vmem>>) offsets(%dma_start3A_162 : memref<20xi32, #tpu.memory_space<vmem>>) semaphore(%arg8 : memref<!tpu.dma_semaphore, #tpu.memory_space<semaphore_mem>>)
      %mul3A_166 = arith.constant 64 : i32
      %mul3A_167 = arith.muli %scan3A_22, %mul3A_166 : i32
      %add3A_168 = arith.constant 11 : i32
      %add3A_169 = arith.addi %mul3A_167, %add3A_168 : i32
      %dma_start3A_170 = arith.constant 220 : i32
      %dma_start3A_171 = arith.constant 0 : i32
      %dma_start3A_172 = tpu.memref_slice %arg6[%dma_start3A_170, %dma_start3A_171] : memref<1280x16xf32, #tpu.memory_space<vmem>> -> memref<20x16xf32, #tpu.memory_space<vmem>>
      %dma_start3A_173 = arith.constant 0 : i32
      %dma_start3A_174 = tpu.memref_slice %arg5[%add3A_169, %dma_start3A_173] : memref<512x20xi32, #tpu.memory_space<vmem>> -> memref<1x20xi32, #tpu.memory_space<vmem>>
      %dma_start3A_175 = tpu.memref_squeeze %dma_start3A_174 : memref<1x20xi32, #tpu.memory_space<vmem>> -> memref<20xi32, #tpu.memory_space<vmem>>
      %dma_start3A_176 = arith.constant 0 : i32
      %dma_start3A_177 = arith.constant 0 : i32
      %dma_start3A_178 = tpu.memref_slice %arg3[%dma_start3A_176, %dma_start3A_177] : memref<1000000x16xf32, #tpu.memory_space<hbm>> -> memref<1000000x16xf32, #tpu.memory_space<hbm>>
      tpu.enqueue_indirect_dma source(%dma_start3A_178 : memref<1000000x16xf32, #tpu.memory_space<hbm>>) target(%dma_start3A_172 : memref<20x16xf32, #tpu.memory_space<vmem>>) offsets(%dma_start3A_175 : memref<20xi32, #tpu.memory_space<vmem>>) semaphore(%arg8 : memref<!tpu.dma_semaphore, #tpu.memory_space<semaphore_mem>>)
      %mul3A_179 = arith.constant 64 : i32
      %mul3A_180 = arith.muli %scan3A_22, %mul3A_179 : i32
      %add3A_181 = arith.constant 12 : i32
      %add3A_182 = arith.addi %mul3A_180, %add3A_181 : i32
      %dma_start3A_183 = arith.constant 240 : i32
      %dma_start3A_184 = arith.constant 0 : i32
      %dma_start3A_185 = tpu.memref_slice %arg6[%dma_start3A_183, %dma_start3A_184] : memref<1280x16xf32, #tpu.memory_space<vmem>> -> memref<20x16xf32, #tpu.memory_space<vmem>>
      %dma_start3A_186 = arith.constant 0 : i32
      %dma_start3A_187 = tpu.memref_slice %arg5[%add3A_182, %dma_start3A_186] : memref<512x20xi32, #tpu.memory_space<vmem>> -> memref<1x20xi32, #tpu.memory_space<vmem>>
      %dma_start3A_188 = tpu.memref_squeeze %dma_start3A_187 : memref<1x20xi32, #tpu.memory_space<vmem>> -> memref<20xi32, #tpu.memory_space<vmem>>
      %dma_start3A_189 = arith.constant 0 : i32
      %dma_start3A_190 = arith.constant 0 : i32
      %dma_start3A_191 = tpu.memref_slice %arg3[%dma_start3A_189, %dma_start3A_190] : memref<1000000x16xf32, #tpu.memory_space<hbm>> -> memref<1000000x16xf32, #tpu.memory_space<hbm>>
      tpu.enqueue_indirect_dma source(%dma_start3A_191 : memref<1000000x16xf32, #tpu.memory_space<hbm>>) target(%dma_start3A_185 : memref<20x16xf32, #tpu.memory_space<vmem>>) offsets(%dma_start3A_188 : memref<20xi32, #tpu.memory_space<vmem>>) semaphore(%arg8 : memref<!tpu.dma_semaphore, #tpu.memory_space<semaphore_mem>>)
      %mul3A_192 = arith.constant 64 : i32
      %mul3A_193 = arith.muli %scan3A_22, %mul3A_192 : i32
      %add3A_194 = arith.constant 13 : i32
      %add3A_195 = arith.addi %mul3A_193, %add3A_194 : i32
      %dma_start3A_196 = arith.constant 260 : i32
      %dma_start3A_197 = arith.constant 0 : i32
      %dma_start3A_198 = tpu.memref_slice %arg6[%dma_start3A_196, %dma_start3A_197] : memref<1280x16xf32, #tpu.memory_space<vmem>> -> memref<20x16xf32, #tpu.memory_space<vmem>>
      %dma_start3A_199 = arith.constant 0 : i32
      %dma_start3A_200 = tpu.memref_slice %arg5[%add3A_195, %dma_start3A_199] : memref<512x20xi32, #tpu.memory_space<vmem>> -> memref<1x20xi32, #tpu.memory_space<vmem>>
      %dma_start3A_201 = tpu.memref_squeeze %dma_start3A_200 : memref<1x20xi32, #tpu.memory_space<vmem>> -> memref<20xi32, #tpu.memory_space<vmem>>
      %dma_start3A_202 = arith.constant 0 : i32
      %dma_start3A_203 = arith.constant 0 : i32
      %dma_start3A_204 = tpu.memref_slice %arg3[%dma_start3A_202, %dma_start3A_203] : memref<1000000x16xf32, #tpu.memory_space<hbm>> -> memref<1000000x16xf32, #tpu.memory_space<hbm>>
      tpu.enqueue_indirect_dma source(%dma_start3A_204 : memref<1000000x16xf32, #tpu.memory_space<hbm>>) target(%dma_start3A_198 : memref<20x16xf32, #tpu.memory_space<vmem>>) offsets(%dma_start3A_201 : memref<20xi32, #tpu.memory_space<vmem>>) semaphore(%arg8 : memref<!tpu.dma_semaphore, #tpu.memory_space<semaphore_mem>>)
      %mul3A_205 = arith.constant 64 : i32
      %mul3A_206 = arith.muli %scan3A_22, %mul3A_205 : i32
      %add3A_207 = arith.constant 14 : i32
      %add3A_208 = arith.addi %mul3A_206, %add3A_207 : i32
      %dma_start3A_209 = arith.constant 280 : i32
      %dma_start3A_210 = arith.constant 0 : i32
      %dma_start3A_211 = tpu.memref_slice %arg6[%dma_start3A_209, %dma_start3A_210] : memref<1280x16xf32, #tpu.memory_space<vmem>> -> memref<20x16xf32, #tpu.memory_space<vmem>>
      %dma_start3A_212 = arith.constant 0 : i32
      %dma_start3A_213 = tpu.memref_slice %arg5[%add3A_208, %dma_start3A_212] : memref<512x20xi32, #tpu.memory_space<vmem>> -> memref<1x20xi32, #tpu.memory_space<vmem>>
      %dma_start3A_214 = tpu.memref_squeeze %dma_start3A_213 : memref<1x20xi32, #tpu.memory_space<vmem>> -> memref<20xi32, #tpu.memory_space<vmem>>
      %dma_start3A_215 = arith.constant 0 : i32
      %dma_start3A_216 = arith.constant 0 : i32
      %dma_start3A_217 = tpu.memref_slice %arg3[%dma_start3A_215, %dma_start3A_216] : memref<1000000x16xf32, #tpu.memory_space<hbm>> -> memref<1000000x16xf32, #tpu.memory_space<hbm>>
      tpu.enqueue_indirect_dma source(%dma_start3A_217 : memref<1000000x16xf32, #tpu.memory_space<hbm>>) target(%dma_start3A_211 : memref<20x16xf32, #tpu.memory_space<vmem>>) offsets(%dma_start3A_214 : memref<20xi32, #tpu.memory_space<vmem>>) semaphore(%arg8 : memref<!tpu.dma_semaphore, #tpu.memory_space<semaphore_mem>>)
      %mul3A_218 = arith.constant 64 : i32
      %mul3A_219 = arith.muli %scan3A_22, %mul3A_218 : i32
      %add3A_220 = arith.constant 15 : i32
      %add3A_221 = arith.addi %mul3A_219, %add3A_220 : i32
      %dma_start3A_222 = arith.constant 300 : i32
      %dma_start3A_223 = arith.constant 0 : i32
      %dma_start3A_224 = tpu.memref_slice %arg6[%dma_start3A_222, %dma_start3A_223] : memref<1280x16xf32, #tpu.memory_space<vmem>> -> memref<20x16xf32, #tpu.memory_space<vmem>>
      %dma_start3A_225 = arith.constant 0 : i32
      %dma_start3A_226 = tpu.memref_slice %arg5[%add3A_221, %dma_start3A_225] : memref<512x20xi32, #tpu.memory_space<vmem>> -> memref<1x20xi32, #tpu.memory_space<vmem>>
      %dma_start3A_227 = tpu.memref_squeeze %dma_start3A_226 : memref<1x20xi32, #tpu.memory_space<vmem>> -> memref<20xi32, #tpu.memory_space<vmem>>
      %dma_start3A_228 = arith.constant 0 : i32
      %dma_start3A_229 = arith.constant 0 : i32
      %dma_start3A_230 = tpu.memref_slice %arg3[%dma_start3A_228, %dma_start3A_229] : memref<1000000x16xf32, #tpu.memory_space<hbm>> -> memref<1000000x16xf32, #tpu.memory_space<hbm>>
      tpu.enqueue_indirect_dma source(%dma_start3A_230 : memref<1000000x16xf32, #tpu.memory_space<hbm>>) target(%dma_start3A_224 : memref<20x16xf32, #tpu.memory_space<vmem>>) offsets(%dma_start3A_227 : memref<20xi32, #tpu.memory_space<vmem>>) semaphore(%arg8 : memref<!tpu.dma_semaphore, #tpu.memory_space<semaphore_mem>>)
      %mul3A_231 = arith.constant 64 : i32
      %mul3A_232 = arith.muli %scan3A_22, %mul3A_231 : i32
      %add3A_233 = arith.constant 16 : i32
      %add3A_234 = arith.addi %mul3A_232, %add3A_233 : i32
      %dma_start3A_235 = arith.constant 320 : i32
      %dma_start3A_236 = arith.constant 0 : i32
      %dma_start3A_237 = tpu.memref_slice %arg6[%dma_start3A_235, %dma_start3A_236] : memref<1280x16xf32, #tpu.memory_space<vmem>> -> memref<20x16xf32, #tpu.memory_space<vmem>>
      %dma_start3A_238 = arith.constant 0 : i32
      %dma_start3A_239 = tpu.memref_slice %arg5[%add3A_234, %dma_start3A_238] : memref<512x20xi32, #tpu.memory_space<vmem>> -> memref<1x20xi32, #tpu.memory_space<vmem>>
      %dma_start3A_240 = tpu.memref_squeeze %dma_start3A_239 : memref<1x20xi32, #tpu.memory_space<vmem>> -> memref<20xi32, #tpu.memory_space<vmem>>
      %dma_start3A_241 = arith.constant 0 : i32
      %dma_start3A_242 = arith.constant 0 : i32
      %dma_start3A_243 = tpu.memref_slice %arg3[%dma_start3A_241, %dma_start3A_242] : memref<1000000x16xf32, #tpu.memory_space<hbm>> -> memref<1000000x16xf32, #tpu.memory_space<hbm>>
      tpu.enqueue_indirect_dma source(%dma_start3A_243 : memref<1000000x16xf32, #tpu.memory_space<hbm>>) target(%dma_start3A_237 : memref<20x16xf32, #tpu.memory_space<vmem>>) offsets(%dma_start3A_240 : memref<20xi32, #tpu.memory_space<vmem>>) semaphore(%arg8 : memref<!tpu.dma_semaphore, #tpu.memory_space<semaphore_mem>>)
      %mul3A_244 = arith.constant 64 : i32
      %mul3A_245 = arith.muli %scan3A_22, %mul3A_244 : i32
      %add3A_246 = arith.constant 17 : i32
      %add3A_247 = arith.addi %mul3A_245, %add3A_246 : i32
      %dma_start3A_248 = arith.constant 340 : i32
      %dma_start3A_249 = arith.constant 0 : i32
      %dma_start3A_250 = tpu.memref_slice %arg6[%dma_start3A_248, %dma_start3A_249] : memref<1280x16xf32, #tpu.memory_space<vmem>> -> memref<20x16xf32, #tpu.memory_space<vmem>>
      %dma_start3A_251 = arith.constant 0 : i32
      %dma_start3A_252 = tpu.memref_slice %arg5[%add3A_247, %dma_start3A_251] : memref<512x20xi32, #tpu.memory_space<vmem>> -> memref<1x20xi32, #tpu.memory_space<vmem>>
      %dma_start3A_253 = tpu.memref_squeeze %dma_start3A_252 : memref<1x20xi32, #tpu.memory_space<vmem>> -> memref<20xi32, #tpu.memory_space<vmem>>
      %dma_start3A_254 = arith.constant 0 : i32
      %dma_start3A_255 = arith.constant 0 : i32
      %dma_start3A_256 = tpu.memref_slice %arg3[%dma_start3A_254, %dma_start3A_255] : memref<1000000x16xf32, #tpu.memory_space<hbm>> -> memref<1000000x16xf32, #tpu.memory_space<hbm>>
      tpu.enqueue_indirect_dma source(%dma_start3A_256 : memref<1000000x16xf32, #tpu.memory_space<hbm>>) target(%dma_start3A_250 : memref<20x16xf32, #tpu.memory_space<vmem>>) offsets(%dma_start3A_253 : memref<20xi32, #tpu.memory_space<vmem>>) semaphore(%arg8 : memref<!tpu.dma_semaphore, #tpu.memory_space<semaphore_mem>>)
      %mul3A_257 = arith.constant 64 : i32
      %mul3A_258 = arith.muli %scan3A_22, %mul3A_257 : i32
      %add3A_259 = arith.constant 18 : i32
      %add3A_260 = arith.addi %mul3A_258, %add3A_259 : i32
      %dma_start3A_261 = arith.constant 360 : i32
      %dma_start3A_262 = arith.constant 0 : i32
      %dma_start3A_263 = tpu.memref_slice %arg6[%dma_start3A_261, %dma_start3A_262] : memref<1280x16xf32, #tpu.memory_space<vmem>> -> memref<20x16xf32, #tpu.memory_space<vmem>>
      %dma_start3A_264 = arith.constant 0 : i32
      %dma_start3A_265 = tpu.memref_slice %arg5[%add3A_260, %dma_start3A_264] : memref<512x20xi32, #tpu.memory_space<vmem>> -> memref<1x20xi32, #tpu.memory_space<vmem>>
      %dma_start3A_266 = tpu.memref_squeeze %dma_start3A_265 : memref<1x20xi32, #tpu.memory_space<vmem>> -> memref<20xi32, #tpu.memory_space<vmem>>
      %dma_start3A_267 = arith.constant 0 : i32
      %dma_start3A_268 = arith.constant 0 : i32
      %dma_start3A_269 = tpu.memref_slice %arg3[%dma_start3A_267, %dma_start3A_268] : memref<1000000x16xf32, #tpu.memory_space<hbm>> -> memref<1000000x16xf32, #tpu.memory_space<hbm>>
      tpu.enqueue_indirect_dma source(%dma_start3A_269 : memref<1000000x16xf32, #tpu.memory_space<hbm>>) target(%dma_start3A_263 : memref<20x16xf32, #tpu.memory_space<vmem>>) offsets(%dma_start3A_266 : memref<20xi32, #tpu.memory_space<vmem>>) semaphore(%arg8 : memref<!tpu.dma_semaphore, #tpu.memory_space<semaphore_mem>>)
      %mul3A_270 = arith.constant 64 : i32
      %mul3A_271 = arith.muli %scan3A_22, %mul3A_270 : i32
      %add3A_272 = arith.constant 19 : i32
      %add3A_273 = arith.addi %mul3A_271, %add3A_272 : i32
      %dma_start3A_274 = arith.constant 380 : i32
      %dma_start3A_275 = arith.constant 0 : i32
      %dma_start3A_276 = tpu.memref_slice %arg6[%dma_start3A_274, %dma_start3A_275] : memref<1280x16xf32, #tpu.memory_space<vmem>> -> memref<20x16xf32, #tpu.memory_space<vmem>>
      %dma_start3A_277 = arith.constant 0 : i32
      %dma_start3A_278 = tpu.memref_slice %arg5[%add3A_273, %dma_start3A_277] : memref<512x20xi32, #tpu.memory_space<vmem>> -> memref<1x20xi32, #tpu.memory_space<vmem>>
      %dma_start3A_279 = tpu.memref_squeeze %dma_start3A_278 : memref<1x20xi32, #tpu.memory_space<vmem>> -> memref<20xi32, #tpu.memory_space<vmem>>
      %dma_start3A_280 = arith.constant 0 : i32
      %dma_start3A_281 = arith.constant 0 : i32
      %dma_start3A_282 = tpu.memref_slice %arg3[%dma_start3A_280, %dma_start3A_281] : memref<1000000x16xf32, #tpu.memory_space<hbm>> -> memref<1000000x16xf32, #tpu.memory_space<hbm>>
      tpu.enqueue_indirect_dma source(%dma_start3A_282 : memref<1000000x16xf32, #tpu.memory_space<hbm>>) target(%dma_start3A_276 : memref<20x16xf32, #tpu.memory_space<vmem>>) offsets(%dma_start3A_279 : memref<20xi32, #tpu.memory_space<vmem>>) semaphore(%arg8 : memref<!tpu.dma_semaphore, #tpu.memory_space<semaphore_mem>>)
      %mul3A_283 = arith.constant 64 : i32
      %mul3A_284 = arith.muli %scan3A_22, %mul3A_283 : i32
      %add3A_285 = arith.constant 20 : i32
      %add3A_286 = arith.addi %mul3A_284, %add3A_285 : i32
      %dma_start3A_287 = arith.constant 400 : i32
      %dma_start3A_288 = arith.constant 0 : i32
      %dma_start3A_289 = tpu.memref_slice %arg6[%dma_start3A_287, %dma_start3A_288] : memref<1280x16xf32, #tpu.memory_space<vmem>> -> memref<20x16xf32, #tpu.memory_space<vmem>>
      %dma_start3A_290 = arith.constant 0 : i32
      %dma_start3A_291 = tpu.memref_slice %arg5[%add3A_286, %dma_start3A_290] : memref<512x20xi32, #tpu.memory_space<vmem>> -> memref<1x20xi32, #tpu.memory_space<vmem>>
      %dma_start3A_292 = tpu.memref_squeeze %dma_start3A_291 : memref<1x20xi32, #tpu.memory_space<vmem>> -> memref<20xi32, #tpu.memory_space<vmem>>
      %dma_start3A_293 = arith.constant 0 : i32
      %dma_start3A_294 = arith.constant 0 : i32
      %dma_start3A_295 = tpu.memref_slice %arg3[%dma_start3A_293, %dma_start3A_294] : memref<1000000x16xf32, #tpu.memory_space<hbm>> -> memref<1000000x16xf32, #tpu.memory_space<hbm>>
      tpu.enqueue_indirect_dma source(%dma_start3A_295 : memref<1000000x16xf32, #tpu.memory_space<hbm>>) target(%dma_start3A_289 : memref<20x16xf32, #tpu.memory_space<vmem>>) offsets(%dma_start3A_292 : memref<20xi32, #tpu.memory_space<vmem>>) semaphore(%arg8 : memref<!tpu.dma_semaphore, #tpu.memory_space<semaphore_mem>>)
      %mul3A_296 = arith.constant 64 : i32
      %mul3A_297 = arith.muli %scan3A_22, %mul3A_296 : i32
      %add3A_298 = arith.constant 21 : i32
      %add3A_299 = arith.addi %mul3A_297, %add3A_298 : i32
      %dma_start3A_300 = arith.constant 420 : i32
      %dma_start3A_301 = arith.constant 0 : i32
      %dma_start3A_302 = tpu.memref_slice %arg6[%dma_start3A_300, %dma_start3A_301] : memref<1280x16xf32, #tpu.memory_space<vmem>> -> memref<20x16xf32, #tpu.memory_space<vmem>>
      %dma_start3A_303 = arith.constant 0 : i32
      %dma_start3A_304 = tpu.memref_slice %arg5[%add3A_299, %dma_start3A_303] : memref<512x20xi32, #tpu.memory_space<vmem>> -> memref<1x20xi32, #tpu.memory_space<vmem>>
      %dma_start3A_305 = tpu.memref_squeeze %dma_start3A_304 : memref<1x20xi32, #tpu.memory_space<vmem>> -> memref<20xi32, #tpu.memory_space<vmem>>
      %dma_start3A_306 = arith.constant 0 : i32
      %dma_start3A_307 = arith.constant 0 : i32
      %dma_start3A_308 = tpu.memref_slice %arg3[%dma_start3A_306, %dma_start3A_307] : memref<1000000x16xf32, #tpu.memory_space<hbm>> -> memref<1000000x16xf32, #tpu.memory_space<hbm>>
      tpu.enqueue_indirect_dma source(%dma_start3A_308 : memref<1000000x16xf32, #tpu.memory_space<hbm>>) target(%dma_start3A_302 : memref<20x16xf32, #tpu.memory_space<vmem>>) offsets(%dma_start3A_305 : memref<20xi32, #tpu.memory_space<vmem>>) semaphore(%arg8 : memref<!tpu.dma_semaphore, #tpu.memory_space<semaphore_mem>>)
      %mul3A_309 = arith.constant 64 : i32
      %mul3A_310 = arith.muli %scan3A_22, %mul3A_309 : i32
      %add3A_311 = arith.constant 22 : i32
      %add3A_312 = arith.addi %mul3A_310, %add3A_311 : i32
      %dma_start3A_313 = arith.constant 440 : i32
      %dma_start3A_314 = arith.constant 0 : i32
      %dma_start3A_315 = tpu.memref_slice %arg6[%dma_start3A_313, %dma_start3A_314] : memref<1280x16xf32, #tpu.memory_space<vmem>> -> memref<20x16xf32, #tpu.memory_space<vmem>>
      %dma_start3A_316 = arith.constant 0 : i32
      %dma_start3A_317 = tpu.memref_slice %arg5[%add3A_312, %dma_start3A_316] : memref<512x20xi32, #tpu.memory_space<vmem>> -> memref<1x20xi32, #tpu.memory_space<vmem>>
      %dma_start3A_318 = tpu.memref_squeeze %dma_start3A_317 : memref<1x20xi32, #tpu.memory_space<vmem>> -> memref<20xi32, #tpu.memory_space<vmem>>
      %dma_start3A_319 = arith.constant 0 : i32
      %dma_start3A_320 = arith.constant 0 : i32
      %dma_start3A_321 = tpu.memref_slice %arg3[%dma_start3A_319, %dma_start3A_320] : memref<1000000x16xf32, #tpu.memory_space<hbm>> -> memref<1000000x16xf32, #tpu.memory_space<hbm>>
      tpu.enqueue_indirect_dma source(%dma_start3A_321 : memref<1000000x16xf32, #tpu.memory_space<hbm>>) target(%dma_start3A_315 : memref<20x16xf32, #tpu.memory_space<vmem>>) offsets(%dma_start3A_318 : memref<20xi32, #tpu.memory_space<vmem>>) semaphore(%arg8 : memref<!tpu.dma_semaphore, #tpu.memory_space<semaphore_mem>>)
      %mul3A_322 = arith.constant 64 : i32
      %mul3A_323 = arith.muli %scan3A_22, %mul3A_322 : i32
      %add3A_324 = arith.constant 23 : i32
      %add3A_325 = arith.addi %mul3A_323, %add3A_324 : i32
      %dma_start3A_326 = arith.constant 460 : i32
      %dma_start3A_327 = arith.constant 0 : i32
      %dma_start3A_328 = tpu.memref_slice %arg6[%dma_start3A_326, %dma_start3A_327] : memref<1280x16xf32, #tpu.memory_space<vmem>> -> memref<20x16xf32, #tpu.memory_space<vmem>>
      %dma_start3A_329 = arith.constant 0 : i32
      %dma_start3A_330 = tpu.memref_slice %arg5[%add3A_325, %dma_start3A_329] : memref<512x20xi32, #tpu.memory_space<vmem>> -> memref<1x20xi32, #tpu.memory_space<vmem>>
      %dma_start3A_331 = tpu.memref_squeeze %dma_start3A_330 : memref<1x20xi32, #tpu.memory_space<vmem>> -> memref<20xi32, #tpu.memory_space<vmem>>
      %dma_start3A_332 = arith.constant 0 : i32
      %dma_start3A_333 = arith.constant 0 : i32
      %dma_start3A_334 = tpu.memref_slice %arg3[%dma_start3A_332, %dma_start3A_333] : memref<1000000x16xf32, #tpu.memory_space<hbm>> -> memref<1000000x16xf32, #tpu.memory_space<hbm>>
      tpu.enqueue_indirect_dma source(%dma_start3A_334 : memref<1000000x16xf32, #tpu.memory_space<hbm>>) target(%dma_start3A_328 : memref<20x16xf32, #tpu.memory_space<vmem>>) offsets(%dma_start3A_331 : memref<20xi32, #tpu.memory_space<vmem>>) semaphore(%arg8 : memref<!tpu.dma_semaphore, #tpu.memory_space<semaphore_mem>>)
      %mul3A_335 = arith.constant 64 : i32
      %mul3A_336 = arith.muli %scan3A_22, %mul3A_335 : i32
      %add3A_337 = arith.constant 24 : i32
      %add3A_338 = arith.addi %mul3A_336, %add3A_337 : i32
      %dma_start3A_339 = arith.constant 480 : i32
      %dma_start3A_340 = arith.constant 0 : i32
      %dma_start3A_341 = tpu.memref_slice %arg6[%dma_start3A_339, %dma_start3A_340] : memref<1280x16xf32, #tpu.memory_space<vmem>> -> memref<20x16xf32, #tpu.memory_space<vmem>>
      %dma_start3A_342 = arith.constant 0 : i32
      %dma_start3A_343 = tpu.memref_slice %arg5[%add3A_338, %dma_start3A_342] : memref<512x20xi32, #tpu.memory_space<vmem>> -> memref<1x20xi32, #tpu.memory_space<vmem>>
      %dma_start3A_344 = tpu.memref_squeeze %dma_start3A_343 : memref<1x20xi32, #tpu.memory_space<vmem>> -> memref<20xi32, #tpu.memory_space<vmem>>
      %dma_start3A_345 = arith.constant 0 : i32
      %dma_start3A_346 = arith.constant 0 : i32
      %dma_start3A_347 = tpu.memref_slice %arg3[%dma_start3A_345, %dma_start3A_346] : memref<1000000x16xf32, #tpu.memory_space<hbm>> -> memref<1000000x16xf32, #tpu.memory_space<hbm>>
      tpu.enqueue_indirect_dma source(%dma_start3A_347 : memref<1000000x16xf32, #tpu.memory_space<hbm>>) target(%dma_start3A_341 : memref<20x16xf32, #tpu.memory_space<vmem>>) offsets(%dma_start3A_344 : memref<20xi32, #tpu.memory_space<vmem>>) semaphore(%arg8 : memref<!tpu.dma_semaphore, #tpu.memory_space<semaphore_mem>>)
      %mul3A_348 = arith.constant 64 : i32
      %mul3A_349 = arith.muli %scan3A_22, %mul3A_348 : i32
      %add3A_350 = arith.constant 25 : i32
      %add3A_351 = arith.addi %mul3A_349, %add3A_350 : i32
      %dma_start3A_352 = arith.constant 500 : i32
      %dma_start3A_353 = arith.constant 0 : i32
      %dma_start3A_354 = tpu.memref_slice %arg6[%dma_start3A_352, %dma_start3A_353] : memref<1280x16xf32, #tpu.memory_space<vmem>> -> memref<20x16xf32, #tpu.memory_space<vmem>>
      %dma_start3A_355 = arith.constant 0 : i32
      %dma_start3A_356 = tpu.memref_slice %arg5[%add3A_351, %dma_start3A_355] : memref<512x20xi32, #tpu.memory_space<vmem>> -> memref<1x20xi32, #tpu.memory_space<vmem>>
      %dma_start3A_357 = tpu.memref_squeeze %dma_start3A_356 : memref<1x20xi32, #tpu.memory_space<vmem>> -> memref<20xi32, #tpu.memory_space<vmem>>
      %dma_start3A_358 = arith.constant 0 : i32
      %dma_start3A_359 = arith.constant 0 : i32
      %dma_start3A_360 = tpu.memref_slice %arg3[%dma_start3A_358, %dma_start3A_359] : memref<1000000x16xf32, #tpu.memory_space<hbm>> -> memref<1000000x16xf32, #tpu.memory_space<hbm>>
      tpu.enqueue_indirect_dma source(%dma_start3A_360 : memref<1000000x16xf32, #tpu.memory_space<hbm>>) target(%dma_start3A_354 : memref<20x16xf32, #tpu.memory_space<vmem>>) offsets(%dma_start3A_357 : memref<20xi32, #tpu.memory_space<vmem>>) semaphore(%arg8 : memref<!tpu.dma_semaphore, #tpu.memory_space<semaphore_mem>>)
      %mul3A_361 = arith.constant 64 : i32
      %mul3A_362 = arith.muli %scan3A_22, %mul3A_361 : i32
      %add3A_363 = arith.constant 26 : i32
      %add3A_364 = arith.addi %mul3A_362, %add3A_363 : i32
      %dma_start3A_365 = arith.constant 520 : i32
      %dma_start3A_366 = arith.constant 0 : i32
      %dma_start3A_367 = tpu.memref_slice %arg6[%dma_start3A_365, %dma_start3A_366] : memref<1280x16xf32, #tpu.memory_space<vmem>> -> memref<20x16xf32, #tpu.memory_space<vmem>>
      %dma_start3A_368 = arith.constant 0 : i32
      %dma_start3A_369 = tpu.memref_slice %arg5[%add3A_364, %dma_start3A_368] : memref<512x20xi32, #tpu.memory_space<vmem>> -> memref<1x20xi32, #tpu.memory_space<vmem>>
      %dma_start3A_370 = tpu.memref_squeeze %dma_start3A_369 : memref<1x20xi32, #tpu.memory_space<vmem>> -> memref<20xi32, #tpu.memory_space<vmem>>
      %dma_start3A_371 = arith.constant 0 : i32
      %dma_start3A_372 = arith.constant 0 : i32
      %dma_start3A_373 = tpu.memref_slice %arg3[%dma_start3A_371, %dma_start3A_372] : memref<1000000x16xf32, #tpu.memory_space<hbm>> -> memref<1000000x16xf32, #tpu.memory_space<hbm>>
      tpu.enqueue_indirect_dma source(%dma_start3A_373 : memref<1000000x16xf32, #tpu.memory_space<hbm>>) target(%dma_start3A_367 : memref<20x16xf32, #tpu.memory_space<vmem>>) offsets(%dma_start3A_370 : memref<20xi32, #tpu.memory_space<vmem>>) semaphore(%arg8 : memref<!tpu.dma_semaphore, #tpu.memory_space<semaphore_mem>>)
      %mul3A_374 = arith.constant 64 : i32
      %mul3A_375 = arith.muli %scan3A_22, %mul3A_374 : i32
      %add3A_376 = arith.constant 27 : i32
      %add3A_377 = arith.addi %mul3A_375, %add3A_376 : i32
      %dma_start3A_378 = arith.constant 540 : i32
      %dma_start3A_379 = arith.constant 0 : i32
      %dma_start3A_380 = tpu.memref_slice %arg6[%dma_start3A_378, %dma_start3A_379] : memref<1280x16xf32, #tpu.memory_space<vmem>> -> memref<20x16xf32, #tpu.memory_space<vmem>>
      %dma_start3A_381 = arith.constant 0 : i32
      %dma_start3A_382 = tpu.memref_slice %arg5[%add3A_377, %dma_start3A_381] : memref<512x20xi32, #tpu.memory_space<vmem>> -> memref<1x20xi32, #tpu.memory_space<vmem>>
      %dma_start3A_383 = tpu.memref_squeeze %dma_start3A_382 : memref<1x20xi32, #tpu.memory_space<vmem>> -> memref<20xi32, #tpu.memory_space<vmem>>
      %dma_start3A_384 = arith.constant 0 : i32
      %dma_start3A_385 = arith.constant 0 : i32
      %dma_start3A_386 = tpu.memref_slice %arg3[%dma_start3A_384, %dma_start3A_385] : memref<1000000x16xf32, #tpu.memory_space<hbm>> -> memref<1000000x16xf32, #tpu.memory_space<hbm>>
      tpu.enqueue_indirect_dma source(%dma_start3A_386 : memref<1000000x16xf32, #tpu.memory_space<hbm>>) target(%dma_start3A_380 : memref<20x16xf32, #tpu.memory_space<vmem>>) offsets(%dma_start3A_383 : memref<20xi32, #tpu.memory_space<vmem>>) semaphore(%arg8 : memref<!tpu.dma_semaphore, #tpu.memory_space<semaphore_mem>>)
      %mul3A_387 = arith.constant 64 : i32
      %mul3A_388 = arith.muli %scan3A_22, %mul3A_387 : i32
      %add3A_389 = arith.constant 28 : i32
      %add3A_390 = arith.addi %mul3A_388, %add3A_389 : i32
      %dma_start3A_391 = arith.constant 560 : i32
      %dma_start3A_392 = arith.constant 0 : i32
      %dma_start3A_393 = tpu.memref_slice %arg6[%dma_start3A_391, %dma_start3A_392] : memref<1280x16xf32, #tpu.memory_space<vmem>> -> memref<20x16xf32, #tpu.memory_space<vmem>>
      %dma_start3A_394 = arith.constant 0 : i32
      %dma_start3A_395 = tpu.memref_slice %arg5[%add3A_390, %dma_start3A_394] : memref<512x20xi32, #tpu.memory_space<vmem>> -> memref<1x20xi32, #tpu.memory_space<vmem>>
      %dma_start3A_396 = tpu.memref_squeeze %dma_start3A_395 : memref<1x20xi32, #tpu.memory_space<vmem>> -> memref<20xi32, #tpu.memory_space<vmem>>
      %dma_start3A_397 = arith.constant 0 : i32
      %dma_start3A_398 = arith.constant 0 : i32
      %dma_start3A_399 = tpu.memref_slice %arg3[%dma_start3A_397, %dma_start3A_398] : memref<1000000x16xf32, #tpu.memory_space<hbm>> -> memref<1000000x16xf32, #tpu.memory_space<hbm>>
      tpu.enqueue_indirect_dma source(%dma_start3A_399 : memref<1000000x16xf32, #tpu.memory_space<hbm>>) target(%dma_start3A_393 : memref<20x16xf32, #tpu.memory_space<vmem>>) offsets(%dma_start3A_396 : memref<20xi32, #tpu.memory_space<vmem>>) semaphore(%arg8 : memref<!tpu.dma_semaphore, #tpu.memory_space<semaphore_mem>>)
      %mul3A_400 = arith.constant 64 : i32
      %mul3A_401 = arith.muli %scan3A_22, %mul3A_400 : i32
      %add3A_402 = arith.constant 29 : i32
      %add3A_403 = arith.addi %mul3A_401, %add3A_402 : i32
      %dma_start3A_404 = arith.constant 580 : i32
      %dma_start3A_405 = arith.constant 0 : i32
      %dma_start3A_406 = tpu.memref_slice %arg6[%dma_start3A_404, %dma_start3A_405] : memref<1280x16xf32, #tpu.memory_space<vmem>> -> memref<20x16xf32, #tpu.memory_space<vmem>>
      %dma_start3A_407 = arith.constant 0 : i32
      %dma_start3A_408 = tpu.memref_slice %arg5[%add3A_403, %dma_start3A_407] : memref<512x20xi32, #tpu.memory_space<vmem>> -> memref<1x20xi32, #tpu.memory_space<vmem>>
      %dma_start3A_409 = tpu.memref_squeeze %dma_start3A_408 : memref<1x20xi32, #tpu.memory_space<vmem>> -> memref<20xi32, #tpu.memory_space<vmem>>
      %dma_start3A_410 = arith.constant 0 : i32
      %dma_start3A_411 = arith.constant 0 : i32
      %dma_start3A_412 = tpu.memref_slice %arg3[%dma_start3A_410, %dma_start3A_411] : memref<1000000x16xf32, #tpu.memory_space<hbm>> -> memref<1000000x16xf32, #tpu.memory_space<hbm>>
      tpu.enqueue_indirect_dma source(%dma_start3A_412 : memref<1000000x16xf32, #tpu.memory_space<hbm>>) target(%dma_start3A_406 : memref<20x16xf32, #tpu.memory_space<vmem>>) offsets(%dma_start3A_409 : memref<20xi32, #tpu.memory_space<vmem>>) semaphore(%arg8 : memref<!tpu.dma_semaphore, #tpu.memory_space<semaphore_mem>>)
      %mul3A_413 = arith.constant 64 : i32
      %mul3A_414 = arith.muli %scan3A_22, %mul3A_413 : i32
      %add3A_415 = arith.constant 30 : i32
      %add3A_416 = arith.addi %mul3A_414, %add3A_415 : i32
      %dma_start3A_417 = arith.constant 600 : i32
      %dma_start3A_418 = arith.constant 0 : i32
      %dma_start3A_419 = tpu.memref_slice %arg6[%dma_start3A_417, %dma_start3A_418] : memref<1280x16xf32, #tpu.memory_space<vmem>> -> memref<20x16xf32, #tpu.memory_space<vmem>>
      %dma_start3A_420 = arith.constant 0 : i32
      %dma_start3A_421 = tpu.memref_slice %arg5[%add3A_416, %dma_start3A_420] : memref<512x20xi32, #tpu.memory_space<vmem>> -> memref<1x20xi32, #tpu.memory_space<vmem>>
      %dma_start3A_422 = tpu.memref_squeeze %dma_start3A_421 : memref<1x20xi32, #tpu.memory_space<vmem>> -> memref<20xi32, #tpu.memory_space<vmem>>
      %dma_start3A_423 = arith.constant 0 : i32
      %dma_start3A_424 = arith.constant 0 : i32
      %dma_start3A_425 = tpu.memref_slice %arg3[%dma_start3A_423, %dma_start3A_424] : memref<1000000x16xf32, #tpu.memory_space<hbm>> -> memref<1000000x16xf32, #tpu.memory_space<hbm>>
      tpu.enqueue_indirect_dma source(%dma_start3A_425 : memref<1000000x16xf32, #tpu.memory_space<hbm>>) target(%dma_start3A_419 : memref<20x16xf32, #tpu.memory_space<vmem>>) offsets(%dma_start3A_422 : memref<20xi32, #tpu.memory_space<vmem>>) semaphore(%arg8 : memref<!tpu.dma_semaphore, #tpu.memory_space<semaphore_mem>>)
      %mul3A_426 = arith.constant 64 : i32
      %mul3A_427 = arith.muli %scan3A_22, %mul3A_426 : i32
      %add3A_428 = arith.constant 31 : i32
      %add3A_429 = arith.addi %mul3A_427, %add3A_428 : i32
      %dma_start3A_430 = arith.constant 620 : i32
      %dma_start3A_431 = arith.constant 0 : i32
      %dma_start3A_432 = tpu.memref_slice %arg6[%dma_start3A_430, %dma_start3A_431] : memref<1280x16xf32, #tpu.memory_space<vmem>> -> memref<20x16xf32, #tpu.memory_space<vmem>>
      %dma_start3A_433 = arith.constant 0 : i32
      %dma_start3A_434 = tpu.memref_slice %arg5[%add3A_429, %dma_start3A_433] : memref<512x20xi32, #tpu.memory_space<vmem>> -> memref<1x20xi32, #tpu.memory_space<vmem>>
      %dma_start3A_435 = tpu.memref_squeeze %dma_start3A_434 : memref<1x20xi32, #tpu.memory_space<vmem>> -> memref<20xi32, #tpu.memory_space<vmem>>
      %dma_start3A_436 = arith.constant 0 : i32
      %dma_start3A_437 = arith.constant 0 : i32
      %dma_start3A_438 = tpu.memref_slice %arg3[%dma_start3A_436, %dma_start3A_437] : memref<1000000x16xf32, #tpu.memory_space<hbm>> -> memref<1000000x16xf32, #tpu.memory_space<hbm>>
      tpu.enqueue_indirect_dma source(%dma_start3A_438 : memref<1000000x16xf32, #tpu.memory_space<hbm>>) target(%dma_start3A_432 : memref<20x16xf32, #tpu.memory_space<vmem>>) offsets(%dma_start3A_435 : memref<20xi32, #tpu.memory_space<vmem>>) semaphore(%arg8 : memref<!tpu.dma_semaphore, #tpu.memory_space<semaphore_mem>>)
      %mul3A_439 = arith.constant 64 : i32
      %mul3A_440 = arith.muli %scan3A_22, %mul3A_439 : i32
      %add3A_441 = arith.constant 32 : i32
      %add3A_442 = arith.addi %mul3A_440, %add3A_441 : i32
      %dma_start3A_443 = arith.constant 640 : i32
      %dma_start3A_444 = arith.constant 0 : i32
      %dma_start3A_445 = tpu.memref_slice %arg6[%dma_start3A_443, %dma_start3A_444] : memref<1280x16xf32, #tpu.memory_space<vmem>> -> memref<20x16xf32, #tpu.memory_space<vmem>>
      %dma_start3A_446 = arith.constant 0 : i32
      %dma_start3A_447 = tpu.memref_slice %arg5[%add3A_442, %dma_start3A_446] : memref<512x20xi32, #tpu.memory_space<vmem>> -> memref<1x20xi32, #tpu.memory_space<vmem>>
      %dma_start3A_448 = tpu.memref_squeeze %dma_start3A_447 : memref<1x20xi32, #tpu.memory_space<vmem>> -> memref<20xi32, #tpu.memory_space<vmem>>
      %dma_start3A_449 = arith.constant 0 : i32
      %dma_start3A_450 = arith.constant 0 : i32
      %dma_start3A_451 = tpu.memref_slice %arg3[%dma_start3A_449, %dma_start3A_450] : memref<1000000x16xf32, #tpu.memory_space<hbm>> -> memref<1000000x16xf32, #tpu.memory_space<hbm>>
      tpu.enqueue_indirect_dma source(%dma_start3A_451 : memref<1000000x16xf32, #tpu.memory_space<hbm>>) target(%dma_start3A_445 : memref<20x16xf32, #tpu.memory_space<vmem>>) offsets(%dma_start3A_448 : memref<20xi32, #tpu.memory_space<vmem>>) semaphore(%arg8 : memref<!tpu.dma_semaphore, #tpu.memory_space<semaphore_mem>>)
      %mul3A_452 = arith.constant 64 : i32
      %mul3A_453 = arith.muli %scan3A_22, %mul3A_452 : i32
      %add3A_454 = arith.constant 33 : i32
      %add3A_455 = arith.addi %mul3A_453, %add3A_454 : i32
      %dma_start3A_456 = arith.constant 660 : i32
      %dma_start3A_457 = arith.constant 0 : i32
      %dma_start3A_458 = tpu.memref_slice %arg6[%dma_start3A_456, %dma_start3A_457] : memref<1280x16xf32, #tpu.memory_space<vmem>> -> memref<20x16xf32, #tpu.memory_space<vmem>>
      %dma_start3A_459 = arith.constant 0 : i32
      %dma_start3A_460 = tpu.memref_slice %arg5[%add3A_455, %dma_start3A_459] : memref<512x20xi32, #tpu.memory_space<vmem>> -> memref<1x20xi32, #tpu.memory_space<vmem>>
      %dma_start3A_461 = tpu.memref_squeeze %dma_start3A_460 : memref<1x20xi32, #tpu.memory_space<vmem>> -> memref<20xi32, #tpu.memory_space<vmem>>
      %dma_start3A_462 = arith.constant 0 : i32
      %dma_start3A_463 = arith.constant 0 : i32
      %dma_start3A_464 = tpu.memref_slice %arg3[%dma_start3A_462, %dma_start3A_463] : memref<1000000x16xf32, #tpu.memory_space<hbm>> -> memref<1000000x16xf32, #tpu.memory_space<hbm>>
      tpu.enqueue_indirect_dma source(%dma_start3A_464 : memref<1000000x16xf32, #tpu.memory_space<hbm>>) target(%dma_start3A_458 : memref<20x16xf32, #tpu.memory_space<vmem>>) offsets(%dma_start3A_461 : memref<20xi32, #tpu.memory_space<vmem>>) semaphore(%arg8 : memref<!tpu.dma_semaphore, #tpu.memory_space<semaphore_mem>>)
      %mul3A_465 = arith.constant 64 : i32
      %mul3A_466 = arith.muli %scan3A_22, %mul3A_465 : i32
      %add3A_467 = arith.constant 34 : i32
      %add3A_468 = arith.addi %mul3A_466, %add3A_467 : i32
      %dma_start3A_469 = arith.constant 680 : i32
      %dma_start3A_470 = arith.constant 0 : i32
      %dma_start3A_471 = tpu.memref_slice %arg6[%dma_start3A_469, %dma_start3A_470] : memref<1280x16xf32, #tpu.memory_space<vmem>> -> memref<20x16xf32, #tpu.memory_space<vmem>>
      %dma_start3A_472 = arith.constant 0 : i32
      %dma_start3A_473 = tpu.memref_slice %arg5[%add3A_468, %dma_start3A_472] : memref<512x20xi32, #tpu.memory_space<vmem>> -> memref<1x20xi32, #tpu.memory_space<vmem>>
      %dma_start3A_474 = tpu.memref_squeeze %dma_start3A_473 : memref<1x20xi32, #tpu.memory_space<vmem>> -> memref<20xi32, #tpu.memory_space<vmem>>
      %dma_start3A_475 = arith.constant 0 : i32
      %dma_start3A_476 = arith.constant 0 : i32
      %dma_start3A_477 = tpu.memref_slice %arg3[%dma_start3A_475, %dma_start3A_476] : memref<1000000x16xf32, #tpu.memory_space<hbm>> -> memref<1000000x16xf32, #tpu.memory_space<hbm>>
      tpu.enqueue_indirect_dma source(%dma_start3A_477 : memref<1000000x16xf32, #tpu.memory_space<hbm>>) target(%dma_start3A_471 : memref<20x16xf32, #tpu.memory_space<vmem>>) offsets(%dma_start3A_474 : memref<20xi32, #tpu.memory_space<vmem>>) semaphore(%arg8 : memref<!tpu.dma_semaphore, #tpu.memory_space<semaphore_mem>>)
      %mul3A_478 = arith.constant 64 : i32
      %mul3A_479 = arith.muli %scan3A_22, %mul3A_478 : i32
      %add3A_480 = arith.constant 35 : i32
      %add3A_481 = arith.addi %mul3A_479, %add3A_480 : i32
      %dma_start3A_482 = arith.constant 700 : i32
      %dma_start3A_483 = arith.constant 0 : i32
      %dma_start3A_484 = tpu.memref_slice %arg6[%dma_start3A_482, %dma_start3A_483] : memref<1280x16xf32, #tpu.memory_space<vmem>> -> memref<20x16xf32, #tpu.memory_space<vmem>>
      %dma_start3A_485 = arith.constant 0 : i32
      %dma_start3A_486 = tpu.memref_slice %arg5[%add3A_481, %dma_start3A_485] : memref<512x20xi32, #tpu.memory_space<vmem>> -> memref<1x20xi32, #tpu.memory_space<vmem>>
      %dma_start3A_487 = tpu.memref_squeeze %dma_start3A_486 : memref<1x20xi32, #tpu.memory_space<vmem>> -> memref<20xi32, #tpu.memory_space<vmem>>
      %dma_start3A_488 = arith.constant 0 : i32
      %dma_start3A_489 = arith.constant 0 : i32
      %dma_start3A_490 = tpu.memref_slice %arg3[%dma_start3A_488, %dma_start3A_489] : memref<1000000x16xf32, #tpu.memory_space<hbm>> -> memref<1000000x16xf32, #tpu.memory_space<hbm>>
      tpu.enqueue_indirect_dma source(%dma_start3A_490 : memref<1000000x16xf32, #tpu.memory_space<hbm>>) target(%dma_start3A_484 : memref<20x16xf32, #tpu.memory_space<vmem>>) offsets(%dma_start3A_487 : memref<20xi32, #tpu.memory_space<vmem>>) semaphore(%arg8 : memref<!tpu.dma_semaphore, #tpu.memory_space<semaphore_mem>>)
      %mul3A_491 = arith.constant 64 : i32
      %mul3A_492 = arith.muli %scan3A_22, %mul3A_491 : i32
      %add3A_493 = arith.constant 36 : i32
      %add3A_494 = arith.addi %mul3A_492, %add3A_493 : i32
      %dma_start3A_495 = arith.constant 720 : i32
      %dma_start3A_496 = arith.constant 0 : i32
      %dma_start3A_497 = tpu.memref_slice %arg6[%dma_start3A_495, %dma_start3A_496] : memref<1280x16xf32, #tpu.memory_space<vmem>> -> memref<20x16xf32, #tpu.memory_space<vmem>>
      %dma_start3A_498 = arith.constant 0 : i32
      %dma_start3A_499 = tpu.memref_slice %arg5[%add3A_494, %dma_start3A_498] : memref<512x20xi32, #tpu.memory_space<vmem>> -> memref<1x20xi32, #tpu.memory_space<vmem>>
      %dma_start3A_500 = tpu.memref_squeeze %dma_start3A_499 : memref<1x20xi32, #tpu.memory_space<vmem>> -> memref<20xi32, #tpu.memory_space<vmem>>
      %dma_start3A_501 = arith.constant 0 : i32
      %dma_start3A_502 = arith.constant 0 : i32
      %dma_start3A_503 = tpu.memref_slice %arg3[%dma_start3A_501, %dma_start3A_502] : memref<1000000x16xf32, #tpu.memory_space<hbm>> -> memref<1000000x16xf32, #tpu.memory_space<hbm>>
      tpu.enqueue_indirect_dma source(%dma_start3A_503 : memref<1000000x16xf32, #tpu.memory_space<hbm>>) target(%dma_start3A_497 : memref<20x16xf32, #tpu.memory_space<vmem>>) offsets(%dma_start3A_500 : memref<20xi32, #tpu.memory_space<vmem>>) semaphore(%arg8 : memref<!tpu.dma_semaphore, #tpu.memory_space<semaphore_mem>>)
      %mul3A_504 = arith.constant 64 : i32
      %mul3A_505 = arith.muli %scan3A_22, %mul3A_504 : i32
      %add3A_506 = arith.constant 37 : i32
      %add3A_507 = arith.addi %mul3A_505, %add3A_506 : i32
      %dma_start3A_508 = arith.constant 740 : i32
      %dma_start3A_509 = arith.constant 0 : i32
      %dma_start3A_510 = tpu.memref_slice %arg6[%dma_start3A_508, %dma_start3A_509] : memref<1280x16xf32, #tpu.memory_space<vmem>> -> memref<20x16xf32, #tpu.memory_space<vmem>>
      %dma_start3A_511 = arith.constant 0 : i32
      %dma_start3A_512 = tpu.memref_slice %arg5[%add3A_507, %dma_start3A_511] : memref<512x20xi32, #tpu.memory_space<vmem>> -> memref<1x20xi32, #tpu.memory_space<vmem>>
      %dma_start3A_513 = tpu.memref_squeeze %dma_start3A_512 : memref<1x20xi32, #tpu.memory_space<vmem>> -> memref<20xi32, #tpu.memory_space<vmem>>
      %dma_start3A_514 = arith.constant 0 : i32
      %dma_start3A_515 = arith.constant 0 : i32
      %dma_start3A_516 = tpu.memref_slice %arg3[%dma_start3A_514, %dma_start3A_515] : memref<1000000x16xf32, #tpu.memory_space<hbm>> -> memref<1000000x16xf32, #tpu.memory_space<hbm>>
      tpu.enqueue_indirect_dma source(%dma_start3A_516 : memref<1000000x16xf32, #tpu.memory_space<hbm>>) target(%dma_start3A_510 : memref<20x16xf32, #tpu.memory_space<vmem>>) offsets(%dma_start3A_513 : memref<20xi32, #tpu.memory_space<vmem>>) semaphore(%arg8 : memref<!tpu.dma_semaphore, #tpu.memory_space<semaphore_mem>>)
      %mul3A_517 = arith.constant 64 : i32
      %mul3A_518 = arith.muli %scan3A_22, %mul3A_517 : i32
      %add3A_519 = arith.constant 38 : i32
      %add3A_520 = arith.addi %mul3A_518, %add3A_519 : i32
      %dma_start3A_521 = arith.constant 760 : i32
      %dma_start3A_522 = arith.constant 0 : i32
      %dma_start3A_523 = tpu.memref_slice %arg6[%dma_start3A_521, %dma_start3A_522] : memref<1280x16xf32, #tpu.memory_space<vmem>> -> memref<20x16xf32, #tpu.memory_space<vmem>>
      %dma_start3A_524 = arith.constant 0 : i32
      %dma_start3A_525 = tpu.memref_slice %arg5[%add3A_520, %dma_start3A_524] : memref<512x20xi32, #tpu.memory_space<vmem>> -> memref<1x20xi32, #tpu.memory_space<vmem>>
      %dma_start3A_526 = tpu.memref_squeeze %dma_start3A_525 : memref<1x20xi32, #tpu.memory_space<vmem>> -> memref<20xi32, #tpu.memory_space<vmem>>
      %dma_start3A_527 = arith.constant 0 : i32
      %dma_start3A_528 = arith.constant 0 : i32
      %dma_start3A_529 = tpu.memref_slice %arg3[%dma_start3A_527, %dma_start3A_528] : memref<1000000x16xf32, #tpu.memory_space<hbm>> -> memref<1000000x16xf32, #tpu.memory_space<hbm>>
      tpu.enqueue_indirect_dma source(%dma_start3A_529 : memref<1000000x16xf32, #tpu.memory_space<hbm>>) target(%dma_start3A_523 : memref<20x16xf32, #tpu.memory_space<vmem>>) offsets(%dma_start3A_526 : memref<20xi32, #tpu.memory_space<vmem>>) semaphore(%arg8 : memref<!tpu.dma_semaphore, #tpu.memory_space<semaphore_mem>>)
      %mul3A_530 = arith.constant 64 : i32
      %mul3A_531 = arith.muli %scan3A_22, %mul3A_530 : i32
      %add3A_532 = arith.constant 39 : i32
      %add3A_533 = arith.addi %mul3A_531, %add3A_532 : i32
      %dma_start3A_534 = arith.constant 780 : i32
      %dma_start3A_535 = arith.constant 0 : i32
      %dma_start3A_536 = tpu.memref_slice %arg6[%dma_start3A_534, %dma_start3A_535] : memref<1280x16xf32, #tpu.memory_space<vmem>> -> memref<20x16xf32, #tpu.memory_space<vmem>>
      %dma_start3A_537 = arith.constant 0 : i32
      %dma_start3A_538 = tpu.memref_slice %arg5[%add3A_533, %dma_start3A_537] : memref<512x20xi32, #tpu.memory_space<vmem>> -> memref<1x20xi32, #tpu.memory_space<vmem>>
      %dma_start3A_539 = tpu.memref_squeeze %dma_start3A_538 : memref<1x20xi32, #tpu.memory_space<vmem>> -> memref<20xi32, #tpu.memory_space<vmem>>
      %dma_start3A_540 = arith.constant 0 : i32
      %dma_start3A_541 = arith.constant 0 : i32
      %dma_start3A_542 = tpu.memref_slice %arg3[%dma_start3A_540, %dma_start3A_541] : memref<1000000x16xf32, #tpu.memory_space<hbm>> -> memref<1000000x16xf32, #tpu.memory_space<hbm>>
      tpu.enqueue_indirect_dma source(%dma_start3A_542 : memref<1000000x16xf32, #tpu.memory_space<hbm>>) target(%dma_start3A_536 : memref<20x16xf32, #tpu.memory_space<vmem>>) offsets(%dma_start3A_539 : memref<20xi32, #tpu.memory_space<vmem>>) semaphore(%arg8 : memref<!tpu.dma_semaphore, #tpu.memory_space<semaphore_mem>>)
      %mul3A_543 = arith.constant 64 : i32
      %mul3A_544 = arith.muli %scan3A_22, %mul3A_543 : i32
      %add3A_545 = arith.constant 40 : i32
      %add3A_546 = arith.addi %mul3A_544, %add3A_545 : i32
      %dma_start3A_547 = arith.constant 800 : i32
      %dma_start3A_548 = arith.constant 0 : i32
      %dma_start3A_549 = tpu.memref_slice %arg6[%dma_start3A_547, %dma_start3A_548] : memref<1280x16xf32, #tpu.memory_space<vmem>> -> memref<20x16xf32, #tpu.memory_space<vmem>>
      %dma_start3A_550 = arith.constant 0 : i32
      %dma_start3A_551 = tpu.memref_slice %arg5[%add3A_546, %dma_start3A_550] : memref<512x20xi32, #tpu.memory_space<vmem>> -> memref<1x20xi32, #tpu.memory_space<vmem>>
      %dma_start3A_552 = tpu.memref_squeeze %dma_start3A_551 : memref<1x20xi32, #tpu.memory_space<vmem>> -> memref<20xi32, #tpu.memory_space<vmem>>
      %dma_start3A_553 = arith.constant 0 : i32
      %dma_start3A_554 = arith.constant 0 : i32
      %dma_start3A_555 = tpu.memref_slice %arg3[%dma_start3A_553, %dma_start3A_554] : memref<1000000x16xf32, #tpu.memory_space<hbm>> -> memref<1000000x16xf32, #tpu.memory_space<hbm>>
      tpu.enqueue_indirect_dma source(%dma_start3A_555 : memref<1000000x16xf32, #tpu.memory_space<hbm>>) target(%dma_start3A_549 : memref<20x16xf32, #tpu.memory_space<vmem>>) offsets(%dma_start3A_552 : memref<20xi32, #tpu.memory_space<vmem>>) semaphore(%arg8 : memref<!tpu.dma_semaphore, #tpu.memory_space<semaphore_mem>>)
      %mul3A_556 = arith.constant 64 : i32
      %mul3A_557 = arith.muli %scan3A_22, %mul3A_556 : i32
      %add3A_558 = arith.constant 41 : i32
      %add3A_559 = arith.addi %mul3A_557, %add3A_558 : i32
      %dma_start3A_560 = arith.constant 820 : i32
      %dma_start3A_561 = arith.constant 0 : i32
      %dma_start3A_562 = tpu.memref_slice %arg6[%dma_start3A_560, %dma_start3A_561] : memref<1280x16xf32, #tpu.memory_space<vmem>> -> memref<20x16xf32, #tpu.memory_space<vmem>>
      %dma_start3A_563 = arith.constant 0 : i32
      %dma_start3A_564 = tpu.memref_slice %arg5[%add3A_559, %dma_start3A_563] : memref<512x20xi32, #tpu.memory_space<vmem>> -> memref<1x20xi32, #tpu.memory_space<vmem>>
      %dma_start3A_565 = tpu.memref_squeeze %dma_start3A_564 : memref<1x20xi32, #tpu.memory_space<vmem>> -> memref<20xi32, #tpu.memory_space<vmem>>
      %dma_start3A_566 = arith.constant 0 : i32
      %dma_start3A_567 = arith.constant 0 : i32
      %dma_start3A_568 = tpu.memref_slice %arg3[%dma_start3A_566, %dma_start3A_567] : memref<1000000x16xf32, #tpu.memory_space<hbm>> -> memref<1000000x16xf32, #tpu.memory_space<hbm>>
      tpu.enqueue_indirect_dma source(%dma_start3A_568 : memref<1000000x16xf32, #tpu.memory_space<hbm>>) target(%dma_start3A_562 : memref<20x16xf32, #tpu.memory_space<vmem>>) offsets(%dma_start3A_565 : memref<20xi32, #tpu.memory_space<vmem>>) semaphore(%arg8 : memref<!tpu.dma_semaphore, #tpu.memory_space<semaphore_mem>>)
      %mul3A_569 = arith.constant 64 : i32
      %mul3A_570 = arith.muli %scan3A_22, %mul3A_569 : i32
      %add3A_571 = arith.constant 42 : i32
      %add3A_572 = arith.addi %mul3A_570, %add3A_571 : i32
      %dma_start3A_573 = arith.constant 840 : i32
      %dma_start3A_574 = arith.constant 0 : i32
      %dma_start3A_575 = tpu.memref_slice %arg6[%dma_start3A_573, %dma_start3A_574] : memref<1280x16xf32, #tpu.memory_space<vmem>> -> memref<20x16xf32, #tpu.memory_space<vmem>>
      %dma_start3A_576 = arith.constant 0 : i32
      %dma_start3A_577 = tpu.memref_slice %arg5[%add3A_572, %dma_start3A_576] : memref<512x20xi32, #tpu.memory_space<vmem>> -> memref<1x20xi32, #tpu.memory_space<vmem>>
      %dma_start3A_578 = tpu.memref_squeeze %dma_start3A_577 : memref<1x20xi32, #tpu.memory_space<vmem>> -> memref<20xi32, #tpu.memory_space<vmem>>
      %dma_start3A_579 = arith.constant 0 : i32
      %dma_start3A_580 = arith.constant 0 : i32
      %dma_start3A_581 = tpu.memref_slice %arg3[%dma_start3A_579, %dma_start3A_580] : memref<1000000x16xf32, #tpu.memory_space<hbm>> -> memref<1000000x16xf32, #tpu.memory_space<hbm>>
      tpu.enqueue_indirect_dma source(%dma_start3A_581 : memref<1000000x16xf32, #tpu.memory_space<hbm>>) target(%dma_start3A_575 : memref<20x16xf32, #tpu.memory_space<vmem>>) offsets(%dma_start3A_578 : memref<20xi32, #tpu.memory_space<vmem>>) semaphore(%arg8 : memref<!tpu.dma_semaphore, #tpu.memory_space<semaphore_mem>>)
      %mul3A_582 = arith.constant 64 : i32
      %mul3A_583 = arith.muli %scan3A_22, %mul3A_582 : i32
      %add3A_584 = arith.constant 43 : i32
      %add3A_585 = arith.addi %mul3A_583, %add3A_584 : i32
      %dma_start3A_586 = arith.constant 860 : i32
      %dma_start3A_587 = arith.constant 0 : i32
      %dma_start3A_588 = tpu.memref_slice %arg6[%dma_start3A_586, %dma_start3A_587] : memref<1280x16xf32, #tpu.memory_space<vmem>> -> memref<20x16xf32, #tpu.memory_space<vmem>>
      %dma_start3A_589 = arith.constant 0 : i32
      %dma_start3A_590 = tpu.memref_slice %arg5[%add3A_585, %dma_start3A_589] : memref<512x20xi32, #tpu.memory_space<vmem>> -> memref<1x20xi32, #tpu.memory_space<vmem>>
      %dma_start3A_591 = tpu.memref_squeeze %dma_start3A_590 : memref<1x20xi32, #tpu.memory_space<vmem>> -> memref<20xi32, #tpu.memory_space<vmem>>
      %dma_start3A_592 = arith.constant 0 : i32
      %dma_start3A_593 = arith.constant 0 : i32
      %dma_start3A_594 = tpu.memref_slice %arg3[%dma_start3A_592, %dma_start3A_593] : memref<1000000x16xf32, #tpu.memory_space<hbm>> -> memref<1000000x16xf32, #tpu.memory_space<hbm>>
      tpu.enqueue_indirect_dma source(%dma_start3A_594 : memref<1000000x16xf32, #tpu.memory_space<hbm>>) target(%dma_start3A_588 : memref<20x16xf32, #tpu.memory_space<vmem>>) offsets(%dma_start3A_591 : memref<20xi32, #tpu.memory_space<vmem>>) semaphore(%arg8 : memref<!tpu.dma_semaphore, #tpu.memory_space<semaphore_mem>>)
      %mul3A_595 = arith.constant 64 : i32
      %mul3A_596 = arith.muli %scan3A_22, %mul3A_595 : i32
      %add3A_597 = arith.constant 44 : i32
      %add3A_598 = arith.addi %mul3A_596, %add3A_597 : i32
      %dma_start3A_599 = arith.constant 880 : i32
      %dma_start3A_600 = arith.constant 0 : i32
      %dma_start3A_601 = tpu.memref_slice %arg6[%dma_start3A_599, %dma_start3A_600] : memref<1280x16xf32, #tpu.memory_space<vmem>> -> memref<20x16xf32, #tpu.memory_space<vmem>>
      %dma_start3A_602 = arith.constant 0 : i32
      %dma_start3A_603 = tpu.memref_slice %arg5[%add3A_598, %dma_start3A_602] : memref<512x20xi32, #tpu.memory_space<vmem>> -> memref<1x20xi32, #tpu.memory_space<vmem>>
      %dma_start3A_604 = tpu.memref_squeeze %dma_start3A_603 : memref<1x20xi32, #tpu.memory_space<vmem>> -> memref<20xi32, #tpu.memory_space<vmem>>
      %dma_start3A_605 = arith.constant 0 : i32
      %dma_start3A_606 = arith.constant 0 : i32
      %dma_start3A_607 = tpu.memref_slice %arg3[%dma_start3A_605, %dma_start3A_606] : memref<1000000x16xf32, #tpu.memory_space<hbm>> -> memref<1000000x16xf32, #tpu.memory_space<hbm>>
      tpu.enqueue_indirect_dma source(%dma_start3A_607 : memref<1000000x16xf32, #tpu.memory_space<hbm>>) target(%dma_start3A_601 : memref<20x16xf32, #tpu.memory_space<vmem>>) offsets(%dma_start3A_604 : memref<20xi32, #tpu.memory_space<vmem>>) semaphore(%arg8 : memref<!tpu.dma_semaphore, #tpu.memory_space<semaphore_mem>>)
      %mul3A_608 = arith.constant 64 : i32
      %mul3A_609 = arith.muli %scan3A_22, %mul3A_608 : i32
      %add3A_610 = arith.constant 45 : i32
      %add3A_611 = arith.addi %mul3A_609, %add3A_610 : i32
      %dma_start3A_612 = arith.constant 900 : i32
      %dma_start3A_613 = arith.constant 0 : i32
      %dma_start3A_614 = tpu.memref_slice %arg6[%dma_start3A_612, %dma_start3A_613] : memref<1280x16xf32, #tpu.memory_space<vmem>> -> memref<20x16xf32, #tpu.memory_space<vmem>>
      %dma_start3A_615 = arith.constant 0 : i32
      %dma_start3A_616 = tpu.memref_slice %arg5[%add3A_611, %dma_start3A_615] : memref<512x20xi32, #tpu.memory_space<vmem>> -> memref<1x20xi32, #tpu.memory_space<vmem>>
      %dma_start3A_617 = tpu.memref_squeeze %dma_start3A_616 : memref<1x20xi32, #tpu.memory_space<vmem>> -> memref<20xi32, #tpu.memory_space<vmem>>
      %dma_start3A_618 = arith.constant 0 : i32
      %dma_start3A_619 = arith.constant 0 : i32
      %dma_start3A_620 = tpu.memref_slice %arg3[%dma_start3A_618, %dma_start3A_619] : memref<1000000x16xf32, #tpu.memory_space<hbm>> -> memref<1000000x16xf32, #tpu.memory_space<hbm>>
      tpu.enqueue_indirect_dma source(%dma_start3A_620 : memref<1000000x16xf32, #tpu.memory_space<hbm>>) target(%dma_start3A_614 : memref<20x16xf32, #tpu.memory_space<vmem>>) offsets(%dma_start3A_617 : memref<20xi32, #tpu.memory_space<vmem>>) semaphore(%arg8 : memref<!tpu.dma_semaphore, #tpu.memory_space<semaphore_mem>>)
      %mul3A_621 = arith.constant 64 : i32
      %mul3A_622 = arith.muli %scan3A_22, %mul3A_621 : i32
      %add3A_623 = arith.constant 46 : i32
      %add3A_624 = arith.addi %mul3A_622, %add3A_623 : i32
      %dma_start3A_625 = arith.constant 920 : i32
      %dma_start3A_626 = arith.constant 0 : i32
      %dma_start3A_627 = tpu.memref_slice %arg6[%dma_start3A_625, %dma_start3A_626] : memref<1280x16xf32, #tpu.memory_space<vmem>> -> memref<20x16xf32, #tpu.memory_space<vmem>>
      %dma_start3A_628 = arith.constant 0 : i32
      %dma_start3A_629 = tpu.memref_slice %arg5[%add3A_624, %dma_start3A_628] : memref<512x20xi32, #tpu.memory_space<vmem>> -> memref<1x20xi32, #tpu.memory_space<vmem>>
      %dma_start3A_630 = tpu.memref_squeeze %dma_start3A_629 : memref<1x20xi32, #tpu.memory_space<vmem>> -> memref<20xi32, #tpu.memory_space<vmem>>
      %dma_start3A_631 = arith.constant 0 : i32
      %dma_start3A_632 = arith.constant 0 : i32
      %dma_start3A_633 = tpu.memref_slice %arg3[%dma_start3A_631, %dma_start3A_632] : memref<1000000x16xf32, #tpu.memory_space<hbm>> -> memref<1000000x16xf32, #tpu.memory_space<hbm>>
      tpu.enqueue_indirect_dma source(%dma_start3A_633 : memref<1000000x16xf32, #tpu.memory_space<hbm>>) target(%dma_start3A_627 : memref<20x16xf32, #tpu.memory_space<vmem>>) offsets(%dma_start3A_630 : memref<20xi32, #tpu.memory_space<vmem>>) semaphore(%arg8 : memref<!tpu.dma_semaphore, #tpu.memory_space<semaphore_mem>>)
      %mul3A_634 = arith.constant 64 : i32
      %mul3A_635 = arith.muli %scan3A_22, %mul3A_634 : i32
      %add3A_636 = arith.constant 47 : i32
      %add3A_637 = arith.addi %mul3A_635, %add3A_636 : i32
      %dma_start3A_638 = arith.constant 940 : i32
      %dma_start3A_639 = arith.constant 0 : i32
      %dma_start3A_640 = tpu.memref_slice %arg6[%dma_start3A_638, %dma_start3A_639] : memref<1280x16xf32, #tpu.memory_space<vmem>> -> memref<20x16xf32, #tpu.memory_space<vmem>>
      %dma_start3A_641 = arith.constant 0 : i32
      %dma_start3A_642 = tpu.memref_slice %arg5[%add3A_637, %dma_start3A_641] : memref<512x20xi32, #tpu.memory_space<vmem>> -> memref<1x20xi32, #tpu.memory_space<vmem>>
      %dma_start3A_643 = tpu.memref_squeeze %dma_start3A_642 : memref<1x20xi32, #tpu.memory_space<vmem>> -> memref<20xi32, #tpu.memory_space<vmem>>
      %dma_start3A_644 = arith.constant 0 : i32
      %dma_start3A_645 = arith.constant 0 : i32
      %dma_start3A_646 = tpu.memref_slice %arg3[%dma_start3A_644, %dma_start3A_645] : memref<1000000x16xf32, #tpu.memory_space<hbm>> -> memref<1000000x16xf32, #tpu.memory_space<hbm>>
      tpu.enqueue_indirect_dma source(%dma_start3A_646 : memref<1000000x16xf32, #tpu.memory_space<hbm>>) target(%dma_start3A_640 : memref<20x16xf32, #tpu.memory_space<vmem>>) offsets(%dma_start3A_643 : memref<20xi32, #tpu.memory_space<vmem>>) semaphore(%arg8 : memref<!tpu.dma_semaphore, #tpu.memory_space<semaphore_mem>>)
      %mul3A_647 = arith.constant 64 : i32
      %mul3A_648 = arith.muli %scan3A_22, %mul3A_647 : i32
      %add3A_649 = arith.constant 48 : i32
      %add3A_650 = arith.addi %mul3A_648, %add3A_649 : i32
      %dma_start3A_651 = arith.constant 960 : i32
      %dma_start3A_652 = arith.constant 0 : i32
      %dma_start3A_653 = tpu.memref_slice %arg6[%dma_start3A_651, %dma_start3A_652] : memref<1280x16xf32, #tpu.memory_space<vmem>> -> memref<20x16xf32, #tpu.memory_space<vmem>>
      %dma_start3A_654 = arith.constant 0 : i32
      %dma_start3A_655 = tpu.memref_slice %arg5[%add3A_650, %dma_start3A_654] : memref<512x20xi32, #tpu.memory_space<vmem>> -> memref<1x20xi32, #tpu.memory_space<vmem>>
      %dma_start3A_656 = tpu.memref_squeeze %dma_start3A_655 : memref<1x20xi32, #tpu.memory_space<vmem>> -> memref<20xi32, #tpu.memory_space<vmem>>
      %dma_start3A_657 = arith.constant 0 : i32
      %dma_start3A_658 = arith.constant 0 : i32
      %dma_start3A_659 = tpu.memref_slice %arg3[%dma_start3A_657, %dma_start3A_658] : memref<1000000x16xf32, #tpu.memory_space<hbm>> -> memref<1000000x16xf32, #tpu.memory_space<hbm>>
      tpu.enqueue_indirect_dma source(%dma_start3A_659 : memref<1000000x16xf32, #tpu.memory_space<hbm>>) target(%dma_start3A_653 : memref<20x16xf32, #tpu.memory_space<vmem>>) offsets(%dma_start3A_656 : memref<20xi32, #tpu.memory_space<vmem>>) semaphore(%arg8 : memref<!tpu.dma_semaphore, #tpu.memory_space<semaphore_mem>>)
      %mul3A_660 = arith.constant 64 : i32
      %mul3A_661 = arith.muli %scan3A_22, %mul3A_660 : i32
      %add3A_662 = arith.constant 49 : i32
      %add3A_663 = arith.addi %mul3A_661, %add3A_662 : i32
      %dma_start3A_664 = arith.constant 980 : i32
      %dma_start3A_665 = arith.constant 0 : i32
      %dma_start3A_666 = tpu.memref_slice %arg6[%dma_start3A_664, %dma_start3A_665] : memref<1280x16xf32, #tpu.memory_space<vmem>> -> memref<20x16xf32, #tpu.memory_space<vmem>>
      %dma_start3A_667 = arith.constant 0 : i32
      %dma_start3A_668 = tpu.memref_slice %arg5[%add3A_663, %dma_start3A_667] : memref<512x20xi32, #tpu.memory_space<vmem>> -> memref<1x20xi32, #tpu.memory_space<vmem>>
      %dma_start3A_669 = tpu.memref_squeeze %dma_start3A_668 : memref<1x20xi32, #tpu.memory_space<vmem>> -> memref<20xi32, #tpu.memory_space<vmem>>
      %dma_start3A_670 = arith.constant 0 : i32
      %dma_start3A_671 = arith.constant 0 : i32
      %dma_start3A_672 = tpu.memref_slice %arg3[%dma_start3A_670, %dma_start3A_671] : memref<1000000x16xf32, #tpu.memory_space<hbm>> -> memref<1000000x16xf32, #tpu.memory_space<hbm>>
      tpu.enqueue_indirect_dma source(%dma_start3A_672 : memref<1000000x16xf32, #tpu.memory_space<hbm>>) target(%dma_start3A_666 : memref<20x16xf32, #tpu.memory_space<vmem>>) offsets(%dma_start3A_669 : memref<20xi32, #tpu.memory_space<vmem>>) semaphore(%arg8 : memref<!tpu.dma_semaphore, #tpu.memory_space<semaphore_mem>>)
      %mul3A_673 = arith.constant 64 : i32
      %mul3A_674 = arith.muli %scan3A_22, %mul3A_673 : i32
      %add3A_675 = arith.constant 50 : i32
      %add3A_676 = arith.addi %mul3A_674, %add3A_675 : i32
      %dma_start3A_677 = arith.constant 1000 : i32
      %dma_start3A_678 = arith.constant 0 : i32
      %dma_start3A_679 = tpu.memref_slice %arg6[%dma_start3A_677, %dma_start3A_678] : memref<1280x16xf32, #tpu.memory_space<vmem>> -> memref<20x16xf32, #tpu.memory_space<vmem>>
      %dma_start3A_680 = arith.constant 0 : i32
      %dma_start3A_681 = tpu.memref_slice %arg5[%add3A_676, %dma_start3A_680] : memref<512x20xi32, #tpu.memory_space<vmem>> -> memref<1x20xi32, #tpu.memory_space<vmem>>
      %dma_start3A_682 = tpu.memref_squeeze %dma_start3A_681 : memref<1x20xi32, #tpu.memory_space<vmem>> -> memref<20xi32, #tpu.memory_space<vmem>>
      %dma_start3A_683 = arith.constant 0 : i32
      %dma_start3A_684 = arith.constant 0 : i32
      %dma_start3A_685 = tpu.memref_slice %arg3[%dma_start3A_683, %dma_start3A_684] : memref<1000000x16xf32, #tpu.memory_space<hbm>> -> memref<1000000x16xf32, #tpu.memory_space<hbm>>
      tpu.enqueue_indirect_dma source(%dma_start3A_685 : memref<1000000x16xf32, #tpu.memory_space<hbm>>) target(%dma_start3A_679 : memref<20x16xf32, #tpu.memory_space<vmem>>) offsets(%dma_start3A_682 : memref<20xi32, #tpu.memory_space<vmem>>) semaphore(%arg8 : memref<!tpu.dma_semaphore, #tpu.memory_space<semaphore_mem>>)
      %mul3A_686 = arith.constant 64 : i32
      %mul3A_687 = arith.muli %scan3A_22, %mul3A_686 : i32
      %add3A_688 = arith.constant 51 : i32
      %add3A_689 = arith.addi %mul3A_687, %add3A_688 : i32
      %dma_start3A_690 = arith.constant 1020 : i32
      %dma_start3A_691 = arith.constant 0 : i32
      %dma_start3A_692 = tpu.memref_slice %arg6[%dma_start3A_690, %dma_start3A_691] : memref<1280x16xf32, #tpu.memory_space<vmem>> -> memref<20x16xf32, #tpu.memory_space<vmem>>
      %dma_start3A_693 = arith.constant 0 : i32
      %dma_start3A_694 = tpu.memref_slice %arg5[%add3A_689, %dma_start3A_693] : memref<512x20xi32, #tpu.memory_space<vmem>> -> memref<1x20xi32, #tpu.memory_space<vmem>>
      %dma_start3A_695 = tpu.memref_squeeze %dma_start3A_694 : memref<1x20xi32, #tpu.memory_space<vmem>> -> memref<20xi32, #tpu.memory_space<vmem>>
      %dma_start3A_696 = arith.constant 0 : i32
      %dma_start3A_697 = arith.constant 0 : i32
      %dma_start3A_698 = tpu.memref_slice %arg3[%dma_start3A_696, %dma_start3A_697] : memref<1000000x16xf32, #tpu.memory_space<hbm>> -> memref<1000000x16xf32, #tpu.memory_space<hbm>>
      tpu.enqueue_indirect_dma source(%dma_start3A_698 : memref<1000000x16xf32, #tpu.memory_space<hbm>>) target(%dma_start3A_692 : memref<20x16xf32, #tpu.memory_space<vmem>>) offsets(%dma_start3A_695 : memref<20xi32, #tpu.memory_space<vmem>>) semaphore(%arg8 : memref<!tpu.dma_semaphore, #tpu.memory_space<semaphore_mem>>)
      %mul3A_699 = arith.constant 64 : i32
      %mul3A_700 = arith.muli %scan3A_22, %mul3A_699 : i32
      %add3A_701 = arith.constant 52 : i32
      %add3A_702 = arith.addi %mul3A_700, %add3A_701 : i32
      %dma_start3A_703 = arith.constant 1040 : i32
      %dma_start3A_704 = arith.constant 0 : i32
      %dma_start3A_705 = tpu.memref_slice %arg6[%dma_start3A_703, %dma_start3A_704] : memref<1280x16xf32, #tpu.memory_space<vmem>> -> memref<20x16xf32, #tpu.memory_space<vmem>>
      %dma_start3A_706 = arith.constant 0 : i32
      %dma_start3A_707 = tpu.memref_slice %arg5[%add3A_702, %dma_start3A_706] : memref<512x20xi32, #tpu.memory_space<vmem>> -> memref<1x20xi32, #tpu.memory_space<vmem>>
      %dma_start3A_708 = tpu.memref_squeeze %dma_start3A_707 : memref<1x20xi32, #tpu.memory_space<vmem>> -> memref<20xi32, #tpu.memory_space<vmem>>
      %dma_start3A_709 = arith.constant 0 : i32
      %dma_start3A_710 = arith.constant 0 : i32
      %dma_start3A_711 = tpu.memref_slice %arg3[%dma_start3A_709, %dma_start3A_710] : memref<1000000x16xf32, #tpu.memory_space<hbm>> -> memref<1000000x16xf32, #tpu.memory_space<hbm>>
      tpu.enqueue_indirect_dma source(%dma_start3A_711 : memref<1000000x16xf32, #tpu.memory_space<hbm>>) target(%dma_start3A_705 : memref<20x16xf32, #tpu.memory_space<vmem>>) offsets(%dma_start3A_708 : memref<20xi32, #tpu.memory_space<vmem>>) semaphore(%arg8 : memref<!tpu.dma_semaphore, #tpu.memory_space<semaphore_mem>>)
      %mul3A_712 = arith.constant 64 : i32
      %mul3A_713 = arith.muli %scan3A_22, %mul3A_712 : i32
      %add3A_714 = arith.constant 53 : i32
      %add3A_715 = arith.addi %mul3A_713, %add3A_714 : i32
      %dma_start3A_716 = arith.constant 1060 : i32
      %dma_start3A_717 = arith.constant 0 : i32
      %dma_start3A_718 = tpu.memref_slice %arg6[%dma_start3A_716, %dma_start3A_717] : memref<1280x16xf32, #tpu.memory_space<vmem>> -> memref<20x16xf32, #tpu.memory_space<vmem>>
      %dma_start3A_719 = arith.constant 0 : i32
      %dma_start3A_720 = tpu.memref_slice %arg5[%add3A_715, %dma_start3A_719] : memref<512x20xi32, #tpu.memory_space<vmem>> -> memref<1x20xi32, #tpu.memory_space<vmem>>
      %dma_start3A_721 = tpu.memref_squeeze %dma_start3A_720 : memref<1x20xi32, #tpu.memory_space<vmem>> -> memref<20xi32, #tpu.memory_space<vmem>>
      %dma_start3A_722 = arith.constant 0 : i32
      %dma_start3A_723 = arith.constant 0 : i32
      %dma_start3A_724 = tpu.memref_slice %arg3[%dma_start3A_722, %dma_start3A_723] : memref<1000000x16xf32, #tpu.memory_space<hbm>> -> memref<1000000x16xf32, #tpu.memory_space<hbm>>
      tpu.enqueue_indirect_dma source(%dma_start3A_724 : memref<1000000x16xf32, #tpu.memory_space<hbm>>) target(%dma_start3A_718 : memref<20x16xf32, #tpu.memory_space<vmem>>) offsets(%dma_start3A_721 : memref<20xi32, #tpu.memory_space<vmem>>) semaphore(%arg8 : memref<!tpu.dma_semaphore, #tpu.memory_space<semaphore_mem>>)
      %mul3A_725 = arith.constant 64 : i32
      %mul3A_726 = arith.muli %scan3A_22, %mul3A_725 : i32
      %add3A_727 = arith.constant 54 : i32
      %add3A_728 = arith.addi %mul3A_726, %add3A_727 : i32
      %dma_start3A_729 = arith.constant 1080 : i32
      %dma_start3A_730 = arith.constant 0 : i32
      %dma_start3A_731 = tpu.memref_slice %arg6[%dma_start3A_729, %dma_start3A_730] : memref<1280x16xf32, #tpu.memory_space<vmem>> -> memref<20x16xf32, #tpu.memory_space<vmem>>
      %dma_start3A_732 = arith.constant 0 : i32
      %dma_start3A_733 = tpu.memref_slice %arg5[%add3A_728, %dma_start3A_732] : memref<512x20xi32, #tpu.memory_space<vmem>> -> memref<1x20xi32, #tpu.memory_space<vmem>>
      %dma_start3A_734 = tpu.memref_squeeze %dma_start3A_733 : memref<1x20xi32, #tpu.memory_space<vmem>> -> memref<20xi32, #tpu.memory_space<vmem>>
      %dma_start3A_735 = arith.constant 0 : i32
      %dma_start3A_736 = arith.constant 0 : i32
      %dma_start3A_737 = tpu.memref_slice %arg3[%dma_start3A_735, %dma_start3A_736] : memref<1000000x16xf32, #tpu.memory_space<hbm>> -> memref<1000000x16xf32, #tpu.memory_space<hbm>>
      tpu.enqueue_indirect_dma source(%dma_start3A_737 : memref<1000000x16xf32, #tpu.memory_space<hbm>>) target(%dma_start3A_731 : memref<20x16xf32, #tpu.memory_space<vmem>>) offsets(%dma_start3A_734 : memref<20xi32, #tpu.memory_space<vmem>>) semaphore(%arg8 : memref<!tpu.dma_semaphore, #tpu.memory_space<semaphore_mem>>)
      %mul3A_738 = arith.constant 64 : i32
      %mul3A_739 = arith.muli %scan3A_22, %mul3A_738 : i32
      %add3A_740 = arith.constant 55 : i32
      %add3A_741 = arith.addi %mul3A_739, %add3A_740 : i32
      %dma_start3A_742 = arith.constant 1100 : i32
      %dma_start3A_743 = arith.constant 0 : i32
      %dma_start3A_744 = tpu.memref_slice %arg6[%dma_start3A_742, %dma_start3A_743] : memref<1280x16xf32, #tpu.memory_space<vmem>> -> memref<20x16xf32, #tpu.memory_space<vmem>>
      %dma_start3A_745 = arith.constant 0 : i32
      %dma_start3A_746 = tpu.memref_slice %arg5[%add3A_741, %dma_start3A_745] : memref<512x20xi32, #tpu.memory_space<vmem>> -> memref<1x20xi32, #tpu.memory_space<vmem>>
      %dma_start3A_747 = tpu.memref_squeeze %dma_start3A_746 : memref<1x20xi32, #tpu.memory_space<vmem>> -> memref<20xi32, #tpu.memory_space<vmem>>
      %dma_start3A_748 = arith.constant 0 : i32
      %dma_start3A_749 = arith.constant 0 : i32
      %dma_start3A_750 = tpu.memref_slice %arg3[%dma_start3A_748, %dma_start3A_749] : memref<1000000x16xf32, #tpu.memory_space<hbm>> -> memref<1000000x16xf32, #tpu.memory_space<hbm>>
      tpu.enqueue_indirect_dma source(%dma_start3A_750 : memref<1000000x16xf32, #tpu.memory_space<hbm>>) target(%dma_start3A_744 : memref<20x16xf32, #tpu.memory_space<vmem>>) offsets(%dma_start3A_747 : memref<20xi32, #tpu.memory_space<vmem>>) semaphore(%arg8 : memref<!tpu.dma_semaphore, #tpu.memory_space<semaphore_mem>>)
      %mul3A_751 = arith.constant 64 : i32
      %mul3A_752 = arith.muli %scan3A_22, %mul3A_751 : i32
      %add3A_753 = arith.constant 56 : i32
      %add3A_754 = arith.addi %mul3A_752, %add3A_753 : i32
      %dma_start3A_755 = arith.constant 1120 : i32
      %dma_start3A_756 = arith.constant 0 : i32
      %dma_start3A_757 = tpu.memref_slice %arg6[%dma_start3A_755, %dma_start3A_756] : memref<1280x16xf32, #tpu.memory_space<vmem>> -> memref<20x16xf32, #tpu.memory_space<vmem>>
      %dma_start3A_758 = arith.constant 0 : i32
      %dma_start3A_759 = tpu.memref_slice %arg5[%add3A_754, %dma_start3A_758] : memref<512x20xi32, #tpu.memory_space<vmem>> -> memref<1x20xi32, #tpu.memory_space<vmem>>
      %dma_start3A_760 = tpu.memref_squeeze %dma_start3A_759 : memref<1x20xi32, #tpu.memory_space<vmem>> -> memref<20xi32, #tpu.memory_space<vmem>>
      %dma_start3A_761 = arith.constant 0 : i32
      %dma_start3A_762 = arith.constant 0 : i32
      %dma_start3A_763 = tpu.memref_slice %arg3[%dma_start3A_761, %dma_start3A_762] : memref<1000000x16xf32, #tpu.memory_space<hbm>> -> memref<1000000x16xf32, #tpu.memory_space<hbm>>
      tpu.enqueue_indirect_dma source(%dma_start3A_763 : memref<1000000x16xf32, #tpu.memory_space<hbm>>) target(%dma_start3A_757 : memref<20x16xf32, #tpu.memory_space<vmem>>) offsets(%dma_start3A_760 : memref<20xi32, #tpu.memory_space<vmem>>) semaphore(%arg8 : memref<!tpu.dma_semaphore, #tpu.memory_space<semaphore_mem>>)
      %mul3A_764 = arith.constant 64 : i32
      %mul3A_765 = arith.muli %scan3A_22, %mul3A_764 : i32
      %add3A_766 = arith.constant 57 : i32
      %add3A_767 = arith.addi %mul3A_765, %add3A_766 : i32
      %dma_start3A_768 = arith.constant 1140 : i32
      %dma_start3A_769 = arith.constant 0 : i32
      %dma_start3A_770 = tpu.memref_slice %arg6[%dma_start3A_768, %dma_start3A_769] : memref<1280x16xf32, #tpu.memory_space<vmem>> -> memref<20x16xf32, #tpu.memory_space<vmem>>
      %dma_start3A_771 = arith.constant 0 : i32
      %dma_start3A_772 = tpu.memref_slice %arg5[%add3A_767, %dma_start3A_771] : memref<512x20xi32, #tpu.memory_space<vmem>> -> memref<1x20xi32, #tpu.memory_space<vmem>>
      %dma_start3A_773 = tpu.memref_squeeze %dma_start3A_772 : memref<1x20xi32, #tpu.memory_space<vmem>> -> memref<20xi32, #tpu.memory_space<vmem>>
      %dma_start3A_774 = arith.constant 0 : i32
      %dma_start3A_775 = arith.constant 0 : i32
      %dma_start3A_776 = tpu.memref_slice %arg3[%dma_start3A_774, %dma_start3A_775] : memref<1000000x16xf32, #tpu.memory_space<hbm>> -> memref<1000000x16xf32, #tpu.memory_space<hbm>>
      tpu.enqueue_indirect_dma source(%dma_start3A_776 : memref<1000000x16xf32, #tpu.memory_space<hbm>>) target(%dma_start3A_770 : memref<20x16xf32, #tpu.memory_space<vmem>>) offsets(%dma_start3A_773 : memref<20xi32, #tpu.memory_space<vmem>>) semaphore(%arg8 : memref<!tpu.dma_semaphore, #tpu.memory_space<semaphore_mem>>)
      %mul3A_777 = arith.constant 64 : i32
      %mul3A_778 = arith.muli %scan3A_22, %mul3A_777 : i32
      %add3A_779 = arith.constant 58 : i32
      %add3A_780 = arith.addi %mul3A_778, %add3A_779 : i32
      %dma_start3A_781 = arith.constant 1160 : i32
      %dma_start3A_782 = arith.constant 0 : i32
      %dma_start3A_783 = tpu.memref_slice %arg6[%dma_start3A_781, %dma_start3A_782] : memref<1280x16xf32, #tpu.memory_space<vmem>> -> memref<20x16xf32, #tpu.memory_space<vmem>>
      %dma_start3A_784 = arith.constant 0 : i32
      %dma_start3A_785 = tpu.memref_slice %arg5[%add3A_780, %dma_start3A_784] : memref<512x20xi32, #tpu.memory_space<vmem>> -> memref<1x20xi32, #tpu.memory_space<vmem>>
      %dma_start3A_786 = tpu.memref_squeeze %dma_start3A_785 : memref<1x20xi32, #tpu.memory_space<vmem>> -> memref<20xi32, #tpu.memory_space<vmem>>
      %dma_start3A_787 = arith.constant 0 : i32
      %dma_start3A_788 = arith.constant 0 : i32
      %dma_start3A_789 = tpu.memref_slice %arg3[%dma_start3A_787, %dma_start3A_788] : memref<1000000x16xf32, #tpu.memory_space<hbm>> -> memref<1000000x16xf32, #tpu.memory_space<hbm>>
      tpu.enqueue_indirect_dma source(%dma_start3A_789 : memref<1000000x16xf32, #tpu.memory_space<hbm>>) target(%dma_start3A_783 : memref<20x16xf32, #tpu.memory_space<vmem>>) offsets(%dma_start3A_786 : memref<20xi32, #tpu.memory_space<vmem>>) semaphore(%arg8 : memref<!tpu.dma_semaphore, #tpu.memory_space<semaphore_mem>>)
      %mul3A_790 = arith.constant 64 : i32
      %mul3A_791 = arith.muli %scan3A_22, %mul3A_790 : i32
      %add3A_792 = arith.constant 59 : i32
      %add3A_793 = arith.addi %mul3A_791, %add3A_792 : i32
      %dma_start3A_794 = arith.constant 1180 : i32
      %dma_start3A_795 = arith.constant 0 : i32
      %dma_start3A_796 = tpu.memref_slice %arg6[%dma_start3A_794, %dma_start3A_795] : memref<1280x16xf32, #tpu.memory_space<vmem>> -> memref<20x16xf32, #tpu.memory_space<vmem>>
      %dma_start3A_797 = arith.constant 0 : i32
      %dma_start3A_798 = tpu.memref_slice %arg5[%add3A_793, %dma_start3A_797] : memref<512x20xi32, #tpu.memory_space<vmem>> -> memref<1x20xi32, #tpu.memory_space<vmem>>
      %dma_start3A_799 = tpu.memref_squeeze %dma_start3A_798 : memref<1x20xi32, #tpu.memory_space<vmem>> -> memref<20xi32, #tpu.memory_space<vmem>>
      %dma_start3A_800 = arith.constant 0 : i32
      %dma_start3A_801 = arith.constant 0 : i32
      %dma_start3A_802 = tpu.memref_slice %arg3[%dma_start3A_800, %dma_start3A_801] : memref<1000000x16xf32, #tpu.memory_space<hbm>> -> memref<1000000x16xf32, #tpu.memory_space<hbm>>
      tpu.enqueue_indirect_dma source(%dma_start3A_802 : memref<1000000x16xf32, #tpu.memory_space<hbm>>) target(%dma_start3A_796 : memref<20x16xf32, #tpu.memory_space<vmem>>) offsets(%dma_start3A_799 : memref<20xi32, #tpu.memory_space<vmem>>) semaphore(%arg8 : memref<!tpu.dma_semaphore, #tpu.memory_space<semaphore_mem>>)
      %mul3A_803 = arith.constant 64 : i32
      %mul3A_804 = arith.muli %scan3A_22, %mul3A_803 : i32
      %add3A_805 = arith.constant 60 : i32
      %add3A_806 = arith.addi %mul3A_804, %add3A_805 : i32
      %dma_start3A_807 = arith.constant 1200 : i32
      %dma_start3A_808 = arith.constant 0 : i32
      %dma_start3A_809 = tpu.memref_slice %arg6[%dma_start3A_807, %dma_start3A_808] : memref<1280x16xf32, #tpu.memory_space<vmem>> -> memref<20x16xf32, #tpu.memory_space<vmem>>
      %dma_start3A_810 = arith.constant 0 : i32
      %dma_start3A_811 = tpu.memref_slice %arg5[%add3A_806, %dma_start3A_810] : memref<512x20xi32, #tpu.memory_space<vmem>> -> memref<1x20xi32, #tpu.memory_space<vmem>>
      %dma_start3A_812 = tpu.memref_squeeze %dma_start3A_811 : memref<1x20xi32, #tpu.memory_space<vmem>> -> memref<20xi32, #tpu.memory_space<vmem>>
      %dma_start3A_813 = arith.constant 0 : i32
      %dma_start3A_814 = arith.constant 0 : i32
      %dma_start3A_815 = tpu.memref_slice %arg3[%dma_start3A_813, %dma_start3A_814] : memref<1000000x16xf32, #tpu.memory_space<hbm>> -> memref<1000000x16xf32, #tpu.memory_space<hbm>>
      tpu.enqueue_indirect_dma source(%dma_start3A_815 : memref<1000000x16xf32, #tpu.memory_space<hbm>>) target(%dma_start3A_809 : memref<20x16xf32, #tpu.memory_space<vmem>>) offsets(%dma_start3A_812 : memref<20xi32, #tpu.memory_space<vmem>>) semaphore(%arg8 : memref<!tpu.dma_semaphore, #tpu.memory_space<semaphore_mem>>)
      %mul3A_816 = arith.constant 64 : i32
      %mul3A_817 = arith.muli %scan3A_22, %mul3A_816 : i32
      %add3A_818 = arith.constant 61 : i32
      %add3A_819 = arith.addi %mul3A_817, %add3A_818 : i32
      %dma_start3A_820 = arith.constant 1220 : i32
      %dma_start3A_821 = arith.constant 0 : i32
      %dma_start3A_822 = tpu.memref_slice %arg6[%dma_start3A_820, %dma_start3A_821] : memref<1280x16xf32, #tpu.memory_space<vmem>> -> memref<20x16xf32, #tpu.memory_space<vmem>>
      %dma_start3A_823 = arith.constant 0 : i32
      %dma_start3A_824 = tpu.memref_slice %arg5[%add3A_819, %dma_start3A_823] : memref<512x20xi32, #tpu.memory_space<vmem>> -> memref<1x20xi32, #tpu.memory_space<vmem>>
      %dma_start3A_825 = tpu.memref_squeeze %dma_start3A_824 : memref<1x20xi32, #tpu.memory_space<vmem>> -> memref<20xi32, #tpu.memory_space<vmem>>
      %dma_start3A_826 = arith.constant 0 : i32
      %dma_start3A_827 = arith.constant 0 : i32
      %dma_start3A_828 = tpu.memref_slice %arg3[%dma_start3A_826, %dma_start3A_827] : memref<1000000x16xf32, #tpu.memory_space<hbm>> -> memref<1000000x16xf32, #tpu.memory_space<hbm>>
      tpu.enqueue_indirect_dma source(%dma_start3A_828 : memref<1000000x16xf32, #tpu.memory_space<hbm>>) target(%dma_start3A_822 : memref<20x16xf32, #tpu.memory_space<vmem>>) offsets(%dma_start3A_825 : memref<20xi32, #tpu.memory_space<vmem>>) semaphore(%arg8 : memref<!tpu.dma_semaphore, #tpu.memory_space<semaphore_mem>>)
      %mul3A_829 = arith.constant 64 : i32
      %mul3A_830 = arith.muli %scan3A_22, %mul3A_829 : i32
      %add3A_831 = arith.constant 62 : i32
      %add3A_832 = arith.addi %mul3A_830, %add3A_831 : i32
      %dma_start3A_833 = arith.constant 1240 : i32
      %dma_start3A_834 = arith.constant 0 : i32
      %dma_start3A_835 = tpu.memref_slice %arg6[%dma_start3A_833, %dma_start3A_834] : memref<1280x16xf32, #tpu.memory_space<vmem>> -> memref<20x16xf32, #tpu.memory_space<vmem>>
      %dma_start3A_836 = arith.constant 0 : i32
      %dma_start3A_837 = tpu.memref_slice %arg5[%add3A_832, %dma_start3A_836] : memref<512x20xi32, #tpu.memory_space<vmem>> -> memref<1x20xi32, #tpu.memory_space<vmem>>
      %dma_start3A_838 = tpu.memref_squeeze %dma_start3A_837 : memref<1x20xi32, #tpu.memory_space<vmem>> -> memref<20xi32, #tpu.memory_space<vmem>>
      %dma_start3A_839 = arith.constant 0 : i32
      %dma_start3A_840 = arith.constant 0 : i32
      %dma_start3A_841 = tpu.memref_slice %arg3[%dma_start3A_839, %dma_start3A_840] : memref<1000000x16xf32, #tpu.memory_space<hbm>> -> memref<1000000x16xf32, #tpu.memory_space<hbm>>
      tpu.enqueue_indirect_dma source(%dma_start3A_841 : memref<1000000x16xf32, #tpu.memory_space<hbm>>) target(%dma_start3A_835 : memref<20x16xf32, #tpu.memory_space<vmem>>) offsets(%dma_start3A_838 : memref<20xi32, #tpu.memory_space<vmem>>) semaphore(%arg8 : memref<!tpu.dma_semaphore, #tpu.memory_space<semaphore_mem>>)
      %mul3A_842 = arith.constant 64 : i32
      %mul3A_843 = arith.muli %scan3A_22, %mul3A_842 : i32
      %add3A_844 = arith.constant 63 : i32
      %add3A_845 = arith.addi %mul3A_843, %add3A_844 : i32
      %dma_start3A_846 = arith.constant 1260 : i32
      %dma_start3A_847 = arith.constant 0 : i32
      %dma_start3A_848 = tpu.memref_slice %arg6[%dma_start3A_846, %dma_start3A_847] : memref<1280x16xf32, #tpu.memory_space<vmem>> -> memref<20x16xf32, #tpu.memory_space<vmem>>
      %dma_start3A_849 = arith.constant 0 : i32
      %dma_start3A_850 = tpu.memref_slice %arg5[%add3A_845, %dma_start3A_849] : memref<512x20xi32, #tpu.memory_space<vmem>> -> memref<1x20xi32, #tpu.memory_space<vmem>>
      %dma_start3A_851 = tpu.memref_squeeze %dma_start3A_850 : memref<1x20xi32, #tpu.memory_space<vmem>> -> memref<20xi32, #tpu.memory_space<vmem>>
      %dma_start3A_852 = arith.constant 0 : i32
      %dma_start3A_853 = arith.constant 0 : i32
      %dma_start3A_854 = tpu.memref_slice %arg3[%dma_start3A_852, %dma_start3A_853] : memref<1000000x16xf32, #tpu.memory_space<hbm>> -> memref<1000000x16xf32, #tpu.memory_space<hbm>>
      tpu.enqueue_indirect_dma source(%dma_start3A_854 : memref<1000000x16xf32, #tpu.memory_space<hbm>>) target(%dma_start3A_848 : memref<20x16xf32, #tpu.memory_space<vmem>>) offsets(%dma_start3A_851 : memref<20xi32, #tpu.memory_space<vmem>>) semaphore(%arg8 : memref<!tpu.dma_semaphore, #tpu.memory_space<semaphore_mem>>)
      %dma_wait3A = arith.constant 0 : i32
      %dma_wait3A_855 = arith.constant 0 : i32
      %dma_wait3A_856 = tpu.memref_slice %arg6[%dma_wait3A, %dma_wait3A_855] : memref<1280x16xf32, #tpu.memory_space<vmem>> -> memref<20x16xf32, #tpu.memory_space<vmem>>
      %dma_wait3A_857 = arith.constant 0 : i32
      %dma_wait3A_858 = tpu.memref_slice %arg5[%add3A_27, %dma_wait3A_857] : memref<512x20xi32, #tpu.memory_space<vmem>> -> memref<1x20xi32, #tpu.memory_space<vmem>>
      %dma_wait3A_859 = tpu.memref_squeeze %dma_wait3A_858 : memref<1x20xi32, #tpu.memory_space<vmem>> -> memref<20xi32, #tpu.memory_space<vmem>>
      %dma_wait3A_860 = arith.constant 0 : i32
      %dma_wait3A_861 = arith.constant 0 : i32
      %dma_wait3A_862 = tpu.memref_slice %arg3[%dma_wait3A_860, %dma_wait3A_861] : memref<1000000x16xf32, #tpu.memory_space<hbm>> -> memref<1000000x16xf32, #tpu.memory_space<hbm>>
      tpu.wait_indirect_dma semaphore(%arg8 : memref<!tpu.dma_semaphore, #tpu.memory_space<semaphore_mem>>) src(%dma_wait3A_862 : memref<1000000x16xf32, #tpu.memory_space<hbm>>) dst(%dma_wait3A_856 : memref<20x16xf32, #tpu.memory_space<vmem>>)
      %dma_wait3A_863 = arith.constant 20 : i32
      %dma_wait3A_864 = arith.constant 0 : i32
      %dma_wait3A_865 = tpu.memref_slice %arg6[%dma_wait3A_863, %dma_wait3A_864] : memref<1280x16xf32, #tpu.memory_space<vmem>> -> memref<20x16xf32, #tpu.memory_space<vmem>>
      %dma_wait3A_866 = arith.constant 0 : i32
      %dma_wait3A_867 = tpu.memref_slice %arg5[%add3A_39, %dma_wait3A_866] : memref<512x20xi32, #tpu.memory_space<vmem>> -> memref<1x20xi32, #tpu.memory_space<vmem>>
      %dma_wait3A_868 = tpu.memref_squeeze %dma_wait3A_867 : memref<1x20xi32, #tpu.memory_space<vmem>> -> memref<20xi32, #tpu.memory_space<vmem>>
      %dma_wait3A_869 = arith.constant 0 : i32
      %dma_wait3A_870 = arith.constant 0 : i32
      %dma_wait3A_871 = tpu.memref_slice %arg3[%dma_wait3A_869, %dma_wait3A_870] : memref<1000000x16xf32, #tpu.memory_space<hbm>> -> memref<1000000x16xf32, #tpu.memory_space<hbm>>
      tpu.wait_indirect_dma semaphore(%arg8 : memref<!tpu.dma_semaphore, #tpu.memory_space<semaphore_mem>>) src(%dma_wait3A_871 : memref<1000000x16xf32, #tpu.memory_space<hbm>>) dst(%dma_wait3A_865 : memref<20x16xf32, #tpu.memory_space<vmem>>)
      %dma_wait3A_872 = arith.constant 40 : i32
      %dma_wait3A_873 = arith.constant 0 : i32
      %dma_wait3A_874 = tpu.memref_slice %arg6[%dma_wait3A_872, %dma_wait3A_873] : memref<1280x16xf32, #tpu.memory_space<vmem>> -> memref<20x16xf32, #tpu.memory_space<vmem>>
      %dma_wait3A_875 = arith.constant 0 : i32
      %dma_wait3A_876 = tpu.memref_slice %arg5[%add3A_52, %dma_wait3A_875] : memref<512x20xi32, #tpu.memory_space<vmem>> -> memref<1x20xi32, #tpu.memory_space<vmem>>
      %dma_wait3A_877 = tpu.memref_squeeze %dma_wait3A_876 : memref<1x20xi32, #tpu.memory_space<vmem>> -> memref<20xi32, #tpu.memory_space<vmem>>
      %dma_wait3A_878 = arith.constant 0 : i32
      %dma_wait3A_879 = arith.constant 0 : i32
      %dma_wait3A_880 = tpu.memref_slice %arg3[%dma_wait3A_878, %dma_wait3A_879] : memref<1000000x16xf32, #tpu.memory_space<hbm>> -> memref<1000000x16xf32, #tpu.memory_space<hbm>>
      tpu.wait_indirect_dma semaphore(%arg8 : memref<!tpu.dma_semaphore, #tpu.memory_space<semaphore_mem>>) src(%dma_wait3A_880 : memref<1000000x16xf32, #tpu.memory_space<hbm>>) dst(%dma_wait3A_874 : memref<20x16xf32, #tpu.memory_space<vmem>>)
      %dma_wait3A_881 = arith.constant 60 : i32
      %dma_wait3A_882 = arith.constant 0 : i32
      %dma_wait3A_883 = tpu.memref_slice %arg6[%dma_wait3A_881, %dma_wait3A_882] : memref<1280x16xf32, #tpu.memory_space<vmem>> -> memref<20x16xf32, #tpu.memory_space<vmem>>
      %dma_wait3A_884 = arith.constant 0 : i32
      %dma_wait3A_885 = tpu.memref_slice %arg5[%add3A_65, %dma_wait3A_884] : memref<512x20xi32, #tpu.memory_space<vmem>> -> memref<1x20xi32, #tpu.memory_space<vmem>>
      %dma_wait3A_886 = tpu.memref_squeeze %dma_wait3A_885 : memref<1x20xi32, #tpu.memory_space<vmem>> -> memref<20xi32, #tpu.memory_space<vmem>>
      %dma_wait3A_887 = arith.constant 0 : i32
      %dma_wait3A_888 = arith.constant 0 : i32
      %dma_wait3A_889 = tpu.memref_slice %arg3[%dma_wait3A_887, %dma_wait3A_888] : memref<1000000x16xf32, #tpu.memory_space<hbm>> -> memref<1000000x16xf32, #tpu.memory_space<hbm>>
      tpu.wait_indirect_dma semaphore(%arg8 : memref<!tpu.dma_semaphore, #tpu.memory_space<semaphore_mem>>) src(%dma_wait3A_889 : memref<1000000x16xf32, #tpu.memory_space<hbm>>) dst(%dma_wait3A_883 : memref<20x16xf32, #tpu.memory_space<vmem>>)
      %dma_wait3A_890 = arith.constant 80 : i32
      %dma_wait3A_891 = arith.constant 0 : i32
      %dma_wait3A_892 = tpu.memref_slice %arg6[%dma_wait3A_890, %dma_wait3A_891] : memref<1280x16xf32, #tpu.memory_space<vmem>> -> memref<20x16xf32, #tpu.memory_space<vmem>>
      %dma_wait3A_893 = arith.constant 0 : i32
      %dma_wait3A_894 = tpu.memref_slice %arg5[%add3A_78, %dma_wait3A_893] : memref<512x20xi32, #tpu.memory_space<vmem>> -> memref<1x20xi32, #tpu.memory_space<vmem>>
      %dma_wait3A_895 = tpu.memref_squeeze %dma_wait3A_894 : memref<1x20xi32, #tpu.memory_space<vmem>> -> memref<20xi32, #tpu.memory_space<vmem>>
      %dma_wait3A_896 = arith.constant 0 : i32
      %dma_wait3A_897 = arith.constant 0 : i32
      %dma_wait3A_898 = tpu.memref_slice %arg3[%dma_wait3A_896, %dma_wait3A_897] : memref<1000000x16xf32, #tpu.memory_space<hbm>> -> memref<1000000x16xf32, #tpu.memory_space<hbm>>
      tpu.wait_indirect_dma semaphore(%arg8 : memref<!tpu.dma_semaphore, #tpu.memory_space<semaphore_mem>>) src(%dma_wait3A_898 : memref<1000000x16xf32, #tpu.memory_space<hbm>>) dst(%dma_wait3A_892 : memref<20x16xf32, #tpu.memory_space<vmem>>)
      %dma_wait3A_899 = arith.constant 100 : i32
      %dma_wait3A_900 = arith.constant 0 : i32
      %dma_wait3A_901 = tpu.memref_slice %arg6[%dma_wait3A_899, %dma_wait3A_900] : memref<1280x16xf32, #tpu.memory_space<vmem>> -> memref<20x16xf32, #tpu.memory_space<vmem>>
      %dma_wait3A_902 = arith.constant 0 : i32
      %dma_wait3A_903 = tpu.memref_slice %arg5[%add3A_91, %dma_wait3A_902] : memref<512x20xi32, #tpu.memory_space<vmem>> -> memref<1x20xi32, #tpu.memory_space<vmem>>
      %dma_wait3A_904 = tpu.memref_squeeze %dma_wait3A_903 : memref<1x20xi32, #tpu.memory_space<vmem>> -> memref<20xi32, #tpu.memory_space<vmem>>
      %dma_wait3A_905 = arith.constant 0 : i32
      %dma_wait3A_906 = arith.constant 0 : i32
      %dma_wait3A_907 = tpu.memref_slice %arg3[%dma_wait3A_905, %dma_wait3A_906] : memref<1000000x16xf32, #tpu.memory_space<hbm>> -> memref<1000000x16xf32, #tpu.memory_space<hbm>>
      tpu.wait_indirect_dma semaphore(%arg8 : memref<!tpu.dma_semaphore, #tpu.memory_space<semaphore_mem>>) src(%dma_wait3A_907 : memref<1000000x16xf32, #tpu.memory_space<hbm>>) dst(%dma_wait3A_901 : memref<20x16xf32, #tpu.memory_space<vmem>>)
      %dma_wait3A_908 = arith.constant 120 : i32
      %dma_wait3A_909 = arith.constant 0 : i32
      %dma_wait3A_910 = tpu.memref_slice %arg6[%dma_wait3A_908, %dma_wait3A_909] : memref<1280x16xf32, #tpu.memory_space<vmem>> -> memref<20x16xf32, #tpu.memory_space<vmem>>
      %dma_wait3A_911 = arith.constant 0 : i32
      %dma_wait3A_912 = tpu.memref_slice %arg5[%add3A_104, %dma_wait3A_911] : memref<512x20xi32, #tpu.memory_space<vmem>> -> memref<1x20xi32, #tpu.memory_space<vmem>>
      %dma_wait3A_913 = tpu.memref_squeeze %dma_wait3A_912 : memref<1x20xi32, #tpu.memory_space<vmem>> -> memref<20xi32, #tpu.memory_space<vmem>>
      %dma_wait3A_914 = arith.constant 0 : i32
      %dma_wait3A_915 = arith.constant 0 : i32
      %dma_wait3A_916 = tpu.memref_slice %arg3[%dma_wait3A_914, %dma_wait3A_915] : memref<1000000x16xf32, #tpu.memory_space<hbm>> -> memref<1000000x16xf32, #tpu.memory_space<hbm>>
      tpu.wait_indirect_dma semaphore(%arg8 : memref<!tpu.dma_semaphore, #tpu.memory_space<semaphore_mem>>) src(%dma_wait3A_916 : memref<1000000x16xf32, #tpu.memory_space<hbm>>) dst(%dma_wait3A_910 : memref<20x16xf32, #tpu.memory_space<vmem>>)
      %dma_wait3A_917 = arith.constant 140 : i32
      %dma_wait3A_918 = arith.constant 0 : i32
      %dma_wait3A_919 = tpu.memref_slice %arg6[%dma_wait3A_917, %dma_wait3A_918] : memref<1280x16xf32, #tpu.memory_space<vmem>> -> memref<20x16xf32, #tpu.memory_space<vmem>>
      %dma_wait3A_920 = arith.constant 0 : i32
      %dma_wait3A_921 = tpu.memref_slice %arg5[%add3A_117, %dma_wait3A_920] : memref<512x20xi32, #tpu.memory_space<vmem>> -> memref<1x20xi32, #tpu.memory_space<vmem>>
      %dma_wait3A_922 = tpu.memref_squeeze %dma_wait3A_921 : memref<1x20xi32, #tpu.memory_space<vmem>> -> memref<20xi32, #tpu.memory_space<vmem>>
      %dma_wait3A_923 = arith.constant 0 : i32
      %dma_wait3A_924 = arith.constant 0 : i32
      %dma_wait3A_925 = tpu.memref_slice %arg3[%dma_wait3A_923, %dma_wait3A_924] : memref<1000000x16xf32, #tpu.memory_space<hbm>> -> memref<1000000x16xf32, #tpu.memory_space<hbm>>
      tpu.wait_indirect_dma semaphore(%arg8 : memref<!tpu.dma_semaphore, #tpu.memory_space<semaphore_mem>>) src(%dma_wait3A_925 : memref<1000000x16xf32, #tpu.memory_space<hbm>>) dst(%dma_wait3A_919 : memref<20x16xf32, #tpu.memory_space<vmem>>)
      %dma_wait3A_926 = arith.constant 160 : i32
      %dma_wait3A_927 = arith.constant 0 : i32
      %dma_wait3A_928 = tpu.memref_slice %arg6[%dma_wait3A_926, %dma_wait3A_927] : memref<1280x16xf32, #tpu.memory_space<vmem>> -> memref<20x16xf32, #tpu.memory_space<vmem>>
      %dma_wait3A_929 = arith.constant 0 : i32
      %dma_wait3A_930 = tpu.memref_slice %arg5[%add3A_130, %dma_wait3A_929] : memref<512x20xi32, #tpu.memory_space<vmem>> -> memref<1x20xi32, #tpu.memory_space<vmem>>
      %dma_wait3A_931 = tpu.memref_squeeze %dma_wait3A_930 : memref<1x20xi32, #tpu.memory_space<vmem>> -> memref<20xi32, #tpu.memory_space<vmem>>
      %dma_wait3A_932 = arith.constant 0 : i32
      %dma_wait3A_933 = arith.constant 0 : i32
      %dma_wait3A_934 = tpu.memref_slice %arg3[%dma_wait3A_932, %dma_wait3A_933] : memref<1000000x16xf32, #tpu.memory_space<hbm>> -> memref<1000000x16xf32, #tpu.memory_space<hbm>>
      tpu.wait_indirect_dma semaphore(%arg8 : memref<!tpu.dma_semaphore, #tpu.memory_space<semaphore_mem>>) src(%dma_wait3A_934 : memref<1000000x16xf32, #tpu.memory_space<hbm>>) dst(%dma_wait3A_928 : memref<20x16xf32, #tpu.memory_space<vmem>>)
      %dma_wait3A_935 = arith.constant 180 : i32
      %dma_wait3A_936 = arith.constant 0 : i32
      %dma_wait3A_937 = tpu.memref_slice %arg6[%dma_wait3A_935, %dma_wait3A_936] : memref<1280x16xf32, #tpu.memory_space<vmem>> -> memref<20x16xf32, #tpu.memory_space<vmem>>
      %dma_wait3A_938 = arith.constant 0 : i32
      %dma_wait3A_939 = tpu.memref_slice %arg5[%add3A_143, %dma_wait3A_938] : memref<512x20xi32, #tpu.memory_space<vmem>> -> memref<1x20xi32, #tpu.memory_space<vmem>>
      %dma_wait3A_940 = tpu.memref_squeeze %dma_wait3A_939 : memref<1x20xi32, #tpu.memory_space<vmem>> -> memref<20xi32, #tpu.memory_space<vmem>>
      %dma_wait3A_941 = arith.constant 0 : i32
      %dma_wait3A_942 = arith.constant 0 : i32
      %dma_wait3A_943 = tpu.memref_slice %arg3[%dma_wait3A_941, %dma_wait3A_942] : memref<1000000x16xf32, #tpu.memory_space<hbm>> -> memref<1000000x16xf32, #tpu.memory_space<hbm>>
      tpu.wait_indirect_dma semaphore(%arg8 : memref<!tpu.dma_semaphore, #tpu.memory_space<semaphore_mem>>) src(%dma_wait3A_943 : memref<1000000x16xf32, #tpu.memory_space<hbm>>) dst(%dma_wait3A_937 : memref<20x16xf32, #tpu.memory_space<vmem>>)
      %dma_wait3A_944 = arith.constant 200 : i32
      %dma_wait3A_945 = arith.constant 0 : i32
      %dma_wait3A_946 = tpu.memref_slice %arg6[%dma_wait3A_944, %dma_wait3A_945] : memref<1280x16xf32, #tpu.memory_space<vmem>> -> memref<20x16xf32, #tpu.memory_space<vmem>>
      %dma_wait3A_947 = arith.constant 0 : i32
      %dma_wait3A_948 = tpu.memref_slice %arg5[%add3A_156, %dma_wait3A_947] : memref<512x20xi32, #tpu.memory_space<vmem>> -> memref<1x20xi32, #tpu.memory_space<vmem>>
      %dma_wait3A_949 = tpu.memref_squeeze %dma_wait3A_948 : memref<1x20xi32, #tpu.memory_space<vmem>> -> memref<20xi32, #tpu.memory_space<vmem>>
      %dma_wait3A_950 = arith.constant 0 : i32
      %dma_wait3A_951 = arith.constant 0 : i32
      %dma_wait3A_952 = tpu.memref_slice %arg3[%dma_wait3A_950, %dma_wait3A_951] : memref<1000000x16xf32, #tpu.memory_space<hbm>> -> memref<1000000x16xf32, #tpu.memory_space<hbm>>
      tpu.wait_indirect_dma semaphore(%arg8 : memref<!tpu.dma_semaphore, #tpu.memory_space<semaphore_mem>>) src(%dma_wait3A_952 : memref<1000000x16xf32, #tpu.memory_space<hbm>>) dst(%dma_wait3A_946 : memref<20x16xf32, #tpu.memory_space<vmem>>)
      %dma_wait3A_953 = arith.constant 220 : i32
      %dma_wait3A_954 = arith.constant 0 : i32
      %dma_wait3A_955 = tpu.memref_slice %arg6[%dma_wait3A_953, %dma_wait3A_954] : memref<1280x16xf32, #tpu.memory_space<vmem>> -> memref<20x16xf32, #tpu.memory_space<vmem>>
      %dma_wait3A_956 = arith.constant 0 : i32
      %dma_wait3A_957 = tpu.memref_slice %arg5[%add3A_169, %dma_wait3A_956] : memref<512x20xi32, #tpu.memory_space<vmem>> -> memref<1x20xi32, #tpu.memory_space<vmem>>
      %dma_wait3A_958 = tpu.memref_squeeze %dma_wait3A_957 : memref<1x20xi32, #tpu.memory_space<vmem>> -> memref<20xi32, #tpu.memory_space<vmem>>
      %dma_wait3A_959 = arith.constant 0 : i32
      %dma_wait3A_960 = arith.constant 0 : i32
      %dma_wait3A_961 = tpu.memref_slice %arg3[%dma_wait3A_959, %dma_wait3A_960] : memref<1000000x16xf32, #tpu.memory_space<hbm>> -> memref<1000000x16xf32, #tpu.memory_space<hbm>>
      tpu.wait_indirect_dma semaphore(%arg8 : memref<!tpu.dma_semaphore, #tpu.memory_space<semaphore_mem>>) src(%dma_wait3A_961 : memref<1000000x16xf32, #tpu.memory_space<hbm>>) dst(%dma_wait3A_955 : memref<20x16xf32, #tpu.memory_space<vmem>>)
      %dma_wait3A_962 = arith.constant 240 : i32
      %dma_wait3A_963 = arith.constant 0 : i32
      %dma_wait3A_964 = tpu.memref_slice %arg6[%dma_wait3A_962, %dma_wait3A_963] : memref<1280x16xf32, #tpu.memory_space<vmem>> -> memref<20x16xf32, #tpu.memory_space<vmem>>
      %dma_wait3A_965 = arith.constant 0 : i32
      %dma_wait3A_966 = tpu.memref_slice %arg5[%add3A_182, %dma_wait3A_965] : memref<512x20xi32, #tpu.memory_space<vmem>> -> memref<1x20xi32, #tpu.memory_space<vmem>>
      %dma_wait3A_967 = tpu.memref_squeeze %dma_wait3A_966 : memref<1x20xi32, #tpu.memory_space<vmem>> -> memref<20xi32, #tpu.memory_space<vmem>>
      %dma_wait3A_968 = arith.constant 0 : i32
      %dma_wait3A_969 = arith.constant 0 : i32
      %dma_wait3A_970 = tpu.memref_slice %arg3[%dma_wait3A_968, %dma_wait3A_969] : memref<1000000x16xf32, #tpu.memory_space<hbm>> -> memref<1000000x16xf32, #tpu.memory_space<hbm>>
      tpu.wait_indirect_dma semaphore(%arg8 : memref<!tpu.dma_semaphore, #tpu.memory_space<semaphore_mem>>) src(%dma_wait3A_970 : memref<1000000x16xf32, #tpu.memory_space<hbm>>) dst(%dma_wait3A_964 : memref<20x16xf32, #tpu.memory_space<vmem>>)
      %dma_wait3A_971 = arith.constant 260 : i32
      %dma_wait3A_972 = arith.constant 0 : i32
      %dma_wait3A_973 = tpu.memref_slice %arg6[%dma_wait3A_971, %dma_wait3A_972] : memref<1280x16xf32, #tpu.memory_space<vmem>> -> memref<20x16xf32, #tpu.memory_space<vmem>>
      %dma_wait3A_974 = arith.constant 0 : i32
      %dma_wait3A_975 = tpu.memref_slice %arg5[%add3A_195, %dma_wait3A_974] : memref<512x20xi32, #tpu.memory_space<vmem>> -> memref<1x20xi32, #tpu.memory_space<vmem>>
      %dma_wait3A_976 = tpu.memref_squeeze %dma_wait3A_975 : memref<1x20xi32, #tpu.memory_space<vmem>> -> memref<20xi32, #tpu.memory_space<vmem>>
      %dma_wait3A_977 = arith.constant 0 : i32
      %dma_wait3A_978 = arith.constant 0 : i32
      %dma_wait3A_979 = tpu.memref_slice %arg3[%dma_wait3A_977, %dma_wait3A_978] : memref<1000000x16xf32, #tpu.memory_space<hbm>> -> memref<1000000x16xf32, #tpu.memory_space<hbm>>
      tpu.wait_indirect_dma semaphore(%arg8 : memref<!tpu.dma_semaphore, #tpu.memory_space<semaphore_mem>>) src(%dma_wait3A_979 : memref<1000000x16xf32, #tpu.memory_space<hbm>>) dst(%dma_wait3A_973 : memref<20x16xf32, #tpu.memory_space<vmem>>)
      %dma_wait3A_980 = arith.constant 280 : i32
      %dma_wait3A_981 = arith.constant 0 : i32
      %dma_wait3A_982 = tpu.memref_slice %arg6[%dma_wait3A_980, %dma_wait3A_981] : memref<1280x16xf32, #tpu.memory_space<vmem>> -> memref<20x16xf32, #tpu.memory_space<vmem>>
      %dma_wait3A_983 = arith.constant 0 : i32
      %dma_wait3A_984 = tpu.memref_slice %arg5[%add3A_208, %dma_wait3A_983] : memref<512x20xi32, #tpu.memory_space<vmem>> -> memref<1x20xi32, #tpu.memory_space<vmem>>
      %dma_wait3A_985 = tpu.memref_squeeze %dma_wait3A_984 : memref<1x20xi32, #tpu.memory_space<vmem>> -> memref<20xi32, #tpu.memory_space<vmem>>
      %dma_wait3A_986 = arith.constant 0 : i32
      %dma_wait3A_987 = arith.constant 0 : i32
      %dma_wait3A_988 = tpu.memref_slice %arg3[%dma_wait3A_986, %dma_wait3A_987] : memref<1000000x16xf32, #tpu.memory_space<hbm>> -> memref<1000000x16xf32, #tpu.memory_space<hbm>>
      tpu.wait_indirect_dma semaphore(%arg8 : memref<!tpu.dma_semaphore, #tpu.memory_space<semaphore_mem>>) src(%dma_wait3A_988 : memref<1000000x16xf32, #tpu.memory_space<hbm>>) dst(%dma_wait3A_982 : memref<20x16xf32, #tpu.memory_space<vmem>>)
      %dma_wait3A_989 = arith.constant 300 : i32
      %dma_wait3A_990 = arith.constant 0 : i32
      %dma_wait3A_991 = tpu.memref_slice %arg6[%dma_wait3A_989, %dma_wait3A_990] : memref<1280x16xf32, #tpu.memory_space<vmem>> -> memref<20x16xf32, #tpu.memory_space<vmem>>
      %dma_wait3A_992 = arith.constant 0 : i32
      %dma_wait3A_993 = tpu.memref_slice %arg5[%add3A_221, %dma_wait3A_992] : memref<512x20xi32, #tpu.memory_space<vmem>> -> memref<1x20xi32, #tpu.memory_space<vmem>>
      %dma_wait3A_994 = tpu.memref_squeeze %dma_wait3A_993 : memref<1x20xi32, #tpu.memory_space<vmem>> -> memref<20xi32, #tpu.memory_space<vmem>>
      %dma_wait3A_995 = arith.constant 0 : i32
      %dma_wait3A_996 = arith.constant 0 : i32
      %dma_wait3A_997 = tpu.memref_slice %arg3[%dma_wait3A_995, %dma_wait3A_996] : memref<1000000x16xf32, #tpu.memory_space<hbm>> -> memref<1000000x16xf32, #tpu.memory_space<hbm>>
      tpu.wait_indirect_dma semaphore(%arg8 : memref<!tpu.dma_semaphore, #tpu.memory_space<semaphore_mem>>) src(%dma_wait3A_997 : memref<1000000x16xf32, #tpu.memory_space<hbm>>) dst(%dma_wait3A_991 : memref<20x16xf32, #tpu.memory_space<vmem>>)
      %dma_wait3A_998 = arith.constant 320 : i32
      %dma_wait3A_999 = arith.constant 0 : i32
      %dma_wait3A_1000 = tpu.memref_slice %arg6[%dma_wait3A_998, %dma_wait3A_999] : memref<1280x16xf32, #tpu.memory_space<vmem>> -> memref<20x16xf32, #tpu.memory_space<vmem>>
      %dma_wait3A_1001 = arith.constant 0 : i32
      %dma_wait3A_1002 = tpu.memref_slice %arg5[%add3A_234, %dma_wait3A_1001] : memref<512x20xi32, #tpu.memory_space<vmem>> -> memref<1x20xi32, #tpu.memory_space<vmem>>
      %dma_wait3A_1003 = tpu.memref_squeeze %dma_wait3A_1002 : memref<1x20xi32, #tpu.memory_space<vmem>> -> memref<20xi32, #tpu.memory_space<vmem>>
      %dma_wait3A_1004 = arith.constant 0 : i32
      %dma_wait3A_1005 = arith.constant 0 : i32
      %dma_wait3A_1006 = tpu.memref_slice %arg3[%dma_wait3A_1004, %dma_wait3A_1005] : memref<1000000x16xf32, #tpu.memory_space<hbm>> -> memref<1000000x16xf32, #tpu.memory_space<hbm>>
      tpu.wait_indirect_dma semaphore(%arg8 : memref<!tpu.dma_semaphore, #tpu.memory_space<semaphore_mem>>) src(%dma_wait3A_1006 : memref<1000000x16xf32, #tpu.memory_space<hbm>>) dst(%dma_wait3A_1000 : memref<20x16xf32, #tpu.memory_space<vmem>>)
      %dma_wait3A_1007 = arith.constant 340 : i32
      %dma_wait3A_1008 = arith.constant 0 : i32
      %dma_wait3A_1009 = tpu.memref_slice %arg6[%dma_wait3A_1007, %dma_wait3A_1008] : memref<1280x16xf32, #tpu.memory_space<vmem>> -> memref<20x16xf32, #tpu.memory_space<vmem>>
      %dma_wait3A_1010 = arith.constant 0 : i32
      %dma_wait3A_1011 = tpu.memref_slice %arg5[%add3A_247, %dma_wait3A_1010] : memref<512x20xi32, #tpu.memory_space<vmem>> -> memref<1x20xi32, #tpu.memory_space<vmem>>
      %dma_wait3A_1012 = tpu.memref_squeeze %dma_wait3A_1011 : memref<1x20xi32, #tpu.memory_space<vmem>> -> memref<20xi32, #tpu.memory_space<vmem>>
      %dma_wait3A_1013 = arith.constant 0 : i32
      %dma_wait3A_1014 = arith.constant 0 : i32
      %dma_wait3A_1015 = tpu.memref_slice %arg3[%dma_wait3A_1013, %dma_wait3A_1014] : memref<1000000x16xf32, #tpu.memory_space<hbm>> -> memref<1000000x16xf32, #tpu.memory_space<hbm>>
      tpu.wait_indirect_dma semaphore(%arg8 : memref<!tpu.dma_semaphore, #tpu.memory_space<semaphore_mem>>) src(%dma_wait3A_1015 : memref<1000000x16xf32, #tpu.memory_space<hbm>>) dst(%dma_wait3A_1009 : memref<20x16xf32, #tpu.memory_space<vmem>>)
      %dma_wait3A_1016 = arith.constant 360 : i32
      %dma_wait3A_1017 = arith.constant 0 : i32
      %dma_wait3A_1018 = tpu.memref_slice %arg6[%dma_wait3A_1016, %dma_wait3A_1017] : memref<1280x16xf32, #tpu.memory_space<vmem>> -> memref<20x16xf32, #tpu.memory_space<vmem>>
      %dma_wait3A_1019 = arith.constant 0 : i32
      %dma_wait3A_1020 = tpu.memref_slice %arg5[%add3A_260, %dma_wait3A_1019] : memref<512x20xi32, #tpu.memory_space<vmem>> -> memref<1x20xi32, #tpu.memory_space<vmem>>
      %dma_wait3A_1021 = tpu.memref_squeeze %dma_wait3A_1020 : memref<1x20xi32, #tpu.memory_space<vmem>> -> memref<20xi32, #tpu.memory_space<vmem>>
      %dma_wait3A_1022 = arith.constant 0 : i32
      %dma_wait3A_1023 = arith.constant 0 : i32
      %dma_wait3A_1024 = tpu.memref_slice %arg3[%dma_wait3A_1022, %dma_wait3A_1023] : memref<1000000x16xf32, #tpu.memory_space<hbm>> -> memref<1000000x16xf32, #tpu.memory_space<hbm>>
      tpu.wait_indirect_dma semaphore(%arg8 : memref<!tpu.dma_semaphore, #tpu.memory_space<semaphore_mem>>) src(%dma_wait3A_1024 : memref<1000000x16xf32, #tpu.memory_space<hbm>>) dst(%dma_wait3A_1018 : memref<20x16xf32, #tpu.memory_space<vmem>>)
      %dma_wait3A_1025 = arith.constant 380 : i32
      %dma_wait3A_1026 = arith.constant 0 : i32
      %dma_wait3A_1027 = tpu.memref_slice %arg6[%dma_wait3A_1025, %dma_wait3A_1026] : memref<1280x16xf32, #tpu.memory_space<vmem>> -> memref<20x16xf32, #tpu.memory_space<vmem>>
      %dma_wait3A_1028 = arith.constant 0 : i32
      %dma_wait3A_1029 = tpu.memref_slice %arg5[%add3A_273, %dma_wait3A_1028] : memref<512x20xi32, #tpu.memory_space<vmem>> -> memref<1x20xi32, #tpu.memory_space<vmem>>
      %dma_wait3A_1030 = tpu.memref_squeeze %dma_wait3A_1029 : memref<1x20xi32, #tpu.memory_space<vmem>> -> memref<20xi32, #tpu.memory_space<vmem>>
      %dma_wait3A_1031 = arith.constant 0 : i32
      %dma_wait3A_1032 = arith.constant 0 : i32
      %dma_wait3A_1033 = tpu.memref_slice %arg3[%dma_wait3A_1031, %dma_wait3A_1032] : memref<1000000x16xf32, #tpu.memory_space<hbm>> -> memref<1000000x16xf32, #tpu.memory_space<hbm>>
      tpu.wait_indirect_dma semaphore(%arg8 : memref<!tpu.dma_semaphore, #tpu.memory_space<semaphore_mem>>) src(%dma_wait3A_1033 : memref<1000000x16xf32, #tpu.memory_space<hbm>>) dst(%dma_wait3A_1027 : memref<20x16xf32, #tpu.memory_space<vmem>>)
      %dma_wait3A_1034 = arith.constant 400 : i32
      %dma_wait3A_1035 = arith.constant 0 : i32
      %dma_wait3A_1036 = tpu.memref_slice %arg6[%dma_wait3A_1034, %dma_wait3A_1035] : memref<1280x16xf32, #tpu.memory_space<vmem>> -> memref<20x16xf32, #tpu.memory_space<vmem>>
      %dma_wait3A_1037 = arith.constant 0 : i32
      %dma_wait3A_1038 = tpu.memref_slice %arg5[%add3A_286, %dma_wait3A_1037] : memref<512x20xi32, #tpu.memory_space<vmem>> -> memref<1x20xi32, #tpu.memory_space<vmem>>
      %dma_wait3A_1039 = tpu.memref_squeeze %dma_wait3A_1038 : memref<1x20xi32, #tpu.memory_space<vmem>> -> memref<20xi32, #tpu.memory_space<vmem>>
      %dma_wait3A_1040 = arith.constant 0 : i32
      %dma_wait3A_1041 = arith.constant 0 : i32
      %dma_wait3A_1042 = tpu.memref_slice %arg3[%dma_wait3A_1040, %dma_wait3A_1041] : memref<1000000x16xf32, #tpu.memory_space<hbm>> -> memref<1000000x16xf32, #tpu.memory_space<hbm>>
      tpu.wait_indirect_dma semaphore(%arg8 : memref<!tpu.dma_semaphore, #tpu.memory_space<semaphore_mem>>) src(%dma_wait3A_1042 : memref<1000000x16xf32, #tpu.memory_space<hbm>>) dst(%dma_wait3A_1036 : memref<20x16xf32, #tpu.memory_space<vmem>>)
      %dma_wait3A_1043 = arith.constant 420 : i32
      %dma_wait3A_1044 = arith.constant 0 : i32
      %dma_wait3A_1045 = tpu.memref_slice %arg6[%dma_wait3A_1043, %dma_wait3A_1044] : memref<1280x16xf32, #tpu.memory_space<vmem>> -> memref<20x16xf32, #tpu.memory_space<vmem>>
      %dma_wait3A_1046 = arith.constant 0 : i32
      %dma_wait3A_1047 = tpu.memref_slice %arg5[%add3A_299, %dma_wait3A_1046] : memref<512x20xi32, #tpu.memory_space<vmem>> -> memref<1x20xi32, #tpu.memory_space<vmem>>
      %dma_wait3A_1048 = tpu.memref_squeeze %dma_wait3A_1047 : memref<1x20xi32, #tpu.memory_space<vmem>> -> memref<20xi32, #tpu.memory_space<vmem>>
      %dma_wait3A_1049 = arith.constant 0 : i32
      %dma_wait3A_1050 = arith.constant 0 : i32
      %dma_wait3A_1051 = tpu.memref_slice %arg3[%dma_wait3A_1049, %dma_wait3A_1050] : memref<1000000x16xf32, #tpu.memory_space<hbm>> -> memref<1000000x16xf32, #tpu.memory_space<hbm>>
      tpu.wait_indirect_dma semaphore(%arg8 : memref<!tpu.dma_semaphore, #tpu.memory_space<semaphore_mem>>) src(%dma_wait3A_1051 : memref<1000000x16xf32, #tpu.memory_space<hbm>>) dst(%dma_wait3A_1045 : memref<20x16xf32, #tpu.memory_space<vmem>>)
      %dma_wait3A_1052 = arith.constant 440 : i32
      %dma_wait3A_1053 = arith.constant 0 : i32
      %dma_wait3A_1054 = tpu.memref_slice %arg6[%dma_wait3A_1052, %dma_wait3A_1053] : memref<1280x16xf32, #tpu.memory_space<vmem>> -> memref<20x16xf32, #tpu.memory_space<vmem>>
      %dma_wait3A_1055 = arith.constant 0 : i32
      %dma_wait3A_1056 = tpu.memref_slice %arg5[%add3A_312, %dma_wait3A_1055] : memref<512x20xi32, #tpu.memory_space<vmem>> -> memref<1x20xi32, #tpu.memory_space<vmem>>
      %dma_wait3A_1057 = tpu.memref_squeeze %dma_wait3A_1056 : memref<1x20xi32, #tpu.memory_space<vmem>> -> memref<20xi32, #tpu.memory_space<vmem>>
      %dma_wait3A_1058 = arith.constant 0 : i32
      %dma_wait3A_1059 = arith.constant 0 : i32
      %dma_wait3A_1060 = tpu.memref_slice %arg3[%dma_wait3A_1058, %dma_wait3A_1059] : memref<1000000x16xf32, #tpu.memory_space<hbm>> -> memref<1000000x16xf32, #tpu.memory_space<hbm>>
      tpu.wait_indirect_dma semaphore(%arg8 : memref<!tpu.dma_semaphore, #tpu.memory_space<semaphore_mem>>) src(%dma_wait3A_1060 : memref<1000000x16xf32, #tpu.memory_space<hbm>>) dst(%dma_wait3A_1054 : memref<20x16xf32, #tpu.memory_space<vmem>>)
      %dma_wait3A_1061 = arith.constant 460 : i32
      %dma_wait3A_1062 = arith.constant 0 : i32
      %dma_wait3A_1063 = tpu.memref_slice %arg6[%dma_wait3A_1061, %dma_wait3A_1062] : memref<1280x16xf32, #tpu.memory_space<vmem>> -> memref<20x16xf32, #tpu.memory_space<vmem>>
      %dma_wait3A_1064 = arith.constant 0 : i32
      %dma_wait3A_1065 = tpu.memref_slice %arg5[%add3A_325, %dma_wait3A_1064] : memref<512x20xi32, #tpu.memory_space<vmem>> -> memref<1x20xi32, #tpu.memory_space<vmem>>
      %dma_wait3A_1066 = tpu.memref_squeeze %dma_wait3A_1065 : memref<1x20xi32, #tpu.memory_space<vmem>> -> memref<20xi32, #tpu.memory_space<vmem>>
      %dma_wait3A_1067 = arith.constant 0 : i32
      %dma_wait3A_1068 = arith.constant 0 : i32
      %dma_wait3A_1069 = tpu.memref_slice %arg3[%dma_wait3A_1067, %dma_wait3A_1068] : memref<1000000x16xf32, #tpu.memory_space<hbm>> -> memref<1000000x16xf32, #tpu.memory_space<hbm>>
      tpu.wait_indirect_dma semaphore(%arg8 : memref<!tpu.dma_semaphore, #tpu.memory_space<semaphore_mem>>) src(%dma_wait3A_1069 : memref<1000000x16xf32, #tpu.memory_space<hbm>>) dst(%dma_wait3A_1063 : memref<20x16xf32, #tpu.memory_space<vmem>>)
      %dma_wait3A_1070 = arith.constant 480 : i32
      %dma_wait3A_1071 = arith.constant 0 : i32
      %dma_wait3A_1072 = tpu.memref_slice %arg6[%dma_wait3A_1070, %dma_wait3A_1071] : memref<1280x16xf32, #tpu.memory_space<vmem>> -> memref<20x16xf32, #tpu.memory_space<vmem>>
      %dma_wait3A_1073 = arith.constant 0 : i32
      %dma_wait3A_1074 = tpu.memref_slice %arg5[%add3A_338, %dma_wait3A_1073] : memref<512x20xi32, #tpu.memory_space<vmem>> -> memref<1x20xi32, #tpu.memory_space<vmem>>
      %dma_wait3A_1075 = tpu.memref_squeeze %dma_wait3A_1074 : memref<1x20xi32, #tpu.memory_space<vmem>> -> memref<20xi32, #tpu.memory_space<vmem>>
      %dma_wait3A_1076 = arith.constant 0 : i32
      %dma_wait3A_1077 = arith.constant 0 : i32
      %dma_wait3A_1078 = tpu.memref_slice %arg3[%dma_wait3A_1076, %dma_wait3A_1077] : memref<1000000x16xf32, #tpu.memory_space<hbm>> -> memref<1000000x16xf32, #tpu.memory_space<hbm>>
      tpu.wait_indirect_dma semaphore(%arg8 : memref<!tpu.dma_semaphore, #tpu.memory_space<semaphore_mem>>) src(%dma_wait3A_1078 : memref<1000000x16xf32, #tpu.memory_space<hbm>>) dst(%dma_wait3A_1072 : memref<20x16xf32, #tpu.memory_space<vmem>>)
      %dma_wait3A_1079 = arith.constant 500 : i32
      %dma_wait3A_1080 = arith.constant 0 : i32
      %dma_wait3A_1081 = tpu.memref_slice %arg6[%dma_wait3A_1079, %dma_wait3A_1080] : memref<1280x16xf32, #tpu.memory_space<vmem>> -> memref<20x16xf32, #tpu.memory_space<vmem>>
      %dma_wait3A_1082 = arith.constant 0 : i32
      %dma_wait3A_1083 = tpu.memref_slice %arg5[%add3A_351, %dma_wait3A_1082] : memref<512x20xi32, #tpu.memory_space<vmem>> -> memref<1x20xi32, #tpu.memory_space<vmem>>
      %dma_wait3A_1084 = tpu.memref_squeeze %dma_wait3A_1083 : memref<1x20xi32, #tpu.memory_space<vmem>> -> memref<20xi32, #tpu.memory_space<vmem>>
      %dma_wait3A_1085 = arith.constant 0 : i32
      %dma_wait3A_1086 = arith.constant 0 : i32
      %dma_wait3A_1087 = tpu.memref_slice %arg3[%dma_wait3A_1085, %dma_wait3A_1086] : memref<1000000x16xf32, #tpu.memory_space<hbm>> -> memref<1000000x16xf32, #tpu.memory_space<hbm>>
      tpu.wait_indirect_dma semaphore(%arg8 : memref<!tpu.dma_semaphore, #tpu.memory_space<semaphore_mem>>) src(%dma_wait3A_1087 : memref<1000000x16xf32, #tpu.memory_space<hbm>>) dst(%dma_wait3A_1081 : memref<20x16xf32, #tpu.memory_space<vmem>>)
      %dma_wait3A_1088 = arith.constant 520 : i32
      %dma_wait3A_1089 = arith.constant 0 : i32
      %dma_wait3A_1090 = tpu.memref_slice %arg6[%dma_wait3A_1088, %dma_wait3A_1089] : memref<1280x16xf32, #tpu.memory_space<vmem>> -> memref<20x16xf32, #tpu.memory_space<vmem>>
      %dma_wait3A_1091 = arith.constant 0 : i32
      %dma_wait3A_1092 = tpu.memref_slice %arg5[%add3A_364, %dma_wait3A_1091] : memref<512x20xi32, #tpu.memory_space<vmem>> -> memref<1x20xi32, #tpu.memory_space<vmem>>
      %dma_wait3A_1093 = tpu.memref_squeeze %dma_wait3A_1092 : memref<1x20xi32, #tpu.memory_space<vmem>> -> memref<20xi32, #tpu.memory_space<vmem>>
      %dma_wait3A_1094 = arith.constant 0 : i32
      %dma_wait3A_1095 = arith.constant 0 : i32
      %dma_wait3A_1096 = tpu.memref_slice %arg3[%dma_wait3A_1094, %dma_wait3A_1095] : memref<1000000x16xf32, #tpu.memory_space<hbm>> -> memref<1000000x16xf32, #tpu.memory_space<hbm>>
      tpu.wait_indirect_dma semaphore(%arg8 : memref<!tpu.dma_semaphore, #tpu.memory_space<semaphore_mem>>) src(%dma_wait3A_1096 : memref<1000000x16xf32, #tpu.memory_space<hbm>>) dst(%dma_wait3A_1090 : memref<20x16xf32, #tpu.memory_space<vmem>>)
      %dma_wait3A_1097 = arith.constant 540 : i32
      %dma_wait3A_1098 = arith.constant 0 : i32
      %dma_wait3A_1099 = tpu.memref_slice %arg6[%dma_wait3A_1097, %dma_wait3A_1098] : memref<1280x16xf32, #tpu.memory_space<vmem>> -> memref<20x16xf32, #tpu.memory_space<vmem>>
      %dma_wait3A_1100 = arith.constant 0 : i32
      %dma_wait3A_1101 = tpu.memref_slice %arg5[%add3A_377, %dma_wait3A_1100] : memref<512x20xi32, #tpu.memory_space<vmem>> -> memref<1x20xi32, #tpu.memory_space<vmem>>
      %dma_wait3A_1102 = tpu.memref_squeeze %dma_wait3A_1101 : memref<1x20xi32, #tpu.memory_space<vmem>> -> memref<20xi32, #tpu.memory_space<vmem>>
      %dma_wait3A_1103 = arith.constant 0 : i32
      %dma_wait3A_1104 = arith.constant 0 : i32
      %dma_wait3A_1105 = tpu.memref_slice %arg3[%dma_wait3A_1103, %dma_wait3A_1104] : memref<1000000x16xf32, #tpu.memory_space<hbm>> -> memref<1000000x16xf32, #tpu.memory_space<hbm>>
      tpu.wait_indirect_dma semaphore(%arg8 : memref<!tpu.dma_semaphore, #tpu.memory_space<semaphore_mem>>) src(%dma_wait3A_1105 : memref<1000000x16xf32, #tpu.memory_space<hbm>>) dst(%dma_wait3A_1099 : memref<20x16xf32, #tpu.memory_space<vmem>>)
      %dma_wait3A_1106 = arith.constant 560 : i32
      %dma_wait3A_1107 = arith.constant 0 : i32
      %dma_wait3A_1108 = tpu.memref_slice %arg6[%dma_wait3A_1106, %dma_wait3A_1107] : memref<1280x16xf32, #tpu.memory_space<vmem>> -> memref<20x16xf32, #tpu.memory_space<vmem>>
      %dma_wait3A_1109 = arith.constant 0 : i32
      %dma_wait3A_1110 = tpu.memref_slice %arg5[%add3A_390, %dma_wait3A_1109] : memref<512x20xi32, #tpu.memory_space<vmem>> -> memref<1x20xi32, #tpu.memory_space<vmem>>
      %dma_wait3A_1111 = tpu.memref_squeeze %dma_wait3A_1110 : memref<1x20xi32, #tpu.memory_space<vmem>> -> memref<20xi32, #tpu.memory_space<vmem>>
      %dma_wait3A_1112 = arith.constant 0 : i32
      %dma_wait3A_1113 = arith.constant 0 : i32
      %dma_wait3A_1114 = tpu.memref_slice %arg3[%dma_wait3A_1112, %dma_wait3A_1113] : memref<1000000x16xf32, #tpu.memory_space<hbm>> -> memref<1000000x16xf32, #tpu.memory_space<hbm>>
      tpu.wait_indirect_dma semaphore(%arg8 : memref<!tpu.dma_semaphore, #tpu.memory_space<semaphore_mem>>) src(%dma_wait3A_1114 : memref<1000000x16xf32, #tpu.memory_space<hbm>>) dst(%dma_wait3A_1108 : memref<20x16xf32, #tpu.memory_space<vmem>>)
      %dma_wait3A_1115 = arith.constant 580 : i32
      %dma_wait3A_1116 = arith.constant 0 : i32
      %dma_wait3A_1117 = tpu.memref_slice %arg6[%dma_wait3A_1115, %dma_wait3A_1116] : memref<1280x16xf32, #tpu.memory_space<vmem>> -> memref<20x16xf32, #tpu.memory_space<vmem>>
      %dma_wait3A_1118 = arith.constant 0 : i32
      %dma_wait3A_1119 = tpu.memref_slice %arg5[%add3A_403, %dma_wait3A_1118] : memref<512x20xi32, #tpu.memory_space<vmem>> -> memref<1x20xi32, #tpu.memory_space<vmem>>
      %dma_wait3A_1120 = tpu.memref_squeeze %dma_wait3A_1119 : memref<1x20xi32, #tpu.memory_space<vmem>> -> memref<20xi32, #tpu.memory_space<vmem>>
      %dma_wait3A_1121 = arith.constant 0 : i32
      %dma_wait3A_1122 = arith.constant 0 : i32
      %dma_wait3A_1123 = tpu.memref_slice %arg3[%dma_wait3A_1121, %dma_wait3A_1122] : memref<1000000x16xf32, #tpu.memory_space<hbm>> -> memref<1000000x16xf32, #tpu.memory_space<hbm>>
      tpu.wait_indirect_dma semaphore(%arg8 : memref<!tpu.dma_semaphore, #tpu.memory_space<semaphore_mem>>) src(%dma_wait3A_1123 : memref<1000000x16xf32, #tpu.memory_space<hbm>>) dst(%dma_wait3A_1117 : memref<20x16xf32, #tpu.memory_space<vmem>>)
      %dma_wait3A_1124 = arith.constant 600 : i32
      %dma_wait3A_1125 = arith.constant 0 : i32
      %dma_wait3A_1126 = tpu.memref_slice %arg6[%dma_wait3A_1124, %dma_wait3A_1125] : memref<1280x16xf32, #tpu.memory_space<vmem>> -> memref<20x16xf32, #tpu.memory_space<vmem>>
      %dma_wait3A_1127 = arith.constant 0 : i32
      %dma_wait3A_1128 = tpu.memref_slice %arg5[%add3A_416, %dma_wait3A_1127] : memref<512x20xi32, #tpu.memory_space<vmem>> -> memref<1x20xi32, #tpu.memory_space<vmem>>
      %dma_wait3A_1129 = tpu.memref_squeeze %dma_wait3A_1128 : memref<1x20xi32, #tpu.memory_space<vmem>> -> memref<20xi32, #tpu.memory_space<vmem>>
      %dma_wait3A_1130 = arith.constant 0 : i32
      %dma_wait3A_1131 = arith.constant 0 : i32
      %dma_wait3A_1132 = tpu.memref_slice %arg3[%dma_wait3A_1130, %dma_wait3A_1131] : memref<1000000x16xf32, #tpu.memory_space<hbm>> -> memref<1000000x16xf32, #tpu.memory_space<hbm>>
      tpu.wait_indirect_dma semaphore(%arg8 : memref<!tpu.dma_semaphore, #tpu.memory_space<semaphore_mem>>) src(%dma_wait3A_1132 : memref<1000000x16xf32, #tpu.memory_space<hbm>>) dst(%dma_wait3A_1126 : memref<20x16xf32, #tpu.memory_space<vmem>>)
      %dma_wait3A_1133 = arith.constant 620 : i32
      %dma_wait3A_1134 = arith.constant 0 : i32
      %dma_wait3A_1135 = tpu.memref_slice %arg6[%dma_wait3A_1133, %dma_wait3A_1134] : memref<1280x16xf32, #tpu.memory_space<vmem>> -> memref<20x16xf32, #tpu.memory_space<vmem>>
      %dma_wait3A_1136 = arith.constant 0 : i32
      %dma_wait3A_1137 = tpu.memref_slice %arg5[%add3A_429, %dma_wait3A_1136] : memref<512x20xi32, #tpu.memory_space<vmem>> -> memref<1x20xi32, #tpu.memory_space<vmem>>
      %dma_wait3A_1138 = tpu.memref_squeeze %dma_wait3A_1137 : memref<1x20xi32, #tpu.memory_space<vmem>> -> memref<20xi32, #tpu.memory_space<vmem>>
      %dma_wait3A_1139 = arith.constant 0 : i32
      %dma_wait3A_1140 = arith.constant 0 : i32
      %dma_wait3A_1141 = tpu.memref_slice %arg3[%dma_wait3A_1139, %dma_wait3A_1140] : memref<1000000x16xf32, #tpu.memory_space<hbm>> -> memref<1000000x16xf32, #tpu.memory_space<hbm>>
      tpu.wait_indirect_dma semaphore(%arg8 : memref<!tpu.dma_semaphore, #tpu.memory_space<semaphore_mem>>) src(%dma_wait3A_1141 : memref<1000000x16xf32, #tpu.memory_space<hbm>>) dst(%dma_wait3A_1135 : memref<20x16xf32, #tpu.memory_space<vmem>>)
      %dma_wait3A_1142 = arith.constant 640 : i32
      %dma_wait3A_1143 = arith.constant 0 : i32
      %dma_wait3A_1144 = tpu.memref_slice %arg6[%dma_wait3A_1142, %dma_wait3A_1143] : memref<1280x16xf32, #tpu.memory_space<vmem>> -> memref<20x16xf32, #tpu.memory_space<vmem>>
      %dma_wait3A_1145 = arith.constant 0 : i32
      %dma_wait3A_1146 = tpu.memref_slice %arg5[%add3A_442, %dma_wait3A_1145] : memref<512x20xi32, #tpu.memory_space<vmem>> -> memref<1x20xi32, #tpu.memory_space<vmem>>
      %dma_wait3A_1147 = tpu.memref_squeeze %dma_wait3A_1146 : memref<1x20xi32, #tpu.memory_space<vmem>> -> memref<20xi32, #tpu.memory_space<vmem>>
      %dma_wait3A_1148 = arith.constant 0 : i32
      %dma_wait3A_1149 = arith.constant 0 : i32
      %dma_wait3A_1150 = tpu.memref_slice %arg3[%dma_wait3A_1148, %dma_wait3A_1149] : memref<1000000x16xf32, #tpu.memory_space<hbm>> -> memref<1000000x16xf32, #tpu.memory_space<hbm>>
      tpu.wait_indirect_dma semaphore(%arg8 : memref<!tpu.dma_semaphore, #tpu.memory_space<semaphore_mem>>) src(%dma_wait3A_1150 : memref<1000000x16xf32, #tpu.memory_space<hbm>>) dst(%dma_wait3A_1144 : memref<20x16xf32, #tpu.memory_space<vmem>>)
      %dma_wait3A_1151 = arith.constant 660 : i32
      %dma_wait3A_1152 = arith.constant 0 : i32
      %dma_wait3A_1153 = tpu.memref_slice %arg6[%dma_wait3A_1151, %dma_wait3A_1152] : memref<1280x16xf32, #tpu.memory_space<vmem>> -> memref<20x16xf32, #tpu.memory_space<vmem>>
      %dma_wait3A_1154 = arith.constant 0 : i32
      %dma_wait3A_1155 = tpu.memref_slice %arg5[%add3A_455, %dma_wait3A_1154] : memref<512x20xi32, #tpu.memory_space<vmem>> -> memref<1x20xi32, #tpu.memory_space<vmem>>
      %dma_wait3A_1156 = tpu.memref_squeeze %dma_wait3A_1155 : memref<1x20xi32, #tpu.memory_space<vmem>> -> memref<20xi32, #tpu.memory_space<vmem>>
      %dma_wait3A_1157 = arith.constant 0 : i32
      %dma_wait3A_1158 = arith.constant 0 : i32
      %dma_wait3A_1159 = tpu.memref_slice %arg3[%dma_wait3A_1157, %dma_wait3A_1158] : memref<1000000x16xf32, #tpu.memory_space<hbm>> -> memref<1000000x16xf32, #tpu.memory_space<hbm>>
      tpu.wait_indirect_dma semaphore(%arg8 : memref<!tpu.dma_semaphore, #tpu.memory_space<semaphore_mem>>) src(%dma_wait3A_1159 : memref<1000000x16xf32, #tpu.memory_space<hbm>>) dst(%dma_wait3A_1153 : memref<20x16xf32, #tpu.memory_space<vmem>>)
      %dma_wait3A_1160 = arith.constant 680 : i32
      %dma_wait3A_1161 = arith.constant 0 : i32
      %dma_wait3A_1162 = tpu.memref_slice %arg6[%dma_wait3A_1160, %dma_wait3A_1161] : memref<1280x16xf32, #tpu.memory_space<vmem>> -> memref<20x16xf32, #tpu.memory_space<vmem>>
      %dma_wait3A_1163 = arith.constant 0 : i32
      %dma_wait3A_1164 = tpu.memref_slice %arg5[%add3A_468, %dma_wait3A_1163] : memref<512x20xi32, #tpu.memory_space<vmem>> -> memref<1x20xi32, #tpu.memory_space<vmem>>
      %dma_wait3A_1165 = tpu.memref_squeeze %dma_wait3A_1164 : memref<1x20xi32, #tpu.memory_space<vmem>> -> memref<20xi32, #tpu.memory_space<vmem>>
      %dma_wait3A_1166 = arith.constant 0 : i32
      %dma_wait3A_1167 = arith.constant 0 : i32
      %dma_wait3A_1168 = tpu.memref_slice %arg3[%dma_wait3A_1166, %dma_wait3A_1167] : memref<1000000x16xf32, #tpu.memory_space<hbm>> -> memref<1000000x16xf32, #tpu.memory_space<hbm>>
      tpu.wait_indirect_dma semaphore(%arg8 : memref<!tpu.dma_semaphore, #tpu.memory_space<semaphore_mem>>) src(%dma_wait3A_1168 : memref<1000000x16xf32, #tpu.memory_space<hbm>>) dst(%dma_wait3A_1162 : memref<20x16xf32, #tpu.memory_space<vmem>>)
      %dma_wait3A_1169 = arith.constant 700 : i32
      %dma_wait3A_1170 = arith.constant 0 : i32
      %dma_wait3A_1171 = tpu.memref_slice %arg6[%dma_wait3A_1169, %dma_wait3A_1170] : memref<1280x16xf32, #tpu.memory_space<vmem>> -> memref<20x16xf32, #tpu.memory_space<vmem>>
      %dma_wait3A_1172 = arith.constant 0 : i32
      %dma_wait3A_1173 = tpu.memref_slice %arg5[%add3A_481, %dma_wait3A_1172] : memref<512x20xi32, #tpu.memory_space<vmem>> -> memref<1x20xi32, #tpu.memory_space<vmem>>
      %dma_wait3A_1174 = tpu.memref_squeeze %dma_wait3A_1173 : memref<1x20xi32, #tpu.memory_space<vmem>> -> memref<20xi32, #tpu.memory_space<vmem>>
      %dma_wait3A_1175 = arith.constant 0 : i32
      %dma_wait3A_1176 = arith.constant 0 : i32
      %dma_wait3A_1177 = tpu.memref_slice %arg3[%dma_wait3A_1175, %dma_wait3A_1176] : memref<1000000x16xf32, #tpu.memory_space<hbm>> -> memref<1000000x16xf32, #tpu.memory_space<hbm>>
      tpu.wait_indirect_dma semaphore(%arg8 : memref<!tpu.dma_semaphore, #tpu.memory_space<semaphore_mem>>) src(%dma_wait3A_1177 : memref<1000000x16xf32, #tpu.memory_space<hbm>>) dst(%dma_wait3A_1171 : memref<20x16xf32, #tpu.memory_space<vmem>>)
      %dma_wait3A_1178 = arith.constant 720 : i32
      %dma_wait3A_1179 = arith.constant 0 : i32
      %dma_wait3A_1180 = tpu.memref_slice %arg6[%dma_wait3A_1178, %dma_wait3A_1179] : memref<1280x16xf32, #tpu.memory_space<vmem>> -> memref<20x16xf32, #tpu.memory_space<vmem>>
      %dma_wait3A_1181 = arith.constant 0 : i32
      %dma_wait3A_1182 = tpu.memref_slice %arg5[%add3A_494, %dma_wait3A_1181] : memref<512x20xi32, #tpu.memory_space<vmem>> -> memref<1x20xi32, #tpu.memory_space<vmem>>
      %dma_wait3A_1183 = tpu.memref_squeeze %dma_wait3A_1182 : memref<1x20xi32, #tpu.memory_space<vmem>> -> memref<20xi32, #tpu.memory_space<vmem>>
      %dma_wait3A_1184 = arith.constant 0 : i32
      %dma_wait3A_1185 = arith.constant 0 : i32
      %dma_wait3A_1186 = tpu.memref_slice %arg3[%dma_wait3A_1184, %dma_wait3A_1185] : memref<1000000x16xf32, #tpu.memory_space<hbm>> -> memref<1000000x16xf32, #tpu.memory_space<hbm>>
      tpu.wait_indirect_dma semaphore(%arg8 : memref<!tpu.dma_semaphore, #tpu.memory_space<semaphore_mem>>) src(%dma_wait3A_1186 : memref<1000000x16xf32, #tpu.memory_space<hbm>>) dst(%dma_wait3A_1180 : memref<20x16xf32, #tpu.memory_space<vmem>>)
      %dma_wait3A_1187 = arith.constant 740 : i32
      %dma_wait3A_1188 = arith.constant 0 : i32
      %dma_wait3A_1189 = tpu.memref_slice %arg6[%dma_wait3A_1187, %dma_wait3A_1188] : memref<1280x16xf32, #tpu.memory_space<vmem>> -> memref<20x16xf32, #tpu.memory_space<vmem>>
      %dma_wait3A_1190 = arith.constant 0 : i32
      %dma_wait3A_1191 = tpu.memref_slice %arg5[%add3A_507, %dma_wait3A_1190] : memref<512x20xi32, #tpu.memory_space<vmem>> -> memref<1x20xi32, #tpu.memory_space<vmem>>
      %dma_wait3A_1192 = tpu.memref_squeeze %dma_wait3A_1191 : memref<1x20xi32, #tpu.memory_space<vmem>> -> memref<20xi32, #tpu.memory_space<vmem>>
      %dma_wait3A_1193 = arith.constant 0 : i32
      %dma_wait3A_1194 = arith.constant 0 : i32
      %dma_wait3A_1195 = tpu.memref_slice %arg3[%dma_wait3A_1193, %dma_wait3A_1194] : memref<1000000x16xf32, #tpu.memory_space<hbm>> -> memref<1000000x16xf32, #tpu.memory_space<hbm>>
      tpu.wait_indirect_dma semaphore(%arg8 : memref<!tpu.dma_semaphore, #tpu.memory_space<semaphore_mem>>) src(%dma_wait3A_1195 : memref<1000000x16xf32, #tpu.memory_space<hbm>>) dst(%dma_wait3A_1189 : memref<20x16xf32, #tpu.memory_space<vmem>>)
      %dma_wait3A_1196 = arith.constant 760 : i32
      %dma_wait3A_1197 = arith.constant 0 : i32
      %dma_wait3A_1198 = tpu.memref_slice %arg6[%dma_wait3A_1196, %dma_wait3A_1197] : memref<1280x16xf32, #tpu.memory_space<vmem>> -> memref<20x16xf32, #tpu.memory_space<vmem>>
      %dma_wait3A_1199 = arith.constant 0 : i32
      %dma_wait3A_1200 = tpu.memref_slice %arg5[%add3A_520, %dma_wait3A_1199] : memref<512x20xi32, #tpu.memory_space<vmem>> -> memref<1x20xi32, #tpu.memory_space<vmem>>
      %dma_wait3A_1201 = tpu.memref_squeeze %dma_wait3A_1200 : memref<1x20xi32, #tpu.memory_space<vmem>> -> memref<20xi32, #tpu.memory_space<vmem>>
      %dma_wait3A_1202 = arith.constant 0 : i32
      %dma_wait3A_1203 = arith.constant 0 : i32
      %dma_wait3A_1204 = tpu.memref_slice %arg3[%dma_wait3A_1202, %dma_wait3A_1203] : memref<1000000x16xf32, #tpu.memory_space<hbm>> -> memref<1000000x16xf32, #tpu.memory_space<hbm>>
      tpu.wait_indirect_dma semaphore(%arg8 : memref<!tpu.dma_semaphore, #tpu.memory_space<semaphore_mem>>) src(%dma_wait3A_1204 : memref<1000000x16xf32, #tpu.memory_space<hbm>>) dst(%dma_wait3A_1198 : memref<20x16xf32, #tpu.memory_space<vmem>>)
      %dma_wait3A_1205 = arith.constant 780 : i32
      %dma_wait3A_1206 = arith.constant 0 : i32
      %dma_wait3A_1207 = tpu.memref_slice %arg6[%dma_wait3A_1205, %dma_wait3A_1206] : memref<1280x16xf32, #tpu.memory_space<vmem>> -> memref<20x16xf32, #tpu.memory_space<vmem>>
      %dma_wait3A_1208 = arith.constant 0 : i32
      %dma_wait3A_1209 = tpu.memref_slice %arg5[%add3A_533, %dma_wait3A_1208] : memref<512x20xi32, #tpu.memory_space<vmem>> -> memref<1x20xi32, #tpu.memory_space<vmem>>
      %dma_wait3A_1210 = tpu.memref_squeeze %dma_wait3A_1209 : memref<1x20xi32, #tpu.memory_space<vmem>> -> memref<20xi32, #tpu.memory_space<vmem>>
      %dma_wait3A_1211 = arith.constant 0 : i32
      %dma_wait3A_1212 = arith.constant 0 : i32
      %dma_wait3A_1213 = tpu.memref_slice %arg3[%dma_wait3A_1211, %dma_wait3A_1212] : memref<1000000x16xf32, #tpu.memory_space<hbm>> -> memref<1000000x16xf32, #tpu.memory_space<hbm>>
      tpu.wait_indirect_dma semaphore(%arg8 : memref<!tpu.dma_semaphore, #tpu.memory_space<semaphore_mem>>) src(%dma_wait3A_1213 : memref<1000000x16xf32, #tpu.memory_space<hbm>>) dst(%dma_wait3A_1207 : memref<20x16xf32, #tpu.memory_space<vmem>>)
      %dma_wait3A_1214 = arith.constant 800 : i32
      %dma_wait3A_1215 = arith.constant 0 : i32
      %dma_wait3A_1216 = tpu.memref_slice %arg6[%dma_wait3A_1214, %dma_wait3A_1215] : memref<1280x16xf32, #tpu.memory_space<vmem>> -> memref<20x16xf32, #tpu.memory_space<vmem>>
      %dma_wait3A_1217 = arith.constant 0 : i32
      %dma_wait3A_1218 = tpu.memref_slice %arg5[%add3A_546, %dma_wait3A_1217] : memref<512x20xi32, #tpu.memory_space<vmem>> -> memref<1x20xi32, #tpu.memory_space<vmem>>
      %dma_wait3A_1219 = tpu.memref_squeeze %dma_wait3A_1218 : memref<1x20xi32, #tpu.memory_space<vmem>> -> memref<20xi32, #tpu.memory_space<vmem>>
      %dma_wait3A_1220 = arith.constant 0 : i32
      %dma_wait3A_1221 = arith.constant 0 : i32
      %dma_wait3A_1222 = tpu.memref_slice %arg3[%dma_wait3A_1220, %dma_wait3A_1221] : memref<1000000x16xf32, #tpu.memory_space<hbm>> -> memref<1000000x16xf32, #tpu.memory_space<hbm>>
      tpu.wait_indirect_dma semaphore(%arg8 : memref<!tpu.dma_semaphore, #tpu.memory_space<semaphore_mem>>) src(%dma_wait3A_1222 : memref<1000000x16xf32, #tpu.memory_space<hbm>>) dst(%dma_wait3A_1216 : memref<20x16xf32, #tpu.memory_space<vmem>>)
      %dma_wait3A_1223 = arith.constant 820 : i32
      %dma_wait3A_1224 = arith.constant 0 : i32
      %dma_wait3A_1225 = tpu.memref_slice %arg6[%dma_wait3A_1223, %dma_wait3A_1224] : memref<1280x16xf32, #tpu.memory_space<vmem>> -> memref<20x16xf32, #tpu.memory_space<vmem>>
      %dma_wait3A_1226 = arith.constant 0 : i32
      %dma_wait3A_1227 = tpu.memref_slice %arg5[%add3A_559, %dma_wait3A_1226] : memref<512x20xi32, #tpu.memory_space<vmem>> -> memref<1x20xi32, #tpu.memory_space<vmem>>
      %dma_wait3A_1228 = tpu.memref_squeeze %dma_wait3A_1227 : memref<1x20xi32, #tpu.memory_space<vmem>> -> memref<20xi32, #tpu.memory_space<vmem>>
      %dma_wait3A_1229 = arith.constant 0 : i32
      %dma_wait3A_1230 = arith.constant 0 : i32
      %dma_wait3A_1231 = tpu.memref_slice %arg3[%dma_wait3A_1229, %dma_wait3A_1230] : memref<1000000x16xf32, #tpu.memory_space<hbm>> -> memref<1000000x16xf32, #tpu.memory_space<hbm>>
      tpu.wait_indirect_dma semaphore(%arg8 : memref<!tpu.dma_semaphore, #tpu.memory_space<semaphore_mem>>) src(%dma_wait3A_1231 : memref<1000000x16xf32, #tpu.memory_space<hbm>>) dst(%dma_wait3A_1225 : memref<20x16xf32, #tpu.memory_space<vmem>>)
      %dma_wait3A_1232 = arith.constant 840 : i32
      %dma_wait3A_1233 = arith.constant 0 : i32
      %dma_wait3A_1234 = tpu.memref_slice %arg6[%dma_wait3A_1232, %dma_wait3A_1233] : memref<1280x16xf32, #tpu.memory_space<vmem>> -> memref<20x16xf32, #tpu.memory_space<vmem>>
      %dma_wait3A_1235 = arith.constant 0 : i32
      %dma_wait3A_1236 = tpu.memref_slice %arg5[%add3A_572, %dma_wait3A_1235] : memref<512x20xi32, #tpu.memory_space<vmem>> -> memref<1x20xi32, #tpu.memory_space<vmem>>
      %dma_wait3A_1237 = tpu.memref_squeeze %dma_wait3A_1236 : memref<1x20xi32, #tpu.memory_space<vmem>> -> memref<20xi32, #tpu.memory_space<vmem>>
      %dma_wait3A_1238 = arith.constant 0 : i32
      %dma_wait3A_1239 = arith.constant 0 : i32
      %dma_wait3A_1240 = tpu.memref_slice %arg3[%dma_wait3A_1238, %dma_wait3A_1239] : memref<1000000x16xf32, #tpu.memory_space<hbm>> -> memref<1000000x16xf32, #tpu.memory_space<hbm>>
      tpu.wait_indirect_dma semaphore(%arg8 : memref<!tpu.dma_semaphore, #tpu.memory_space<semaphore_mem>>) src(%dma_wait3A_1240 : memref<1000000x16xf32, #tpu.memory_space<hbm>>) dst(%dma_wait3A_1234 : memref<20x16xf32, #tpu.memory_space<vmem>>)
      %dma_wait3A_1241 = arith.constant 860 : i32
      %dma_wait3A_1242 = arith.constant 0 : i32
      %dma_wait3A_1243 = tpu.memref_slice %arg6[%dma_wait3A_1241, %dma_wait3A_1242] : memref<1280x16xf32, #tpu.memory_space<vmem>> -> memref<20x16xf32, #tpu.memory_space<vmem>>
      %dma_wait3A_1244 = arith.constant 0 : i32
      %dma_wait3A_1245 = tpu.memref_slice %arg5[%add3A_585, %dma_wait3A_1244] : memref<512x20xi32, #tpu.memory_space<vmem>> -> memref<1x20xi32, #tpu.memory_space<vmem>>
      %dma_wait3A_1246 = tpu.memref_squeeze %dma_wait3A_1245 : memref<1x20xi32, #tpu.memory_space<vmem>> -> memref<20xi32, #tpu.memory_space<vmem>>
      %dma_wait3A_1247 = arith.constant 0 : i32
      %dma_wait3A_1248 = arith.constant 0 : i32
      %dma_wait3A_1249 = tpu.memref_slice %arg3[%dma_wait3A_1247, %dma_wait3A_1248] : memref<1000000x16xf32, #tpu.memory_space<hbm>> -> memref<1000000x16xf32, #tpu.memory_space<hbm>>
      tpu.wait_indirect_dma semaphore(%arg8 : memref<!tpu.dma_semaphore, #tpu.memory_space<semaphore_mem>>) src(%dma_wait3A_1249 : memref<1000000x16xf32, #tpu.memory_space<hbm>>) dst(%dma_wait3A_1243 : memref<20x16xf32, #tpu.memory_space<vmem>>)
      %dma_wait3A_1250 = arith.constant 880 : i32
      %dma_wait3A_1251 = arith.constant 0 : i32
      %dma_wait3A_1252 = tpu.memref_slice %arg6[%dma_wait3A_1250, %dma_wait3A_1251] : memref<1280x16xf32, #tpu.memory_space<vmem>> -> memref<20x16xf32, #tpu.memory_space<vmem>>
      %dma_wait3A_1253 = arith.constant 0 : i32
      %dma_wait3A_1254 = tpu.memref_slice %arg5[%add3A_598, %dma_wait3A_1253] : memref<512x20xi32, #tpu.memory_space<vmem>> -> memref<1x20xi32, #tpu.memory_space<vmem>>
      %dma_wait3A_1255 = tpu.memref_squeeze %dma_wait3A_1254 : memref<1x20xi32, #tpu.memory_space<vmem>> -> memref<20xi32, #tpu.memory_space<vmem>>
      %dma_wait3A_1256 = arith.constant 0 : i32
      %dma_wait3A_1257 = arith.constant 0 : i32
      %dma_wait3A_1258 = tpu.memref_slice %arg3[%dma_wait3A_1256, %dma_wait3A_1257] : memref<1000000x16xf32, #tpu.memory_space<hbm>> -> memref<1000000x16xf32, #tpu.memory_space<hbm>>
      tpu.wait_indirect_dma semaphore(%arg8 : memref<!tpu.dma_semaphore, #tpu.memory_space<semaphore_mem>>) src(%dma_wait3A_1258 : memref<1000000x16xf32, #tpu.memory_space<hbm>>) dst(%dma_wait3A_1252 : memref<20x16xf32, #tpu.memory_space<vmem>>)
      %dma_wait3A_1259 = arith.constant 900 : i32
      %dma_wait3A_1260 = arith.constant 0 : i32
      %dma_wait3A_1261 = tpu.memref_slice %arg6[%dma_wait3A_1259, %dma_wait3A_1260] : memref<1280x16xf32, #tpu.memory_space<vmem>> -> memref<20x16xf32, #tpu.memory_space<vmem>>
      %dma_wait3A_1262 = arith.constant 0 : i32
      %dma_wait3A_1263 = tpu.memref_slice %arg5[%add3A_611, %dma_wait3A_1262] : memref<512x20xi32, #tpu.memory_space<vmem>> -> memref<1x20xi32, #tpu.memory_space<vmem>>
      %dma_wait3A_1264 = tpu.memref_squeeze %dma_wait3A_1263 : memref<1x20xi32, #tpu.memory_space<vmem>> -> memref<20xi32, #tpu.memory_space<vmem>>
      %dma_wait3A_1265 = arith.constant 0 : i32
      %dma_wait3A_1266 = arith.constant 0 : i32
      %dma_wait3A_1267 = tpu.memref_slice %arg3[%dma_wait3A_1265, %dma_wait3A_1266] : memref<1000000x16xf32, #tpu.memory_space<hbm>> -> memref<1000000x16xf32, #tpu.memory_space<hbm>>
      tpu.wait_indirect_dma semaphore(%arg8 : memref<!tpu.dma_semaphore, #tpu.memory_space<semaphore_mem>>) src(%dma_wait3A_1267 : memref<1000000x16xf32, #tpu.memory_space<hbm>>) dst(%dma_wait3A_1261 : memref<20x16xf32, #tpu.memory_space<vmem>>)
      %dma_wait3A_1268 = arith.constant 920 : i32
      %dma_wait3A_1269 = arith.constant 0 : i32
      %dma_wait3A_1270 = tpu.memref_slice %arg6[%dma_wait3A_1268, %dma_wait3A_1269] : memref<1280x16xf32, #tpu.memory_space<vmem>> -> memref<20x16xf32, #tpu.memory_space<vmem>>
      %dma_wait3A_1271 = arith.constant 0 : i32
      %dma_wait3A_1272 = tpu.memref_slice %arg5[%add3A_624, %dma_wait3A_1271] : memref<512x20xi32, #tpu.memory_space<vmem>> -> memref<1x20xi32, #tpu.memory_space<vmem>>
      %dma_wait3A_1273 = tpu.memref_squeeze %dma_wait3A_1272 : memref<1x20xi32, #tpu.memory_space<vmem>> -> memref<20xi32, #tpu.memory_space<vmem>>
      %dma_wait3A_1274 = arith.constant 0 : i32
      %dma_wait3A_1275 = arith.constant 0 : i32
      %dma_wait3A_1276 = tpu.memref_slice %arg3[%dma_wait3A_1274, %dma_wait3A_1275] : memref<1000000x16xf32, #tpu.memory_space<hbm>> -> memref<1000000x16xf32, #tpu.memory_space<hbm>>
      tpu.wait_indirect_dma semaphore(%arg8 : memref<!tpu.dma_semaphore, #tpu.memory_space<semaphore_mem>>) src(%dma_wait3A_1276 : memref<1000000x16xf32, #tpu.memory_space<hbm>>) dst(%dma_wait3A_1270 : memref<20x16xf32, #tpu.memory_space<vmem>>)
      %dma_wait3A_1277 = arith.constant 940 : i32
      %dma_wait3A_1278 = arith.constant 0 : i32
      %dma_wait3A_1279 = tpu.memref_slice %arg6[%dma_wait3A_1277, %dma_wait3A_1278] : memref<1280x16xf32, #tpu.memory_space<vmem>> -> memref<20x16xf32, #tpu.memory_space<vmem>>
      %dma_wait3A_1280 = arith.constant 0 : i32
      %dma_wait3A_1281 = tpu.memref_slice %arg5[%add3A_637, %dma_wait3A_1280] : memref<512x20xi32, #tpu.memory_space<vmem>> -> memref<1x20xi32, #tpu.memory_space<vmem>>
      %dma_wait3A_1282 = tpu.memref_squeeze %dma_wait3A_1281 : memref<1x20xi32, #tpu.memory_space<vmem>> -> memref<20xi32, #tpu.memory_space<vmem>>
      %dma_wait3A_1283 = arith.constant 0 : i32
      %dma_wait3A_1284 = arith.constant 0 : i32
      %dma_wait3A_1285 = tpu.memref_slice %arg3[%dma_wait3A_1283, %dma_wait3A_1284] : memref<1000000x16xf32, #tpu.memory_space<hbm>> -> memref<1000000x16xf32, #tpu.memory_space<hbm>>
      tpu.wait_indirect_dma semaphore(%arg8 : memref<!tpu.dma_semaphore, #tpu.memory_space<semaphore_mem>>) src(%dma_wait3A_1285 : memref<1000000x16xf32, #tpu.memory_space<hbm>>) dst(%dma_wait3A_1279 : memref<20x16xf32, #tpu.memory_space<vmem>>)
      %dma_wait3A_1286 = arith.constant 960 : i32
      %dma_wait3A_1287 = arith.constant 0 : i32
      %dma_wait3A_1288 = tpu.memref_slice %arg6[%dma_wait3A_1286, %dma_wait3A_1287] : memref<1280x16xf32, #tpu.memory_space<vmem>> -> memref<20x16xf32, #tpu.memory_space<vmem>>
      %dma_wait3A_1289 = arith.constant 0 : i32
      %dma_wait3A_1290 = tpu.memref_slice %arg5[%add3A_650, %dma_wait3A_1289] : memref<512x20xi32, #tpu.memory_space<vmem>> -> memref<1x20xi32, #tpu.memory_space<vmem>>
      %dma_wait3A_1291 = tpu.memref_squeeze %dma_wait3A_1290 : memref<1x20xi32, #tpu.memory_space<vmem>> -> memref<20xi32, #tpu.memory_space<vmem>>
      %dma_wait3A_1292 = arith.constant 0 : i32
      %dma_wait3A_1293 = arith.constant 0 : i32
      %dma_wait3A_1294 = tpu.memref_slice %arg3[%dma_wait3A_1292, %dma_wait3A_1293] : memref<1000000x16xf32, #tpu.memory_space<hbm>> -> memref<1000000x16xf32, #tpu.memory_space<hbm>>
      tpu.wait_indirect_dma semaphore(%arg8 : memref<!tpu.dma_semaphore, #tpu.memory_space<semaphore_mem>>) src(%dma_wait3A_1294 : memref<1000000x16xf32, #tpu.memory_space<hbm>>) dst(%dma_wait3A_1288 : memref<20x16xf32, #tpu.memory_space<vmem>>)
      %dma_wait3A_1295 = arith.constant 980 : i32
      %dma_wait3A_1296 = arith.constant 0 : i32
      %dma_wait3A_1297 = tpu.memref_slice %arg6[%dma_wait3A_1295, %dma_wait3A_1296] : memref<1280x16xf32, #tpu.memory_space<vmem>> -> memref<20x16xf32, #tpu.memory_space<vmem>>
      %dma_wait3A_1298 = arith.constant 0 : i32
      %dma_wait3A_1299 = tpu.memref_slice %arg5[%add3A_663, %dma_wait3A_1298] : memref<512x20xi32, #tpu.memory_space<vmem>> -> memref<1x20xi32, #tpu.memory_space<vmem>>
      %dma_wait3A_1300 = tpu.memref_squeeze %dma_wait3A_1299 : memref<1x20xi32, #tpu.memory_space<vmem>> -> memref<20xi32, #tpu.memory_space<vmem>>
      %dma_wait3A_1301 = arith.constant 0 : i32
      %dma_wait3A_1302 = arith.constant 0 : i32
      %dma_wait3A_1303 = tpu.memref_slice %arg3[%dma_wait3A_1301, %dma_wait3A_1302] : memref<1000000x16xf32, #tpu.memory_space<hbm>> -> memref<1000000x16xf32, #tpu.memory_space<hbm>>
      tpu.wait_indirect_dma semaphore(%arg8 : memref<!tpu.dma_semaphore, #tpu.memory_space<semaphore_mem>>) src(%dma_wait3A_1303 : memref<1000000x16xf32, #tpu.memory_space<hbm>>) dst(%dma_wait3A_1297 : memref<20x16xf32, #tpu.memory_space<vmem>>)
      %dma_wait3A_1304 = arith.constant 1000 : i32
      %dma_wait3A_1305 = arith.constant 0 : i32
      %dma_wait3A_1306 = tpu.memref_slice %arg6[%dma_wait3A_1304, %dma_wait3A_1305] : memref<1280x16xf32, #tpu.memory_space<vmem>> -> memref<20x16xf32, #tpu.memory_space<vmem>>
      %dma_wait3A_1307 = arith.constant 0 : i32
      %dma_wait3A_1308 = tpu.memref_slice %arg5[%add3A_676, %dma_wait3A_1307] : memref<512x20xi32, #tpu.memory_space<vmem>> -> memref<1x20xi32, #tpu.memory_space<vmem>>
      %dma_wait3A_1309 = tpu.memref_squeeze %dma_wait3A_1308 : memref<1x20xi32, #tpu.memory_space<vmem>> -> memref<20xi32, #tpu.memory_space<vmem>>
      %dma_wait3A_1310 = arith.constant 0 : i32
      %dma_wait3A_1311 = arith.constant 0 : i32
      %dma_wait3A_1312 = tpu.memref_slice %arg3[%dma_wait3A_1310, %dma_wait3A_1311] : memref<1000000x16xf32, #tpu.memory_space<hbm>> -> memref<1000000x16xf32, #tpu.memory_space<hbm>>
      tpu.wait_indirect_dma semaphore(%arg8 : memref<!tpu.dma_semaphore, #tpu.memory_space<semaphore_mem>>) src(%dma_wait3A_1312 : memref<1000000x16xf32, #tpu.memory_space<hbm>>) dst(%dma_wait3A_1306 : memref<20x16xf32, #tpu.memory_space<vmem>>)
      %dma_wait3A_1313 = arith.constant 1020 : i32
      %dma_wait3A_1314 = arith.constant 0 : i32
      %dma_wait3A_1315 = tpu.memref_slice %arg6[%dma_wait3A_1313, %dma_wait3A_1314] : memref<1280x16xf32, #tpu.memory_space<vmem>> -> memref<20x16xf32, #tpu.memory_space<vmem>>
      %dma_wait3A_1316 = arith.constant 0 : i32
      %dma_wait3A_1317 = tpu.memref_slice %arg5[%add3A_689, %dma_wait3A_1316] : memref<512x20xi32, #tpu.memory_space<vmem>> -> memref<1x20xi32, #tpu.memory_space<vmem>>
      %dma_wait3A_1318 = tpu.memref_squeeze %dma_wait3A_1317 : memref<1x20xi32, #tpu.memory_space<vmem>> -> memref<20xi32, #tpu.memory_space<vmem>>
      %dma_wait3A_1319 = arith.constant 0 : i32
      %dma_wait3A_1320 = arith.constant 0 : i32
      %dma_wait3A_1321 = tpu.memref_slice %arg3[%dma_wait3A_1319, %dma_wait3A_1320] : memref<1000000x16xf32, #tpu.memory_space<hbm>> -> memref<1000000x16xf32, #tpu.memory_space<hbm>>
      tpu.wait_indirect_dma semaphore(%arg8 : memref<!tpu.dma_semaphore, #tpu.memory_space<semaphore_mem>>) src(%dma_wait3A_1321 : memref<1000000x16xf32, #tpu.memory_space<hbm>>) dst(%dma_wait3A_1315 : memref<20x16xf32, #tpu.memory_space<vmem>>)
      %dma_wait3A_1322 = arith.constant 1040 : i32
      %dma_wait3A_1323 = arith.constant 0 : i32
      %dma_wait3A_1324 = tpu.memref_slice %arg6[%dma_wait3A_1322, %dma_wait3A_1323] : memref<1280x16xf32, #tpu.memory_space<vmem>> -> memref<20x16xf32, #tpu.memory_space<vmem>>
      %dma_wait3A_1325 = arith.constant 0 : i32
      %dma_wait3A_1326 = tpu.memref_slice %arg5[%add3A_702, %dma_wait3A_1325] : memref<512x20xi32, #tpu.memory_space<vmem>> -> memref<1x20xi32, #tpu.memory_space<vmem>>
      %dma_wait3A_1327 = tpu.memref_squeeze %dma_wait3A_1326 : memref<1x20xi32, #tpu.memory_space<vmem>> -> memref<20xi32, #tpu.memory_space<vmem>>
      %dma_wait3A_1328 = arith.constant 0 : i32
      %dma_wait3A_1329 = arith.constant 0 : i32
      %dma_wait3A_1330 = tpu.memref_slice %arg3[%dma_wait3A_1328, %dma_wait3A_1329] : memref<1000000x16xf32, #tpu.memory_space<hbm>> -> memref<1000000x16xf32, #tpu.memory_space<hbm>>
      tpu.wait_indirect_dma semaphore(%arg8 : memref<!tpu.dma_semaphore, #tpu.memory_space<semaphore_mem>>) src(%dma_wait3A_1330 : memref<1000000x16xf32, #tpu.memory_space<hbm>>) dst(%dma_wait3A_1324 : memref<20x16xf32, #tpu.memory_space<vmem>>)
      %dma_wait3A_1331 = arith.constant 1060 : i32
      %dma_wait3A_1332 = arith.constant 0 : i32
      %dma_wait3A_1333 = tpu.memref_slice %arg6[%dma_wait3A_1331, %dma_wait3A_1332] : memref<1280x16xf32, #tpu.memory_space<vmem>> -> memref<20x16xf32, #tpu.memory_space<vmem>>
      %dma_wait3A_1334 = arith.constant 0 : i32
      %dma_wait3A_1335 = tpu.memref_slice %arg5[%add3A_715, %dma_wait3A_1334] : memref<512x20xi32, #tpu.memory_space<vmem>> -> memref<1x20xi32, #tpu.memory_space<vmem>>
      %dma_wait3A_1336 = tpu.memref_squeeze %dma_wait3A_1335 : memref<1x20xi32, #tpu.memory_space<vmem>> -> memref<20xi32, #tpu.memory_space<vmem>>
      %dma_wait3A_1337 = arith.constant 0 : i32
      %dma_wait3A_1338 = arith.constant 0 : i32
      %dma_wait3A_1339 = tpu.memref_slice %arg3[%dma_wait3A_1337, %dma_wait3A_1338] : memref<1000000x16xf32, #tpu.memory_space<hbm>> -> memref<1000000x16xf32, #tpu.memory_space<hbm>>
      tpu.wait_indirect_dma semaphore(%arg8 : memref<!tpu.dma_semaphore, #tpu.memory_space<semaphore_mem>>) src(%dma_wait3A_1339 : memref<1000000x16xf32, #tpu.memory_space<hbm>>) dst(%dma_wait3A_1333 : memref<20x16xf32, #tpu.memory_space<vmem>>)
      %dma_wait3A_1340 = arith.constant 1080 : i32
      %dma_wait3A_1341 = arith.constant 0 : i32
      %dma_wait3A_1342 = tpu.memref_slice %arg6[%dma_wait3A_1340, %dma_wait3A_1341] : memref<1280x16xf32, #tpu.memory_space<vmem>> -> memref<20x16xf32, #tpu.memory_space<vmem>>
      %dma_wait3A_1343 = arith.constant 0 : i32
      %dma_wait3A_1344 = tpu.memref_slice %arg5[%add3A_728, %dma_wait3A_1343] : memref<512x20xi32, #tpu.memory_space<vmem>> -> memref<1x20xi32, #tpu.memory_space<vmem>>
      %dma_wait3A_1345 = tpu.memref_squeeze %dma_wait3A_1344 : memref<1x20xi32, #tpu.memory_space<vmem>> -> memref<20xi32, #tpu.memory_space<vmem>>
      %dma_wait3A_1346 = arith.constant 0 : i32
      %dma_wait3A_1347 = arith.constant 0 : i32
      %dma_wait3A_1348 = tpu.memref_slice %arg3[%dma_wait3A_1346, %dma_wait3A_1347] : memref<1000000x16xf32, #tpu.memory_space<hbm>> -> memref<1000000x16xf32, #tpu.memory_space<hbm>>
      tpu.wait_indirect_dma semaphore(%arg8 : memref<!tpu.dma_semaphore, #tpu.memory_space<semaphore_mem>>) src(%dma_wait3A_1348 : memref<1000000x16xf32, #tpu.memory_space<hbm>>) dst(%dma_wait3A_1342 : memref<20x16xf32, #tpu.memory_space<vmem>>)
      %dma_wait3A_1349 = arith.constant 1100 : i32
      %dma_wait3A_1350 = arith.constant 0 : i32
      %dma_wait3A_1351 = tpu.memref_slice %arg6[%dma_wait3A_1349, %dma_wait3A_1350] : memref<1280x16xf32, #tpu.memory_space<vmem>> -> memref<20x16xf32, #tpu.memory_space<vmem>>
      %dma_wait3A_1352 = arith.constant 0 : i32
      %dma_wait3A_1353 = tpu.memref_slice %arg5[%add3A_741, %dma_wait3A_1352] : memref<512x20xi32, #tpu.memory_space<vmem>> -> memref<1x20xi32, #tpu.memory_space<vmem>>
      %dma_wait3A_1354 = tpu.memref_squeeze %dma_wait3A_1353 : memref<1x20xi32, #tpu.memory_space<vmem>> -> memref<20xi32, #tpu.memory_space<vmem>>
      %dma_wait3A_1355 = arith.constant 0 : i32
      %dma_wait3A_1356 = arith.constant 0 : i32
      %dma_wait3A_1357 = tpu.memref_slice %arg3[%dma_wait3A_1355, %dma_wait3A_1356] : memref<1000000x16xf32, #tpu.memory_space<hbm>> -> memref<1000000x16xf32, #tpu.memory_space<hbm>>
      tpu.wait_indirect_dma semaphore(%arg8 : memref<!tpu.dma_semaphore, #tpu.memory_space<semaphore_mem>>) src(%dma_wait3A_1357 : memref<1000000x16xf32, #tpu.memory_space<hbm>>) dst(%dma_wait3A_1351 : memref<20x16xf32, #tpu.memory_space<vmem>>)
      %dma_wait3A_1358 = arith.constant 1120 : i32
      %dma_wait3A_1359 = arith.constant 0 : i32
      %dma_wait3A_1360 = tpu.memref_slice %arg6[%dma_wait3A_1358, %dma_wait3A_1359] : memref<1280x16xf32, #tpu.memory_space<vmem>> -> memref<20x16xf32, #tpu.memory_space<vmem>>
      %dma_wait3A_1361 = arith.constant 0 : i32
      %dma_wait3A_1362 = tpu.memref_slice %arg5[%add3A_754, %dma_wait3A_1361] : memref<512x20xi32, #tpu.memory_space<vmem>> -> memref<1x20xi32, #tpu.memory_space<vmem>>
      %dma_wait3A_1363 = tpu.memref_squeeze %dma_wait3A_1362 : memref<1x20xi32, #tpu.memory_space<vmem>> -> memref<20xi32, #tpu.memory_space<vmem>>
      %dma_wait3A_1364 = arith.constant 0 : i32
      %dma_wait3A_1365 = arith.constant 0 : i32
      %dma_wait3A_1366 = tpu.memref_slice %arg3[%dma_wait3A_1364, %dma_wait3A_1365] : memref<1000000x16xf32, #tpu.memory_space<hbm>> -> memref<1000000x16xf32, #tpu.memory_space<hbm>>
      tpu.wait_indirect_dma semaphore(%arg8 : memref<!tpu.dma_semaphore, #tpu.memory_space<semaphore_mem>>) src(%dma_wait3A_1366 : memref<1000000x16xf32, #tpu.memory_space<hbm>>) dst(%dma_wait3A_1360 : memref<20x16xf32, #tpu.memory_space<vmem>>)
      %dma_wait3A_1367 = arith.constant 1140 : i32
      %dma_wait3A_1368 = arith.constant 0 : i32
      %dma_wait3A_1369 = tpu.memref_slice %arg6[%dma_wait3A_1367, %dma_wait3A_1368] : memref<1280x16xf32, #tpu.memory_space<vmem>> -> memref<20x16xf32, #tpu.memory_space<vmem>>
      %dma_wait3A_1370 = arith.constant 0 : i32
      %dma_wait3A_1371 = tpu.memref_slice %arg5[%add3A_767, %dma_wait3A_1370] : memref<512x20xi32, #tpu.memory_space<vmem>> -> memref<1x20xi32, #tpu.memory_space<vmem>>
      %dma_wait3A_1372 = tpu.memref_squeeze %dma_wait3A_1371 : memref<1x20xi32, #tpu.memory_space<vmem>> -> memref<20xi32, #tpu.memory_space<vmem>>
      %dma_wait3A_1373 = arith.constant 0 : i32
      %dma_wait3A_1374 = arith.constant 0 : i32
      %dma_wait3A_1375 = tpu.memref_slice %arg3[%dma_wait3A_1373, %dma_wait3A_1374] : memref<1000000x16xf32, #tpu.memory_space<hbm>> -> memref<1000000x16xf32, #tpu.memory_space<hbm>>
      tpu.wait_indirect_dma semaphore(%arg8 : memref<!tpu.dma_semaphore, #tpu.memory_space<semaphore_mem>>) src(%dma_wait3A_1375 : memref<1000000x16xf32, #tpu.memory_space<hbm>>) dst(%dma_wait3A_1369 : memref<20x16xf32, #tpu.memory_space<vmem>>)
      %dma_wait3A_1376 = arith.constant 1160 : i32
      %dma_wait3A_1377 = arith.constant 0 : i32
      %dma_wait3A_1378 = tpu.memref_slice %arg6[%dma_wait3A_1376, %dma_wait3A_1377] : memref<1280x16xf32, #tpu.memory_space<vmem>> -> memref<20x16xf32, #tpu.memory_space<vmem>>
      %dma_wait3A_1379 = arith.constant 0 : i32
      %dma_wait3A_1380 = tpu.memref_slice %arg5[%add3A_780, %dma_wait3A_1379] : memref<512x20xi32, #tpu.memory_space<vmem>> -> memref<1x20xi32, #tpu.memory_space<vmem>>
      %dma_wait3A_1381 = tpu.memref_squeeze %dma_wait3A_1380 : memref<1x20xi32, #tpu.memory_space<vmem>> -> memref<20xi32, #tpu.memory_space<vmem>>
      %dma_wait3A_1382 = arith.constant 0 : i32
      %dma_wait3A_1383 = arith.constant 0 : i32
      %dma_wait3A_1384 = tpu.memref_slice %arg3[%dma_wait3A_1382, %dma_wait3A_1383] : memref<1000000x16xf32, #tpu.memory_space<hbm>> -> memref<1000000x16xf32, #tpu.memory_space<hbm>>
      tpu.wait_indirect_dma semaphore(%arg8 : memref<!tpu.dma_semaphore, #tpu.memory_space<semaphore_mem>>) src(%dma_wait3A_1384 : memref<1000000x16xf32, #tpu.memory_space<hbm>>) dst(%dma_wait3A_1378 : memref<20x16xf32, #tpu.memory_space<vmem>>)
      %dma_wait3A_1385 = arith.constant 1180 : i32
      %dma_wait3A_1386 = arith.constant 0 : i32
      %dma_wait3A_1387 = tpu.memref_slice %arg6[%dma_wait3A_1385, %dma_wait3A_1386] : memref<1280x16xf32, #tpu.memory_space<vmem>> -> memref<20x16xf32, #tpu.memory_space<vmem>>
      %dma_wait3A_1388 = arith.constant 0 : i32
      %dma_wait3A_1389 = tpu.memref_slice %arg5[%add3A_793, %dma_wait3A_1388] : memref<512x20xi32, #tpu.memory_space<vmem>> -> memref<1x20xi32, #tpu.memory_space<vmem>>
      %dma_wait3A_1390 = tpu.memref_squeeze %dma_wait3A_1389 : memref<1x20xi32, #tpu.memory_space<vmem>> -> memref<20xi32, #tpu.memory_space<vmem>>
      %dma_wait3A_1391 = arith.constant 0 : i32
      %dma_wait3A_1392 = arith.constant 0 : i32
      %dma_wait3A_1393 = tpu.memref_slice %arg3[%dma_wait3A_1391, %dma_wait3A_1392] : memref<1000000x16xf32, #tpu.memory_space<hbm>> -> memref<1000000x16xf32, #tpu.memory_space<hbm>>
      tpu.wait_indirect_dma semaphore(%arg8 : memref<!tpu.dma_semaphore, #tpu.memory_space<semaphore_mem>>) src(%dma_wait3A_1393 : memref<1000000x16xf32, #tpu.memory_space<hbm>>) dst(%dma_wait3A_1387 : memref<20x16xf32, #tpu.memory_space<vmem>>)
      %dma_wait3A_1394 = arith.constant 1200 : i32
      %dma_wait3A_1395 = arith.constant 0 : i32
      %dma_wait3A_1396 = tpu.memref_slice %arg6[%dma_wait3A_1394, %dma_wait3A_1395] : memref<1280x16xf32, #tpu.memory_space<vmem>> -> memref<20x16xf32, #tpu.memory_space<vmem>>
      %dma_wait3A_1397 = arith.constant 0 : i32
      %dma_wait3A_1398 = tpu.memref_slice %arg5[%add3A_806, %dma_wait3A_1397] : memref<512x20xi32, #tpu.memory_space<vmem>> -> memref<1x20xi32, #tpu.memory_space<vmem>>
      %dma_wait3A_1399 = tpu.memref_squeeze %dma_wait3A_1398 : memref<1x20xi32, #tpu.memory_space<vmem>> -> memref<20xi32, #tpu.memory_space<vmem>>
      %dma_wait3A_1400 = arith.constant 0 : i32
      %dma_wait3A_1401 = arith.constant 0 : i32
      %dma_wait3A_1402 = tpu.memref_slice %arg3[%dma_wait3A_1400, %dma_wait3A_1401] : memref<1000000x16xf32, #tpu.memory_space<hbm>> -> memref<1000000x16xf32, #tpu.memory_space<hbm>>
      tpu.wait_indirect_dma semaphore(%arg8 : memref<!tpu.dma_semaphore, #tpu.memory_space<semaphore_mem>>) src(%dma_wait3A_1402 : memref<1000000x16xf32, #tpu.memory_space<hbm>>) dst(%dma_wait3A_1396 : memref<20x16xf32, #tpu.memory_space<vmem>>)
      %dma_wait3A_1403 = arith.constant 1220 : i32
      %dma_wait3A_1404 = arith.constant 0 : i32
      %dma_wait3A_1405 = tpu.memref_slice %arg6[%dma_wait3A_1403, %dma_wait3A_1404] : memref<1280x16xf32, #tpu.memory_space<vmem>> -> memref<20x16xf32, #tpu.memory_space<vmem>>
      %dma_wait3A_1406 = arith.constant 0 : i32
      %dma_wait3A_1407 = tpu.memref_slice %arg5[%add3A_819, %dma_wait3A_1406] : memref<512x20xi32, #tpu.memory_space<vmem>> -> memref<1x20xi32, #tpu.memory_space<vmem>>
      %dma_wait3A_1408 = tpu.memref_squeeze %dma_wait3A_1407 : memref<1x20xi32, #tpu.memory_space<vmem>> -> memref<20xi32, #tpu.memory_space<vmem>>
      %dma_wait3A_1409 = arith.constant 0 : i32
      %dma_wait3A_1410 = arith.constant 0 : i32
      %dma_wait3A_1411 = tpu.memref_slice %arg3[%dma_wait3A_1409, %dma_wait3A_1410] : memref<1000000x16xf32, #tpu.memory_space<hbm>> -> memref<1000000x16xf32, #tpu.memory_space<hbm>>
      tpu.wait_indirect_dma semaphore(%arg8 : memref<!tpu.dma_semaphore, #tpu.memory_space<semaphore_mem>>) src(%dma_wait3A_1411 : memref<1000000x16xf32, #tpu.memory_space<hbm>>) dst(%dma_wait3A_1405 : memref<20x16xf32, #tpu.memory_space<vmem>>)
      %dma_wait3A_1412 = arith.constant 1240 : i32
      %dma_wait3A_1413 = arith.constant 0 : i32
      %dma_wait3A_1414 = tpu.memref_slice %arg6[%dma_wait3A_1412, %dma_wait3A_1413] : memref<1280x16xf32, #tpu.memory_space<vmem>> -> memref<20x16xf32, #tpu.memory_space<vmem>>
      %dma_wait3A_1415 = arith.constant 0 : i32
      %dma_wait3A_1416 = tpu.memref_slice %arg5[%add3A_832, %dma_wait3A_1415] : memref<512x20xi32, #tpu.memory_space<vmem>> -> memref<1x20xi32, #tpu.memory_space<vmem>>
      %dma_wait3A_1417 = tpu.memref_squeeze %dma_wait3A_1416 : memref<1x20xi32, #tpu.memory_space<vmem>> -> memref<20xi32, #tpu.memory_space<vmem>>
      %dma_wait3A_1418 = arith.constant 0 : i32
      %dma_wait3A_1419 = arith.constant 0 : i32
      %dma_wait3A_1420 = tpu.memref_slice %arg3[%dma_wait3A_1418, %dma_wait3A_1419] : memref<1000000x16xf32, #tpu.memory_space<hbm>> -> memref<1000000x16xf32, #tpu.memory_space<hbm>>
      tpu.wait_indirect_dma semaphore(%arg8 : memref<!tpu.dma_semaphore, #tpu.memory_space<semaphore_mem>>) src(%dma_wait3A_1420 : memref<1000000x16xf32, #tpu.memory_space<hbm>>) dst(%dma_wait3A_1414 : memref<20x16xf32, #tpu.memory_space<vmem>>)
      %dma_wait3A_1421 = arith.constant 1260 : i32
      %dma_wait3A_1422 = arith.constant 0 : i32
      %dma_wait3A_1423 = tpu.memref_slice %arg6[%dma_wait3A_1421, %dma_wait3A_1422] : memref<1280x16xf32, #tpu.memory_space<vmem>> -> memref<20x16xf32, #tpu.memory_space<vmem>>
      %dma_wait3A_1424 = arith.constant 0 : i32
      %dma_wait3A_1425 = tpu.memref_slice %arg5[%add3A_845, %dma_wait3A_1424] : memref<512x20xi32, #tpu.memory_space<vmem>> -> memref<1x20xi32, #tpu.memory_space<vmem>>
      %dma_wait3A_1426 = tpu.memref_squeeze %dma_wait3A_1425 : memref<1x20xi32, #tpu.memory_space<vmem>> -> memref<20xi32, #tpu.memory_space<vmem>>
      %dma_wait3A_1427 = arith.constant 0 : i32
      %dma_wait3A_1428 = arith.constant 0 : i32
      %dma_wait3A_1429 = tpu.memref_slice %arg3[%dma_wait3A_1427, %dma_wait3A_1428] : memref<1000000x16xf32, #tpu.memory_space<hbm>> -> memref<1000000x16xf32, #tpu.memory_space<hbm>>
      tpu.wait_indirect_dma semaphore(%arg8 : memref<!tpu.dma_semaphore, #tpu.memory_space<semaphore_mem>>) src(%dma_wait3A_1429 : memref<1000000x16xf32, #tpu.memory_space<hbm>>) dst(%dma_wait3A_1423 : memref<20x16xf32, #tpu.memory_space<vmem>>)
      %scan3A_1430 = arith.constant 0 : i32
      %scan3A_1431 = arith.constant 0 : i32
      %scan3A_1432 = arith.constant 64 : i32
      %scan3A_1433 = arith.addi %scan3A_1431, %scan3A_1432 : i32
      %scan3A_1434 = arith.constant 1 : i32
      %scan3A_1435 = scf.for %scan3A_1438 = %scan3A_1431 to %scan3A_1433 step %scan3A_1434 iter_args(%scan3A_1439 = %scan3A_1430) -> (i32)  : i32 {
        %broadcast_in_dim3A = arith.constant 0.000000e+00 : f32
        %broadcast_in_dim3A_1440 = vector.broadcast %broadcast_in_dim3A : f32 to vector<16xf32>
        %mul3A_1441 = arith.constant 20 : i32
        %mul3A_1442 = arith.muli %scan3A_1438, %mul3A_1441 : i32
        %add3A_1443 = arith.constant 0 : i32
        %add3A_1444 = arith.addi %mul3A_1442, %add3A_1443 : i32
        %get3A = arith.index_cast %add3A_1444 : i32 to index
        %get3A_1445 = arith.constant 0 : index
        %get3A_1446 = tpu.vector_load %arg6[%get3A, %get3A_1445] {strides = array<i32>} : memref<1280x16xf32, #tpu.memory_space<vmem>>, vector<16xf32>,
        %mul3A_1447 = arith.mulf %get3A_1446, %get3A_1446 : vector<16xf32>
        %broadcast_in_dim3A_1448 = vector.shape_cast %xor3A_4 : vector<16xi32> to vector<16x1xi32>
        %gather3A = vector.shape_cast %broadcast_in_dim3A_1448 : vector<16x1xi32> to vector<16xi32>
        %gather3A_1449 = tpu.dynamic_gather %mul3A_1447[%gather3A] in [0] : vector<16xf32>, vector<16xi32> -> vector<16xf32>
        %add3A_1450 = arith.addf %mul3A_1447, %gather3A_1449 : vector<16xf32>
        %broadcast_in_dim3A_1451 = vector.shape_cast %xor3A_7 : vector<16xi32> to vector<16x1xi32>
        %gather3A_1452 = vector.shape_cast %broadcast_in_dim3A_1451 : vector<16x1xi32> to vector<16xi32>
        %gather3A_1453 = tpu.dynamic_gather %add3A_1450[%gather3A_1452] in [0] : vector<16xf32>, vector<16xi32> -> vector<16xf32>
        %add3A_1454 = arith.addf %add3A_1450, %gather3A_1453 : vector<16xf32>
        %broadcast_in_dim3A_1455 = vector.shape_cast %xor3A_10 : vector<16xi32> to vector<16x1xi32>
        %gather3A_1456 = vector.shape_cast %broadcast_in_dim3A_1455 : vector<16x1xi32> to vector<16xi32>
        %gather3A_1457 = tpu.dynamic_gather %add3A_1454[%gather3A_1456] in [0] : vector<16xf32>, vector<16xi32> -> vector<16xf32>
        %add3A_1458 = arith.addf %add3A_1454, %gather3A_1457 : vector<16xf32>
        %broadcast_in_dim3A_1459 = vector.shape_cast %xor3A_13 : vector<16xi32> to vector<16x1xi32>
        %gather3A_1460 = vector.shape_cast %broadcast_in_dim3A_1459 : vector<16x1xi32> to vector<16xi32>
        %gather3A_1461 = tpu.dynamic_gather %add3A_1458[%gather3A_1460] in [0] : vector<16xf32>, vector<16xi32> -> vector<16xf32>
        %add3A_1462 = arith.addf %add3A_1458, %gather3A_1461 : vector<16xf32>
        %bitcast3A = vector.bitcast %add3A_1462 : vector<16xf32> to vector<16xi32>
        %shift_right_arithmetic3A = arith.constant 1 : i32
        %shift_right_arithmetic3A_1463 = vector.broadcast %shift_right_arithmetic3A : i32 to vector<16xi32>
        %shift_right_arithmetic3A_1464 = arith.shrsi %bitcast3A, %shift_right_arithmetic3A_1463 : vector<16xi32>
        %sub3A = arith.constant 1597463007 : i32
        %sub3A_1465 = vector.broadcast %sub3A : i32 to vector<16xi32>
        %sub3A_1466 = arith.subi %sub3A_1465, %shift_right_arithmetic3A_1464 : vector<16xi32>
        %bitcast3A_1467 = vector.bitcast %sub3A_1466 : vector<16xi32> to vector<16xf32>
        %mul3A_1468 = arith.constant 5.000000e-01 : f32
        %mul3A_1469 = vector.broadcast %mul3A_1468 : f32 to vector<16xf32>
        %mul3A_1470 = arith.mulf %mul3A_1469, %add3A_1462 : vector<16xf32>
        %mul3A_1471 = arith.mulf %mul3A_1470, %bitcast3A_1467 : vector<16xf32>
        %mul3A_1472 = arith.mulf %mul3A_1471, %bitcast3A_1467 : vector<16xf32>
        %sub3A_1473 = arith.constant 1.500000e+00 : f32
        %sub3A_1474 = vector.broadcast %sub3A_1473 : f32 to vector<16xf32>
        %sub3A_1475 = arith.subf %sub3A_1474, %mul3A_1472 : vector<16xf32>
        %mul3A_1476 = arith.mulf %bitcast3A_1467, %sub3A_1475 : vector<16xf32>
        %mul3A_1477 = arith.constant 5.000000e-01 : f32
        %mul3A_1478 = vector.broadcast %mul3A_1477 : f32 to vector<16xf32>
        %mul3A_1479 = arith.mulf %mul3A_1478, %add3A_1462 : vector<16xf32>
        %mul3A_1480 = arith.mulf %mul3A_1479, %mul3A_1476 : vector<16xf32>
        %mul3A_1481 = arith.mulf %mul3A_1480, %mul3A_1476 : vector<16xf32>
        %sub3A_1482 = arith.constant 1.500000e+00 : f32
        %sub3A_1483 = vector.broadcast %sub3A_1482 : f32 to vector<16xf32>
        %sub3A_1484 = arith.subf %sub3A_1483, %mul3A_1481 : vector<16xf32>
        %mul3A_1485 = arith.mulf %mul3A_1476, %sub3A_1484 : vector<16xf32>
        %mul3A_1486 = arith.constant 5.000000e-01 : f32
        %mul3A_1487 = vector.broadcast %mul3A_1486 : f32 to vector<16xf32>
        %mul3A_1488 = arith.mulf %mul3A_1487, %add3A_1462 : vector<16xf32>
        %mul3A_1489 = arith.mulf %mul3A_1488, %mul3A_1485 : vector<16xf32>
        %mul3A_1490 = arith.mulf %mul3A_1489, %mul3A_1485 : vector<16xf32>
        %sub3A_1491 = arith.constant 1.500000e+00 : f32
        %sub3A_1492 = vector.broadcast %sub3A_1491 : f32 to vector<16xf32>
        %sub3A_1493 = arith.subf %sub3A_1492, %mul3A_1490 : vector<16xf32>
        %mul3A_1494 = arith.mulf %mul3A_1485, %sub3A_1493 : vector<16xf32>
        %mul3A_1495 = arith.mulf %get3A_1446, %mul3A_1494 : vector<16xf32>
        %add3A_1496 = arith.addf %broadcast_in_dim3A_1440, %mul3A_1495 : vector<16xf32>
        %mul3A_1497 = arith.constant 20 : i32
        %mul3A_1498 = arith.muli %scan3A_1438, %mul3A_1497 : i32
        %add3A_1499 = arith.constant 1 : i32
        %add3A_1500 = arith.addi %mul3A_1498, %add3A_1499 : i32
        %get3A_1501 = arith.index_cast %add3A_1500 : i32 to index
        %get3A_1502 = arith.constant 0 : index
        %get3A_1503 = tpu.vector_load %arg6[%get3A_1501, %get3A_1502] {strides = array<i32>} : memref<1280x16xf32, #tpu.memory_space<vmem>>, vector<16xf32>,
        %mul3A_1504 = arith.mulf %get3A_1503, %get3A_1503 : vector<16xf32>
        %broadcast_in_dim3A_1505 = vector.shape_cast %xor3A_4 : vector<16xi32> to vector<16x1xi32>
        %gather3A_1506 = vector.shape_cast %broadcast_in_dim3A_1505 : vector<16x1xi32> to vector<16xi32>
        %gather3A_1507 = tpu.dynamic_gather %mul3A_1504[%gather3A_1506] in [0] : vector<16xf32>, vector<16xi32> -> vector<16xf32>
        %add3A_1508 = arith.addf %mul3A_1504, %gather3A_1507 : vector<16xf32>
        %broadcast_in_dim3A_1509 = vector.shape_cast %xor3A_7 : vector<16xi32> to vector<16x1xi32>
        %gather3A_1510 = vector.shape_cast %broadcast_in_dim3A_1509 : vector<16x1xi32> to vector<16xi32>
        %gather3A_1511 = tpu.dynamic_gather %add3A_1508[%gather3A_1510] in [0] : vector<16xf32>, vector<16xi32> -> vector<16xf32>
        %add3A_1512 = arith.addf %add3A_1508, %gather3A_1511 : vector<16xf32>
        %broadcast_in_dim3A_1513 = vector.shape_cast %xor3A_10 : vector<16xi32> to vector<16x1xi32>
        %gather3A_1514 = vector.shape_cast %broadcast_in_dim3A_1513 : vector<16x1xi32> to vector<16xi32>
        %gather3A_1515 = tpu.dynamic_gather %add3A_1512[%gather3A_1514] in [0] : vector<16xf32>, vector<16xi32> -> vector<16xf32>
        %add3A_1516 = arith.addf %add3A_1512, %gather3A_1515 : vector<16xf32>
        %broadcast_in_dim3A_1517 = vector.shape_cast %xor3A_13 : vector<16xi32> to vector<16x1xi32>
        %gather3A_1518 = vector.shape_cast %broadcast_in_dim3A_1517 : vector<16x1xi32> to vector<16xi32>
        %gather3A_1519 = tpu.dynamic_gather %add3A_1516[%gather3A_1518] in [0] : vector<16xf32>, vector<16xi32> -> vector<16xf32>
        %add3A_1520 = arith.addf %add3A_1516, %gather3A_1519 : vector<16xf32>
        %bitcast3A_1521 = vector.bitcast %add3A_1520 : vector<16xf32> to vector<16xi32>
        %shift_right_arithmetic3A_1522 = arith.constant 1 : i32
        %shift_right_arithmetic3A_1523 = vector.broadcast %shift_right_arithmetic3A_1522 : i32 to vector<16xi32>
        %shift_right_arithmetic3A_1524 = arith.shrsi %bitcast3A_1521, %shift_right_arithmetic3A_1523 : vector<16xi32>
        %sub3A_1525 = arith.constant 1597463007 : i32
        %sub3A_1526 = vector.broadcast %sub3A_1525 : i32 to vector<16xi32>
        %sub3A_1527 = arith.subi %sub3A_1526, %shift_right_arithmetic3A_1524 : vector<16xi32>
        %bitcast3A_1528 = vector.bitcast %sub3A_1527 : vector<16xi32> to vector<16xf32>
        %mul3A_1529 = arith.constant 5.000000e-01 : f32
        %mul3A_1530 = vector.broadcast %mul3A_1529 : f32 to vector<16xf32>
        %mul3A_1531 = arith.mulf %mul3A_1530, %add3A_1520 : vector<16xf32>
        %mul3A_1532 = arith.mulf %mul3A_1531, %bitcast3A_1528 : vector<16xf32>
        %mul3A_1533 = arith.mulf %mul3A_1532, %bitcast3A_1528 : vector<16xf32>
        %sub3A_1534 = arith.constant 1.500000e+00 : f32
        %sub3A_1535 = vector.broadcast %sub3A_1534 : f32 to vector<16xf32>
        %sub3A_1536 = arith.subf %sub3A_1535, %mul3A_1533 : vector<16xf32>
        %mul3A_1537 = arith.mulf %bitcast3A_1528, %sub3A_1536 : vector<16xf32>
        %mul3A_1538 = arith.constant 5.000000e-01 : f32
        %mul3A_1539 = vector.broadcast %mul3A_1538 : f32 to vector<16xf32>
        %mul3A_1540 = arith.mulf %mul3A_1539, %add3A_1520 : vector<16xf32>
        %mul3A_1541 = arith.mulf %mul3A_1540, %mul3A_1537 : vector<16xf32>
        %mul3A_1542 = arith.mulf %mul3A_1541, %mul3A_1537 : vector<16xf32>
        %sub3A_1543 = arith.constant 1.500000e+00 : f32
        %sub3A_1544 = vector.broadcast %sub3A_1543 : f32 to vector<16xf32>
        %sub3A_1545 = arith.subf %sub3A_1544, %mul3A_1542 : vector<16xf32>
        %mul3A_1546 = arith.mulf %mul3A_1537, %sub3A_1545 : vector<16xf32>
        %mul3A_1547 = arith.constant 5.000000e-01 : f32
        %mul3A_1548 = vector.broadcast %mul3A_1547 : f32 to vector<16xf32>
        %mul3A_1549 = arith.mulf %mul3A_1548, %add3A_1520 : vector<16xf32>
        %mul3A_1550 = arith.mulf %mul3A_1549, %mul3A_1546 : vector<16xf32>
        %mul3A_1551 = arith.mulf %mul3A_1550, %mul3A_1546 : vector<16xf32>
        %sub3A_1552 = arith.constant 1.500000e+00 : f32
        %sub3A_1553 = vector.broadcast %sub3A_1552 : f32 to vector<16xf32>
        %sub3A_1554 = arith.subf %sub3A_1553, %mul3A_1551 : vector<16xf32>
        %mul3A_1555 = arith.mulf %mul3A_1546, %sub3A_1554 : vector<16xf32>
        %mul3A_1556 = arith.mulf %get3A_1503, %mul3A_1555 : vector<16xf32>
        %add3A_1557 = arith.addf %add3A_1496, %mul3A_1556 : vector<16xf32>
        %mul3A_1558 = arith.constant 20 : i32
        %mul3A_1559 = arith.muli %scan3A_1438, %mul3A_1558 : i32
        %add3A_1560 = arith.constant 2 : i32
        %add3A_1561 = arith.addi %mul3A_1559, %add3A_1560 : i32
        %get3A_1562 = arith.index_cast %add3A_1561 : i32 to index
        %get3A_1563 = arith.constant 0 : index
        %get3A_1564 = tpu.vector_load %arg6[%get3A_1562, %get3A_1563] {strides = array<i32>} : memref<1280x16xf32, #tpu.memory_space<vmem>>, vector<16xf32>,
        %mul3A_1565 = arith.mulf %get3A_1564, %get3A_1564 : vector<16xf32>
        %broadcast_in_dim3A_1566 = vector.shape_cast %xor3A_4 : vector<16xi32> to vector<16x1xi32>
        %gather3A_1567 = vector.shape_cast %broadcast_in_dim3A_1566 : vector<16x1xi32> to vector<16xi32>
        %gather3A_1568 = tpu.dynamic_gather %mul3A_1565[%gather3A_1567] in [0] : vector<16xf32>, vector<16xi32> -> vector<16xf32>
        %add3A_1569 = arith.addf %mul3A_1565, %gather3A_1568 : vector<16xf32>
        %broadcast_in_dim3A_1570 = vector.shape_cast %xor3A_7 : vector<16xi32> to vector<16x1xi32>
        %gather3A_1571 = vector.shape_cast %broadcast_in_dim3A_1570 : vector<16x1xi32> to vector<16xi32>
        %gather3A_1572 = tpu.dynamic_gather %add3A_1569[%gather3A_1571] in [0] : vector<16xf32>, vector<16xi32> -> vector<16xf32>
        %add3A_1573 = arith.addf %add3A_1569, %gather3A_1572 : vector<16xf32>
        %broadcast_in_dim3A_1574 = vector.shape_cast %xor3A_10 : vector<16xi32> to vector<16x1xi32>
        %gather3A_1575 = vector.shape_cast %broadcast_in_dim3A_1574 : vector<16x1xi32> to vector<16xi32>
        %gather3A_1576 = tpu.dynamic_gather %add3A_1573[%gather3A_1575] in [0] : vector<16xf32>, vector<16xi32> -> vector<16xf32>
        %add3A_1577 = arith.addf %add3A_1573, %gather3A_1576 : vector<16xf32>
        %broadcast_in_dim3A_1578 = vector.shape_cast %xor3A_13 : vector<16xi32> to vector<16x1xi32>
        %gather3A_1579 = vector.shape_cast %broadcast_in_dim3A_1578 : vector<16x1xi32> to vector<16xi32>
        %gather3A_1580 = tpu.dynamic_gather %add3A_1577[%gather3A_1579] in [0] : vector<16xf32>, vector<16xi32> -> vector<16xf32>
        %add3A_1581 = arith.addf %add3A_1577, %gather3A_1580 : vector<16xf32>
        %bitcast3A_1582 = vector.bitcast %add3A_1581 : vector<16xf32> to vector<16xi32>
        %shift_right_arithmetic3A_1583 = arith.constant 1 : i32
        %shift_right_arithmetic3A_1584 = vector.broadcast %shift_right_arithmetic3A_1583 : i32 to vector<16xi32>
        %shift_right_arithmetic3A_1585 = arith.shrsi %bitcast3A_1582, %shift_right_arithmetic3A_1584 : vector<16xi32>
        %sub3A_1586 = arith.constant 1597463007 : i32
        %sub3A_1587 = vector.broadcast %sub3A_1586 : i32 to vector<16xi32>
        %sub3A_1588 = arith.subi %sub3A_1587, %shift_right_arithmetic3A_1585 : vector<16xi32>
        %bitcast3A_1589 = vector.bitcast %sub3A_1588 : vector<16xi32> to vector<16xf32>
        %mul3A_1590 = arith.constant 5.000000e-01 : f32
        %mul3A_1591 = vector.broadcast %mul3A_1590 : f32 to vector<16xf32>
        %mul3A_1592 = arith.mulf %mul3A_1591, %add3A_1581 : vector<16xf32>
        %mul3A_1593 = arith.mulf %mul3A_1592, %bitcast3A_1589 : vector<16xf32>
        %mul3A_1594 = arith.mulf %mul3A_1593, %bitcast3A_1589 : vector<16xf32>
        %sub3A_1595 = arith.constant 1.500000e+00 : f32
        %sub3A_1596 = vector.broadcast %sub3A_1595 : f32 to vector<16xf32>
        %sub3A_1597 = arith.subf %sub3A_1596, %mul3A_1594 : vector<16xf32>
        %mul3A_1598 = arith.mulf %bitcast3A_1589, %sub3A_1597 : vector<16xf32>
        %mul3A_1599 = arith.constant 5.000000e-01 : f32
        %mul3A_1600 = vector.broadcast %mul3A_1599 : f32 to vector<16xf32>
        %mul3A_1601 = arith.mulf %mul3A_1600, %add3A_1581 : vector<16xf32>
        %mul3A_1602 = arith.mulf %mul3A_1601, %mul3A_1598 : vector<16xf32>
        %mul3A_1603 = arith.mulf %mul3A_1602, %mul3A_1598 : vector<16xf32>
        %sub3A_1604 = arith.constant 1.500000e+00 : f32
        %sub3A_1605 = vector.broadcast %sub3A_1604 : f32 to vector<16xf32>
        %sub3A_1606 = arith.subf %sub3A_1605, %mul3A_1603 : vector<16xf32>
        %mul3A_1607 = arith.mulf %mul3A_1598, %sub3A_1606 : vector<16xf32>
        %mul3A_1608 = arith.constant 5.000000e-01 : f32
        %mul3A_1609 = vector.broadcast %mul3A_1608 : f32 to vector<16xf32>
        %mul3A_1610 = arith.mulf %mul3A_1609, %add3A_1581 : vector<16xf32>
        %mul3A_1611 = arith.mulf %mul3A_1610, %mul3A_1607 : vector<16xf32>
        %mul3A_1612 = arith.mulf %mul3A_1611, %mul3A_1607 : vector<16xf32>
        %sub3A_1613 = arith.constant 1.500000e+00 : f32
        %sub3A_1614 = vector.broadcast %sub3A_1613 : f32 to vector<16xf32>
        %sub3A_1615 = arith.subf %sub3A_1614, %mul3A_1612 : vector<16xf32>
        %mul3A_1616 = arith.mulf %mul3A_1607, %sub3A_1615 : vector<16xf32>
        %mul3A_1617 = arith.mulf %get3A_1564, %mul3A_1616 : vector<16xf32>
        %add3A_1618 = arith.addf %add3A_1557, %mul3A_1617 : vector<16xf32>
        %mul3A_1619 = arith.constant 20 : i32
        %mul3A_1620 = arith.muli %scan3A_1438, %mul3A_1619 : i32
        %add3A_1621 = arith.constant 3 : i32
        %add3A_1622 = arith.addi %mul3A_1620, %add3A_1621 : i32
        %get3A_1623 = arith.index_cast %add3A_1622 : i32 to index
        %get3A_1624 = arith.constant 0 : index
        %get3A_1625 = tpu.vector_load %arg6[%get3A_1623, %get3A_1624] {strides = array<i32>} : memref<1280x16xf32, #tpu.memory_space<vmem>>, vector<16xf32>,
        %mul3A_1626 = arith.mulf %get3A_1625, %get3A_1625 : vector<16xf32>
        %broadcast_in_dim3A_1627 = vector.shape_cast %xor3A_4 : vector<16xi32> to vector<16x1xi32>
        %gather3A_1628 = vector.shape_cast %broadcast_in_dim3A_1627 : vector<16x1xi32> to vector<16xi32>
        %gather3A_1629 = tpu.dynamic_gather %mul3A_1626[%gather3A_1628] in [0] : vector<16xf32>, vector<16xi32> -> vector<16xf32>
        %add3A_1630 = arith.addf %mul3A_1626, %gather3A_1629 : vector<16xf32>
        %broadcast_in_dim3A_1631 = vector.shape_cast %xor3A_7 : vector<16xi32> to vector<16x1xi32>
        %gather3A_1632 = vector.shape_cast %broadcast_in_dim3A_1631 : vector<16x1xi32> to vector<16xi32>
        %gather3A_1633 = tpu.dynamic_gather %add3A_1630[%gather3A_1632] in [0] : vector<16xf32>, vector<16xi32> -> vector<16xf32>
        %add3A_1634 = arith.addf %add3A_1630, %gather3A_1633 : vector<16xf32>
        %broadcast_in_dim3A_1635 = vector.shape_cast %xor3A_10 : vector<16xi32> to vector<16x1xi32>
        %gather3A_1636 = vector.shape_cast %broadcast_in_dim3A_1635 : vector<16x1xi32> to vector<16xi32>
        %gather3A_1637 = tpu.dynamic_gather %add3A_1634[%gather3A_1636] in [0] : vector<16xf32>, vector<16xi32> -> vector<16xf32>
        %add3A_1638 = arith.addf %add3A_1634, %gather3A_1637 : vector<16xf32>
        %broadcast_in_dim3A_1639 = vector.shape_cast %xor3A_13 : vector<16xi32> to vector<16x1xi32>
        %gather3A_1640 = vector.shape_cast %broadcast_in_dim3A_1639 : vector<16x1xi32> to vector<16xi32>
        %gather3A_1641 = tpu.dynamic_gather %add3A_1638[%gather3A_1640] in [0] : vector<16xf32>, vector<16xi32> -> vector<16xf32>
        %add3A_1642 = arith.addf %add3A_1638, %gather3A_1641 : vector<16xf32>
        %bitcast3A_1643 = vector.bitcast %add3A_1642 : vector<16xf32> to vector<16xi32>
        %shift_right_arithmetic3A_1644 = arith.constant 1 : i32
        %shift_right_arithmetic3A_1645 = vector.broadcast %shift_right_arithmetic3A_1644 : i32 to vector<16xi32>
        %shift_right_arithmetic3A_1646 = arith.shrsi %bitcast3A_1643, %shift_right_arithmetic3A_1645 : vector<16xi32>
        %sub3A_1647 = arith.constant 1597463007 : i32
        %sub3A_1648 = vector.broadcast %sub3A_1647 : i32 to vector<16xi32>
        %sub3A_1649 = arith.subi %sub3A_1648, %shift_right_arithmetic3A_1646 : vector<16xi32>
        %bitcast3A_1650 = vector.bitcast %sub3A_1649 : vector<16xi32> to vector<16xf32>
        %mul3A_1651 = arith.constant 5.000000e-01 : f32
        %mul3A_1652 = vector.broadcast %mul3A_1651 : f32 to vector<16xf32>
        %mul3A_1653 = arith.mulf %mul3A_1652, %add3A_1642 : vector<16xf32>
        %mul3A_1654 = arith.mulf %mul3A_1653, %bitcast3A_1650 : vector<16xf32>
        %mul3A_1655 = arith.mulf %mul3A_1654, %bitcast3A_1650 : vector<16xf32>
        %sub3A_1656 = arith.constant 1.500000e+00 : f32
        %sub3A_1657 = vector.broadcast %sub3A_1656 : f32 to vector<16xf32>
        %sub3A_1658 = arith.subf %sub3A_1657, %mul3A_1655 : vector<16xf32>
        %mul3A_1659 = arith.mulf %bitcast3A_1650, %sub3A_1658 : vector<16xf32>
        %mul3A_1660 = arith.constant 5.000000e-01 : f32
        %mul3A_1661 = vector.broadcast %mul3A_1660 : f32 to vector<16xf32>
        %mul3A_1662 = arith.mulf %mul3A_1661, %add3A_1642 : vector<16xf32>
        %mul3A_1663 = arith.mulf %mul3A_1662, %mul3A_1659 : vector<16xf32>
        %mul3A_1664 = arith.mulf %mul3A_1663, %mul3A_1659 : vector<16xf32>
        %sub3A_1665 = arith.constant 1.500000e+00 : f32
        %sub3A_1666 = vector.broadcast %sub3A_1665 : f32 to vector<16xf32>
        %sub3A_1667 = arith.subf %sub3A_1666, %mul3A_1664 : vector<16xf32>
        %mul3A_1668 = arith.mulf %mul3A_1659, %sub3A_1667 : vector<16xf32>
        %mul3A_1669 = arith.constant 5.000000e-01 : f32
        %mul3A_1670 = vector.broadcast %mul3A_1669 : f32 to vector<16xf32>
        %mul3A_1671 = arith.mulf %mul3A_1670, %add3A_1642 : vector<16xf32>
        %mul3A_1672 = arith.mulf %mul3A_1671, %mul3A_1668 : vector<16xf32>
        %mul3A_1673 = arith.mulf %mul3A_1672, %mul3A_1668 : vector<16xf32>
        %sub3A_1674 = arith.constant 1.500000e+00 : f32
        %sub3A_1675 = vector.broadcast %sub3A_1674 : f32 to vector<16xf32>
        %sub3A_1676 = arith.subf %sub3A_1675, %mul3A_1673 : vector<16xf32>
        %mul3A_1677 = arith.mulf %mul3A_1668, %sub3A_1676 : vector<16xf32>
        %mul3A_1678 = arith.mulf %get3A_1625, %mul3A_1677 : vector<16xf32>
        %add3A_1679 = arith.addf %add3A_1618, %mul3A_1678 : vector<16xf32>
        %mul3A_1680 = arith.constant 20 : i32
        %mul3A_1681 = arith.muli %scan3A_1438, %mul3A_1680 : i32
        %add3A_1682 = arith.constant 4 : i32
        %add3A_1683 = arith.addi %mul3A_1681, %add3A_1682 : i32
        %get3A_1684 = arith.index_cast %add3A_1683 : i32 to index
        %get3A_1685 = arith.constant 0 : index
        %get3A_1686 = tpu.vector_load %arg6[%get3A_1684, %get3A_1685] {strides = array<i32>} : memref<1280x16xf32, #tpu.memory_space<vmem>>, vector<16xf32>,
        %mul3A_1687 = arith.mulf %get3A_1686, %get3A_1686 : vector<16xf32>
        %broadcast_in_dim3A_1688 = vector.shape_cast %xor3A_4 : vector<16xi32> to vector<16x1xi32>
        %gather3A_1689 = vector.shape_cast %broadcast_in_dim3A_1688 : vector<16x1xi32> to vector<16xi32>
        %gather3A_1690 = tpu.dynamic_gather %mul3A_1687[%gather3A_1689] in [0] : vector<16xf32>, vector<16xi32> -> vector<16xf32>
        %add3A_1691 = arith.addf %mul3A_1687, %gather3A_1690 : vector<16xf32>
        %broadcast_in_dim3A_1692 = vector.shape_cast %xor3A_7 : vector<16xi32> to vector<16x1xi32>
        %gather3A_1693 = vector.shape_cast %broadcast_in_dim3A_1692 : vector<16x1xi32> to vector<16xi32>
        %gather3A_1694 = tpu.dynamic_gather %add3A_1691[%gather3A_1693] in [0] : vector<16xf32>, vector<16xi32> -> vector<16xf32>
        %add3A_1695 = arith.addf %add3A_1691, %gather3A_1694 : vector<16xf32>
        %broadcast_in_dim3A_1696 = vector.shape_cast %xor3A_10 : vector<16xi32> to vector<16x1xi32>
        %gather3A_1697 = vector.shape_cast %broadcast_in_dim3A_1696 : vector<16x1xi32> to vector<16xi32>
        %gather3A_1698 = tpu.dynamic_gather %add3A_1695[%gather3A_1697] in [0] : vector<16xf32>, vector<16xi32> -> vector<16xf32>
        %add3A_1699 = arith.addf %add3A_1695, %gather3A_1698 : vector<16xf32>
        %broadcast_in_dim3A_1700 = vector.shape_cast %xor3A_13 : vector<16xi32> to vector<16x1xi32>
        %gather3A_1701 = vector.shape_cast %broadcast_in_dim3A_1700 : vector<16x1xi32> to vector<16xi32>
        %gather3A_1702 = tpu.dynamic_gather %add3A_1699[%gather3A_1701] in [0] : vector<16xf32>, vector<16xi32> -> vector<16xf32>
        %add3A_1703 = arith.addf %add3A_1699, %gather3A_1702 : vector<16xf32>
        %bitcast3A_1704 = vector.bitcast %add3A_1703 : vector<16xf32> to vector<16xi32>
        %shift_right_arithmetic3A_1705 = arith.constant 1 : i32
        %shift_right_arithmetic3A_1706 = vector.broadcast %shift_right_arithmetic3A_1705 : i32 to vector<16xi32>
        %shift_right_arithmetic3A_1707 = arith.shrsi %bitcast3A_1704, %shift_right_arithmetic3A_1706 : vector<16xi32>
        %sub3A_1708 = arith.constant 1597463007 : i32
        %sub3A_1709 = vector.broadcast %sub3A_1708 : i32 to vector<16xi32>
        %sub3A_1710 = arith.subi %sub3A_1709, %shift_right_arithmetic3A_1707 : vector<16xi32>
        %bitcast3A_1711 = vector.bitcast %sub3A_1710 : vector<16xi32> to vector<16xf32>
        %mul3A_1712 = arith.constant 5.000000e-01 : f32
        %mul3A_1713 = vector.broadcast %mul3A_1712 : f32 to vector<16xf32>
        %mul3A_1714 = arith.mulf %mul3A_1713, %add3A_1703 : vector<16xf32>
        %mul3A_1715 = arith.mulf %mul3A_1714, %bitcast3A_1711 : vector<16xf32>
        %mul3A_1716 = arith.mulf %mul3A_1715, %bitcast3A_1711 : vector<16xf32>
        %sub3A_1717 = arith.constant 1.500000e+00 : f32
        %sub3A_1718 = vector.broadcast %sub3A_1717 : f32 to vector<16xf32>
        %sub3A_1719 = arith.subf %sub3A_1718, %mul3A_1716 : vector<16xf32>
        %mul3A_1720 = arith.mulf %bitcast3A_1711, %sub3A_1719 : vector<16xf32>
        %mul3A_1721 = arith.constant 5.000000e-01 : f32
        %mul3A_1722 = vector.broadcast %mul3A_1721 : f32 to vector<16xf32>
        %mul3A_1723 = arith.mulf %mul3A_1722, %add3A_1703 : vector<16xf32>
        %mul3A_1724 = arith.mulf %mul3A_1723, %mul3A_1720 : vector<16xf32>
        %mul3A_1725 = arith.mulf %mul3A_1724, %mul3A_1720 : vector<16xf32>
        %sub3A_1726 = arith.constant 1.500000e+00 : f32
        %sub3A_1727 = vector.broadcast %sub3A_1726 : f32 to vector<16xf32>
        %sub3A_1728 = arith.subf %sub3A_1727, %mul3A_1725 : vector<16xf32>
        %mul3A_1729 = arith.mulf %mul3A_1720, %sub3A_1728 : vector<16xf32>
        %mul3A_1730 = arith.constant 5.000000e-01 : f32
        %mul3A_1731 = vector.broadcast %mul3A_1730 : f32 to vector<16xf32>
        %mul3A_1732 = arith.mulf %mul3A_1731, %add3A_1703 : vector<16xf32>
        %mul3A_1733 = arith.mulf %mul3A_1732, %mul3A_1729 : vector<16xf32>
        %mul3A_1734 = arith.mulf %mul3A_1733, %mul3A_1729 : vector<16xf32>
        %sub3A_1735 = arith.constant 1.500000e+00 : f32
        %sub3A_1736 = vector.broadcast %sub3A_1735 : f32 to vector<16xf32>
        %sub3A_1737 = arith.subf %sub3A_1736, %mul3A_1734 : vector<16xf32>
        %mul3A_1738 = arith.mulf %mul3A_1729, %sub3A_1737 : vector<16xf32>
        %mul3A_1739 = arith.mulf %get3A_1686, %mul3A_1738 : vector<16xf32>
        %add3A_1740 = arith.addf %add3A_1679, %mul3A_1739 : vector<16xf32>
        %mul3A_1741 = arith.constant 20 : i32
        %mul3A_1742 = arith.muli %scan3A_1438, %mul3A_1741 : i32
        %add3A_1743 = arith.constant 5 : i32
        %add3A_1744 = arith.addi %mul3A_1742, %add3A_1743 : i32
        %get3A_1745 = arith.index_cast %add3A_1744 : i32 to index
        %get3A_1746 = arith.constant 0 : index
        %get3A_1747 = tpu.vector_load %arg6[%get3A_1745, %get3A_1746] {strides = array<i32>} : memref<1280x16xf32, #tpu.memory_space<vmem>>, vector<16xf32>,
        %mul3A_1748 = arith.mulf %get3A_1747, %get3A_1747 : vector<16xf32>
        %broadcast_in_dim3A_1749 = vector.shape_cast %xor3A_4 : vector<16xi32> to vector<16x1xi32>
        %gather3A_1750 = vector.shape_cast %broadcast_in_dim3A_1749 : vector<16x1xi32> to vector<16xi32>
        %gather3A_1751 = tpu.dynamic_gather %mul3A_1748[%gather3A_1750] in [0] : vector<16xf32>, vector<16xi32> -> vector<16xf32>
        %add3A_1752 = arith.addf %mul3A_1748, %gather3A_1751 : vector<16xf32>
        %broadcast_in_dim3A_1753 = vector.shape_cast %xor3A_7 : vector<16xi32> to vector<16x1xi32>
        %gather3A_1754 = vector.shape_cast %broadcast_in_dim3A_1753 : vector<16x1xi32> to vector<16xi32>
        %gather3A_1755 = tpu.dynamic_gather %add3A_1752[%gather3A_1754] in [0] : vector<16xf32>, vector<16xi32> -> vector<16xf32>
        %add3A_1756 = arith.addf %add3A_1752, %gather3A_1755 : vector<16xf32>
        %broadcast_in_dim3A_1757 = vector.shape_cast %xor3A_10 : vector<16xi32> to vector<16x1xi32>
        %gather3A_1758 = vector.shape_cast %broadcast_in_dim3A_1757 : vector<16x1xi32> to vector<16xi32>
        %gather3A_1759 = tpu.dynamic_gather %add3A_1756[%gather3A_1758] in [0] : vector<16xf32>, vector<16xi32> -> vector<16xf32>
        %add3A_1760 = arith.addf %add3A_1756, %gather3A_1759 : vector<16xf32>
        %broadcast_in_dim3A_1761 = vector.shape_cast %xor3A_13 : vector<16xi32> to vector<16x1xi32>
        %gather3A_1762 = vector.shape_cast %broadcast_in_dim3A_1761 : vector<16x1xi32> to vector<16xi32>
        %gather3A_1763 = tpu.dynamic_gather %add3A_1760[%gather3A_1762] in [0] : vector<16xf32>, vector<16xi32> -> vector<16xf32>
        %add3A_1764 = arith.addf %add3A_1760, %gather3A_1763 : vector<16xf32>
        %bitcast3A_1765 = vector.bitcast %add3A_1764 : vector<16xf32> to vector<16xi32>
        %shift_right_arithmetic3A_1766 = arith.constant 1 : i32
        %shift_right_arithmetic3A_1767 = vector.broadcast %shift_right_arithmetic3A_1766 : i32 to vector<16xi32>
        %shift_right_arithmetic3A_1768 = arith.shrsi %bitcast3A_1765, %shift_right_arithmetic3A_1767 : vector<16xi32>
        %sub3A_1769 = arith.constant 1597463007 : i32
        %sub3A_1770 = vector.broadcast %sub3A_1769 : i32 to vector<16xi32>
        %sub3A_1771 = arith.subi %sub3A_1770, %shift_right_arithmetic3A_1768 : vector<16xi32>
        %bitcast3A_1772 = vector.bitcast %sub3A_1771 : vector<16xi32> to vector<16xf32>
        %mul3A_1773 = arith.constant 5.000000e-01 : f32
        %mul3A_1774 = vector.broadcast %mul3A_1773 : f32 to vector<16xf32>
        %mul3A_1775 = arith.mulf %mul3A_1774, %add3A_1764 : vector<16xf32>
        %mul3A_1776 = arith.mulf %mul3A_1775, %bitcast3A_1772 : vector<16xf32>
        %mul3A_1777 = arith.mulf %mul3A_1776, %bitcast3A_1772 : vector<16xf32>
        %sub3A_1778 = arith.constant 1.500000e+00 : f32
        %sub3A_1779 = vector.broadcast %sub3A_1778 : f32 to vector<16xf32>
        %sub3A_1780 = arith.subf %sub3A_1779, %mul3A_1777 : vector<16xf32>
        %mul3A_1781 = arith.mulf %bitcast3A_1772, %sub3A_1780 : vector<16xf32>
        %mul3A_1782 = arith.constant 5.000000e-01 : f32
        %mul3A_1783 = vector.broadcast %mul3A_1782 : f32 to vector<16xf32>
        %mul3A_1784 = arith.mulf %mul3A_1783, %add3A_1764 : vector<16xf32>
        %mul3A_1785 = arith.mulf %mul3A_1784, %mul3A_1781 : vector<16xf32>
        %mul3A_1786 = arith.mulf %mul3A_1785, %mul3A_1781 : vector<16xf32>
        %sub3A_1787 = arith.constant 1.500000e+00 : f32
        %sub3A_1788 = vector.broadcast %sub3A_1787 : f32 to vector<16xf32>
        %sub3A_1789 = arith.subf %sub3A_1788, %mul3A_1786 : vector<16xf32>
        %mul3A_1790 = arith.mulf %mul3A_1781, %sub3A_1789 : vector<16xf32>
        %mul3A_1791 = arith.constant 5.000000e-01 : f32
        %mul3A_1792 = vector.broadcast %mul3A_1791 : f32 to vector<16xf32>
        %mul3A_1793 = arith.mulf %mul3A_1792, %add3A_1764 : vector<16xf32>
        %mul3A_1794 = arith.mulf %mul3A_1793, %mul3A_1790 : vector<16xf32>
        %mul3A_1795 = arith.mulf %mul3A_1794, %mul3A_1790 : vector<16xf32>
        %sub3A_1796 = arith.constant 1.500000e+00 : f32
        %sub3A_1797 = vector.broadcast %sub3A_1796 : f32 to vector<16xf32>
        %sub3A_1798 = arith.subf %sub3A_1797, %mul3A_1795 : vector<16xf32>
        %mul3A_1799 = arith.mulf %mul3A_1790, %sub3A_1798 : vector<16xf32>
        %mul3A_1800 = arith.mulf %get3A_1747, %mul3A_1799 : vector<16xf32>
        %add3A_1801 = arith.addf %add3A_1740, %mul3A_1800 : vector<16xf32>
        %mul3A_1802 = arith.constant 20 : i32
        %mul3A_1803 = arith.muli %scan3A_1438, %mul3A_1802 : i32
        %add3A_1804 = arith.constant 6 : i32
        %add3A_1805 = arith.addi %mul3A_1803, %add3A_1804 : i32
        %get3A_1806 = arith.index_cast %add3A_1805 : i32 to index
        %get3A_1807 = arith.constant 0 : index
        %get3A_1808 = tpu.vector_load %arg6[%get3A_1806, %get3A_1807] {strides = array<i32>} : memref<1280x16xf32, #tpu.memory_space<vmem>>, vector<16xf32>,
        %mul3A_1809 = arith.mulf %get3A_1808, %get3A_1808 : vector<16xf32>
        %broadcast_in_dim3A_1810 = vector.shape_cast %xor3A_4 : vector<16xi32> to vector<16x1xi32>
        %gather3A_1811 = vector.shape_cast %broadcast_in_dim3A_1810 : vector<16x1xi32> to vector<16xi32>
        %gather3A_1812 = tpu.dynamic_gather %mul3A_1809[%gather3A_1811] in [0] : vector<16xf32>, vector<16xi32> -> vector<16xf32>
        %add3A_1813 = arith.addf %mul3A_1809, %gather3A_1812 : vector<16xf32>
        %broadcast_in_dim3A_1814 = vector.shape_cast %xor3A_7 : vector<16xi32> to vector<16x1xi32>
        %gather3A_1815 = vector.shape_cast %broadcast_in_dim3A_1814 : vector<16x1xi32> to vector<16xi32>
        %gather3A_1816 = tpu.dynamic_gather %add3A_1813[%gather3A_1815] in [0] : vector<16xf32>, vector<16xi32> -> vector<16xf32>
        %add3A_1817 = arith.addf %add3A_1813, %gather3A_1816 : vector<16xf32>
        %broadcast_in_dim3A_1818 = vector.shape_cast %xor3A_10 : vector<16xi32> to vector<16x1xi32>
        %gather3A_1819 = vector.shape_cast %broadcast_in_dim3A_1818 : vector<16x1xi32> to vector<16xi32>
        %gather3A_1820 = tpu.dynamic_gather %add3A_1817[%gather3A_1819] in [0] : vector<16xf32>, vector<16xi32> -> vector<16xf32>
        %add3A_1821 = arith.addf %add3A_1817, %gather3A_1820 : vector<16xf32>
        %broadcast_in_dim3A_1822 = vector.shape_cast %xor3A_13 : vector<16xi32> to vector<16x1xi32>
        %gather3A_1823 = vector.shape_cast %broadcast_in_dim3A_1822 : vector<16x1xi32> to vector<16xi32>
        %gather3A_1824 = tpu.dynamic_gather %add3A_1821[%gather3A_1823] in [0] : vector<16xf32>, vector<16xi32> -> vector<16xf32>
        %add3A_1825 = arith.addf %add3A_1821, %gather3A_1824 : vector<16xf32>
        %bitcast3A_1826 = vector.bitcast %add3A_1825 : vector<16xf32> to vector<16xi32>
        %shift_right_arithmetic3A_1827 = arith.constant 1 : i32
        %shift_right_arithmetic3A_1828 = vector.broadcast %shift_right_arithmetic3A_1827 : i32 to vector<16xi32>
        %shift_right_arithmetic3A_1829 = arith.shrsi %bitcast3A_1826, %shift_right_arithmetic3A_1828 : vector<16xi32>
        %sub3A_1830 = arith.constant 1597463007 : i32
        %sub3A_1831 = vector.broadcast %sub3A_1830 : i32 to vector<16xi32>
        %sub3A_1832 = arith.subi %sub3A_1831, %shift_right_arithmetic3A_1829 : vector<16xi32>
        %bitcast3A_1833 = vector.bitcast %sub3A_1832 : vector<16xi32> to vector<16xf32>
        %mul3A_1834 = arith.constant 5.000000e-01 : f32
        %mul3A_1835 = vector.broadcast %mul3A_1834 : f32 to vector<16xf32>
        %mul3A_1836 = arith.mulf %mul3A_1835, %add3A_1825 : vector<16xf32>
        %mul3A_1837 = arith.mulf %mul3A_1836, %bitcast3A_1833 : vector<16xf32>
        %mul3A_1838 = arith.mulf %mul3A_1837, %bitcast3A_1833 : vector<16xf32>
        %sub3A_1839 = arith.constant 1.500000e+00 : f32
        %sub3A_1840 = vector.broadcast %sub3A_1839 : f32 to vector<16xf32>
        %sub3A_1841 = arith.subf %sub3A_1840, %mul3A_1838 : vector<16xf32>
        %mul3A_1842 = arith.mulf %bitcast3A_1833, %sub3A_1841 : vector<16xf32>
        %mul3A_1843 = arith.constant 5.000000e-01 : f32
        %mul3A_1844 = vector.broadcast %mul3A_1843 : f32 to vector<16xf32>
        %mul3A_1845 = arith.mulf %mul3A_1844, %add3A_1825 : vector<16xf32>
        %mul3A_1846 = arith.mulf %mul3A_1845, %mul3A_1842 : vector<16xf32>
        %mul3A_1847 = arith.mulf %mul3A_1846, %mul3A_1842 : vector<16xf32>
        %sub3A_1848 = arith.constant 1.500000e+00 : f32
        %sub3A_1849 = vector.broadcast %sub3A_1848 : f32 to vector<16xf32>
        %sub3A_1850 = arith.subf %sub3A_1849, %mul3A_1847 : vector<16xf32>
        %mul3A_1851 = arith.mulf %mul3A_1842, %sub3A_1850 : vector<16xf32>
        %mul3A_1852 = arith.constant 5.000000e-01 : f32
        %mul3A_1853 = vector.broadcast %mul3A_1852 : f32 to vector<16xf32>
        %mul3A_1854 = arith.mulf %mul3A_1853, %add3A_1825 : vector<16xf32>
        %mul3A_1855 = arith.mulf %mul3A_1854, %mul3A_1851 : vector<16xf32>
        %mul3A_1856 = arith.mulf %mul3A_1855, %mul3A_1851 : vector<16xf32>
        %sub3A_1857 = arith.constant 1.500000e+00 : f32
        %sub3A_1858 = vector.broadcast %sub3A_1857 : f32 to vector<16xf32>
        %sub3A_1859 = arith.subf %sub3A_1858, %mul3A_1856 : vector<16xf32>
        %mul3A_1860 = arith.mulf %mul3A_1851, %sub3A_1859 : vector<16xf32>
        %mul3A_1861 = arith.mulf %get3A_1808, %mul3A_1860 : vector<16xf32>
        %add3A_1862 = arith.addf %add3A_1801, %mul3A_1861 : vector<16xf32>
        %mul3A_1863 = arith.constant 20 : i32
        %mul3A_1864 = arith.muli %scan3A_1438, %mul3A_1863 : i32
        %add3A_1865 = arith.constant 7 : i32
        %add3A_1866 = arith.addi %mul3A_1864, %add3A_1865 : i32
        %get3A_1867 = arith.index_cast %add3A_1866 : i32 to index
        %get3A_1868 = arith.constant 0 : index
        %get3A_1869 = tpu.vector_load %arg6[%get3A_1867, %get3A_1868] {strides = array<i32>} : memref<1280x16xf32, #tpu.memory_space<vmem>>, vector<16xf32>,
        %mul3A_1870 = arith.mulf %get3A_1869, %get3A_1869 : vector<16xf32>
        %broadcast_in_dim3A_1871 = vector.shape_cast %xor3A_4 : vector<16xi32> to vector<16x1xi32>
        %gather3A_1872 = vector.shape_cast %broadcast_in_dim3A_1871 : vector<16x1xi32> to vector<16xi32>
        %gather3A_1873 = tpu.dynamic_gather %mul3A_1870[%gather3A_1872] in [0] : vector<16xf32>, vector<16xi32> -> vector<16xf32>
        %add3A_1874 = arith.addf %mul3A_1870, %gather3A_1873 : vector<16xf32>
        %broadcast_in_dim3A_1875 = vector.shape_cast %xor3A_7 : vector<16xi32> to vector<16x1xi32>
        %gather3A_1876 = vector.shape_cast %broadcast_in_dim3A_1875 : vector<16x1xi32> to vector<16xi32>
        %gather3A_1877 = tpu.dynamic_gather %add3A_1874[%gather3A_1876] in [0] : vector<16xf32>, vector<16xi32> -> vector<16xf32>
        %add3A_1878 = arith.addf %add3A_1874, %gather3A_1877 : vector<16xf32>
        %broadcast_in_dim3A_1879 = vector.shape_cast %xor3A_10 : vector<16xi32> to vector<16x1xi32>
        %gather3A_1880 = vector.shape_cast %broadcast_in_dim3A_1879 : vector<16x1xi32> to vector<16xi32>
        %gather3A_1881 = tpu.dynamic_gather %add3A_1878[%gather3A_1880] in [0] : vector<16xf32>, vector<16xi32> -> vector<16xf32>
        %add3A_1882 = arith.addf %add3A_1878, %gather3A_1881 : vector<16xf32>
        %broadcast_in_dim3A_1883 = vector.shape_cast %xor3A_13 : vector<16xi32> to vector<16x1xi32>
        %gather3A_1884 = vector.shape_cast %broadcast_in_dim3A_1883 : vector<16x1xi32> to vector<16xi32>
        %gather3A_1885 = tpu.dynamic_gather %add3A_1882[%gather3A_1884] in [0] : vector<16xf32>, vector<16xi32> -> vector<16xf32>
        %add3A_1886 = arith.addf %add3A_1882, %gather3A_1885 : vector<16xf32>
        %bitcast3A_1887 = vector.bitcast %add3A_1886 : vector<16xf32> to vector<16xi32>
        %shift_right_arithmetic3A_1888 = arith.constant 1 : i32
        %shift_right_arithmetic3A_1889 = vector.broadcast %shift_right_arithmetic3A_1888 : i32 to vector<16xi32>
        %shift_right_arithmetic3A_1890 = arith.shrsi %bitcast3A_1887, %shift_right_arithmetic3A_1889 : vector<16xi32>
        %sub3A_1891 = arith.constant 1597463007 : i32
        %sub3A_1892 = vector.broadcast %sub3A_1891 : i32 to vector<16xi32>
        %sub3A_1893 = arith.subi %sub3A_1892, %shift_right_arithmetic3A_1890 : vector<16xi32>
        %bitcast3A_1894 = vector.bitcast %sub3A_1893 : vector<16xi32> to vector<16xf32>
        %mul3A_1895 = arith.constant 5.000000e-01 : f32
        %mul3A_1896 = vector.broadcast %mul3A_1895 : f32 to vector<16xf32>
        %mul3A_1897 = arith.mulf %mul3A_1896, %add3A_1886 : vector<16xf32>
        %mul3A_1898 = arith.mulf %mul3A_1897, %bitcast3A_1894 : vector<16xf32>
        %mul3A_1899 = arith.mulf %mul3A_1898, %bitcast3A_1894 : vector<16xf32>
        %sub3A_1900 = arith.constant 1.500000e+00 : f32
        %sub3A_1901 = vector.broadcast %sub3A_1900 : f32 to vector<16xf32>
        %sub3A_1902 = arith.subf %sub3A_1901, %mul3A_1899 : vector<16xf32>
        %mul3A_1903 = arith.mulf %bitcast3A_1894, %sub3A_1902 : vector<16xf32>
        %mul3A_1904 = arith.constant 5.000000e-01 : f32
        %mul3A_1905 = vector.broadcast %mul3A_1904 : f32 to vector<16xf32>
        %mul3A_1906 = arith.mulf %mul3A_1905, %add3A_1886 : vector<16xf32>
        %mul3A_1907 = arith.mulf %mul3A_1906, %mul3A_1903 : vector<16xf32>
        %mul3A_1908 = arith.mulf %mul3A_1907, %mul3A_1903 : vector<16xf32>
        %sub3A_1909 = arith.constant 1.500000e+00 : f32
        %sub3A_1910 = vector.broadcast %sub3A_1909 : f32 to vector<16xf32>
        %sub3A_1911 = arith.subf %sub3A_1910, %mul3A_1908 : vector<16xf32>
        %mul3A_1912 = arith.mulf %mul3A_1903, %sub3A_1911 : vector<16xf32>
        %mul3A_1913 = arith.constant 5.000000e-01 : f32
        %mul3A_1914 = vector.broadcast %mul3A_1913 : f32 to vector<16xf32>
        %mul3A_1915 = arith.mulf %mul3A_1914, %add3A_1886 : vector<16xf32>
        %mul3A_1916 = arith.mulf %mul3A_1915, %mul3A_1912 : vector<16xf32>
        %mul3A_1917 = arith.mulf %mul3A_1916, %mul3A_1912 : vector<16xf32>
        %sub3A_1918 = arith.constant 1.500000e+00 : f32
        %sub3A_1919 = vector.broadcast %sub3A_1918 : f32 to vector<16xf32>
        %sub3A_1920 = arith.subf %sub3A_1919, %mul3A_1917 : vector<16xf32>
        %mul3A_1921 = arith.mulf %mul3A_1912, %sub3A_1920 : vector<16xf32>
        %mul3A_1922 = arith.mulf %get3A_1869, %mul3A_1921 : vector<16xf32>
        %add3A_1923 = arith.addf %add3A_1862, %mul3A_1922 : vector<16xf32>
        %mul3A_1924 = arith.constant 20 : i32
        %mul3A_1925 = arith.muli %scan3A_1438, %mul3A_1924 : i32
        %add3A_1926 = arith.constant 8 : i32
        %add3A_1927 = arith.addi %mul3A_1925, %add3A_1926 : i32
        %get3A_1928 = arith.index_cast %add3A_1927 : i32 to index
        %get3A_1929 = arith.constant 0 : index
        %get3A_1930 = tpu.vector_load %arg6[%get3A_1928, %get3A_1929] {strides = array<i32>} : memref<1280x16xf32, #tpu.memory_space<vmem>>, vector<16xf32>,
        %mul3A_1931 = arith.mulf %get3A_1930, %get3A_1930 : vector<16xf32>
        %broadcast_in_dim3A_1932 = vector.shape_cast %xor3A_4 : vector<16xi32> to vector<16x1xi32>
        %gather3A_1933 = vector.shape_cast %broadcast_in_dim3A_1932 : vector<16x1xi32> to vector<16xi32>
        %gather3A_1934 = tpu.dynamic_gather %mul3A_1931[%gather3A_1933] in [0] : vector<16xf32>, vector<16xi32> -> vector<16xf32>
        %add3A_1935 = arith.addf %mul3A_1931, %gather3A_1934 : vector<16xf32>
        %broadcast_in_dim3A_1936 = vector.shape_cast %xor3A_7 : vector<16xi32> to vector<16x1xi32>
        %gather3A_1937 = vector.shape_cast %broadcast_in_dim3A_1936 : vector<16x1xi32> to vector<16xi32>
        %gather3A_1938 = tpu.dynamic_gather %add3A_1935[%gather3A_1937] in [0] : vector<16xf32>, vector<16xi32> -> vector<16xf32>
        %add3A_1939 = arith.addf %add3A_1935, %gather3A_1938 : vector<16xf32>
        %broadcast_in_dim3A_1940 = vector.shape_cast %xor3A_10 : vector<16xi32> to vector<16x1xi32>
        %gather3A_1941 = vector.shape_cast %broadcast_in_dim3A_1940 : vector<16x1xi32> to vector<16xi32>
        %gather3A_1942 = tpu.dynamic_gather %add3A_1939[%gather3A_1941] in [0] : vector<16xf32>, vector<16xi32> -> vector<16xf32>
        %add3A_1943 = arith.addf %add3A_1939, %gather3A_1942 : vector<16xf32>
        %broadcast_in_dim3A_1944 = vector.shape_cast %xor3A_13 : vector<16xi32> to vector<16x1xi32>
        %gather3A_1945 = vector.shape_cast %broadcast_in_dim3A_1944 : vector<16x1xi32> to vector<16xi32>
        %gather3A_1946 = tpu.dynamic_gather %add3A_1943[%gather3A_1945] in [0] : vector<16xf32>, vector<16xi32> -> vector<16xf32>
        %add3A_1947 = arith.addf %add3A_1943, %gather3A_1946 : vector<16xf32>
        %bitcast3A_1948 = vector.bitcast %add3A_1947 : vector<16xf32> to vector<16xi32>
        %shift_right_arithmetic3A_1949 = arith.constant 1 : i32
        %shift_right_arithmetic3A_1950 = vector.broadcast %shift_right_arithmetic3A_1949 : i32 to vector<16xi32>
        %shift_right_arithmetic3A_1951 = arith.shrsi %bitcast3A_1948, %shift_right_arithmetic3A_1950 : vector<16xi32>
        %sub3A_1952 = arith.constant 1597463007 : i32
        %sub3A_1953 = vector.broadcast %sub3A_1952 : i32 to vector<16xi32>
        %sub3A_1954 = arith.subi %sub3A_1953, %shift_right_arithmetic3A_1951 : vector<16xi32>
        %bitcast3A_1955 = vector.bitcast %sub3A_1954 : vector<16xi32> to vector<16xf32>
        %mul3A_1956 = arith.constant 5.000000e-01 : f32
        %mul3A_1957 = vector.broadcast %mul3A_1956 : f32 to vector<16xf32>
        %mul3A_1958 = arith.mulf %mul3A_1957, %add3A_1947 : vector<16xf32>
        %mul3A_1959 = arith.mulf %mul3A_1958, %bitcast3A_1955 : vector<16xf32>
        %mul3A_1960 = arith.mulf %mul3A_1959, %bitcast3A_1955 : vector<16xf32>
        %sub3A_1961 = arith.constant 1.500000e+00 : f32
        %sub3A_1962 = vector.broadcast %sub3A_1961 : f32 to vector<16xf32>
        %sub3A_1963 = arith.subf %sub3A_1962, %mul3A_1960 : vector<16xf32>
        %mul3A_1964 = arith.mulf %bitcast3A_1955, %sub3A_1963 : vector<16xf32>
        %mul3A_1965 = arith.constant 5.000000e-01 : f32
        %mul3A_1966 = vector.broadcast %mul3A_1965 : f32 to vector<16xf32>
        %mul3A_1967 = arith.mulf %mul3A_1966, %add3A_1947 : vector<16xf32>
        %mul3A_1968 = arith.mulf %mul3A_1967, %mul3A_1964 : vector<16xf32>
        %mul3A_1969 = arith.mulf %mul3A_1968, %mul3A_1964 : vector<16xf32>
        %sub3A_1970 = arith.constant 1.500000e+00 : f32
        %sub3A_1971 = vector.broadcast %sub3A_1970 : f32 to vector<16xf32>
        %sub3A_1972 = arith.subf %sub3A_1971, %mul3A_1969 : vector<16xf32>
        %mul3A_1973 = arith.mulf %mul3A_1964, %sub3A_1972 : vector<16xf32>
        %mul3A_1974 = arith.constant 5.000000e-01 : f32
        %mul3A_1975 = vector.broadcast %mul3A_1974 : f32 to vector<16xf32>
        %mul3A_1976 = arith.mulf %mul3A_1975, %add3A_1947 : vector<16xf32>
        %mul3A_1977 = arith.mulf %mul3A_1976, %mul3A_1973 : vector<16xf32>
        %mul3A_1978 = arith.mulf %mul3A_1977, %mul3A_1973 : vector<16xf32>
        %sub3A_1979 = arith.constant 1.500000e+00 : f32
        %sub3A_1980 = vector.broadcast %sub3A_1979 : f32 to vector<16xf32>
        %sub3A_1981 = arith.subf %sub3A_1980, %mul3A_1978 : vector<16xf32>
        %mul3A_1982 = arith.mulf %mul3A_1973, %sub3A_1981 : vector<16xf32>
        %mul3A_1983 = arith.mulf %get3A_1930, %mul3A_1982 : vector<16xf32>
        %add3A_1984 = arith.addf %add3A_1923, %mul3A_1983 : vector<16xf32>
        %mul3A_1985 = arith.constant 20 : i32
        %mul3A_1986 = arith.muli %scan3A_1438, %mul3A_1985 : i32
        %add3A_1987 = arith.constant 9 : i32
        %add3A_1988 = arith.addi %mul3A_1986, %add3A_1987 : i32
        %get3A_1989 = arith.index_cast %add3A_1988 : i32 to index
        %get3A_1990 = arith.constant 0 : index
        %get3A_1991 = tpu.vector_load %arg6[%get3A_1989, %get3A_1990] {strides = array<i32>} : memref<1280x16xf32, #tpu.memory_space<vmem>>, vector<16xf32>,
        %mul3A_1992 = arith.mulf %get3A_1991, %get3A_1991 : vector<16xf32>
        %broadcast_in_dim3A_1993 = vector.shape_cast %xor3A_4 : vector<16xi32> to vector<16x1xi32>
        %gather3A_1994 = vector.shape_cast %broadcast_in_dim3A_1993 : vector<16x1xi32> to vector<16xi32>
        %gather3A_1995 = tpu.dynamic_gather %mul3A_1992[%gather3A_1994] in [0] : vector<16xf32>, vector<16xi32> -> vector<16xf32>
        %add3A_1996 = arith.addf %mul3A_1992, %gather3A_1995 : vector<16xf32>
        %broadcast_in_dim3A_1997 = vector.shape_cast %xor3A_7 : vector<16xi32> to vector<16x1xi32>
        %gather3A_1998 = vector.shape_cast %broadcast_in_dim3A_1997 : vector<16x1xi32> to vector<16xi32>
        %gather3A_1999 = tpu.dynamic_gather %add3A_1996[%gather3A_1998] in [0] : vector<16xf32>, vector<16xi32> -> vector<16xf32>
        %add3A_2000 = arith.addf %add3A_1996, %gather3A_1999 : vector<16xf32>
        %broadcast_in_dim3A_2001 = vector.shape_cast %xor3A_10 : vector<16xi32> to vector<16x1xi32>
        %gather3A_2002 = vector.shape_cast %broadcast_in_dim3A_2001 : vector<16x1xi32> to vector<16xi32>
        %gather3A_2003 = tpu.dynamic_gather %add3A_2000[%gather3A_2002] in [0] : vector<16xf32>, vector<16xi32> -> vector<16xf32>
        %add3A_2004 = arith.addf %add3A_2000, %gather3A_2003 : vector<16xf32>
        %broadcast_in_dim3A_2005 = vector.shape_cast %xor3A_13 : vector<16xi32> to vector<16x1xi32>
        %gather3A_2006 = vector.shape_cast %broadcast_in_dim3A_2005 : vector<16x1xi32> to vector<16xi32>
        %gather3A_2007 = tpu.dynamic_gather %add3A_2004[%gather3A_2006] in [0] : vector<16xf32>, vector<16xi32> -> vector<16xf32>
        %add3A_2008 = arith.addf %add3A_2004, %gather3A_2007 : vector<16xf32>
        %bitcast3A_2009 = vector.bitcast %add3A_2008 : vector<16xf32> to vector<16xi32>
        %shift_right_arithmetic3A_2010 = arith.constant 1 : i32
        %shift_right_arithmetic3A_2011 = vector.broadcast %shift_right_arithmetic3A_2010 : i32 to vector<16xi32>
        %shift_right_arithmetic3A_2012 = arith.shrsi %bitcast3A_2009, %shift_right_arithmetic3A_2011 : vector<16xi32>
        %sub3A_2013 = arith.constant 1597463007 : i32
        %sub3A_2014 = vector.broadcast %sub3A_2013 : i32 to vector<16xi32>
        %sub3A_2015 = arith.subi %sub3A_2014, %shift_right_arithmetic3A_2012 : vector<16xi32>
        %bitcast3A_2016 = vector.bitcast %sub3A_2015 : vector<16xi32> to vector<16xf32>
        %mul3A_2017 = arith.constant 5.000000e-01 : f32
        %mul3A_2018 = vector.broadcast %mul3A_2017 : f32 to vector<16xf32>
        %mul3A_2019 = arith.mulf %mul3A_2018, %add3A_2008 : vector<16xf32>
        %mul3A_2020 = arith.mulf %mul3A_2019, %bitcast3A_2016 : vector<16xf32>
        %mul3A_2021 = arith.mulf %mul3A_2020, %bitcast3A_2016 : vector<16xf32>
        %sub3A_2022 = arith.constant 1.500000e+00 : f32
        %sub3A_2023 = vector.broadcast %sub3A_2022 : f32 to vector<16xf32>
        %sub3A_2024 = arith.subf %sub3A_2023, %mul3A_2021 : vector<16xf32>
        %mul3A_2025 = arith.mulf %bitcast3A_2016, %sub3A_2024 : vector<16xf32>
        %mul3A_2026 = arith.constant 5.000000e-01 : f32
        %mul3A_2027 = vector.broadcast %mul3A_2026 : f32 to vector<16xf32>
        %mul3A_2028 = arith.mulf %mul3A_2027, %add3A_2008 : vector<16xf32>
        %mul3A_2029 = arith.mulf %mul3A_2028, %mul3A_2025 : vector<16xf32>
        %mul3A_2030 = arith.mulf %mul3A_2029, %mul3A_2025 : vector<16xf32>
        %sub3A_2031 = arith.constant 1.500000e+00 : f32
        %sub3A_2032 = vector.broadcast %sub3A_2031 : f32 to vector<16xf32>
        %sub3A_2033 = arith.subf %sub3A_2032, %mul3A_2030 : vector<16xf32>
        %mul3A_2034 = arith.mulf %mul3A_2025, %sub3A_2033 : vector<16xf32>
        %mul3A_2035 = arith.constant 5.000000e-01 : f32
        %mul3A_2036 = vector.broadcast %mul3A_2035 : f32 to vector<16xf32>
        %mul3A_2037 = arith.mulf %mul3A_2036, %add3A_2008 : vector<16xf32>
        %mul3A_2038 = arith.mulf %mul3A_2037, %mul3A_2034 : vector<16xf32>
        %mul3A_2039 = arith.mulf %mul3A_2038, %mul3A_2034 : vector<16xf32>
        %sub3A_2040 = arith.constant 1.500000e+00 : f32
        %sub3A_2041 = vector.broadcast %sub3A_2040 : f32 to vector<16xf32>
        %sub3A_2042 = arith.subf %sub3A_2041, %mul3A_2039 : vector<16xf32>
        %mul3A_2043 = arith.mulf %mul3A_2034, %sub3A_2042 : vector<16xf32>
        %mul3A_2044 = arith.mulf %get3A_1991, %mul3A_2043 : vector<16xf32>
        %add3A_2045 = arith.addf %add3A_1984, %mul3A_2044 : vector<16xf32>
        %mul3A_2046 = arith.constant 20 : i32
        %mul3A_2047 = arith.muli %scan3A_1438, %mul3A_2046 : i32
        %add3A_2048 = arith.constant 10 : i32
        %add3A_2049 = arith.addi %mul3A_2047, %add3A_2048 : i32
        %get3A_2050 = arith.index_cast %add3A_2049 : i32 to index
        %get3A_2051 = arith.constant 0 : index
        %get3A_2052 = tpu.vector_load %arg6[%get3A_2050, %get3A_2051] {strides = array<i32>} : memref<1280x16xf32, #tpu.memory_space<vmem>>, vector<16xf32>,
        %mul3A_2053 = arith.mulf %get3A_2052, %get3A_2052 : vector<16xf32>
        %broadcast_in_dim3A_2054 = vector.shape_cast %xor3A_4 : vector<16xi32> to vector<16x1xi32>
        %gather3A_2055 = vector.shape_cast %broadcast_in_dim3A_2054 : vector<16x1xi32> to vector<16xi32>
        %gather3A_2056 = tpu.dynamic_gather %mul3A_2053[%gather3A_2055] in [0] : vector<16xf32>, vector<16xi32> -> vector<16xf32>
        %add3A_2057 = arith.addf %mul3A_2053, %gather3A_2056 : vector<16xf32>
        %broadcast_in_dim3A_2058 = vector.shape_cast %xor3A_7 : vector<16xi32> to vector<16x1xi32>
        %gather3A_2059 = vector.shape_cast %broadcast_in_dim3A_2058 : vector<16x1xi32> to vector<16xi32>
        %gather3A_2060 = tpu.dynamic_gather %add3A_2057[%gather3A_2059] in [0] : vector<16xf32>, vector<16xi32> -> vector<16xf32>
        %add3A_2061 = arith.addf %add3A_2057, %gather3A_2060 : vector<16xf32>
        %broadcast_in_dim3A_2062 = vector.shape_cast %xor3A_10 : vector<16xi32> to vector<16x1xi32>
        %gather3A_2063 = vector.shape_cast %broadcast_in_dim3A_2062 : vector<16x1xi32> to vector<16xi32>
        %gather3A_2064 = tpu.dynamic_gather %add3A_2061[%gather3A_2063] in [0] : vector<16xf32>, vector<16xi32> -> vector<16xf32>
        %add3A_2065 = arith.addf %add3A_2061, %gather3A_2064 : vector<16xf32>
        %broadcast_in_dim3A_2066 = vector.shape_cast %xor3A_13 : vector<16xi32> to vector<16x1xi32>
        %gather3A_2067 = vector.shape_cast %broadcast_in_dim3A_2066 : vector<16x1xi32> to vector<16xi32>
        %gather3A_2068 = tpu.dynamic_gather %add3A_2065[%gather3A_2067] in [0] : vector<16xf32>, vector<16xi32> -> vector<16xf32>
        %add3A_2069 = arith.addf %add3A_2065, %gather3A_2068 : vector<16xf32>
        %bitcast3A_2070 = vector.bitcast %add3A_2069 : vector<16xf32> to vector<16xi32>
        %shift_right_arithmetic3A_2071 = arith.constant 1 : i32
        %shift_right_arithmetic3A_2072 = vector.broadcast %shift_right_arithmetic3A_2071 : i32 to vector<16xi32>
        %shift_right_arithmetic3A_2073 = arith.shrsi %bitcast3A_2070, %shift_right_arithmetic3A_2072 : vector<16xi32>
        %sub3A_2074 = arith.constant 1597463007 : i32
        %sub3A_2075 = vector.broadcast %sub3A_2074 : i32 to vector<16xi32>
        %sub3A_2076 = arith.subi %sub3A_2075, %shift_right_arithmetic3A_2073 : vector<16xi32>
        %bitcast3A_2077 = vector.bitcast %sub3A_2076 : vector<16xi32> to vector<16xf32>
        %mul3A_2078 = arith.constant 5.000000e-01 : f32
        %mul3A_2079 = vector.broadcast %mul3A_2078 : f32 to vector<16xf32>
        %mul3A_2080 = arith.mulf %mul3A_2079, %add3A_2069 : vector<16xf32>
        %mul3A_2081 = arith.mulf %mul3A_2080, %bitcast3A_2077 : vector<16xf32>
        %mul3A_2082 = arith.mulf %mul3A_2081, %bitcast3A_2077 : vector<16xf32>
        %sub3A_2083 = arith.constant 1.500000e+00 : f32
        %sub3A_2084 = vector.broadcast %sub3A_2083 : f32 to vector<16xf32>
        %sub3A_2085 = arith.subf %sub3A_2084, %mul3A_2082 : vector<16xf32>
        %mul3A_2086 = arith.mulf %bitcast3A_2077, %sub3A_2085 : vector<16xf32>
        %mul3A_2087 = arith.constant 5.000000e-01 : f32
        %mul3A_2088 = vector.broadcast %mul3A_2087 : f32 to vector<16xf32>
        %mul3A_2089 = arith.mulf %mul3A_2088, %add3A_2069 : vector<16xf32>
        %mul3A_2090 = arith.mulf %mul3A_2089, %mul3A_2086 : vector<16xf32>
        %mul3A_2091 = arith.mulf %mul3A_2090, %mul3A_2086 : vector<16xf32>
        %sub3A_2092 = arith.constant 1.500000e+00 : f32
        %sub3A_2093 = vector.broadcast %sub3A_2092 : f32 to vector<16xf32>
        %sub3A_2094 = arith.subf %sub3A_2093, %mul3A_2091 : vector<16xf32>
        %mul3A_2095 = arith.mulf %mul3A_2086, %sub3A_2094 : vector<16xf32>
        %mul3A_2096 = arith.constant 5.000000e-01 : f32
        %mul3A_2097 = vector.broadcast %mul3A_2096 : f32 to vector<16xf32>
        %mul3A_2098 = arith.mulf %mul3A_2097, %add3A_2069 : vector<16xf32>
        %mul3A_2099 = arith.mulf %mul3A_2098, %mul3A_2095 : vector<16xf32>
        %mul3A_2100 = arith.mulf %mul3A_2099, %mul3A_2095 : vector<16xf32>
        %sub3A_2101 = arith.constant 1.500000e+00 : f32
        %sub3A_2102 = vector.broadcast %sub3A_2101 : f32 to vector<16xf32>
        %sub3A_2103 = arith.subf %sub3A_2102, %mul3A_2100 : vector<16xf32>
        %mul3A_2104 = arith.mulf %mul3A_2095, %sub3A_2103 : vector<16xf32>
        %mul3A_2105 = arith.mulf %get3A_2052, %mul3A_2104 : vector<16xf32>
        %add3A_2106 = arith.addf %add3A_2045, %mul3A_2105 : vector<16xf32>
        %mul3A_2107 = arith.constant 20 : i32
        %mul3A_2108 = arith.muli %scan3A_1438, %mul3A_2107 : i32
        %add3A_2109 = arith.constant 11 : i32
        %add3A_2110 = arith.addi %mul3A_2108, %add3A_2109 : i32
        %get3A_2111 = arith.index_cast %add3A_2110 : i32 to index
        %get3A_2112 = arith.constant 0 : index
        %get3A_2113 = tpu.vector_load %arg6[%get3A_2111, %get3A_2112] {strides = array<i32>} : memref<1280x16xf32, #tpu.memory_space<vmem>>, vector<16xf32>,
        %mul3A_2114 = arith.mulf %get3A_2113, %get3A_2113 : vector<16xf32>
        %broadcast_in_dim3A_2115 = vector.shape_cast %xor3A_4 : vector<16xi32> to vector<16x1xi32>
        %gather3A_2116 = vector.shape_cast %broadcast_in_dim3A_2115 : vector<16x1xi32> to vector<16xi32>
        %gather3A_2117 = tpu.dynamic_gather %mul3A_2114[%gather3A_2116] in [0] : vector<16xf32>, vector<16xi32> -> vector<16xf32>
        %add3A_2118 = arith.addf %mul3A_2114, %gather3A_2117 : vector<16xf32>
        %broadcast_in_dim3A_2119 = vector.shape_cast %xor3A_7 : vector<16xi32> to vector<16x1xi32>
        %gather3A_2120 = vector.shape_cast %broadcast_in_dim3A_2119 : vector<16x1xi32> to vector<16xi32>
        %gather3A_2121 = tpu.dynamic_gather %add3A_2118[%gather3A_2120] in [0] : vector<16xf32>, vector<16xi32> -> vector<16xf32>
        %add3A_2122 = arith.addf %add3A_2118, %gather3A_2121 : vector<16xf32>
        %broadcast_in_dim3A_2123 = vector.shape_cast %xor3A_10 : vector<16xi32> to vector<16x1xi32>
        %gather3A_2124 = vector.shape_cast %broadcast_in_dim3A_2123 : vector<16x1xi32> to vector<16xi32>
        %gather3A_2125 = tpu.dynamic_gather %add3A_2122[%gather3A_2124] in [0] : vector<16xf32>, vector<16xi32> -> vector<16xf32>
        %add3A_2126 = arith.addf %add3A_2122, %gather3A_2125 : vector<16xf32>
        %broadcast_in_dim3A_2127 = vector.shape_cast %xor3A_13 : vector<16xi32> to vector<16x1xi32>
        %gather3A_2128 = vector.shape_cast %broadcast_in_dim3A_2127 : vector<16x1xi32> to vector<16xi32>
        %gather3A_2129 = tpu.dynamic_gather %add3A_2126[%gather3A_2128] in [0] : vector<16xf32>, vector<16xi32> -> vector<16xf32>
        %add3A_2130 = arith.addf %add3A_2126, %gather3A_2129 : vector<16xf32>
        %bitcast3A_2131 = vector.bitcast %add3A_2130 : vector<16xf32> to vector<16xi32>
        %shift_right_arithmetic3A_2132 = arith.constant 1 : i32
        %shift_right_arithmetic3A_2133 = vector.broadcast %shift_right_arithmetic3A_2132 : i32 to vector<16xi32>
        %shift_right_arithmetic3A_2134 = arith.shrsi %bitcast3A_2131, %shift_right_arithmetic3A_2133 : vector<16xi32>
        %sub3A_2135 = arith.constant 1597463007 : i32
        %sub3A_2136 = vector.broadcast %sub3A_2135 : i32 to vector<16xi32>
        %sub3A_2137 = arith.subi %sub3A_2136, %shift_right_arithmetic3A_2134 : vector<16xi32>
        %bitcast3A_2138 = vector.bitcast %sub3A_2137 : vector<16xi32> to vector<16xf32>
        %mul3A_2139 = arith.constant 5.000000e-01 : f32
        %mul3A_2140 = vector.broadcast %mul3A_2139 : f32 to vector<16xf32>
        %mul3A_2141 = arith.mulf %mul3A_2140, %add3A_2130 : vector<16xf32>
        %mul3A_2142 = arith.mulf %mul3A_2141, %bitcast3A_2138 : vector<16xf32>
        %mul3A_2143 = arith.mulf %mul3A_2142, %bitcast3A_2138 : vector<16xf32>
        %sub3A_2144 = arith.constant 1.500000e+00 : f32
        %sub3A_2145 = vector.broadcast %sub3A_2144 : f32 to vector<16xf32>
        %sub3A_2146 = arith.subf %sub3A_2145, %mul3A_2143 : vector<16xf32>
        %mul3A_2147 = arith.mulf %bitcast3A_2138, %sub3A_2146 : vector<16xf32>
        %mul3A_2148 = arith.constant 5.000000e-01 : f32
        %mul3A_2149 = vector.broadcast %mul3A_2148 : f32 to vector<16xf32>
        %mul3A_2150 = arith.mulf %mul3A_2149, %add3A_2130 : vector<16xf32>
        %mul3A_2151 = arith.mulf %mul3A_2150, %mul3A_2147 : vector<16xf32>
        %mul3A_2152 = arith.mulf %mul3A_2151, %mul3A_2147 : vector<16xf32>
        %sub3A_2153 = arith.constant 1.500000e+00 : f32
        %sub3A_2154 = vector.broadcast %sub3A_2153 : f32 to vector<16xf32>
        %sub3A_2155 = arith.subf %sub3A_2154, %mul3A_2152 : vector<16xf32>
        %mul3A_2156 = arith.mulf %mul3A_2147, %sub3A_2155 : vector<16xf32>
        %mul3A_2157 = arith.constant 5.000000e-01 : f32
        %mul3A_2158 = vector.broadcast %mul3A_2157 : f32 to vector<16xf32>
        %mul3A_2159 = arith.mulf %mul3A_2158, %add3A_2130 : vector<16xf32>
        %mul3A_2160 = arith.mulf %mul3A_2159, %mul3A_2156 : vector<16xf32>
        %mul3A_2161 = arith.mulf %mul3A_2160, %mul3A_2156 : vector<16xf32>
        %sub3A_2162 = arith.constant 1.500000e+00 : f32
        %sub3A_2163 = vector.broadcast %sub3A_2162 : f32 to vector<16xf32>
        %sub3A_2164 = arith.subf %sub3A_2163, %mul3A_2161 : vector<16xf32>
        %mul3A_2165 = arith.mulf %mul3A_2156, %sub3A_2164 : vector<16xf32>
        %mul3A_2166 = arith.mulf %get3A_2113, %mul3A_2165 : vector<16xf32>
        %add3A_2167 = arith.addf %add3A_2106, %mul3A_2166 : vector<16xf32>
        %mul3A_2168 = arith.constant 20 : i32
        %mul3A_2169 = arith.muli %scan3A_1438, %mul3A_2168 : i32
        %add3A_2170 = arith.constant 12 : i32
        %add3A_2171 = arith.addi %mul3A_2169, %add3A_2170 : i32
        %get3A_2172 = arith.index_cast %add3A_2171 : i32 to index
        %get3A_2173 = arith.constant 0 : index
        %get3A_2174 = tpu.vector_load %arg6[%get3A_2172, %get3A_2173] {strides = array<i32>} : memref<1280x16xf32, #tpu.memory_space<vmem>>, vector<16xf32>,
        %mul3A_2175 = arith.mulf %get3A_2174, %get3A_2174 : vector<16xf32>
        %broadcast_in_dim3A_2176 = vector.shape_cast %xor3A_4 : vector<16xi32> to vector<16x1xi32>
        %gather3A_2177 = vector.shape_cast %broadcast_in_dim3A_2176 : vector<16x1xi32> to vector<16xi32>
        %gather3A_2178 = tpu.dynamic_gather %mul3A_2175[%gather3A_2177] in [0] : vector<16xf32>, vector<16xi32> -> vector<16xf32>
        %add3A_2179 = arith.addf %mul3A_2175, %gather3A_2178 : vector<16xf32>
        %broadcast_in_dim3A_2180 = vector.shape_cast %xor3A_7 : vector<16xi32> to vector<16x1xi32>
        %gather3A_2181 = vector.shape_cast %broadcast_in_dim3A_2180 : vector<16x1xi32> to vector<16xi32>
        %gather3A_2182 = tpu.dynamic_gather %add3A_2179[%gather3A_2181] in [0] : vector<16xf32>, vector<16xi32> -> vector<16xf32>
        %add3A_2183 = arith.addf %add3A_2179, %gather3A_2182 : vector<16xf32>
        %broadcast_in_dim3A_2184 = vector.shape_cast %xor3A_10 : vector<16xi32> to vector<16x1xi32>
        %gather3A_2185 = vector.shape_cast %broadcast_in_dim3A_2184 : vector<16x1xi32> to vector<16xi32>
        %gather3A_2186 = tpu.dynamic_gather %add3A_2183[%gather3A_2185] in [0] : vector<16xf32>, vector<16xi32> -> vector<16xf32>
        %add3A_2187 = arith.addf %add3A_2183, %gather3A_2186 : vector<16xf32>
        %broadcast_in_dim3A_2188 = vector.shape_cast %xor3A_13 : vector<16xi32> to vector<16x1xi32>
        %gather3A_2189 = vector.shape_cast %broadcast_in_dim3A_2188 : vector<16x1xi32> to vector<16xi32>
        %gather3A_2190 = tpu.dynamic_gather %add3A_2187[%gather3A_2189] in [0] : vector<16xf32>, vector<16xi32> -> vector<16xf32>
        %add3A_2191 = arith.addf %add3A_2187, %gather3A_2190 : vector<16xf32>
        %bitcast3A_2192 = vector.bitcast %add3A_2191 : vector<16xf32> to vector<16xi32>
        %shift_right_arithmetic3A_2193 = arith.constant 1 : i32
        %shift_right_arithmetic3A_2194 = vector.broadcast %shift_right_arithmetic3A_2193 : i32 to vector<16xi32>
        %shift_right_arithmetic3A_2195 = arith.shrsi %bitcast3A_2192, %shift_right_arithmetic3A_2194 : vector<16xi32>
        %sub3A_2196 = arith.constant 1597463007 : i32
        %sub3A_2197 = vector.broadcast %sub3A_2196 : i32 to vector<16xi32>
        %sub3A_2198 = arith.subi %sub3A_2197, %shift_right_arithmetic3A_2195 : vector<16xi32>
        %bitcast3A_2199 = vector.bitcast %sub3A_2198 : vector<16xi32> to vector<16xf32>
        %mul3A_2200 = arith.constant 5.000000e-01 : f32
        %mul3A_2201 = vector.broadcast %mul3A_2200 : f32 to vector<16xf32>
        %mul3A_2202 = arith.mulf %mul3A_2201, %add3A_2191 : vector<16xf32>
        %mul3A_2203 = arith.mulf %mul3A_2202, %bitcast3A_2199 : vector<16xf32>
        %mul3A_2204 = arith.mulf %mul3A_2203, %bitcast3A_2199 : vector<16xf32>
        %sub3A_2205 = arith.constant 1.500000e+00 : f32
        %sub3A_2206 = vector.broadcast %sub3A_2205 : f32 to vector<16xf32>
        %sub3A_2207 = arith.subf %sub3A_2206, %mul3A_2204 : vector<16xf32>
        %mul3A_2208 = arith.mulf %bitcast3A_2199, %sub3A_2207 : vector<16xf32>
        %mul3A_2209 = arith.constant 5.000000e-01 : f32
        %mul3A_2210 = vector.broadcast %mul3A_2209 : f32 to vector<16xf32>
        %mul3A_2211 = arith.mulf %mul3A_2210, %add3A_2191 : vector<16xf32>
        %mul3A_2212 = arith.mulf %mul3A_2211, %mul3A_2208 : vector<16xf32>
        %mul3A_2213 = arith.mulf %mul3A_2212, %mul3A_2208 : vector<16xf32>
        %sub3A_2214 = arith.constant 1.500000e+00 : f32
        %sub3A_2215 = vector.broadcast %sub3A_2214 : f32 to vector<16xf32>
        %sub3A_2216 = arith.subf %sub3A_2215, %mul3A_2213 : vector<16xf32>
        %mul3A_2217 = arith.mulf %mul3A_2208, %sub3A_2216 : vector<16xf32>
        %mul3A_2218 = arith.constant 5.000000e-01 : f32
        %mul3A_2219 = vector.broadcast %mul3A_2218 : f32 to vector<16xf32>
        %mul3A_2220 = arith.mulf %mul3A_2219, %add3A_2191 : vector<16xf32>
        %mul3A_2221 = arith.mulf %mul3A_2220, %mul3A_2217 : vector<16xf32>
        %mul3A_2222 = arith.mulf %mul3A_2221, %mul3A_2217 : vector<16xf32>
        %sub3A_2223 = arith.constant 1.500000e+00 : f32
        %sub3A_2224 = vector.broadcast %sub3A_2223 : f32 to vector<16xf32>
        %sub3A_2225 = arith.subf %sub3A_2224, %mul3A_2222 : vector<16xf32>
        %mul3A_2226 = arith.mulf %mul3A_2217, %sub3A_2225 : vector<16xf32>
        %mul3A_2227 = arith.mulf %get3A_2174, %mul3A_2226 : vector<16xf32>
        %add3A_2228 = arith.addf %add3A_2167, %mul3A_2227 : vector<16xf32>
        %mul3A_2229 = arith.constant 20 : i32
        %mul3A_2230 = arith.muli %scan3A_1438, %mul3A_2229 : i32
        %add3A_2231 = arith.constant 13 : i32
        %add3A_2232 = arith.addi %mul3A_2230, %add3A_2231 : i32
        %get3A_2233 = arith.index_cast %add3A_2232 : i32 to index
        %get3A_2234 = arith.constant 0 : index
        %get3A_2235 = tpu.vector_load %arg6[%get3A_2233, %get3A_2234] {strides = array<i32>} : memref<1280x16xf32, #tpu.memory_space<vmem>>, vector<16xf32>,
        %mul3A_2236 = arith.mulf %get3A_2235, %get3A_2235 : vector<16xf32>
        %broadcast_in_dim3A_2237 = vector.shape_cast %xor3A_4 : vector<16xi32> to vector<16x1xi32>
        %gather3A_2238 = vector.shape_cast %broadcast_in_dim3A_2237 : vector<16x1xi32> to vector<16xi32>
        %gather3A_2239 = tpu.dynamic_gather %mul3A_2236[%gather3A_2238] in [0] : vector<16xf32>, vector<16xi32> -> vector<16xf32>
        %add3A_2240 = arith.addf %mul3A_2236, %gather3A_2239 : vector<16xf32>
        %broadcast_in_dim3A_2241 = vector.shape_cast %xor3A_7 : vector<16xi32> to vector<16x1xi32>
        %gather3A_2242 = vector.shape_cast %broadcast_in_dim3A_2241 : vector<16x1xi32> to vector<16xi32>
        %gather3A_2243 = tpu.dynamic_gather %add3A_2240[%gather3A_2242] in [0] : vector<16xf32>, vector<16xi32> -> vector<16xf32>
        %add3A_2244 = arith.addf %add3A_2240, %gather3A_2243 : vector<16xf32>
        %broadcast_in_dim3A_2245 = vector.shape_cast %xor3A_10 : vector<16xi32> to vector<16x1xi32>
        %gather3A_2246 = vector.shape_cast %broadcast_in_dim3A_2245 : vector<16x1xi32> to vector<16xi32>
        %gather3A_2247 = tpu.dynamic_gather %add3A_2244[%gather3A_2246] in [0] : vector<16xf32>, vector<16xi32> -> vector<16xf32>
        %add3A_2248 = arith.addf %add3A_2244, %gather3A_2247 : vector<16xf32>
        %broadcast_in_dim3A_2249 = vector.shape_cast %xor3A_13 : vector<16xi32> to vector<16x1xi32>
        %gather3A_2250 = vector.shape_cast %broadcast_in_dim3A_2249 : vector<16x1xi32> to vector<16xi32>
        %gather3A_2251 = tpu.dynamic_gather %add3A_2248[%gather3A_2250] in [0] : vector<16xf32>, vector<16xi32> -> vector<16xf32>
        %add3A_2252 = arith.addf %add3A_2248, %gather3A_2251 : vector<16xf32>
        %bitcast3A_2253 = vector.bitcast %add3A_2252 : vector<16xf32> to vector<16xi32>
        %shift_right_arithmetic3A_2254 = arith.constant 1 : i32
        %shift_right_arithmetic3A_2255 = vector.broadcast %shift_right_arithmetic3A_2254 : i32 to vector<16xi32>
        %shift_right_arithmetic3A_2256 = arith.shrsi %bitcast3A_2253, %shift_right_arithmetic3A_2255 : vector<16xi32>
        %sub3A_2257 = arith.constant 1597463007 : i32
        %sub3A_2258 = vector.broadcast %sub3A_2257 : i32 to vector<16xi32>
        %sub3A_2259 = arith.subi %sub3A_2258, %shift_right_arithmetic3A_2256 : vector<16xi32>
        %bitcast3A_2260 = vector.bitcast %sub3A_2259 : vector<16xi32> to vector<16xf32>
        %mul3A_2261 = arith.constant 5.000000e-01 : f32
        %mul3A_2262 = vector.broadcast %mul3A_2261 : f32 to vector<16xf32>
        %mul3A_2263 = arith.mulf %mul3A_2262, %add3A_2252 : vector<16xf32>
        %mul3A_2264 = arith.mulf %mul3A_2263, %bitcast3A_2260 : vector<16xf32>
        %mul3A_2265 = arith.mulf %mul3A_2264, %bitcast3A_2260 : vector<16xf32>
        %sub3A_2266 = arith.constant 1.500000e+00 : f32
        %sub3A_2267 = vector.broadcast %sub3A_2266 : f32 to vector<16xf32>
        %sub3A_2268 = arith.subf %sub3A_2267, %mul3A_2265 : vector<16xf32>
        %mul3A_2269 = arith.mulf %bitcast3A_2260, %sub3A_2268 : vector<16xf32>
        %mul3A_2270 = arith.constant 5.000000e-01 : f32
        %mul3A_2271 = vector.broadcast %mul3A_2270 : f32 to vector<16xf32>
        %mul3A_2272 = arith.mulf %mul3A_2271, %add3A_2252 : vector<16xf32>
        %mul3A_2273 = arith.mulf %mul3A_2272, %mul3A_2269 : vector<16xf32>
        %mul3A_2274 = arith.mulf %mul3A_2273, %mul3A_2269 : vector<16xf32>
        %sub3A_2275 = arith.constant 1.500000e+00 : f32
        %sub3A_2276 = vector.broadcast %sub3A_2275 : f32 to vector<16xf32>
        %sub3A_2277 = arith.subf %sub3A_2276, %mul3A_2274 : vector<16xf32>
        %mul3A_2278 = arith.mulf %mul3A_2269, %sub3A_2277 : vector<16xf32>
        %mul3A_2279 = arith.constant 5.000000e-01 : f32
        %mul3A_2280 = vector.broadcast %mul3A_2279 : f32 to vector<16xf32>
        %mul3A_2281 = arith.mulf %mul3A_2280, %add3A_2252 : vector<16xf32>
        %mul3A_2282 = arith.mulf %mul3A_2281, %mul3A_2278 : vector<16xf32>
        %mul3A_2283 = arith.mulf %mul3A_2282, %mul3A_2278 : vector<16xf32>
        %sub3A_2284 = arith.constant 1.500000e+00 : f32
        %sub3A_2285 = vector.broadcast %sub3A_2284 : f32 to vector<16xf32>
        %sub3A_2286 = arith.subf %sub3A_2285, %mul3A_2283 : vector<16xf32>
        %mul3A_2287 = arith.mulf %mul3A_2278, %sub3A_2286 : vector<16xf32>
        %mul3A_2288 = arith.mulf %get3A_2235, %mul3A_2287 : vector<16xf32>
        %add3A_2289 = arith.addf %add3A_2228, %mul3A_2288 : vector<16xf32>
        %mul3A_2290 = arith.constant 20 : i32
        %mul3A_2291 = arith.muli %scan3A_1438, %mul3A_2290 : i32
        %add3A_2292 = arith.constant 14 : i32
        %add3A_2293 = arith.addi %mul3A_2291, %add3A_2292 : i32
        %get3A_2294 = arith.index_cast %add3A_2293 : i32 to index
        %get3A_2295 = arith.constant 0 : index
        %get3A_2296 = tpu.vector_load %arg6[%get3A_2294, %get3A_2295] {strides = array<i32>} : memref<1280x16xf32, #tpu.memory_space<vmem>>, vector<16xf32>,
        %mul3A_2297 = arith.mulf %get3A_2296, %get3A_2296 : vector<16xf32>
        %broadcast_in_dim3A_2298 = vector.shape_cast %xor3A_4 : vector<16xi32> to vector<16x1xi32>
        %gather3A_2299 = vector.shape_cast %broadcast_in_dim3A_2298 : vector<16x1xi32> to vector<16xi32>
        %gather3A_2300 = tpu.dynamic_gather %mul3A_2297[%gather3A_2299] in [0] : vector<16xf32>, vector<16xi32> -> vector<16xf32>
        %add3A_2301 = arith.addf %mul3A_2297, %gather3A_2300 : vector<16xf32>
        %broadcast_in_dim3A_2302 = vector.shape_cast %xor3A_7 : vector<16xi32> to vector<16x1xi32>
        %gather3A_2303 = vector.shape_cast %broadcast_in_dim3A_2302 : vector<16x1xi32> to vector<16xi32>
        %gather3A_2304 = tpu.dynamic_gather %add3A_2301[%gather3A_2303] in [0] : vector<16xf32>, vector<16xi32> -> vector<16xf32>
        %add3A_2305 = arith.addf %add3A_2301, %gather3A_2304 : vector<16xf32>
        %broadcast_in_dim3A_2306 = vector.shape_cast %xor3A_10 : vector<16xi32> to vector<16x1xi32>
        %gather3A_2307 = vector.shape_cast %broadcast_in_dim3A_2306 : vector<16x1xi32> to vector<16xi32>
        %gather3A_2308 = tpu.dynamic_gather %add3A_2305[%gather3A_2307] in [0] : vector<16xf32>, vector<16xi32> -> vector<16xf32>
        %add3A_2309 = arith.addf %add3A_2305, %gather3A_2308 : vector<16xf32>
        %broadcast_in_dim3A_2310 = vector.shape_cast %xor3A_13 : vector<16xi32> to vector<16x1xi32>
        %gather3A_2311 = vector.shape_cast %broadcast_in_dim3A_2310 : vector<16x1xi32> to vector<16xi32>
        %gather3A_2312 = tpu.dynamic_gather %add3A_2309[%gather3A_2311] in [0] : vector<16xf32>, vector<16xi32> -> vector<16xf32>
        %add3A_2313 = arith.addf %add3A_2309, %gather3A_2312 : vector<16xf32>
        %bitcast3A_2314 = vector.bitcast %add3A_2313 : vector<16xf32> to vector<16xi32>
        %shift_right_arithmetic3A_2315 = arith.constant 1 : i32
        %shift_right_arithmetic3A_2316 = vector.broadcast %shift_right_arithmetic3A_2315 : i32 to vector<16xi32>
        %shift_right_arithmetic3A_2317 = arith.shrsi %bitcast3A_2314, %shift_right_arithmetic3A_2316 : vector<16xi32>
        %sub3A_2318 = arith.constant 1597463007 : i32
        %sub3A_2319 = vector.broadcast %sub3A_2318 : i32 to vector<16xi32>
        %sub3A_2320 = arith.subi %sub3A_2319, %shift_right_arithmetic3A_2317 : vector<16xi32>
        %bitcast3A_2321 = vector.bitcast %sub3A_2320 : vector<16xi32> to vector<16xf32>
        %mul3A_2322 = arith.constant 5.000000e-01 : f32
        %mul3A_2323 = vector.broadcast %mul3A_2322 : f32 to vector<16xf32>
        %mul3A_2324 = arith.mulf %mul3A_2323, %add3A_2313 : vector<16xf32>
        %mul3A_2325 = arith.mulf %mul3A_2324, %bitcast3A_2321 : vector<16xf32>
        %mul3A_2326 = arith.mulf %mul3A_2325, %bitcast3A_2321 : vector<16xf32>
        %sub3A_2327 = arith.constant 1.500000e+00 : f32
        %sub3A_2328 = vector.broadcast %sub3A_2327 : f32 to vector<16xf32>
        %sub3A_2329 = arith.subf %sub3A_2328, %mul3A_2326 : vector<16xf32>
        %mul3A_2330 = arith.mulf %bitcast3A_2321, %sub3A_2329 : vector<16xf32>
        %mul3A_2331 = arith.constant 5.000000e-01 : f32
        %mul3A_2332 = vector.broadcast %mul3A_2331 : f32 to vector<16xf32>
        %mul3A_2333 = arith.mulf %mul3A_2332, %add3A_2313 : vector<16xf32>
        %mul3A_2334 = arith.mulf %mul3A_2333, %mul3A_2330 : vector<16xf32>
        %mul3A_2335 = arith.mulf %mul3A_2334, %mul3A_2330 : vector<16xf32>
        %sub3A_2336 = arith.constant 1.500000e+00 : f32
        %sub3A_2337 = vector.broadcast %sub3A_2336 : f32 to vector<16xf32>
        %sub3A_2338 = arith.subf %sub3A_2337, %mul3A_2335 : vector<16xf32>
        %mul3A_2339 = arith.mulf %mul3A_2330, %sub3A_2338 : vector<16xf32>
        %mul3A_2340 = arith.constant 5.000000e-01 : f32
        %mul3A_2341 = vector.broadcast %mul3A_2340 : f32 to vector<16xf32>
        %mul3A_2342 = arith.mulf %mul3A_2341, %add3A_2313 : vector<16xf32>
        %mul3A_2343 = arith.mulf %mul3A_2342, %mul3A_2339 : vector<16xf32>
        %mul3A_2344 = arith.mulf %mul3A_2343, %mul3A_2339 : vector<16xf32>
        %sub3A_2345 = arith.constant 1.500000e+00 : f32
        %sub3A_2346 = vector.broadcast %sub3A_2345 : f32 to vector<16xf32>
        %sub3A_2347 = arith.subf %sub3A_2346, %mul3A_2344 : vector<16xf32>
        %mul3A_2348 = arith.mulf %mul3A_2339, %sub3A_2347 : vector<16xf32>
        %mul3A_2349 = arith.mulf %get3A_2296, %mul3A_2348 : vector<16xf32>
        %add3A_2350 = arith.addf %add3A_2289, %mul3A_2349 : vector<16xf32>
        %mul3A_2351 = arith.constant 20 : i32
        %mul3A_2352 = arith.muli %scan3A_1438, %mul3A_2351 : i32
        %add3A_2353 = arith.constant 15 : i32
        %add3A_2354 = arith.addi %mul3A_2352, %add3A_2353 : i32
        %get3A_2355 = arith.index_cast %add3A_2354 : i32 to index
        %get3A_2356 = arith.constant 0 : index
        %get3A_2357 = tpu.vector_load %arg6[%get3A_2355, %get3A_2356] {strides = array<i32>} : memref<1280x16xf32, #tpu.memory_space<vmem>>, vector<16xf32>,
        %mul3A_2358 = arith.mulf %get3A_2357, %get3A_2357 : vector<16xf32>
        %broadcast_in_dim3A_2359 = vector.shape_cast %xor3A_4 : vector<16xi32> to vector<16x1xi32>
        %gather3A_2360 = vector.shape_cast %broadcast_in_dim3A_2359 : vector<16x1xi32> to vector<16xi32>
        %gather3A_2361 = tpu.dynamic_gather %mul3A_2358[%gather3A_2360] in [0] : vector<16xf32>, vector<16xi32> -> vector<16xf32>
        %add3A_2362 = arith.addf %mul3A_2358, %gather3A_2361 : vector<16xf32>
        %broadcast_in_dim3A_2363 = vector.shape_cast %xor3A_7 : vector<16xi32> to vector<16x1xi32>
        %gather3A_2364 = vector.shape_cast %broadcast_in_dim3A_2363 : vector<16x1xi32> to vector<16xi32>
        %gather3A_2365 = tpu.dynamic_gather %add3A_2362[%gather3A_2364] in [0] : vector<16xf32>, vector<16xi32> -> vector<16xf32>
        %add3A_2366 = arith.addf %add3A_2362, %gather3A_2365 : vector<16xf32>
        %broadcast_in_dim3A_2367 = vector.shape_cast %xor3A_10 : vector<16xi32> to vector<16x1xi32>
        %gather3A_2368 = vector.shape_cast %broadcast_in_dim3A_2367 : vector<16x1xi32> to vector<16xi32>
        %gather3A_2369 = tpu.dynamic_gather %add3A_2366[%gather3A_2368] in [0] : vector<16xf32>, vector<16xi32> -> vector<16xf32>
        %add3A_2370 = arith.addf %add3A_2366, %gather3A_2369 : vector<16xf32>
        %broadcast_in_dim3A_2371 = vector.shape_cast %xor3A_13 : vector<16xi32> to vector<16x1xi32>
        %gather3A_2372 = vector.shape_cast %broadcast_in_dim3A_2371 : vector<16x1xi32> to vector<16xi32>
        %gather3A_2373 = tpu.dynamic_gather %add3A_2370[%gather3A_2372] in [0] : vector<16xf32>, vector<16xi32> -> vector<16xf32>
        %add3A_2374 = arith.addf %add3A_2370, %gather3A_2373 : vector<16xf32>
        %bitcast3A_2375 = vector.bitcast %add3A_2374 : vector<16xf32> to vector<16xi32>
        %shift_right_arithmetic3A_2376 = arith.constant 1 : i32
        %shift_right_arithmetic3A_2377 = vector.broadcast %shift_right_arithmetic3A_2376 : i32 to vector<16xi32>
        %shift_right_arithmetic3A_2378 = arith.shrsi %bitcast3A_2375, %shift_right_arithmetic3A_2377 : vector<16xi32>
        %sub3A_2379 = arith.constant 1597463007 : i32
        %sub3A_2380 = vector.broadcast %sub3A_2379 : i32 to vector<16xi32>
        %sub3A_2381 = arith.subi %sub3A_2380, %shift_right_arithmetic3A_2378 : vector<16xi32>
        %bitcast3A_2382 = vector.bitcast %sub3A_2381 : vector<16xi32> to vector<16xf32>
        %mul3A_2383 = arith.constant 5.000000e-01 : f32
        %mul3A_2384 = vector.broadcast %mul3A_2383 : f32 to vector<16xf32>
        %mul3A_2385 = arith.mulf %mul3A_2384, %add3A_2374 : vector<16xf32>
        %mul3A_2386 = arith.mulf %mul3A_2385, %bitcast3A_2382 : vector<16xf32>
        %mul3A_2387 = arith.mulf %mul3A_2386, %bitcast3A_2382 : vector<16xf32>
        %sub3A_2388 = arith.constant 1.500000e+00 : f32
        %sub3A_2389 = vector.broadcast %sub3A_2388 : f32 to vector<16xf32>
        %sub3A_2390 = arith.subf %sub3A_2389, %mul3A_2387 : vector<16xf32>
        %mul3A_2391 = arith.mulf %bitcast3A_2382, %sub3A_2390 : vector<16xf32>
        %mul3A_2392 = arith.constant 5.000000e-01 : f32
        %mul3A_2393 = vector.broadcast %mul3A_2392 : f32 to vector<16xf32>
        %mul3A_2394 = arith.mulf %mul3A_2393, %add3A_2374 : vector<16xf32>
        %mul3A_2395 = arith.mulf %mul3A_2394, %mul3A_2391 : vector<16xf32>
        %mul3A_2396 = arith.mulf %mul3A_2395, %mul3A_2391 : vector<16xf32>
        %sub3A_2397 = arith.constant 1.500000e+00 : f32
        %sub3A_2398 = vector.broadcast %sub3A_2397 : f32 to vector<16xf32>
        %sub3A_2399 = arith.subf %sub3A_2398, %mul3A_2396 : vector<16xf32>
        %mul3A_2400 = arith.mulf %mul3A_2391, %sub3A_2399 : vector<16xf32>
        %mul3A_2401 = arith.constant 5.000000e-01 : f32
        %mul3A_2402 = vector.broadcast %mul3A_2401 : f32 to vector<16xf32>
        %mul3A_2403 = arith.mulf %mul3A_2402, %add3A_2374 : vector<16xf32>
        %mul3A_2404 = arith.mulf %mul3A_2403, %mul3A_2400 : vector<16xf32>
        %mul3A_2405 = arith.mulf %mul3A_2404, %mul3A_2400 : vector<16xf32>
        %sub3A_2406 = arith.constant 1.500000e+00 : f32
        %sub3A_2407 = vector.broadcast %sub3A_2406 : f32 to vector<16xf32>
        %sub3A_2408 = arith.subf %sub3A_2407, %mul3A_2405 : vector<16xf32>
        %mul3A_2409 = arith.mulf %mul3A_2400, %sub3A_2408 : vector<16xf32>
        %mul3A_2410 = arith.mulf %get3A_2357, %mul3A_2409 : vector<16xf32>
        %add3A_2411 = arith.addf %add3A_2350, %mul3A_2410 : vector<16xf32>
        %mul3A_2412 = arith.constant 20 : i32
        %mul3A_2413 = arith.muli %scan3A_1438, %mul3A_2412 : i32
        %add3A_2414 = arith.constant 16 : i32
        %add3A_2415 = arith.addi %mul3A_2413, %add3A_2414 : i32
        %get3A_2416 = arith.index_cast %add3A_2415 : i32 to index
        %get3A_2417 = arith.constant 0 : index
        %get3A_2418 = tpu.vector_load %arg6[%get3A_2416, %get3A_2417] {strides = array<i32>} : memref<1280x16xf32, #tpu.memory_space<vmem>>, vector<16xf32>,
        %mul3A_2419 = arith.mulf %get3A_2418, %get3A_2418 : vector<16xf32>
        %broadcast_in_dim3A_2420 = vector.shape_cast %xor3A_4 : vector<16xi32> to vector<16x1xi32>
        %gather3A_2421 = vector.shape_cast %broadcast_in_dim3A_2420 : vector<16x1xi32> to vector<16xi32>
        %gather3A_2422 = tpu.dynamic_gather %mul3A_2419[%gather3A_2421] in [0] : vector<16xf32>, vector<16xi32> -> vector<16xf32>
        %add3A_2423 = arith.addf %mul3A_2419, %gather3A_2422 : vector<16xf32>
        %broadcast_in_dim3A_2424 = vector.shape_cast %xor3A_7 : vector<16xi32> to vector<16x1xi32>
        %gather3A_2425 = vector.shape_cast %broadcast_in_dim3A_2424 : vector<16x1xi32> to vector<16xi32>
        %gather3A_2426 = tpu.dynamic_gather %add3A_2423[%gather3A_2425] in [0] : vector<16xf32>, vector<16xi32> -> vector<16xf32>
        %add3A_2427 = arith.addf %add3A_2423, %gather3A_2426 : vector<16xf32>
        %broadcast_in_dim3A_2428 = vector.shape_cast %xor3A_10 : vector<16xi32> to vector<16x1xi32>
        %gather3A_2429 = vector.shape_cast %broadcast_in_dim3A_2428 : vector<16x1xi32> to vector<16xi32>
        %gather3A_2430 = tpu.dynamic_gather %add3A_2427[%gather3A_2429] in [0] : vector<16xf32>, vector<16xi32> -> vector<16xf32>
        %add3A_2431 = arith.addf %add3A_2427, %gather3A_2430 : vector<16xf32>
        %broadcast_in_dim3A_2432 = vector.shape_cast %xor3A_13 : vector<16xi32> to vector<16x1xi32>
        %gather3A_2433 = vector.shape_cast %broadcast_in_dim3A_2432 : vector<16x1xi32> to vector<16xi32>
        %gather3A_2434 = tpu.dynamic_gather %add3A_2431[%gather3A_2433] in [0] : vector<16xf32>, vector<16xi32> -> vector<16xf32>
        %add3A_2435 = arith.addf %add3A_2431, %gather3A_2434 : vector<16xf32>
        %bitcast3A_2436 = vector.bitcast %add3A_2435 : vector<16xf32> to vector<16xi32>
        %shift_right_arithmetic3A_2437 = arith.constant 1 : i32
        %shift_right_arithmetic3A_2438 = vector.broadcast %shift_right_arithmetic3A_2437 : i32 to vector<16xi32>
        %shift_right_arithmetic3A_2439 = arith.shrsi %bitcast3A_2436, %shift_right_arithmetic3A_2438 : vector<16xi32>
        %sub3A_2440 = arith.constant 1597463007 : i32
        %sub3A_2441 = vector.broadcast %sub3A_2440 : i32 to vector<16xi32>
        %sub3A_2442 = arith.subi %sub3A_2441, %shift_right_arithmetic3A_2439 : vector<16xi32>
        %bitcast3A_2443 = vector.bitcast %sub3A_2442 : vector<16xi32> to vector<16xf32>
        %mul3A_2444 = arith.constant 5.000000e-01 : f32
        %mul3A_2445 = vector.broadcast %mul3A_2444 : f32 to vector<16xf32>
        %mul3A_2446 = arith.mulf %mul3A_2445, %add3A_2435 : vector<16xf32>
        %mul3A_2447 = arith.mulf %mul3A_2446, %bitcast3A_2443 : vector<16xf32>
        %mul3A_2448 = arith.mulf %mul3A_2447, %bitcast3A_2443 : vector<16xf32>
        %sub3A_2449 = arith.constant 1.500000e+00 : f32
        %sub3A_2450 = vector.broadcast %sub3A_2449 : f32 to vector<16xf32>
        %sub3A_2451 = arith.subf %sub3A_2450, %mul3A_2448 : vector<16xf32>
        %mul3A_2452 = arith.mulf %bitcast3A_2443, %sub3A_2451 : vector<16xf32>
        %mul3A_2453 = arith.constant 5.000000e-01 : f32
        %mul3A_2454 = vector.broadcast %mul3A_2453 : f32 to vector<16xf32>
        %mul3A_2455 = arith.mulf %mul3A_2454, %add3A_2435 : vector<16xf32>
        %mul3A_2456 = arith.mulf %mul3A_2455, %mul3A_2452 : vector<16xf32>
        %mul3A_2457 = arith.mulf %mul3A_2456, %mul3A_2452 : vector<16xf32>
        %sub3A_2458 = arith.constant 1.500000e+00 : f32
        %sub3A_2459 = vector.broadcast %sub3A_2458 : f32 to vector<16xf32>
        %sub3A_2460 = arith.subf %sub3A_2459, %mul3A_2457 : vector<16xf32>
        %mul3A_2461 = arith.mulf %mul3A_2452, %sub3A_2460 : vector<16xf32>
        %mul3A_2462 = arith.constant 5.000000e-01 : f32
        %mul3A_2463 = vector.broadcast %mul3A_2462 : f32 to vector<16xf32>
        %mul3A_2464 = arith.mulf %mul3A_2463, %add3A_2435 : vector<16xf32>
        %mul3A_2465 = arith.mulf %mul3A_2464, %mul3A_2461 : vector<16xf32>
        %mul3A_2466 = arith.mulf %mul3A_2465, %mul3A_2461 : vector<16xf32>
        %sub3A_2467 = arith.constant 1.500000e+00 : f32
        %sub3A_2468 = vector.broadcast %sub3A_2467 : f32 to vector<16xf32>
        %sub3A_2469 = arith.subf %sub3A_2468, %mul3A_2466 : vector<16xf32>
        %mul3A_2470 = arith.mulf %mul3A_2461, %sub3A_2469 : vector<16xf32>
        %mul3A_2471 = arith.mulf %get3A_2418, %mul3A_2470 : vector<16xf32>
        %add3A_2472 = arith.addf %add3A_2411, %mul3A_2471 : vector<16xf32>
        %mul3A_2473 = arith.constant 20 : i32
        %mul3A_2474 = arith.muli %scan3A_1438, %mul3A_2473 : i32
        %add3A_2475 = arith.constant 17 : i32
        %add3A_2476 = arith.addi %mul3A_2474, %add3A_2475 : i32
        %get3A_2477 = arith.index_cast %add3A_2476 : i32 to index
        %get3A_2478 = arith.constant 0 : index
        %get3A_2479 = tpu.vector_load %arg6[%get3A_2477, %get3A_2478] {strides = array<i32>} : memref<1280x16xf32, #tpu.memory_space<vmem>>, vector<16xf32>,
        %mul3A_2480 = arith.mulf %get3A_2479, %get3A_2479 : vector<16xf32>
        %broadcast_in_dim3A_2481 = vector.shape_cast %xor3A_4 : vector<16xi32> to vector<16x1xi32>
        %gather3A_2482 = vector.shape_cast %broadcast_in_dim3A_2481 : vector<16x1xi32> to vector<16xi32>
        %gather3A_2483 = tpu.dynamic_gather %mul3A_2480[%gather3A_2482] in [0] : vector<16xf32>, vector<16xi32> -> vector<16xf32>
        %add3A_2484 = arith.addf %mul3A_2480, %gather3A_2483 : vector<16xf32>
        %broadcast_in_dim3A_2485 = vector.shape_cast %xor3A_7 : vector<16xi32> to vector<16x1xi32>
        %gather3A_2486 = vector.shape_cast %broadcast_in_dim3A_2485 : vector<16x1xi32> to vector<16xi32>
        %gather3A_2487 = tpu.dynamic_gather %add3A_2484[%gather3A_2486] in [0] : vector<16xf32>, vector<16xi32> -> vector<16xf32>
        %add3A_2488 = arith.addf %add3A_2484, %gather3A_2487 : vector<16xf32>
        %broadcast_in_dim3A_2489 = vector.shape_cast %xor3A_10 : vector<16xi32> to vector<16x1xi32>
        %gather3A_2490 = vector.shape_cast %broadcast_in_dim3A_2489 : vector<16x1xi32> to vector<16xi32>
        %gather3A_2491 = tpu.dynamic_gather %add3A_2488[%gather3A_2490] in [0] : vector<16xf32>, vector<16xi32> -> vector<16xf32>
        %add3A_2492 = arith.addf %add3A_2488, %gather3A_2491 : vector<16xf32>
        %broadcast_in_dim3A_2493 = vector.shape_cast %xor3A_13 : vector<16xi32> to vector<16x1xi32>
        %gather3A_2494 = vector.shape_cast %broadcast_in_dim3A_2493 : vector<16x1xi32> to vector<16xi32>
        %gather3A_2495 = tpu.dynamic_gather %add3A_2492[%gather3A_2494] in [0] : vector<16xf32>, vector<16xi32> -> vector<16xf32>
        %add3A_2496 = arith.addf %add3A_2492, %gather3A_2495 : vector<16xf32>
        %bitcast3A_2497 = vector.bitcast %add3A_2496 : vector<16xf32> to vector<16xi32>
        %shift_right_arithmetic3A_2498 = arith.constant 1 : i32
        %shift_right_arithmetic3A_2499 = vector.broadcast %shift_right_arithmetic3A_2498 : i32 to vector<16xi32>
        %shift_right_arithmetic3A_2500 = arith.shrsi %bitcast3A_2497, %shift_right_arithmetic3A_2499 : vector<16xi32>
        %sub3A_2501 = arith.constant 1597463007 : i32
        %sub3A_2502 = vector.broadcast %sub3A_2501 : i32 to vector<16xi32>
        %sub3A_2503 = arith.subi %sub3A_2502, %shift_right_arithmetic3A_2500 : vector<16xi32>
        %bitcast3A_2504 = vector.bitcast %sub3A_2503 : vector<16xi32> to vector<16xf32>
        %mul3A_2505 = arith.constant 5.000000e-01 : f32
        %mul3A_2506 = vector.broadcast %mul3A_2505 : f32 to vector<16xf32>
        %mul3A_2507 = arith.mulf %mul3A_2506, %add3A_2496 : vector<16xf32>
        %mul3A_2508 = arith.mulf %mul3A_2507, %bitcast3A_2504 : vector<16xf32>
        %mul3A_2509 = arith.mulf %mul3A_2508, %bitcast3A_2504 : vector<16xf32>
        %sub3A_2510 = arith.constant 1.500000e+00 : f32
        %sub3A_2511 = vector.broadcast %sub3A_2510 : f32 to vector<16xf32>
        %sub3A_2512 = arith.subf %sub3A_2511, %mul3A_2509 : vector<16xf32>
        %mul3A_2513 = arith.mulf %bitcast3A_2504, %sub3A_2512 : vector<16xf32>
        %mul3A_2514 = arith.constant 5.000000e-01 : f32
        %mul3A_2515 = vector.broadcast %mul3A_2514 : f32 to vector<16xf32>
        %mul3A_2516 = arith.mulf %mul3A_2515, %add3A_2496 : vector<16xf32>
        %mul3A_2517 = arith.mulf %mul3A_2516, %mul3A_2513 : vector<16xf32>
        %mul3A_2518 = arith.mulf %mul3A_2517, %mul3A_2513 : vector<16xf32>
        %sub3A_2519 = arith.constant 1.500000e+00 : f32
        %sub3A_2520 = vector.broadcast %sub3A_2519 : f32 to vector<16xf32>
        %sub3A_2521 = arith.subf %sub3A_2520, %mul3A_2518 : vector<16xf32>
        %mul3A_2522 = arith.mulf %mul3A_2513, %sub3A_2521 : vector<16xf32>
        %mul3A_2523 = arith.constant 5.000000e-01 : f32
        %mul3A_2524 = vector.broadcast %mul3A_2523 : f32 to vector<16xf32>
        %mul3A_2525 = arith.mulf %mul3A_2524, %add3A_2496 : vector<16xf32>
        %mul3A_2526 = arith.mulf %mul3A_2525, %mul3A_2522 : vector<16xf32>
        %mul3A_2527 = arith.mulf %mul3A_2526, %mul3A_2522 : vector<16xf32>
        %sub3A_2528 = arith.constant 1.500000e+00 : f32
        %sub3A_2529 = vector.broadcast %sub3A_2528 : f32 to vector<16xf32>
        %sub3A_2530 = arith.subf %sub3A_2529, %mul3A_2527 : vector<16xf32>
        %mul3A_2531 = arith.mulf %mul3A_2522, %sub3A_2530 : vector<16xf32>
        %mul3A_2532 = arith.mulf %get3A_2479, %mul3A_2531 : vector<16xf32>
        %add3A_2533 = arith.addf %add3A_2472, %mul3A_2532 : vector<16xf32>
        %mul3A_2534 = arith.constant 20 : i32
        %mul3A_2535 = arith.muli %scan3A_1438, %mul3A_2534 : i32
        %add3A_2536 = arith.constant 18 : i32
        %add3A_2537 = arith.addi %mul3A_2535, %add3A_2536 : i32
        %get3A_2538 = arith.index_cast %add3A_2537 : i32 to index
        %get3A_2539 = arith.constant 0 : index
        %get3A_2540 = tpu.vector_load %arg6[%get3A_2538, %get3A_2539] {strides = array<i32>} : memref<1280x16xf32, #tpu.memory_space<vmem>>, vector<16xf32>,
        %mul3A_2541 = arith.mulf %get3A_2540, %get3A_2540 : vector<16xf32>
        %broadcast_in_dim3A_2542 = vector.shape_cast %xor3A_4 : vector<16xi32> to vector<16x1xi32>
        %gather3A_2543 = vector.shape_cast %broadcast_in_dim3A_2542 : vector<16x1xi32> to vector<16xi32>
        %gather3A_2544 = tpu.dynamic_gather %mul3A_2541[%gather3A_2543] in [0] : vector<16xf32>, vector<16xi32> -> vector<16xf32>
        %add3A_2545 = arith.addf %mul3A_2541, %gather3A_2544 : vector<16xf32>
        %broadcast_in_dim3A_2546 = vector.shape_cast %xor3A_7 : vector<16xi32> to vector<16x1xi32>
        %gather3A_2547 = vector.shape_cast %broadcast_in_dim3A_2546 : vector<16x1xi32> to vector<16xi32>
        %gather3A_2548 = tpu.dynamic_gather %add3A_2545[%gather3A_2547] in [0] : vector<16xf32>, vector<16xi32> -> vector<16xf32>
        %add3A_2549 = arith.addf %add3A_2545, %gather3A_2548 : vector<16xf32>
        %broadcast_in_dim3A_2550 = vector.shape_cast %xor3A_10 : vector<16xi32> to vector<16x1xi32>
        %gather3A_2551 = vector.shape_cast %broadcast_in_dim3A_2550 : vector<16x1xi32> to vector<16xi32>
        %gather3A_2552 = tpu.dynamic_gather %add3A_2549[%gather3A_2551] in [0] : vector<16xf32>, vector<16xi32> -> vector<16xf32>
        %add3A_2553 = arith.addf %add3A_2549, %gather3A_2552 : vector<16xf32>
        %broadcast_in_dim3A_2554 = vector.shape_cast %xor3A_13 : vector<16xi32> to vector<16x1xi32>
        %gather3A_2555 = vector.shape_cast %broadcast_in_dim3A_2554 : vector<16x1xi32> to vector<16xi32>
        %gather3A_2556 = tpu.dynamic_gather %add3A_2553[%gather3A_2555] in [0] : vector<16xf32>, vector<16xi32> -> vector<16xf32>
        %add3A_2557 = arith.addf %add3A_2553, %gather3A_2556 : vector<16xf32>
        %bitcast3A_2558 = vector.bitcast %add3A_2557 : vector<16xf32> to vector<16xi32>
        %shift_right_arithmetic3A_2559 = arith.constant 1 : i32
        %shift_right_arithmetic3A_2560 = vector.broadcast %shift_right_arithmetic3A_2559 : i32 to vector<16xi32>
        %shift_right_arithmetic3A_2561 = arith.shrsi %bitcast3A_2558, %shift_right_arithmetic3A_2560 : vector<16xi32>
        %sub3A_2562 = arith.constant 1597463007 : i32
        %sub3A_2563 = vector.broadcast %sub3A_2562 : i32 to vector<16xi32>
        %sub3A_2564 = arith.subi %sub3A_2563, %shift_right_arithmetic3A_2561 : vector<16xi32>
        %bitcast3A_2565 = vector.bitcast %sub3A_2564 : vector<16xi32> to vector<16xf32>
        %mul3A_2566 = arith.constant 5.000000e-01 : f32
        %mul3A_2567 = vector.broadcast %mul3A_2566 : f32 to vector<16xf32>
        %mul3A_2568 = arith.mulf %mul3A_2567, %add3A_2557 : vector<16xf32>
        %mul3A_2569 = arith.mulf %mul3A_2568, %bitcast3A_2565 : vector<16xf32>
        %mul3A_2570 = arith.mulf %mul3A_2569, %bitcast3A_2565 : vector<16xf32>
        %sub3A_2571 = arith.constant 1.500000e+00 : f32
        %sub3A_2572 = vector.broadcast %sub3A_2571 : f32 to vector<16xf32>
        %sub3A_2573 = arith.subf %sub3A_2572, %mul3A_2570 : vector<16xf32>
        %mul3A_2574 = arith.mulf %bitcast3A_2565, %sub3A_2573 : vector<16xf32>
        %mul3A_2575 = arith.constant 5.000000e-01 : f32
        %mul3A_2576 = vector.broadcast %mul3A_2575 : f32 to vector<16xf32>
        %mul3A_2577 = arith.mulf %mul3A_2576, %add3A_2557 : vector<16xf32>
        %mul3A_2578 = arith.mulf %mul3A_2577, %mul3A_2574 : vector<16xf32>
        %mul3A_2579 = arith.mulf %mul3A_2578, %mul3A_2574 : vector<16xf32>
        %sub3A_2580 = arith.constant 1.500000e+00 : f32
        %sub3A_2581 = vector.broadcast %sub3A_2580 : f32 to vector<16xf32>
        %sub3A_2582 = arith.subf %sub3A_2581, %mul3A_2579 : vector<16xf32>
        %mul3A_2583 = arith.mulf %mul3A_2574, %sub3A_2582 : vector<16xf32>
        %mul3A_2584 = arith.constant 5.000000e-01 : f32
        %mul3A_2585 = vector.broadcast %mul3A_2584 : f32 to vector<16xf32>
        %mul3A_2586 = arith.mulf %mul3A_2585, %add3A_2557 : vector<16xf32>
        %mul3A_2587 = arith.mulf %mul3A_2586, %mul3A_2583 : vector<16xf32>
        %mul3A_2588 = arith.mulf %mul3A_2587, %mul3A_2583 : vector<16xf32>
        %sub3A_2589 = arith.constant 1.500000e+00 : f32
        %sub3A_2590 = vector.broadcast %sub3A_2589 : f32 to vector<16xf32>
        %sub3A_2591 = arith.subf %sub3A_2590, %mul3A_2588 : vector<16xf32>
        %mul3A_2592 = arith.mulf %mul3A_2583, %sub3A_2591 : vector<16xf32>
        %mul3A_2593 = arith.mulf %get3A_2540, %mul3A_2592 : vector<16xf32>
        %add3A_2594 = arith.addf %add3A_2533, %mul3A_2593 : vector<16xf32>
        %mul3A_2595 = arith.constant 20 : i32
        %mul3A_2596 = arith.muli %scan3A_1438, %mul3A_2595 : i32
        %add3A_2597 = arith.constant 19 : i32
        %add3A_2598 = arith.addi %mul3A_2596, %add3A_2597 : i32
        %get3A_2599 = arith.index_cast %add3A_2598 : i32 to index
        %get3A_2600 = arith.constant 0 : index
        %get3A_2601 = tpu.vector_load %arg6[%get3A_2599, %get3A_2600] {strides = array<i32>} : memref<1280x16xf32, #tpu.memory_space<vmem>>, vector<16xf32>,
        %mul3A_2602 = arith.mulf %get3A_2601, %get3A_2601 : vector<16xf32>
        %broadcast_in_dim3A_2603 = vector.shape_cast %xor3A_4 : vector<16xi32> to vector<16x1xi32>
        %gather3A_2604 = vector.shape_cast %broadcast_in_dim3A_2603 : vector<16x1xi32> to vector<16xi32>
        %gather3A_2605 = tpu.dynamic_gather %mul3A_2602[%gather3A_2604] in [0] : vector<16xf32>, vector<16xi32> -> vector<16xf32>
        %add3A_2606 = arith.addf %mul3A_2602, %gather3A_2605 : vector<16xf32>
        %broadcast_in_dim3A_2607 = vector.shape_cast %xor3A_7 : vector<16xi32> to vector<16x1xi32>
        %gather3A_2608 = vector.shape_cast %broadcast_in_dim3A_2607 : vector<16x1xi32> to vector<16xi32>
        %gather3A_2609 = tpu.dynamic_gather %add3A_2606[%gather3A_2608] in [0] : vector<16xf32>, vector<16xi32> -> vector<16xf32>
        %add3A_2610 = arith.addf %add3A_2606, %gather3A_2609 : vector<16xf32>
        %broadcast_in_dim3A_2611 = vector.shape_cast %xor3A_10 : vector<16xi32> to vector<16x1xi32>
        %gather3A_2612 = vector.shape_cast %broadcast_in_dim3A_2611 : vector<16x1xi32> to vector<16xi32>
        %gather3A_2613 = tpu.dynamic_gather %add3A_2610[%gather3A_2612] in [0] : vector<16xf32>, vector<16xi32> -> vector<16xf32>
        %add3A_2614 = arith.addf %add3A_2610, %gather3A_2613 : vector<16xf32>
        %broadcast_in_dim3A_2615 = vector.shape_cast %xor3A_13 : vector<16xi32> to vector<16x1xi32>
        %gather3A_2616 = vector.shape_cast %broadcast_in_dim3A_2615 : vector<16x1xi32> to vector<16xi32>
        %gather3A_2617 = tpu.dynamic_gather %add3A_2614[%gather3A_2616] in [0] : vector<16xf32>, vector<16xi32> -> vector<16xf32>
        %add3A_2618 = arith.addf %add3A_2614, %gather3A_2617 : vector<16xf32>
        %bitcast3A_2619 = vector.bitcast %add3A_2618 : vector<16xf32> to vector<16xi32>
        %shift_right_arithmetic3A_2620 = arith.constant 1 : i32
        %shift_right_arithmetic3A_2621 = vector.broadcast %shift_right_arithmetic3A_2620 : i32 to vector<16xi32>
        %shift_right_arithmetic3A_2622 = arith.shrsi %bitcast3A_2619, %shift_right_arithmetic3A_2621 : vector<16xi32>
        %sub3A_2623 = arith.constant 1597463007 : i32
        %sub3A_2624 = vector.broadcast %sub3A_2623 : i32 to vector<16xi32>
        %sub3A_2625 = arith.subi %sub3A_2624, %shift_right_arithmetic3A_2622 : vector<16xi32>
        %bitcast3A_2626 = vector.bitcast %sub3A_2625 : vector<16xi32> to vector<16xf32>
        %mul3A_2627 = arith.constant 5.000000e-01 : f32
        %mul3A_2628 = vector.broadcast %mul3A_2627 : f32 to vector<16xf32>
        %mul3A_2629 = arith.mulf %mul3A_2628, %add3A_2618 : vector<16xf32>
        %mul3A_2630 = arith.mulf %mul3A_2629, %bitcast3A_2626 : vector<16xf32>
        %mul3A_2631 = arith.mulf %mul3A_2630, %bitcast3A_2626 : vector<16xf32>
        %sub3A_2632 = arith.constant 1.500000e+00 : f32
        %sub3A_2633 = vector.broadcast %sub3A_2632 : f32 to vector<16xf32>
        %sub3A_2634 = arith.subf %sub3A_2633, %mul3A_2631 : vector<16xf32>
        %mul3A_2635 = arith.mulf %bitcast3A_2626, %sub3A_2634 : vector<16xf32>
        %mul3A_2636 = arith.constant 5.000000e-01 : f32
        %mul3A_2637 = vector.broadcast %mul3A_2636 : f32 to vector<16xf32>
        %mul3A_2638 = arith.mulf %mul3A_2637, %add3A_2618 : vector<16xf32>
        %mul3A_2639 = arith.mulf %mul3A_2638, %mul3A_2635 : vector<16xf32>
        %mul3A_2640 = arith.mulf %mul3A_2639, %mul3A_2635 : vector<16xf32>
        %sub3A_2641 = arith.constant 1.500000e+00 : f32
        %sub3A_2642 = vector.broadcast %sub3A_2641 : f32 to vector<16xf32>
        %sub3A_2643 = arith.subf %sub3A_2642, %mul3A_2640 : vector<16xf32>
        %mul3A_2644 = arith.mulf %mul3A_2635, %sub3A_2643 : vector<16xf32>
        %mul3A_2645 = arith.constant 5.000000e-01 : f32
        %mul3A_2646 = vector.broadcast %mul3A_2645 : f32 to vector<16xf32>
        %mul3A_2647 = arith.mulf %mul3A_2646, %add3A_2618 : vector<16xf32>
        %mul3A_2648 = arith.mulf %mul3A_2647, %mul3A_2644 : vector<16xf32>
        %mul3A_2649 = arith.mulf %mul3A_2648, %mul3A_2644 : vector<16xf32>
        %sub3A_2650 = arith.constant 1.500000e+00 : f32
        %sub3A_2651 = vector.broadcast %sub3A_2650 : f32 to vector<16xf32>
        %sub3A_2652 = arith.subf %sub3A_2651, %mul3A_2649 : vector<16xf32>
        %mul3A_2653 = arith.mulf %mul3A_2644, %sub3A_2652 : vector<16xf32>
        %mul3A_2654 = arith.mulf %get3A_2601, %mul3A_2653 : vector<16xf32>
        %add3A_2655 = arith.addf %add3A_2594, %mul3A_2654 : vector<16xf32>
        %mul3A_2656 = arith.mulf %add3A_2655, %add3A_2655 : vector<16xf32>
        %broadcast_in_dim3A_2657 = vector.shape_cast %xor3A_4 : vector<16xi32> to vector<16x1xi32>
        %gather3A_2658 = vector.shape_cast %broadcast_in_dim3A_2657 : vector<16x1xi32> to vector<16xi32>
        %gather3A_2659 = tpu.dynamic_gather %mul3A_2656[%gather3A_2658] in [0] : vector<16xf32>, vector<16xi32> -> vector<16xf32>
        %add3A_2660 = arith.addf %mul3A_2656, %gather3A_2659 : vector<16xf32>
        %broadcast_in_dim3A_2661 = vector.shape_cast %xor3A_7 : vector<16xi32> to vector<16x1xi32>
        %gather3A_2662 = vector.shape_cast %broadcast_in_dim3A_2661 : vector<16x1xi32> to vector<16xi32>
        %gather3A_2663 = tpu.dynamic_gather %add3A_2660[%gather3A_2662] in [0] : vector<16xf32>, vector<16xi32> -> vector<16xf32>
        %add3A_2664 = arith.addf %add3A_2660, %gather3A_2663 : vector<16xf32>
        %broadcast_in_dim3A_2665 = vector.shape_cast %xor3A_10 : vector<16xi32> to vector<16x1xi32>
        %gather3A_2666 = vector.shape_cast %broadcast_in_dim3A_2665 : vector<16x1xi32> to vector<16xi32>
        %gather3A_2667 = tpu.dynamic_gather %add3A_2664[%gather3A_2666] in [0] : vector<16xf32>, vector<16xi32> -> vector<16xf32>
        %add3A_2668 = arith.addf %add3A_2664, %gather3A_2667 : vector<16xf32>
        %broadcast_in_dim3A_2669 = vector.shape_cast %xor3A_13 : vector<16xi32> to vector<16x1xi32>
        %gather3A_2670 = vector.shape_cast %broadcast_in_dim3A_2669 : vector<16x1xi32> to vector<16xi32>
        %gather3A_2671 = tpu.dynamic_gather %add3A_2668[%gather3A_2670] in [0] : vector<16xf32>, vector<16xi32> -> vector<16xf32>
        %add3A_2672 = arith.addf %add3A_2668, %gather3A_2671 : vector<16xf32>
        %bitcast3A_2673 = vector.bitcast %add3A_2672 : vector<16xf32> to vector<16xi32>
        %shift_right_arithmetic3A_2674 = arith.constant 1 : i32
        %shift_right_arithmetic3A_2675 = vector.broadcast %shift_right_arithmetic3A_2674 : i32 to vector<16xi32>
        %shift_right_arithmetic3A_2676 = arith.shrsi %bitcast3A_2673, %shift_right_arithmetic3A_2675 : vector<16xi32>
        %sub3A_2677 = arith.constant 1597463007 : i32
        %sub3A_2678 = vector.broadcast %sub3A_2677 : i32 to vector<16xi32>
        %sub3A_2679 = arith.subi %sub3A_2678, %shift_right_arithmetic3A_2676 : vector<16xi32>
        %bitcast3A_2680 = vector.bitcast %sub3A_2679 : vector<16xi32> to vector<16xf32>
        %mul3A_2681 = arith.constant 5.000000e-01 : f32
        %mul3A_2682 = vector.broadcast %mul3A_2681 : f32 to vector<16xf32>
        %mul3A_2683 = arith.mulf %mul3A_2682, %add3A_2672 : vector<16xf32>
        %mul3A_2684 = arith.mulf %mul3A_2683, %bitcast3A_2680 : vector<16xf32>
        %mul3A_2685 = arith.mulf %mul3A_2684, %bitcast3A_2680 : vector<16xf32>
        %sub3A_2686 = arith.constant 1.500000e+00 : f32
        %sub3A_2687 = vector.broadcast %sub3A_2686 : f32 to vector<16xf32>
        %sub3A_2688 = arith.subf %sub3A_2687, %mul3A_2685 : vector<16xf32>
        %mul3A_2689 = arith.mulf %bitcast3A_2680, %sub3A_2688 : vector<16xf32>
        %mul3A_2690 = arith.constant 5.000000e-01 : f32
        %mul3A_2691 = vector.broadcast %mul3A_2690 : f32 to vector<16xf32>
        %mul3A_2692 = arith.mulf %mul3A_2691, %add3A_2672 : vector<16xf32>
        %mul3A_2693 = arith.mulf %mul3A_2692, %mul3A_2689 : vector<16xf32>
        %mul3A_2694 = arith.mulf %mul3A_2693, %mul3A_2689 : vector<16xf32>
        %sub3A_2695 = arith.constant 1.500000e+00 : f32
        %sub3A_2696 = vector.broadcast %sub3A_2695 : f32 to vector<16xf32>
        %sub3A_2697 = arith.subf %sub3A_2696, %mul3A_2694 : vector<16xf32>
        %mul3A_2698 = arith.mulf %mul3A_2689, %sub3A_2697 : vector<16xf32>
        %mul3A_2699 = arith.constant 5.000000e-01 : f32
        %mul3A_2700 = vector.broadcast %mul3A_2699 : f32 to vector<16xf32>
        %mul3A_2701 = arith.mulf %mul3A_2700, %add3A_2672 : vector<16xf32>
        %mul3A_2702 = arith.mulf %mul3A_2701, %mul3A_2698 : vector<16xf32>
        %mul3A_2703 = arith.mulf %mul3A_2702, %mul3A_2698 : vector<16xf32>
        %sub3A_2704 = arith.constant 1.500000e+00 : f32
        %sub3A_2705 = vector.broadcast %sub3A_2704 : f32 to vector<16xf32>
        %sub3A_2706 = arith.subf %sub3A_2705, %mul3A_2703 : vector<16xf32>
        %mul3A_2707 = arith.mulf %mul3A_2698, %sub3A_2706 : vector<16xf32>
        %mul3A_2708 = arith.mulf %add3A_2655, %mul3A_2707 : vector<16xf32>
        %mul3A_2709 = arith.constant 64 : i32
        %mul3A_2710 = arith.muli %scan3A_22, %mul3A_2709 : i32
        %add3A_2711 = arith.addi %mul3A_2710, %scan3A_1438 : i32
        %swap3A = arith.index_cast %add3A_2711 : i32 to index
        %swap3A_2712 = arith.constant 0 : index
        %swap3A_2713 = tpu.vector_load %arg7[%swap3A, %swap3A_2712] {strides = array<i32>} : memref<512x16xf32, #tpu.memory_space<vmem>>, vector<16xf32>,
        tpu.vector_store %arg7[%swap3A, %swap3A_2712], %mul3A_2708 {strides = array<i32>} : memref<512x16xf32, #tpu.memory_space<vmem>>, vector<16xf32>,
        %scan3A_2714 = arith.constant 0 : i32
        scf.yield %scan3A_2714 : i32
      }
      %scan3A_1436 = arith.constant 64 : i32
      %scan3A_1437 = arith.constant 0 : i32
      scf.yield %scan3A_1437 : i32
    }
    %scan3A_19 = arith.constant 8 : i32
    %mul3A_20 = arith.constant 512 : i32
    %mul3A_21 = arith.muli %add3A, %mul3A_20 : i32
    "tpu.region"() ({
      %run_scoped3A = tpu.sem_alloc : memref<!tpu.dma_semaphore, #tpu.memory_space<semaphore_mem>>
      %dma_start3A = arith.constant 0 : i32
      %dma_start3A_22 = tpu.memref_slice %arg4[%mul3A_21, %dma_start3A] : memref<16384x16xf32, #tpu.memory_space<hbm>> -> memref<512x16xf32, #tpu.memory_space<hbm>>
      %dma_start3A_23 = arith.constant 0 : i32
      %dma_start3A_24 = tpu.memref_slice %arg4[%mul3A_21, %dma_start3A_23] : memref<16384x16xf32, #tpu.memory_space<hbm>> -> memref<512x16xf32, #tpu.memory_space<hbm>>
      tpu.enqueue_dma source(%arg7 : memref<512x16xf32, #tpu.memory_space<vmem>>) target(%dma_start3A_24 : memref<512x16xf32, #tpu.memory_space<hbm>>) target_semaphore(%run_scoped3A : memref<!tpu.dma_semaphore, #tpu.memory_space<semaphore_mem>>)
      %dma_wait3A = arith.constant 0 : i32
      %dma_wait3A_25 = tpu.memref_slice %arg4[%mul3A_21, %dma_wait3A] : memref<16384x16xf32, #tpu.memory_space<hbm>> -> memref<512x16xf32, #tpu.memory_space<hbm>>
      %dma_wait3A_26 = arith.constant 0 : i32
      %dma_wait3A_27 = tpu.memref_slice %arg4[%mul3A_21, %dma_wait3A_26] : memref<16384x16xf32, #tpu.memory_space<hbm>> -> memref<512x16xf32, #tpu.memory_space<hbm>>
      tpu.wait_dma2 semaphore(%run_scoped3A : memref<!tpu.dma_semaphore, #tpu.memory_space<semaphore_mem>>) src(%arg7 : memref<512x16xf32, #tpu.memory_space<vmem>>) dst(%dma_wait3A_27 : memref<512x16xf32, #tpu.memory_space<hbm>>)
      tpu.yield
    }) : () -> ()
    return
  }
}

</mosaic_0001>

<sc_bundles>
// kernel: kernel.3.cloned.1.call-start
scs
__scs_entry_jumppad:
0x0: {  	(pc) =	sbr.rel $0x88, $3  }
0x1: {  	(tag) =	ssettag $0x0;
	lr =	simm.s32 $0x1  }
0x2: {  	[smem:$0x3F9F] =	sst lr;
	_ =	strace $0xD0000000  }
0x3: {  	_ = 	snop  }
0x4: {  	_ = 	snop  }
0x5: {  	_ = 	snop  }
0x6: {  	_ = 	snop  }
0x7: {  	_ = 	snop  }
__scs_overlays_trampoline_lowered:
0x8: {  	[smem:$0x3FAE] =	sst s0  }
0x9: {  	[smem:$0x3FAF] =	sst s1  }
0xa: {  	[smem:$0x3FB0] =	sst s2  }
0xb: {  	[smem:$0x3FB1] =	sst s3  }
0xc: {  	[smem:$0x3FB2] =	sst s4  }
0xd: {  	[smem:$0x3FB3] =	sst s5  }
0xe: {  	[smem:$0x3FB4] =	sst s6  }
0xf: {  	[smem:$0x3FB5] =	sst s7  }
0x10: {  	[smem:$0x3FB6] =	sst s8  }
0x11: {  	[smem:$0x3FB7] =	sst s9;
	s0 =	simm.s32 @!p0 $0x0  }
0x12: {  	s1 =	sld [smem:$0x3F9D];
	s0 =	simm.s32 @p0 $0x1  }
0x13: {  	[smem:$0x3FB8] =	sst s0;
	s0 =	simm.s32 @!p1 $0x0  }
0x14: {  	s2 =	sld [smem:$0x3F9C];
	s0 =	simm.s32 @p1 $0x1  }
0x15: {  	[smem:$0x3FB9] =	sst s0;
	s0 =	simm.s32 @!p2 $0x0  }
0x16: {  	s3 =	sld [smem:$0x3FDB];
	s0 =	simm.s32 @p2 $0x1  }
0x17: {  	s4 =	simm.s32 $0x1BF5;
	[smem:$0x3FBB] =	sst s0  }
0x18: {  	s0 =	sld [smem:$0x3F9E];
	_ =	swait.ge [sflag:s4], $0x0  }
0x19: {  	s7 =	sld [smem:$0x3F9F]  }
0x1a: {  	s8 =	sadd.s32 $0xFFFFE003, lr  }
0x1b: {  	s9 =	sadd.s32 $0xFFFFFEF7, lr;
	s5 =	simm.s32 $0xFFFFFFFF;
	p2 =	slt.u32 s8, $0xFFFFF086  }
0x1c: {  	p1 =	slt.u32 s9, $0xF7A;
	s5 =	simm.s32 @!p2 $0x0  }
0x1d: {  	s5 =	simm.s32 @p1 $0x1;
	p0 =	seq.s32 s7, s2  }
0x1e: {  	s7 =	smul.u32 @!p0 $0xF7A, s2;
	p2 =	seq.s32 @!p0 s5, $0x0  }
0x1f: {  	s9 =	smul.u32 $0xF7A, s1;
	s8 =	simm.s32 @!p0 $0x1BF5;
	p2 =	por !p2, p0  }
0x20: {  	[sflag:s8] =	ssyncset.s32 @!p0 $0xFFFFF086;
	s6 =	sadd.s32 @!p0 s3, s7;
	s7 =	simm.s32 @!p0 $0x108  }
0x21: {  	s3 =	sadd.s32 s3, s9;
	s6 =	sadd.s32 @!p0 $0x88, s6;
	s7 =	simm.s32 @p2 $0x1082  }
0x22: {  	[simem:s7], [sflag:s8] =	dma.local @!p0 [hbm:s6], $0xF7A  }
0x23: {  	s9 =	sor.u32 $0xD0000000, s2;
	s6 =	simm.s32 $0x108;
	_ =	swait.ge @!p0 [sflag:s8], $0x0  }
0x24: {  	s3 =	sadd.s32 $0x88, s3;
	s6 =	simm.s32 @!p1 $0x1082;
	[sflag:s4] =	ssyncset.s32 $0xFFFFF086  }
0x25: {  	[simem:s6], [sflag:s4] =	dma.local [hbm:s3], $0xF7A  }
0x26: {  	[smem:$0x3F9F] =	sst s1;
	(tag) =	ssettag s2;
	_ =	strace s9  }
0x27: {  	s1 =	sld [smem:$0x3FAF]  }
0x28: {  	s2 =	sld [smem:$0x3FB0]  }
0x29: {  	s4 =	sld [smem:$0x3FB2]  }
0x2a: {  	p0 =	seq.s32 s5, $0x0;
	s5 =	sld [smem:$0x3FB3]  }
0x2b: {  	s6 =	sld [smem:$0x3FB4]  }
0x2c: {  	s7 =	sld [smem:$0x3FB5]  }
0x2d: {  	s3 =	simm.s32 $0x108;
	s8 =	sld [smem:$0x3FB6]  }
0x2e: {  	s3 =	simm.s32 @!p0 $0x1082;
	s9 =	sld [smem:$0x3FB7]  }
0x2f: {  	lr =	sadd.s32 s0, s3;
	s0 =	sld [smem:$0x3FAE]  }
0x30: {  	s3 =	sld [smem:$0x3FB1]  }
0x31: {  	[smem:$0x3FBA] =	sst s10  }
0x32: {  	s10 =	sld [smem:$0x3FB8];
	_ =	sdelay $0x3  }
0x33: {  	p0 =	seq.s32 s10, $0x1;
	s10 =	sld [smem:$0x3FBA];
	_ =	sdelay $0x3  }
0x34: {  	[smem:$0x3FBA] =	sst s10  }
0x35: {  	s10 =	sld [smem:$0x3FB9];
	_ =	sdelay $0x3  }
0x36: {  	p1 =	seq.s32 s10, $0x1;
	s10 =	sld [smem:$0x3FBA];
	_ =	sdelay $0x3  }
0x37: {  	[smem:$0x3FBA] =	sst s10  }
0x38: {  	s10 =	sld [smem:$0x3FBB]  }
0x39: {  	_ = 	snop;
	(pc) =	sbr.ind lr, $3  }
0x3a: {  	_ = 	snop  }
0x3b: {  	_ = 	snop  }
0x3c: {  	p2 =	seq.s32 s10, $0x1;
	s10 =	sld [smem:$0x3FBA]  }
0x3d: {  	_ =	shalt  }
0x3e: {  	_ =	shalt  }
0x3f: {  	_ =	shalt  }
0x40: {  	_ =	shalt  }
0x41: {  	_ =	shalt  }
0x42: {  	_ =	shalt  }
0x43: {  	_ =	shalt  }
0x44: {  	_ =	shalt  }
0x45: {  	_ =	shalt  }
0x46: {  	_ =	shalt  }
0x47: {  	_ =	shalt  }
0x48: {  	_ =	shalt  }
0x49: {  	_ =	shalt  }
0x4a: {  	_ =	shalt  }
0x4b: {  	_ =	shalt  }
0x4c: {  	_ =	shalt  }
0x4d: {  	_ =	shalt  }
0x4e: {  	_ =	shalt  }
0x4f: {  	_ =	shalt  }
0x50: {  	_ =	shalt  }
0x51: {  	_ =	shalt  }
0x52: {  	_ =	shalt  }
0x53: {  	_ =	shalt  }
0x54: {  	_ =	shalt  }
0x55: {  	_ =	shalt  }
0x56: {  	_ =	shalt  }
0x57: {  	_ =	shalt  }
0x58: {  	_ =	shalt  }
0x59: {  	_ =	shalt  }
0x5a: {  	_ =	shalt  }
0x5b: {  	_ =	shalt  }
0x5c: {  	_ =	shalt  }
0x5d: {  	_ =	shalt  }
0x5e: {  	_ =	shalt  }
0x5f: {  	_ =	shalt  }
0x60: {  	_ =	shalt  }
0x61: {  	_ =	shalt  }
0x62: {  	_ =	shalt  }
0x63: {  	_ =	shalt  }
0x64: {  	_ =	shalt  }
0x65: {  	_ =	shalt  }
0x66: {  	_ =	shalt  }
0x67: {  	_ =	shalt  }
0x68: {  	_ =	shalt  }
0x69: {  	_ =	shalt  }
0x6a: {  	_ =	shalt  }
0x6b: {  	_ =	shalt  }
0x6c: {  	_ =	shalt  }
0x6d: {  	_ =	shalt  }
0x6e: {  	_ =	shalt  }
0x6f: {  	_ =	shalt  }
0x70: {  	_ =	shalt  }
0x71: {  	_ =	shalt  }
0x72: {  	_ =	shalt  }
0x73: {  	_ =	shalt  }
0x74: {  	_ =	shalt  }
0x75: {  	_ =	shalt  }
0x76: {  	_ =	shalt  }
0x77: {  	_ =	shalt  }
0x78: {  	_ =	shalt  }
0x79: {  	_ =	shalt  }
0x7a: {  	_ =	shalt  }
0x7b: {  	_ =	shalt  }
0x7c: {  	_ =	shalt  }
0x7d: {  	_ =	shalt  }
0x7e: {  	_ =	shalt  }
0x7f: {  	_ =	shalt  }
0x80: {  	_ =	shalt  }
0x81: {  	_ =	shalt  }
0x82: {  	_ =	shalt  }
0x83: {  	_ =	shalt  }
0x84: {  	_ =	shalt  }
0x85: {  	_ =	shalt  }
0x86: {  	_ =	shalt  }
0x87: {  	_ =	shalt  }
.Lfunc_end0:
.L_simem_size_0:
called_computation_lowered:
.L_overlay_start_0:
0x88: {  	s2 =	sld [smem:$0x3FD9]  }
0x89: {  	s3 =	sld [smem:$0x3FFE];
	_ =	sdelay $0x1  }
0x8a: {  	s1 =	srdreg.scid  }
0x8b: {  	s0 =	sand.u32 $0x1, s1  }
0x8c: {  	s17 =	sshll.u32 s0, $0xA;
	s2 =	sadd.s32 s3, s2  }
0x8d: {  	s2 =	sadd.s32 s2, s17  }
0x8e: {  	[smem:$0x3FC6] =	sst s2  }
0x8f: {  	_ = 	snop  }
0x90: {  	s2 =	sld [smem:$0x3FD0];
	(tm) =	ssettm $0x1  }
0x91: {  	s18 =	sld [smem:$0x3FFB];
	_ =	sdelay $0x3  }
0x92: {  	_ =	strace s18  }
0x93: {  	s3 =	sld [smem:$0x3FFC];
	_ =	sdelay $0x3  }
0x94: {  	_ =	strace s3  }
0x95: {  	s3 =	sld [smem:$0x3FFD];
	_ =	sdelay $0x3  }
0x96: {  	_ =	strace s3  }
0x97: {  	_ =	strace $0x8FFFFFFF  }
0x98: {  	s19 =	sld [smem:$0x3FDB];
	_ =	sdelay $0x1  }
0x99: {  	s4 =	simm.s32 $_scs_section_size  }
0x9a: {  	s5 =	simm.s32 $_size__tile_overlayer_lowered;
	s6 =	simm.s32 $_tile_overlayer_lowered  }
0x9b: {  	s22 =	simm.s32 $0x1BFF;
	s21 =	sshll.u32 s6, $0x1;
	s3 =	sadd.s32 s4, s19  }
0x9c: {  	s7 =	simm.s32 $0x0;
	s20 =	sshll.u32 s5, $0x1;
	s5 =	sadd.s32 s21, s3  }
0x9d: {  	[timem:s7], [sflag:s22] =	dma.local [hbm:s5], s20  }
0x9e: {  	_ =	swait.ge [sflag:s22], s20  }
0x9f: {  	s4 =	ssub.s32 $0x0, s20;
	[sflag:s22] =	ssyncset.done $0x0  }
0xa0: {  	[sflag:s22] =	ssyncadd.s32 s4;
	_ =	sdelay $0x1  }
0xa1: {  	s23 =	simm.s32 $0x1B8B  }
0xa2: {  	_ =	swait.ge [sflag:s23], $0x1  }
0xa3: {  	[sflag:s23] =	ssyncset.done $0x0  }
0xa4: {  	s25 =	simm.s32 $0x1B8E;
	s24 =	sld [smem:$0x3FFE];
	[sflag:s23] =	ssyncadd.s32 $0xFFFFFFFF  }
0xa5: {  	s26 =	simm.s32 $execute0_lowered;
	[smem:$0x3FD2] =	sst s25  }
0xa6: {  	s5 =	sshll.u32 s26, $0x1;
	_ =	strace $0x80000046;
	[dreg:$0x1] =	wrdreg $0xFFFFFFFF  }
0xa7: {  	s28 =	simm.s32 $_size_execute0_lowered;
	s3 =	sadd.s32 s3, s5;
	[dreg:$0x0] =	wrdreg $0x0  }
0xa8: {  	s5 =	sshll.u32 s28, $0x1;
	[dreg:$0x2] =	wrdreg s3  }
0xa9: {  	[dreg:$0x3] =	wrdreg s5  }
0xaa: {  	[dreg:$0x4] =	wrdreg $0xC0  }
0xab: {  	_ =	task [dreg:s7], $0x5FFFF  }
0xac: {  	[dreg:$0x1] =	wrdreg $0xFFFFFFFF  }
0xad: {  	[dreg:$0x0] =	wrdreg $0x60  }
0xae: {  	[dreg:$0x2] =	wrdreg s24  }
0xaf: {  	[dreg:$0x3] =	wrdreg s2  }
0xb0: {  	[dreg:$0x4] =	wrdreg $0x9  }
0xb1: {  	_ =	task.clear_ibuf [dreg:s7], $0x5FFFF;
	_ =	strace $0x90000046  }
0xb2: {  	s29 =	simm.s32 $0x9;
	_ =	strace $0x80000048  }
0xb3: {  	_ =	swait.ge [sflag:s29], $0x1  }
0xb4: {  	[sflag:s29] =	ssyncadd.s32 $0xFFFFFFFF  }
0xb5: {  	_ =	strace $0x90000048  }
0xb6: {  	_ =	sfence  }
0xb7: {  	s30 =	sld [smem:$0x0];
	_ =	sdelay $0x2  }
0xb8: {  	s31 =	sshll.u32 s1, $0xD;
	s1 =	sshrl.u32 s1, $0x2  }
0xb9: {  	s3 =	sand.u32 $0x4000, s31;
	s1 =	sadd.s32 s1, s30  }
0xba: {  	s0 =	sor.u32 s3, s0;
	s1 =	sshll.u32 s1, $0x11  }
0xbb: {  	s0 =	sor.u32 s1, s0  }
0xbc: {  	s0 =	sadd.s32 $0x8F2B, s0  }
0xbd: {  	[sflag:s0] =	ssyncadd.remote.s32 $0x1  }
0xbe: {  	_ =	sfence.sel $0xFFFF  }
0xbf: {  	[dreg:$0x0] =	wrdreg $0xFFFFFFFF;
	(pc) =	sbr.abs _section_cstart, $3  }
0xc0: {  	[dreg:$0x1] =	wrdreg $0xFFFFFFFF  }
0xc1: {  	_ =	task.clear_ibuf [dreg:s7], $0x2FFFF;
	_ =	strace $0x9FFFFFFF  }
0xc2: {  	(tm) =	ssettm $0x7FFFFFFF  }
0xc3: {  	_ =	shalt  }
tec
execute0_lowered:
.L_overlay_start_1:
0x0: {  	(tag) =	ssettag $0x1  }
0x1: {  	s0 =	srdreg.scid;
	s1 =	rddreg [dreg:$0x0]  }
0x2: {  	s2 =	stileid.u32;
	s4 =	rddreg [dreg:$0x1];
	s16 =	simm.s32 $0x0  }
0x3: {  	s18 =	simm.s32 $0x2;
	s8 =	simm.s32 $0x14;
	v0 =	vimm.s32 $0x76543210;
	v1 =	vimm.s32 $0xFEDCBA98;
	s22 =	simm.s32 $0x6480  }
0x4: {  	v2 =	vimm.s32 $0xBA98FEDC;
	s23 =	simm.s32 $0x65C0;
	s24 =	simm.s32 $0x6700;
	s28 =	simm.s32 $0x6AC0  }
0x5: {  	v3 =	vimm.s32 $0x32107654;
	s29 =	simm.s32 $0x6C00;
	s30 =	simm.s32 $0x6D40;
	s31 =	simm.s32 $0x6E80  }
0x6: {  	v4 =	vimm.s32 $0xDCFE98BA;
	s7 =	simm.s32 $0x7740;
	s9 =	simm.s32 $0x7880;
	s10 =	simm.s32 $0x79C0  }
0x7: {  	v5 =	vimm.s32 $0x54761032;
	s11 =	simm.s32 $0x7B00;
	s12 =	simm.s32 $0x7C40;
	s13 =	simm.s32 $0x7D80  }
0x8: {  	v6 =	vimm.s32 $0xEFCDAB89;
	v7 =	vimm.s32 $0x67452301;
	s14 =	simm.s32 $0x7EC0;
	s15 =	simm.s32 $0x1;
	s0 =	sand.u32 $0x1, s0  }
0x9: {  	s19 =	simm.s32 $0x0;
	s2 =	sshll.u32 s2, $0xA;
	v1 =	vunpack.c.l.s4.s8 v1;
	v0 =	vunpack.c.l.s4.s8 v0;
	v2 =	vunpack.c.l.s4.s8 v2;
	s3 =	sshll.u32 s0, $0x9  }
0xa: {  	[smem:$0x7FF] =	sst s16;
	v3 =	vunpack.c.l.s4.s8 v3;
	v4 =	vunpack.c.l.s4.s8 v4;
	v5 =	vunpack.c.l.s4.s8 v5;
	s0 =	ssub.s32 $0x2, s0;
	s2 =	sor.u32 s3, s2  }
0xb: {  	v6 =	vunpack.c.l.s4.s8 v6;
	v7 =	vunpack.c.l.s4.s8 v7;
	_ =	strace $0x80000047;
	s6 =	sshrl.u32 s0, $0x1;
	v1 =	vunpack.c.0.s8.s32 v1;
	s3 =	smul.u32 $0x3, s2  }
0xc: {  	v2 =	vunpack.c.0.s8.s32 v2;
	v3 =	vunpack.c.0.s8.s32 v3;
	v4 =	vunpack.c.0.s8.s32 v4;
	s0 =	ssub.s32 s0, s6;
	s25 =	sshll.u32 s2, $0x1;
	s2 =	simm.s32 $0x7240  }
0xd: {  	v5 =	vunpack.c.0.s8.s32 v5;
	v6 =	vunpack.c.0.s8.s32 v6;
	v7 =	vunpack.c.0.s8.s32 v7;
	s6 =	simm.s32 $0x7600;
	s0 =	smax.u32 s0, $0x1;
	s5 =	sadd.s32 s3, s1  }
0xe: {  	v0 =	vunpack.c.0.s8.s32 v0;
	v2 =	vcombine.low v3, v2;
	s3 =	sadd.s32 $0xF42A00, s1;
	s1 =	sadd.s32 s4, s25;
	[dreg:$0x5] =	wrdreg s0  }
0xf: {  	v3 =	vcombine.low v5, v4;
	v4 =	vcombine.low v7, v6;
	v1 =	vand.u32 $0xF, v1;
	s25 =	simm.s32 $0x6840;
	s0 =	simm.s32 $0x7100;
	s4 =	simm.s32 $0x7380  }
0x10: {  	v0 =	vcombine.low v1, v0;
	s26 =	sadd.s32 $0x600, s5;
	[dreg:$0x4] =	wrdreg s1;
	s1 =	simm.s32 $0x6FC0  }
0x11: {  	s5 =	simm.s32 $0x74C0;
	v1 =	vand.u32 $0xF, v2;
	v2 =	vand.u32 $0xF, v3;
	v3 =	vand.u32 $0xF, v4;
	[dreg:$0x3] =	wrdreg s26;
	s26 =	simm.s32 $0x6980  }
.LBB2_1:
0x12: {  	[dreg:$0x6] =	wrdreg s19  }
0x13: {  	s17 =	rddreg [dreg:$0x3]  }
0x14: {  	[tilespmem:s16], [sflag:$0x2] =	stream.linear.gather [hbm4b:s17+s16], $0x3000, $0x38;
	[tilespmem:$0xA000] =	vst v63  }
0x15: {  	_ =	swait.ge [sflag:s18], $0x3000  }
0x16: {  	[sflag:s18] =	ssyncset.done $0x0  }
0x17: {  	s16 =	simm.s32 $0x8000;
	s17 =	simm.s32 $0x0;
	[sflag:s18] =	ssyncadd.s32 $0xFFFFD000  }
.LBB2_2:
0x18: {  	s18 =	smul.u32 $0x1800, s17;
	_ =	sdelay $0x1  }
0x19: {  	s19 =	simm.s32 $0x3000;
	s18 =	sshra.s32 s18, $0x2  }
0x1a: {  	[tilespmem:s19], [sflag:$0x1] =	stream.indirect.gather [hbm4b:s3+s8], $0x10, s18, s8, $0xb8;
	[tilespmem:$0xA000] =	vst v63  }
0x1b: {  	s20 =	simm.s32 $0x3140;
	s21 =	sor.u32 $0x18, s18  }
0x1c: {  	[tilespmem:s20], [sflag:$0x1] =	stream.indirect.gather [hbm4b:s3+s8], $0x10, s21, s8, $0xb8;
	[tilespmem:$0xA000] =	vst v63  }
0x1d: {  	s20 =	sor.u32 $0x30, s18;
	s21 =	simm.s32 $0x3280  }
0x1e: {  	[tilespmem:s21], [sflag:$0x1] =	stream.indirect.gather [hbm4b:s3+s8], $0x10, s20, s8, $0xb8;
	[tilespmem:$0xA000] =	vst v63  }
0x1f: {  	s20 =	sor.u32 $0x48, s18;
	s21 =	simm.s32 $0x33C0  }
0x20: {  	[tilespmem:s21], [sflag:$0x1] =	stream.indirect.gather [hbm4b:s3+s8], $0x10, s20, s8, $0xb8;
	[tilespmem:$0xA000] =	vst v63  }
0x21: {  	s20 =	sor.u32 $0x60, s18;
	s21 =	simm.s32 $0x3500  }
0x22: {  	[tilespmem:s21], [sflag:$0x1] =	stream.indirect.gather [hbm4b:s3+s8], $0x10, s20, s8, $0xb8;
	[tilespmem:$0xA000] =	vst v63  }
0x23: {  	s20 =	sor.u32 $0x78, s18;
	s21 =	simm.s32 $0x3640  }
0x24: {  	[tilespmem:s21], [sflag:$0x1] =	stream.indirect.gather [hbm4b:s3+s8], $0x10, s20, s8, $0xb8;
	[tilespmem:$0xA000] =	vst v63  }
0x25: {  	s20 =	sor.u32 $0x90, s18;
	s21 =	simm.s32 $0x3780  }
0x26: {  	[tilespmem:s21], [sflag:$0x1] =	stream.indirect.gather [hbm4b:s3+s8], $0x10, s20, s8, $0xb8;
	[tilespmem:$0xA000] =	vst v63  }
0x27: {  	s20 =	sor.u32 $0xA8, s18;
	s21 =	simm.s32 $0x38C0  }
0x28: {  	[tilespmem:s21], [sflag:$0x1] =	stream.indirect.gather [hbm4b:s3+s8], $0x10, s20, s8, $0xb8;
	[tilespmem:$0xA000] =	vst v63  }
0x29: {  	s20 =	sor.u32 $0xC0, s18;
	s21 =	simm.s32 $0x3A00  }
0x2a: {  	[tilespmem:s21], [sflag:$0x1] =	stream.indirect.gather [hbm4b:s3+s8], $0x10, s20, s8, $0xb8;
	[tilespmem:$0xA000] =	vst v63  }
0x2b: {  	s20 =	sor.u32 $0xD8, s18;
	s21 =	simm.s32 $0x3B40  }
0x2c: {  	[tilespmem:s21], [sflag:$0x1] =	stream.indirect.gather [hbm4b:s3+s8], $0x10, s20, s8, $0xb8;
	[tilespmem:$0xA000] =	vst v63  }
0x2d: {  	s20 =	sor.u32 $0xF0, s18;
	s21 =	simm.s32 $0x3C80  }
0x2e: {  	[tilespmem:s21], [sflag:$0x1] =	stream.indirect.gather [hbm4b:s3+s8], $0x10, s20, s8, $0xb8;
	[tilespmem:$0xA000] =	vst v63  }
0x2f: {  	s20 =	sor.u32 $0x108, s18;
	s21 =	simm.s32 $0x3DC0  }
0x30: {  	[tilespmem:s21], [sflag:$0x1] =	stream.indirect.gather [hbm4b:s3+s8], $0x10, s20, s8, $0xb8;
	[tilespmem:$0xA000] =	vst v63  }
0x31: {  	s20 =	sor.u32 $0x120, s18;
	s21 =	simm.s32 $0x3F00  }
0x32: {  	[tilespmem:s21], [sflag:$0x1] =	stream.indirect.gather [hbm4b:s3+s8], $0x10, s20, s8, $0xb8;
	[tilespmem:$0xA000] =	vst v63  }
0x33: {  	s20 =	sor.u32 $0x138, s18;
	s21 =	simm.s32 $0x4040  }
0x34: {  	[tilespmem:s21], [sflag:$0x1] =	stream.indirect.gather [hbm4b:s3+s8], $0x10, s20, s8, $0xb8;
	[tilespmem:$0xA000] =	vst v63  }
0x35: {  	s20 =	sor.u32 $0x150, s18;
	s21 =	simm.s32 $0x4180  }
0x36: {  	[tilespmem:s21], [sflag:$0x1] =	stream.indirect.gather [hbm4b:s3+s8], $0x10, s20, s8, $0xb8;
	[tilespmem:$0xA000] =	vst v63  }
0x37: {  	s20 =	sor.u32 $0x168, s18;
	s21 =	simm.s32 $0x42C0  }
0x38: {  	[tilespmem:s21], [sflag:$0x1] =	stream.indirect.gather [hbm4b:s3+s8], $0x10, s20, s8, $0xb8;
	[tilespmem:$0xA000] =	vst v63  }
0x39: {  	s20 =	sor.u32 $0x180, s18;
	s21 =	simm.s32 $0x4400  }
0x3a: {  	[tilespmem:s21], [sflag:$0x1] =	stream.indirect.gather [hbm4b:s3+s8], $0x10, s20, s8, $0xb8;
	[tilespmem:$0xA000] =	vst v63  }
0x3b: {  	s20 =	sor.u32 $0x198, s18;
	s21 =	simm.s32 $0x4540  }
0x3c: {  	[tilespmem:s21], [sflag:$0x1] =	stream.indirect.gather [hbm4b:s3+s8], $0x10, s20, s8, $0xb8;
	[tilespmem:$0xA000] =	vst v63  }
0x3d: {  	s20 =	sor.u32 $0x1B0, s18;
	s21 =	simm.s32 $0x4680  }
0x3e: {  	[tilespmem:s21], [sflag:$0x1] =	stream.indirect.gather [hbm4b:s3+s8], $0x10, s20, s8, $0xb8;
	[tilespmem:$0xA000] =	vst v63  }
0x3f: {  	s20 =	sor.u32 $0x1C8, s18;
	s21 =	simm.s32 $0x47C0  }
0x40: {  	[tilespmem:s21], [sflag:$0x1] =	stream.indirect.gather [hbm4b:s3+s8], $0x10, s20, s8, $0xb8;
	[tilespmem:$0xA000] =	vst v63  }
0x41: {  	s20 =	sor.u32 $0x1E0, s18;
	s21 =	simm.s32 $0x4900  }
0x42: {  	[tilespmem:s21], [sflag:$0x1] =	stream.indirect.gather [hbm4b:s3+s8], $0x10, s20, s8, $0xb8;
	[tilespmem:$0xA000] =	vst v63  }
0x43: {  	s20 =	sor.u32 $0x1F8, s18;
	s21 =	simm.s32 $0x4A40  }
0x44: {  	[tilespmem:s21], [sflag:$0x1] =	stream.indirect.gather [hbm4b:s3+s8], $0x10, s20, s8, $0xb8;
	[tilespmem:$0xA000] =	vst v63  }
0x45: {  	s20 =	sadd.s32 $0x210, s18;
	s21 =	simm.s32 $0x4B80  }
0x46: {  	[tilespmem:s21], [sflag:$0x1] =	stream.indirect.gather [hbm4b:s3+s8], $0x10, s20, s8, $0xb8;
	[tilespmem:$0xA000] =	vst v63  }
0x47: {  	s20 =	sadd.s32 $0x228, s18;
	s21 =	simm.s32 $0x4CC0  }
0x48: {  	[tilespmem:s21], [sflag:$0x1] =	stream.indirect.gather [hbm4b:s3+s8], $0x10, s20, s8, $0xb8;
	[tilespmem:$0xA000] =	vst v63  }
0x49: {  	s20 =	sadd.s32 $0x240, s18;
	s21 =	simm.s32 $0x4E00  }
0x4a: {  	[tilespmem:s21], [sflag:$0x1] =	stream.indirect.gather [hbm4b:s3+s8], $0x10, s20, s8, $0xb8;
	[tilespmem:$0xA000] =	vst v63  }
0x4b: {  	s20 =	sadd.s32 $0x258, s18;
	s21 =	simm.s32 $0x4F40  }
0x4c: {  	[tilespmem:s21], [sflag:$0x1] =	stream.indirect.gather [hbm4b:s3+s8], $0x10, s20, s8, $0xb8;
	[tilespmem:$0xA000] =	vst v63  }
0x4d: {  	s20 =	sadd.s32 $0x270, s18;
	s21 =	simm.s32 $0x5080  }
0x4e: {  	[tilespmem:s21], [sflag:$0x1] =	stream.indirect.gather [hbm4b:s3+s8], $0x10, s20, s8, $0xb8;
	[tilespmem:$0xA000] =	vst v63  }
0x4f: {  	s20 =	sadd.s32 $0x288, s18;
	s21 =	simm.s32 $0x51C0  }
0x50: {  	[tilespmem:s21], [sflag:$0x1] =	stream.indirect.gather [hbm4b:s3+s8], $0x10, s20, s8, $0xb8;
	[tilespmem:$0xA000] =	vst v63  }
0x51: {  	s20 =	sadd.s32 $0x2A0, s18;
	s21 =	simm.s32 $0x5300  }
0x52: {  	[tilespmem:s21], [sflag:$0x1] =	stream.indirect.gather [hbm4b:s3+s8], $0x10, s20, s8, $0xb8;
	[tilespmem:$0xA000] =	vst v63  }
0x53: {  	s20 =	sadd.s32 $0x2B8, s18;
	s21 =	simm.s32 $0x5440  }
0x54: {  	[tilespmem:s21], [sflag:$0x1] =	stream.indirect.gather [hbm4b:s3+s8], $0x10, s20, s8, $0xb8;
	[tilespmem:$0xA000] =	vst v63  }
0x55: {  	s20 =	sadd.s32 $0x2D0, s18;
	s21 =	simm.s32 $0x5580  }
0x56: {  	[tilespmem:s21], [sflag:$0x1] =	stream.indirect.gather [hbm4b:s3+s8], $0x10, s20, s8, $0xb8;
	[tilespmem:$0xA000] =	vst v63  }
0x57: {  	s20 =	sadd.s32 $0x2E8, s18;
	s21 =	simm.s32 $0x56C0  }
0x58: {  	[tilespmem:s21], [sflag:$0x1] =	stream.indirect.gather [hbm4b:s3+s8], $0x10, s20, s8, $0xb8;
	[tilespmem:$0xA000] =	vst v63  }
0x59: {  	s20 =	sadd.s32 $0x300, s18;
	s21 =	simm.s32 $0x5800  }
0x5a: {  	[tilespmem:s21], [sflag:$0x1] =	stream.indirect.gather [hbm4b:s3+s8], $0x10, s20, s8, $0xb8;
	[tilespmem:$0xA000] =	vst v63  }
0x5b: {  	s20 =	sadd.s32 $0x318, s18;
	s21 =	simm.s32 $0x5940  }
0x5c: {  	[tilespmem:s21], [sflag:$0x1] =	stream.indirect.gather [hbm4b:s3+s8], $0x10, s20, s8, $0xb8;
	[tilespmem:$0xA000] =	vst v63  }
0x5d: {  	s20 =	sadd.s32 $0x330, s18;
	s21 =	simm.s32 $0x5A80  }
0x5e: {  	[tilespmem:s21], [sflag:$0x1] =	stream.indirect.gather [hbm4b:s3+s8], $0x10, s20, s8, $0xb8;
	[tilespmem:$0xA000] =	vst v63  }
0x5f: {  	s20 =	sadd.s32 $0x348, s18;
	s21 =	simm.s32 $0x5BC0  }
0x60: {  	[tilespmem:s21], [sflag:$0x1] =	stream.indirect.gather [hbm4b:s3+s8], $0x10, s20, s8, $0xb8;
	[tilespmem:$0xA000] =	vst v63  }
0x61: {  	s20 =	sadd.s32 $0x360, s18;
	s21 =	simm.s32 $0x5D00  }
0x62: {  	[tilespmem:s21], [sflag:$0x1] =	stream.indirect.gather [hbm4b:s3+s8], $0x10, s20, s8, $0xb8;
	[tilespmem:$0xA000] =	vst v63  }
0x63: {  	s20 =	sadd.s32 $0x378, s18;
	s21 =	simm.s32 $0x5E40  }
0x64: {  	[tilespmem:s21], [sflag:$0x1] =	stream.indirect.gather [hbm4b:s3+s8], $0x10, s20, s8, $0xb8;
	[tilespmem:$0xA000] =	vst v63  }
0x65: {  	s20 =	sadd.s32 $0x390, s18;
	s21 =	simm.s32 $0x5F80  }
0x66: {  	[tilespmem:s21], [sflag:$0x1] =	stream.indirect.gather [hbm4b:s3+s8], $0x10, s20, s8, $0xb8;
	[tilespmem:$0xA000] =	vst v63  }
0x67: {  	s20 =	sadd.s32 $0x3A8, s18;
	s21 =	simm.s32 $0x60C0  }
0x68: {  	[tilespmem:s21], [sflag:$0x1] =	stream.indirect.gather [hbm4b:s3+s8], $0x10, s20, s8, $0xb8;
	[tilespmem:$0xA000] =	vst v63  }
0x69: {  	s20 =	sadd.s32 $0x3C0, s18;
	s21 =	simm.s32 $0x6200  }
0x6a: {  	[tilespmem:s21], [sflag:$0x1] =	stream.indirect.gather [hbm4b:s3+s8], $0x10, s20, s8, $0xb8;
	[tilespmem:$0xA000] =	vst v63  }
0x6b: {  	s20 =	sadd.s32 $0x3D8, s18;
	s21 =	simm.s32 $0x6340  }
0x6c: {  	[tilespmem:s21], [sflag:$0x1] =	stream.indirect.gather [hbm4b:s3+s8], $0x10, s20, s8, $0xb8;
	[tilespmem:$0xA000] =	vst v63  }
0x6d: {  	s21 =	sadd.s32 $0x3F0, s18  }
0x6e: {  	[tilespmem:s22], [sflag:$0x1] =	stream.indirect.gather [hbm4b:s3+s8], $0x10, s21, s8, $0xb8;
	[tilespmem:$0xA000] =	vst v63  }
0x6f: {  	s20 =	sadd.s32 $0x408, s18  }
0x70: {  	[tilespmem:s23], [sflag:$0x1] =	stream.indirect.gather [hbm4b:s3+s8], $0x10, s20, s8, $0xb8;
	[tilespmem:$0xA000] =	vst v63  }
0x71: {  	s21 =	sadd.s32 $0x420, s18  }
0x72: {  	[tilespmem:s24], [sflag:$0x1] =	stream.indirect.gather [hbm4b:s3+s8], $0x10, s21, s8, $0xb8;
	[tilespmem:$0xA000] =	vst v63  }
0x73: {  	s20 =	sadd.s32 $0x438, s18  }
0x74: {  	[tilespmem:s25], [sflag:$0x1] =	stream.indirect.gather [hbm4b:s3+s8], $0x10, s20, s8, $0xb8;
	[tilespmem:$0xA000] =	vst v63  }
0x75: {  	s21 =	sadd.s32 $0x450, s18  }
0x76: {  	[tilespmem:s26], [sflag:$0x1] =	stream.indirect.gather [hbm4b:s3+s8], $0x10, s21, s8, $0xb8;
	[tilespmem:$0xA000] =	vst v63  }
0x77: {  	s20 =	sadd.s32 $0x468, s18  }
0x78: {  	[tilespmem:s28], [sflag:$0x1] =	stream.indirect.gather [hbm4b:s3+s8], $0x10, s20, s8, $0xb8;
	[tilespmem:$0xA000] =	vst v63  }
0x79: {  	s21 =	sadd.s32 $0x480, s18  }
0x7a: {  	[tilespmem:s29], [sflag:$0x1] =	stream.indirect.gather [hbm4b:s3+s8], $0x10, s21, s8, $0xb8;
	[tilespmem:$0xA000] =	vst v63  }
0x7b: {  	s20 =	sadd.s32 $0x498, s18  }
0x7c: {  	[tilespmem:s30], [sflag:$0x1] =	stream.indirect.gather [hbm4b:s3+s8], $0x10, s20, s8, $0xb8;
	[tilespmem:$0xA000] =	vst v63  }
0x7d: {  	s21 =	sadd.s32 $0x4B0, s18  }
0x7e: {  	[tilespmem:s31], [sflag:$0x1] =	stream.indirect.gather [hbm4b:s3+s8], $0x10, s21, s8, $0xb8;
	[tilespmem:$0xA000] =	vst v63  }
0x7f: {  	s20 =	sadd.s32 $0x4C8, s18  }
0x80: {  	[tilespmem:s1], [sflag:$0x1] =	stream.indirect.gather [hbm4b:s3+s8], $0x10, s20, s8, $0xb8;
	[tilespmem:$0xA000] =	vst v63  }
0x81: {  	s21 =	sadd.s32 $0x4E0, s18  }
0x82: {  	[tilespmem:s0], [sflag:$0x1] =	stream.indirect.gather [hbm4b:s3+s8], $0x10, s21, s8, $0xb8;
	[tilespmem:$0xA000] =	vst v63  }
0x83: {  	s20 =	sadd.s32 $0x4F8, s18  }
0x84: {  	[tilespmem:s2], [sflag:$0x1] =	stream.indirect.gather [hbm4b:s3+s8], $0x10, s20, s8, $0xb8;
	[tilespmem:$0xA000] =	vst v63  }
0x85: {  	s21 =	sadd.s32 $0x510, s18  }
0x86: {  	[tilespmem:s4], [sflag:$0x1] =	stream.indirect.gather [hbm4b:s3+s8], $0x10, s21, s8, $0xb8;
	[tilespmem:$0xA000] =	vst v63  }
0x87: {  	s20 =	sadd.s32 $0x528, s18  }
0x88: {  	[tilespmem:s5], [sflag:$0x1] =	stream.indirect.gather [hbm4b:s3+s8], $0x10, s20, s8, $0xb8;
	[tilespmem:$0xA000] =	vst v63  }
0x89: {  	s21 =	sadd.s32 $0x540, s18  }
0x8a: {  	[tilespmem:s6], [sflag:$0x1] =	stream.indirect.gather [hbm4b:s3+s8], $0x10, s21, s8, $0xb8;
	[tilespmem:$0xA000] =	vst v63  }
0x8b: {  	s20 =	sadd.s32 $0x558, s18  }
0x8c: {  	[tilespmem:s7], [sflag:$0x1] =	stream.indirect.gather [hbm4b:s3+s8], $0x10, s20, s8, $0xb8;
	[tilespmem:$0xA000] =	vst v63  }
0x8d: {  	s21 =	sadd.s32 $0x570, s18  }
0x8e: {  	[tilespmem:s9], [sflag:$0x1] =	stream.indirect.gather [hbm4b:s3+s8], $0x10, s21, s8, $0xb8;
	[tilespmem:$0xA000] =	vst v63  }
0x8f: {  	s20 =	sadd.s32 $0x588, s18  }
0x90: {  	[tilespmem:s10], [sflag:$0x1] =	stream.indirect.gather [hbm4b:s3+s8], $0x10, s20, s8, $0xb8;
	[tilespmem:$0xA000] =	vst v63  }
0x91: {  	s21 =	sadd.s32 $0x5A0, s18  }
0x92: {  	[tilespmem:s11], [sflag:$0x1] =	stream.indirect.gather [hbm4b:s3+s8], $0x10, s21, s8, $0xb8;
	[tilespmem:$0xA000] =	vst v63  }
0x93: {  	s20 =	sadd.s32 $0x5B8, s18  }
0x94: {  	[tilespmem:s12], [sflag:$0x1] =	stream.indirect.gather [hbm4b:s3+s8], $0x10, s20, s8, $0xb8;
	[tilespmem:$0xA000] =	vst v63  }
0x95: {  	s21 =	sadd.s32 $0x5D0, s18  }
0x96: {  	[tilespmem:s13], [sflag:$0x1] =	stream.indirect.gather [hbm4b:s3+s8], $0x10, s21, s8, $0xb8;
	[tilespmem:$0xA000] =	vst v63  }
0x97: {  	s18 =	sadd.s32 $0x5E8, s18  }
0x98: {  	[tilespmem:s14], [sflag:$0x1] =	stream.indirect.gather [hbm4b:s3+s8], $0x10, s18, s8, $0xb8;
	[tilespmem:$0xA000] =	vst v63  }
0x99: {  	_ =	swait.ge [sflag:s15], $0x140  }
0x9a: {  	[sflag:s15] =	ssyncset.done $0x0  }
0x9b: {  	[sflag:s15] =	ssyncadd.s32 $0xFFFFFEC0  }
0x9c: {  	_ =	swait.ge [sflag:s15], $0x140  }
0x9d: {  	[sflag:s15] =	ssyncset.done $0x0  }
0x9e: {  	[sflag:s15] =	ssyncadd.s32 $0xFFFFFEC0  }
0x9f: {  	_ =	swait.ge [sflag:s15], $0x140  }
0xa0: {  	[sflag:s15] =	ssyncset.done $0x0  }
0xa1: {  	[sflag:s15] =	ssyncadd.s32 $0xFFFFFEC0  }
0xa2: {  	_ =	swait.ge [sflag:s15], $0x140  }
0xa3: {  	[sflag:s15] =	ssyncset.done $0x0  }
0xa4: {  	[sflag:s15] =	ssyncadd.s32 $0xFFFFFEC0  }
0xa5: {  	_ =	swait.ge [sflag:s15], $0x140  }
0xa6: {  	[sflag:s15] =	ssyncset.done $0x0  }
0xa7: {  	[sflag:s15] =	ssyncadd.s32 $0xFFFFFEC0  }
0xa8: {  	_ =	swait.ge [sflag:s15], $0x140  }
0xa9: {  	[sflag:s15] =	ssyncset.done $0x0  }
0xaa: {  	[sflag:s15] =	ssyncadd.s32 $0xFFFFFEC0  }
0xab: {  	_ =	swait.ge [sflag:s15], $0x140  }
0xac: {  	[sflag:s15] =	ssyncset.done $0x0  }
0xad: {  	[sflag:s15] =	ssyncadd.s32 $0xFFFFFEC0  }
0xae: {  	_ =	swait.ge [sflag:s15], $0x140  }
0xaf: {  	[sflag:s15] =	ssyncset.done $0x0  }
0xb0: {  	[sflag:s15] =	ssyncadd.s32 $0xFFFFFEC0  }
0xb1: {  	_ =	swait.ge [sflag:s15], $0x140  }
0xb2: {  	[sflag:s15] =	ssyncset.done $0x0  }
0xb3: {  	[sflag:s15] =	ssyncadd.s32 $0xFFFFFEC0  }
0xb4: {  	_ =	swait.ge [sflag:s15], $0x140  }
0xb5: {  	[sflag:s15] =	ssyncset.done $0x0  }
0xb6: {  	[sflag:s15] =	ssyncadd.s32 $0xFFFFFEC0  }
0xb7: {  	_ =	swait.ge [sflag:s15], $0x140  }
0xb8: {  	[sflag:s15] =	ssyncset.done $0x0  }
0xb9: {  	[sflag:s15] =	ssyncadd.s32 $0xFFFFFEC0  }
0xba: {  	_ =	swait.ge [sflag:s15], $0x140  }
0xbb: {  	[sflag:s15] =	ssyncset.done $0x0  }
0xbc: {  	[sflag:s15] =	ssyncadd.s32 $0xFFFFFEC0  }
0xbd: {  	_ =	swait.ge [sflag:s15], $0x140  }
0xbe: {  	[sflag:s15] =	ssyncset.done $0x0  }
0xbf: {  	[sflag:s15] =	ssyncadd.s32 $0xFFFFFEC0  }
0xc0: {  	_ =	swait.ge [sflag:s15], $0x140  }
0xc1: {  	[sflag:s15] =	ssyncset.done $0x0  }
0xc2: {  	[sflag:s15] =	ssyncadd.s32 $0xFFFFFEC0  }
0xc3: {  	_ =	swait.ge [sflag:s15], $0x140  }
0xc4: {  	[sflag:s15] =	ssyncset.done $0x0  }
0xc5: {  	[sflag:s15] =	ssyncadd.s32 $0xFFFFFEC0  }
0xc6: {  	_ =	swait.ge [sflag:s15], $0x140  }
0xc7: {  	[sflag:s15] =	ssyncset.done $0x0  }
0xc8: {  	[sflag:s15] =	ssyncadd.s32 $0xFFFFFEC0  }
0xc9: {  	_ =	swait.ge [sflag:s15], $0x140  }
0xca: {  	[sflag:s15] =	ssyncset.done $0x0  }
0xcb: {  	[sflag:s15] =	ssyncadd.s32 $0xFFFFFEC0  }
0xcc: {  	_ =	swait.ge [sflag:s15], $0x140  }
0xcd: {  	[sflag:s15] =	ssyncset.done $0x0  }
0xce: {  	[sflag:s15] =	ssyncadd.s32 $0xFFFFFEC0  }
0xcf: {  	_ =	swait.ge [sflag:s15], $0x140  }
0xd0: {  	[sflag:s15] =	ssyncset.done $0x0  }
0xd1: {  	[sflag:s15] =	ssyncadd.s32 $0xFFFFFEC0  }
0xd2: {  	_ =	swait.ge [sflag:s15], $0x140  }
0xd3: {  	[sflag:s15] =	ssyncset.done $0x0  }
0xd4: {  	[sflag:s15] =	ssyncadd.s32 $0xFFFFFEC0  }
0xd5: {  	_ =	swait.ge [sflag:s15], $0x140  }
0xd6: {  	[sflag:s15] =	ssyncset.done $0x0  }
0xd7: {  	[sflag:s15] =	ssyncadd.s32 $0xFFFFFEC0  }
0xd8: {  	_ =	swait.ge [sflag:s15], $0x140  }
0xd9: {  	[sflag:s15] =	ssyncset.done $0x0  }
0xda: {  	[sflag:s15] =	ssyncadd.s32 $0xFFFFFEC0  }
0xdb: {  	_ =	swait.ge [sflag:s15], $0x140  }
0xdc: {  	[sflag:s15] =	ssyncset.done $0x0  }
0xdd: {  	[sflag:s15] =	ssyncadd.s32 $0xFFFFFEC0  }
0xde: {  	_ =	swait.ge [sflag:s15], $0x140  }
0xdf: {  	[sflag:s15] =	ssyncset.done $0x0  }
0xe0: {  	[sflag:s15] =	ssyncadd.s32 $0xFFFFFEC0  }
0xe1: {  	_ =	swait.ge [sflag:s15], $0x140  }
0xe2: {  	[sflag:s15] =	ssyncset.done $0x0  }
0xe3: {  	[sflag:s15] =	ssyncadd.s32 $0xFFFFFEC0  }
0xe4: {  	_ =	swait.ge [sflag:s15], $0x140  }
0xe5: {  	[sflag:s15] =	ssyncset.done $0x0  }
0xe6: {  	[sflag:s15] =	ssyncadd.s32 $0xFFFFFEC0  }
0xe7: {  	_ =	swait.ge [sflag:s15], $0x140  }
0xe8: {  	[sflag:s15] =	ssyncset.done $0x0  }
0xe9: {  	[sflag:s15] =	ssyncadd.s32 $0xFFFFFEC0  }
0xea: {  	_ =	swait.ge [sflag:s15], $0x140  }
0xeb: {  	[sflag:s15] =	ssyncset.done $0x0  }
0xec: {  	[sflag:s15] =	ssyncadd.s32 $0xFFFFFEC0  }
0xed: {  	_ =	swait.ge [sflag:s15], $0x140  }
0xee: {  	[sflag:s15] =	ssyncset.done $0x0  }
0xef: {  	[sflag:s15] =	ssyncadd.s32 $0xFFFFFEC0  }
0xf0: {  	_ =	swait.ge [sflag:s15], $0x140  }
0xf1: {  	[sflag:s15] =	ssyncset.done $0x0  }
0xf2: {  	[sflag:s15] =	ssyncadd.s32 $0xFFFFFEC0  }
0xf3: {  	_ =	swait.ge [sflag:s15], $0x140  }
0xf4: {  	[sflag:s15] =	ssyncset.done $0x0  }
0xf5: {  	[sflag:s15] =	ssyncadd.s32 $0xFFFFFEC0  }
0xf6: {  	_ =	swait.ge [sflag:s15], $0x140  }
0xf7: {  	[sflag:s15] =	ssyncset.done $0x0  }
0xf8: {  	[sflag:s15] =	ssyncadd.s32 $0xFFFFFEC0  }
0xf9: {  	_ =	swait.ge [sflag:s15], $0x140  }
0xfa: {  	[sflag:s15] =	ssyncset.done $0x0  }
0xfb: {  	[sflag:s15] =	ssyncadd.s32 $0xFFFFFEC0  }
0xfc: {  	_ =	swait.ge [sflag:s15], $0x140  }
0xfd: {  	[sflag:s15] =	ssyncset.done $0x0  }
0xfe: {  	[sflag:s15] =	ssyncadd.s32 $0xFFFFFEC0  }
0xff: {  	_ =	swait.ge [sflag:s15], $0x140  }
0x100: {  	[sflag:s15] =	ssyncset.done $0x0  }
0x101: {  	[sflag:s15] =	ssyncadd.s32 $0xFFFFFEC0  }
0x102: {  	_ =	swait.ge [sflag:s15], $0x140  }
0x103: {  	[sflag:s15] =	ssyncset.done $0x0  }
0x104: {  	[sflag:s15] =	ssyncadd.s32 $0xFFFFFEC0  }
0x105: {  	_ =	swait.ge [sflag:s15], $0x140  }
0x106: {  	[sflag:s15] =	ssyncset.done $0x0  }
0x107: {  	[sflag:s15] =	ssyncadd.s32 $0xFFFFFEC0  }
0x108: {  	_ =	swait.ge [sflag:s15], $0x140  }
0x109: {  	[sflag:s15] =	ssyncset.done $0x0  }
0x10a: {  	[sflag:s15] =	ssyncadd.s32 $0xFFFFFEC0  }
0x10b: {  	_ =	swait.ge [sflag:s15], $0x140  }
0x10c: {  	[sflag:s15] =	ssyncset.done $0x0  }
0x10d: {  	[sflag:s15] =	ssyncadd.s32 $0xFFFFFEC0  }
0x10e: {  	_ =	swait.ge [sflag:s15], $0x140  }
0x10f: {  	[sflag:s15] =	ssyncset.done $0x0  }
0x110: {  	[sflag:s15] =	ssyncadd.s32 $0xFFFFFEC0  }
0x111: {  	_ =	swait.ge [sflag:s15], $0x140  }
0x112: {  	[sflag:s15] =	ssyncset.done $0x0  }
0x113: {  	[sflag:s15] =	ssyncadd.s32 $0xFFFFFEC0  }
0x114: {  	_ =	swait.ge [sflag:s15], $0x140  }
0x115: {  	[sflag:s15] =	ssyncset.done $0x0  }
0x116: {  	[sflag:s15] =	ssyncadd.s32 $0xFFFFFEC0  }
0x117: {  	_ =	swait.ge [sflag:s15], $0x140  }
0x118: {  	[sflag:s15] =	ssyncset.done $0x0  }
0x119: {  	[sflag:s15] =	ssyncadd.s32 $0xFFFFFEC0  }
0x11a: {  	_ =	swait.ge [sflag:s15], $0x140  }
0x11b: {  	[sflag:s15] =	ssyncset.done $0x0  }
0x11c: {  	[sflag:s15] =	ssyncadd.s32 $0xFFFFFEC0  }
0x11d: {  	_ =	swait.ge [sflag:s15], $0x140  }
0x11e: {  	[sflag:s15] =	ssyncset.done $0x0  }
0x11f: {  	[sflag:s15] =	ssyncadd.s32 $0xFFFFFEC0  }
0x120: {  	_ =	swait.ge [sflag:s15], $0x140  }
0x121: {  	[sflag:s15] =	ssyncset.done $0x0  }
0x122: {  	[sflag:s15] =	ssyncadd.s32 $0xFFFFFEC0  }
0x123: {  	_ =	swait.ge [sflag:s15], $0x140  }
0x124: {  	[sflag:s15] =	ssyncset.done $0x0  }
0x125: {  	[sflag:s15] =	ssyncadd.s32 $0xFFFFFEC0  }
0x126: {  	_ =	swait.ge [sflag:s15], $0x140  }
0x127: {  	[sflag:s15] =	ssyncset.done $0x0  }
0x128: {  	[sflag:s15] =	ssyncadd.s32 $0xFFFFFEC0  }
0x129: {  	_ =	swait.ge [sflag:s15], $0x140  }
0x12a: {  	[sflag:s15] =	ssyncset.done $0x0  }
0x12b: {  	[sflag:s15] =	ssyncadd.s32 $0xFFFFFEC0  }
0x12c: {  	_ =	swait.ge [sflag:s15], $0x140  }
0x12d: {  	[sflag:s15] =	ssyncset.done $0x0  }
0x12e: {  	[sflag:s15] =	ssyncadd.s32 $0xFFFFFEC0  }
0x12f: {  	_ =	swait.ge [sflag:s15], $0x140  }
0x130: {  	[sflag:s15] =	ssyncset.done $0x0  }
0x131: {  	[sflag:s15] =	ssyncadd.s32 $0xFFFFFEC0  }
0x132: {  	_ =	swait.ge [sflag:s15], $0x140  }
0x133: {  	[sflag:s15] =	ssyncset.done $0x0  }
0x134: {  	[sflag:s15] =	ssyncadd.s32 $0xFFFFFEC0  }
0x135: {  	_ =	swait.ge [sflag:s15], $0x140  }
0x136: {  	[sflag:s15] =	ssyncset.done $0x0  }
0x137: {  	[sflag:s15] =	ssyncadd.s32 $0xFFFFFEC0  }
0x138: {  	_ =	swait.ge [sflag:s15], $0x140  }
0x139: {  	[sflag:s15] =	ssyncset.done $0x0  }
0x13a: {  	[sflag:s15] =	ssyncadd.s32 $0xFFFFFEC0  }
0x13b: {  	_ =	swait.ge [sflag:s15], $0x140  }
0x13c: {  	[sflag:s15] =	ssyncset.done $0x0  }
0x13d: {  	[sflag:s15] =	ssyncadd.s32 $0xFFFFFEC0  }
0x13e: {  	_ =	swait.ge [sflag:s15], $0x140  }
0x13f: {  	[sflag:s15] =	ssyncset.done $0x0  }
0x140: {  	[sflag:s15] =	ssyncadd.s32 $0xFFFFFEC0  }
0x141: {  	_ =	swait.ge [sflag:s15], $0x140  }
0x142: {  	[sflag:s15] =	ssyncset.done $0x0  }
0x143: {  	[sflag:s15] =	ssyncadd.s32 $0xFFFFFEC0  }
0x144: {  	_ =	swait.ge [sflag:s15], $0x140  }
0x145: {  	[sflag:s15] =	ssyncset.done $0x0  }
0x146: {  	[sflag:s15] =	ssyncadd.s32 $0xFFFFFEC0  }
0x147: {  	_ =	swait.ge [sflag:s15], $0x140  }
0x148: {  	[sflag:s15] =	ssyncset.done $0x0  }
0x149: {  	[sflag:s15] =	ssyncadd.s32 $0xFFFFFEC0  }
0x14a: {  	_ =	swait.ge [sflag:s15], $0x140  }
0x14b: {  	[sflag:s15] =	ssyncset.done $0x0  }
0x14c: {  	[sflag:s15] =	ssyncadd.s32 $0xFFFFFEC0  }
0x14d: {  	_ =	swait.ge [sflag:s15], $0x140  }
0x14e: {  	[sflag:s15] =	ssyncset.done $0x0  }
0x14f: {  	[sflag:s15] =	ssyncadd.s32 $0xFFFFFEC0  }
0x150: {  	_ =	swait.ge [sflag:s15], $0x140  }
0x151: {  	[sflag:s15] =	ssyncset.done $0x0  }
0x152: {  	[sflag:s15] =	ssyncadd.s32 $0xFFFFFEC0  }
0x153: {  	_ =	swait.ge [sflag:s15], $0x140  }
0x154: {  	[sflag:s15] =	ssyncset.done $0x0  }
0x155: {  	[sflag:s15] =	ssyncadd.s32 $0xFFFFFEC0  }
0x156: {  	_ =	swait.ge [sflag:s15], $0x140  }
0x157: {  	[sflag:s15] =	ssyncset.done $0x0  }
0x158: {  	s18 =	simm.s32 $0x30A0;
	[sflag:s15] =	ssyncadd.s32 $0xFFFFFEC0  }
0x159: {  	v4 =	vld [tilespmem:s18+$0x90];
	_ =	sdelay $0x4  }
0x15a: {  	v6 =	vmul.f32 v4, v4;
	_ =	sdelay $0x1  }
0x15b: {  	[tilespmem:$0x1FF90] =	vst v4;
	v4 =	vld [tilespmem:s18+$0x80];
	v7 =	vperm.xlane v6, v0;
	_ =	sdelay $0x1  }
0x15c: {  	v6 =	vadd.f32 v7, v6;
	_ =	sdelay $0x1  }
0x15d: {  	v7 =	vperm.xlane v6, v1  }
0x15e: {  	v8 =	vmul.f32 v4, v4  }
0x15f: {  	v7 =	vadd.f32 v7, v6  }
0x160: {  	[tilespmem:$0x1FFA0] =	vst v4;
	v4 =	vld [tilespmem:s18+$0x70];
	v9 =	vperm.xlane v8, v0  }
0x161: {  	v10 =	vperm.xlane v7, v2  }
0x162: {  	v8 =	vadd.f32 v9, v8  }
0x163: {  	v7 =	vadd.f32 v10, v7  }
0x164: {  	v9 =	vperm.xlane v8, v1  }
0x165: {  	v10 =	vmul.f32 v4, v4;
	v11 =	vperm.xlane v7, v3  }
0x166: {  	v9 =	vadd.f32 v9, v8  }
0x167: {  	v8 =	vperm.xlane v10, v0;
	v11 =	vadd.f32 v11, v7  }
0x168: {  	v12 =	vperm.xlane v9, v2  }
0x169: {  	[tilespmem:$0x1FFB0] =	vst v4;
	v4 =	vld [tilespmem:s18+$0x60];
	v10 =	vadd.f32 v8, v10;
	v13 =	vshra.s32 v11, $0x1;
	v8 =	vmul.f32 $5.000000000e-01, v11  }
0x16a: {  	v11 =	vadd.f32 v12, v9;
	v12 =	vsub.s32 $0x5F3759DF, v13  }
0x16b: {  	v9 =	vperm.xlane v10, v1;
	v13 =	vmul.f32 v12, v8  }
0x16c: {  	v14 =	vperm.xlane v11, v3  }
0x16d: {  	v15 =	vadd.f32 v9, v10;
	v10 =	vmul.f32 v12, v13  }
0x16e: {  	v5 =	vld [tilespmem:s18+$0x50];
	v13 =	vmul.f32 v4, v4;
	v11 =	vadd.f32 v14, v11  }
0x16f: {  	v14 =	vperm.xlane v15, v2;
	v16 =	vsub.f32 $1.500000000e+00, v10  }
0x170: {  	[tilespmem:$0x1FFC0] =	vst v4;
	v4 =	vld [tilespmem:s18+$0x40];
	v17 =	vperm.xlane v13, v0;
	v18 =	vshra.s32 v11, $0x1;
	v10 =	vmul.f32 $5.000000000e-01, v11  }
0x171: {  	v11 =	vadd.f32 v14, v15;
	v15 =	vsub.s32 $0x5F3759DF, v18  }
0x172: {  	v13 =	vadd.f32 v17, v13;
	v14 =	vmul.f32 v15, v10;
	v16 =	vmul.f32 v12, v16  }
0x173: {  	v17 =	vmul.f32 v5, v5;
	v12 =	vperm.xlane v11, v3  }
0x174: {  	v18 =	vperm.xlane v13, v1;
	v14 =	vmul.f32 v15, v14  }
0x175: {  	v22 =	vmul.f32 v4, v4;
	v19 =	vperm.xlane v17, v0;
	v11 =	vadd.f32 v12, v11  }
0x176: {  	v20 =	vmul.f32 v16, v8;
	v13 =	vadd.f32 v18, v13;
	v18 =	vsub.f32 $1.500000000e+00, v14  }
0x177: {  	v17 =	vadd.f32 v19, v17;
	v19 =	vshra.s32 v11, $0x1;
	v14 =	vmul.f32 $5.000000000e-01, v11  }
0x178: {  	v19 =	vsub.s32 $0x5F3759DF, v19;
	v11 =	vperm.xlane v13, v2;
	v21 =	vmul.f32 v15, v18  }
0x179: {  	v15 =	vperm.xlane v17, v1;
	v18 =	vmul.f32 v19, v14  }
0x17a: {  	v25 =	vperm.xlane v22, v0;
	v11 =	vadd.f32 v11, v13  }
0x17b: {  	v13 =	vmul.f32 v20, v16;
	v17 =	vadd.f32 v15, v17;
	v18 =	vmul.f32 v19, v18  }
0x17c: {  	v20 =	vmul.f32 v21, v10;
	v15 =	vld [tilespmem:s18+$0x30];
	v23 =	vperm.xlane v11, v3  }
0x17d: {  	v13 =	vsub.f32 $1.500000000e+00, v13;
	v24 =	vperm.xlane v17, v2;
	v18 =	vsub.f32 $1.500000000e+00, v18  }
0x17e: {  	v22 =	vadd.f32 v25, v22;
	v20 =	vmul.f32 v20, v21;
	v11 =	vadd.f32 v23, v11  }
0x17f: {  	v13 =	vmul.f32 v13, v16;
	v16 =	vadd.f32 v24, v17;
	v19 =	vmul.f32 v19, v18  }
0x180: {  	v20 =	vsub.f32 $1.500000000e+00, v20;
	v23 =	vshra.s32 v11, $0x1;
	v17 =	vmul.f32 $5.000000000e-01, v11  }
0x181: {  	v18 =	vld [tilespmem:s18+$0x20];
	v11 =	vmul.f32 v15, v15;
	v24 =	vperm.xlane v16, v3;
	v23 =	vsub.s32 $0x5F3759DF, v23  }
0x182: {  	v25 =	vperm.xlane v22, v1;
	v26 =	vmul.f32 v23, v17  }
0x183: {  	v27 =	vperm.xlane v11, v0;
	v24 =	vadd.f32 v24, v16;
	v16 =	vmul.f32 v20, v21  }
0x184: {  	v21 =	vadd.f32 v25, v22;
	v25 =	vmul.f32 v19, v14;
	v22 =	vmul.f32 v23, v26  }
0x185: {  	v11 =	vadd.f32 v27, v11;
	v26 =	vshra.s32 v24, $0x1;
	v20 =	vmul.f32 $5.000000000e-01, v24  }
0x186: {  	v24 =	vmul.f32 v18, v18;
	v27 =	vperm.xlane v21, v2;
	v26 =	vsub.s32 $0x5F3759DF, v26  }
0x187: {  	v28 =	vperm.xlane v11, v1;
	v29 =	vmul.f32 v26, v20;
	v22 =	vsub.f32 $1.500000000e+00, v22  }
0x188: {  	v25 =	vmul.f32 v25, v19;
	v30 =	vperm.xlane v24, v0;
	v27 =	vadd.f32 v27, v21  }
0x189: {  	v11 =	vadd.f32 v28, v11;
	v28 =	vmul.f32 v26, v29;
	v22 =	vmul.f32 v23, v22  }
0x18a: {  	v21 =	vld [tilespmem:s18+$0x10];
	v25 =	vsub.f32 $1.500000000e+00, v25;
	v23 =	vadd.f32 v30, v24;
	v24 =	vperm.xlane v27, v3  }
0x18b: {  	v29 =	vperm.xlane v11, v2;
	v28 =	vsub.f32 $1.500000000e+00, v28;
	v30 =	vmul.f32 v22, v17  }
0x18c: {  	v19 =	vmul.f32 v25, v19;
	v31 =	vperm.xlane v23, v1;
	v24 =	vadd.f32 v24, v27  }
0x18d: {  	v11 =	vadd.f32 v29, v11;
	v25 =	vmul.f32 v26, v28;
	v26 =	vmul.f32 v30, v22  }
0x18e: {  	v27 =	vadd.f32 v31, v23;
	v28 =	vshra.s32 v24, $0x1;
	v23 =	vmul.f32 $5.000000000e-01, v24  }
0x18f: {  	v29 =	vmul.f32 v21, v21;
	v28 =	vsub.s32 $0x5F3759DF, v28;
	v24 =	vperm.xlane v11, v3  }
0x190: {  	v30 =	vperm.xlane v27, v2;
	v31 =	vmul.f32 v28, v23  }
0x191: {  	v32 =	vperm.xlane v29, v0;
	v33 =	vsub.f32 $1.500000000e+00, v26  }
0x192: {  	v11 =	vadd.f32 v24, v11;
	v27 =	vadd.f32 v30, v27;
	v30 =	vmul.f32 v28, v31  }
0x193: {  	v31 =	vmul.f32 v25, v20;
	v24 =	vld [tilespmem:s18+$0x0];
	v29 =	vadd.f32 v32, v29;
	v22 =	vmul.f32 v33, v22  }
0x194: {  	v49 =	vshra.s32 v11, $0x1;
	v26 =	vmul.f32 $5.000000000e-01, v11;
	v11 =	vperm.xlane v27, v3  }
0x195: {  	v34 =	vperm.xlane v29, v1;
	v30 =	vsub.f32 $1.500000000e+00, v30;
	v32 =	vsub.s32 $0x5F3759DF, v49  }
0x196: {  	v31 =	vmul.f32 v31, v25;
	v35 =	vmul.f32 v32, v26  }
0x197: {  	v11 =	vadd.f32 v11, v27;
	v29 =	vadd.f32 v34, v29;
	v30 =	vmul.f32 v28, v30  }
0x198: {  	v31 =	vsub.f32 $1.500000000e+00, v31;
	v27 =	vld [tilespmem:s18+$0xFFFFFFF0];
	v51 =	vmul.f32 v24, v24;
	v50 =	vmul.f32 v32, v35  }
0x199: {  	v52 =	vshra.s32 v11, $0x1;
	v28 =	vmul.f32 $5.000000000e-01, v11;
	v11 =	vperm.xlane v29, v2  }
0x19a: {  	v36 =	vmul.f32 v30, v23;
	v25 =	vmul.f32 v31, v25;
	v35 =	vsub.s32 $0x5F3759DF, v52  }
0x19b: {  	v37 =	vperm.xlane v51, v0;
	v38 =	vmul.f32 v35, v28  }
0x19c: {  	v33 =	vsub.f32 $1.500000000e+00, v50;
	v11 =	vadd.f32 v11, v29;
	v29 =	vmul.f32 v36, v30  }
0x19d: {  	v31 =	vadd.f32 v37, v51;
	v54 =	vmul.f32 v27, v27;
	v53 =	vmul.f32 v35, v38  }
0x19e: {  	v32 =	vmul.f32 v32, v33;
	v55 =	vperm.xlane v11, v3  }
0x19f: {  	v29 =	vsub.f32 $1.500000000e+00, v29;
	v37 =	vperm.xlane v31, v1;
	v39 =	vperm.xlane v54, v0  }
0x1a0: {  	v34 =	vsub.f32 $1.500000000e+00, v53;
	v11 =	vadd.f32 v55, v11  }
0x1a1: {  	v56 =	vmul.f32 v32, v26;
	v57 =	vadd.f32 v37, v31;
	v59 =	vadd.f32 v39, v54  }
0x1a2: {  	v31 =	vld [tilespmem:s18+$0xFFFFFFE0];
	v35 =	vmul.f32 v35, v34;
	v60 =	vshra.s32 v11, $0x1;
	v33 =	vmul.f32 $5.000000000e-01, v11  }
0x1a3: {  	v58 =	vmul.f32 v56, v32;
	v34 =	vld [tilespmem:s18+$0xFFFFFFD0];
	v11 =	vperm.xlane v57, v2;
	v39 =	vsub.s32 $0x5F3759DF, v60  }
0x1a4: {  	v40 =	vmul.f32 v35, v28;
	v42 =	vmul.f32 v39, v33  }
0x1a5: {  	v29 =	vmul.f32 v29, v30;
	v41 =	vperm.xlane v59, v1;
	v37 =	vsub.f32 $1.500000000e+00, v58  }
0x1a6: {  	v11 =	vadd.f32 v11, v57;
	v61 =	vmul.f32 v40, v35;
	v62 =	vmul.f32 v39, v42  }
0x1a7: {  	v38 =	vadd.f32 v41, v59;
	v30 =	vmul.f32 v37, v32;
	v63 =	vmul.f32 v31, v31  }
0x1a8: {  	v47 =	vperm.xlane v11, v3;
	v48 =	vmul.f32 v34, v34  }
0x1a9: {  	v49 =	vperm.xlane v38, v2;
	v36 =	vsub.f32 $1.500000000e+00, v61;
	v40 =	vsub.f32 $1.500000000e+00, v62  }
0x1aa: {  	v43 =	vperm.xlane v63, v0;
	v11 =	vadd.f32 v47, v11;
	v44 =	vperm.xlane v48, v0  }
0x1ab: {  	v38 =	vadd.f32 v49, v38;
	v32 =	vmul.f32 v36, v35;
	v35 =	vld [tilespmem:s18+$0xFFFFFFC0];
	v40 =	vmul.f32 v39, v40  }
0x1ac: {  	v37 =	vadd.f32 v43, v63;
	v50 =	vshra.s32 v11, $0x1;
	v36 =	vmul.f32 $5.000000000e-01, v11  }
0x1ad: {  	v11 =	vadd.f32 v44, v48;
	v51 =	vperm.xlane v38, v3;
	v39 =	vsub.s32 $0x5F3759DF, v50  }
0x1ae: {  	v52 =	vperm.xlane v37, v1;
	v53 =	vmul.f32 v39, v36  }
0x1af: {  	v54 =	vmul.f32 v40, v33;
	v44 =	vperm.xlane v11, v1;
	v38 =	vadd.f32 v51, v38  }
0x1b0: {  	v37 =	vadd.f32 v52, v37;
	v45 =	vmul.f32 v35, v35;
	v55 =	vmul.f32 v39, v53  }
0x1b1: {  	v11 =	vadd.f32 v44, v11;
	v56 =	vshra.s32 v38, $0x1;
	v38 =	vmul.f32 $5.000000000e-01, v38  }
0x1b2: {  	v46 =	vperm.xlane v37, v2;
	v43 =	vsub.s32 $0x5F3759DF, v56;
	v57 =	vperm.xlane v45, v0  }
0x1b3: {  	v47 =	vperm.xlane v11, v2;
	v48 =	vmul.f32 v43, v38;
	v42 =	vsub.f32 $1.500000000e+00, v55  }
0x1b4: {  	v41 =	vmul.f32 v54, v40;
	v37 =	vadd.f32 v46, v37;
	v44 =	vadd.f32 v57, v45  }
0x1b5: {  	v11 =	vadd.f32 v47, v11;
	v58 =	vmul.f32 v43, v48;
	v59 =	vmul.f32 v39, v42  }
0x1b6: {  	v41 =	vsub.f32 $1.500000000e+00, v41;
	v39 =	vld [tilespmem:s18+$0xFFFFFFB0];
	v46 =	vperm.xlane v37, v3;
	v60 =	vperm.xlane v44, v1  }
0x1b7: {  	v61 =	vperm.xlane v11, v3;
	v45 =	vsub.f32 $1.500000000e+00, v58;
	v49 =	vmul.f32 v59, v36  }
0x1b8: {  	v62 =	vadd.f32 v46, v37;
	v37 =	vmul.f32 v41, v40;
	v44 =	vadd.f32 v60, v44  }
0x1b9: {  	v11 =	vadd.f32 v61, v11;
	v46 =	vmul.f32 v43, v45;
	v63 =	vmul.f32 v49, v59  }
0x1ba: {  	v53 =	vshra.s32 v62, $0x1;
	v41 =	vmul.f32 $5.000000000e-01, v62;
	v52 =	vperm.xlane v44, v2  }
0x1bb: {  	v54 =	vmul.f32 v39, v39;
	v48 =	vshra.s32 v11, $0x1;
	v42 =	vmul.f32 $5.000000000e-01, v11  }
0x1bc: {  	v11 =	vsub.s32 $0x5F3759DF, v53;
	v48 =	vsub.s32 $0x5F3759DF, v48;
	v43 =	vadd.f32 v52, v44  }
0x1bd: {  	v56 =	vmul.f32 v11, v41;
	v55 =	vmul.f32 v48, v42  }
0x1be: {  	v40 =	vsub.f32 $1.500000000e+00, v63;
	v50 =	vperm.xlane v54, v0;
	v51 =	vperm.xlane v43, v3  }
0x1bf: {  	v49 =	vmul.f32 v11, v56;
	v44 =	vmul.f32 v48, v55  }
0x1c0: {  	v40 =	vmul.f32 v40, v59;
	v45 =	vadd.f32 v50, v54;
	v57 =	vadd.f32 v51, v43  }
0x1c1: {  	v59 =	vmul.f32 v46, v38;
	v49 =	vsub.f32 $1.500000000e+00, v49;
	v58 =	vsub.f32 $1.500000000e+00, v44  }
0x1c2: {  	v52 =	vperm.xlane v45, v1;
	v43 =	vld [tilespmem:s18+$0xFFFFFFA0];
	v53 =	vshra.s32 v57, $0x1;
	v44 =	vmul.f32 $5.000000000e-01, v57  }
0x1c3: {  	v54 =	vmul.f32 v48, v58;
	v48 =	vmul.f32 v11, v49;
	v53 =	vsub.s32 $0x5F3759DF, v53  }
0x1c4: {  	v47 =	vmul.f32 v59, v46;
	v49 =	vadd.f32 v52, v45;
	v11 =	vmul.f32 v53, v44  }
0x1c5: {  	v60 =	vmul.f32 v54, v42;
	v61 =	vmul.f32 v48, v41  }
0x1c6: {  	[tilespmem:$0x1FFD0] =	vst v5;
	v62 =	vperm.xlane v49, v2;
	v63 =	vmul.f32 v53, v11  }
0x1c7: {  	[tilespmem:$0x1FFE0] =	vst v4;
	v4 =	vmov s16;
	v55 =	vmul.f32 v43, v43;
	v57 =	vmul.f32 v61, v48  }
0x1c8: {  	s19 =	simm.s32 $0x0;
	s20 =	simm.s32 $0x40;
	[tilespmem:$0x1FFF0] =	vst v4;
	v45 =	vld [tilespmem:s18+$0xFFFFFF60];
	v56 =	vadd.f32 v62, v49;
	v58 =	vmul.f32 v60, v54;
	v59 =	vsub.f32 $1.500000000e+00, v63  }
.LBB2_3:
0x1c9: {  	v52 =	vperm.xlane v55, v0;
	v57 =	vsub.f32 $1.500000000e+00, v57;
	v60 =	vsub.f32 $1.500000000e+00, v47  }
0x1ca: {  	v49 =	vld [tilespmem:s18+$0xFFFFFF90];
	v61 =	vperm.xlane v56, v3;
	v53 =	vmul.f32 v53, v59;
	v58 =	vsub.f32 $1.500000000e+00, v58  }
0x1cb: {  	v51 =	vld [tilespmem:s18+$0xFFFFFF70];
	v55 =	vadd.f32 v52, v55;
	v47 =	vmul.f32 v57, v48;
	v46 =	vmul.f32 v60, v46  }
0x1cc: {  	v50 =	vld [tilespmem:s18+$0xFFFFFF80];
	v56 =	vadd.f32 v61, v56;
	v62 =	vmul.f32 v53, v44;
	v48 =	vmul.f32 v58, v54  }
0x1cd: {  	v54 =	vmul.f32 v45, v45;
	v58 =	vperm.xlane v55, v1  }
0x1ce: {  	v52 =	vmul.f32 $5.000000000e-01, v56;
	v57 =	vmul.f32 v62, v53  }
0x1cf: {  	v61 =	vmul.f32 v49, v49;
	v56 =	vshra.s32 v56, $0x1;
	v59 =	vperm.xlane v54, v0  }
0x1d0: {  	v60 =	vmul.f32 v51, v51;
	v56 =	vsub.s32 $0x5F3759DF, v56;
	v55 =	vadd.f32 v58, v55  }
0x1d1: {  	v58 =	vmul.f32 v50, v50;
	v11 =	vperm.xlane v61, v0;
	v54 =	vadd.f32 v59, v54  }
0x1d2: {  	v57 =	vsub.f32 $1.500000000e+00, v57;
	v59 =	vperm.xlane v60, v0;
	v62 =	vperm.xlane v55, v2  }
0x1d3: {  	v63 =	vperm.xlane v58, v0;
	v11 =	vadd.f32 v11, v61;
	v4 =	vperm.xlane v54, v1  }
0x1d4: {  	v53 =	vmul.f32 v57, v53;
	v59 =	vadd.f32 v59, v60;
	v60 =	vmul.f32 v56, v52  }
0x1d5: {  	v58 =	vadd.f32 v63, v58;
	v63 =	vperm.xlane v11, v1;
	v4 =	vadd.f32 v4, v54  }
0x1d6: {  	v55 =	vadd.f32 v62, v55;
	v54 =	vperm.xlane v59, v1;
	v57 =	vmul.f32 v56, v60  }
0x1d7: {  	v62 =	vperm.xlane v58, v1;
	v11 =	vadd.f32 v63, v11;
	v5 =	vperm.xlane v4, v2  }
0x1d8: {  	v61 =	vperm.xlane v55, v3;
	v54 =	vadd.f32 v54, v59;
	v57 =	vsub.f32 $1.500000000e+00, v57  }
0x1d9: {  	v58 =	vadd.f32 v62, v58;
	v60 =	vperm.xlane v11, v2;
	v4 =	vadd.f32 v5, v4  }
0x1da: {  	v55 =	vadd.f32 v61, v55;
	v5 =	vperm.xlane v54, v2;
	v56 =	vmul.f32 v56, v57  }
0x1db: {  	v59 =	vperm.xlane v58, v2;
	v62 =	vperm.xlane v4, v3  }
0x1dc: {  	v61 =	vshra.s32 v55, $0x1;
	v11 =	vadd.f32 v60, v11;
	v5 =	vadd.f32 v5, v54  }
0x1dd: {  	v54 =	vmul.f32 $5.000000000e-01, v55;
	v55 =	vadd.f32 v59, v58;
	v4 =	vadd.f32 v62, v4  }
0x1de: {  	v58 =	vsub.s32 $0x5F3759DF, v61;
	v59 =	vperm.xlane v5, v3;
	v62 =	vperm.xlane v11, v3  }
0x1df: {  	v60 =	vmul.f32 v58, v54;
	v61 =	vperm.xlane v55, v3;
	v63 =	vshra.s32 v4, $0x1  }
0x1e0: {  	v4 =	vmul.f32 $5.000000000e-01, v4;
	v5 =	vadd.f32 v59, v5;
	v11 =	vadd.f32 v62, v11  }
0x1e1: {  	v57 =	vmul.f32 v58, v60;
	v59 =	vsub.s32 $0x5F3759DF, v63;
	v55 =	vadd.f32 v61, v55  }
0x1e2: {  	v61 =	vmul.f32 v59, v4;
	v62 =	vshra.s32 v5, $0x1;
	v5 =	vmul.f32 $5.000000000e-01, v5  }
0x1e3: {  	v62 =	vsub.s32 $0x5F3759DF, v62;
	v63 =	vshra.s32 v55, $0x1;
	v55 =	vmul.f32 $5.000000000e-01, v55  }
0x1e4: {  	v61 =	vmul.f32 v59, v61;
	v6 =	vmul.f32 v62, v5;
	v63 =	vsub.s32 $0x5F3759DF, v63  }
0x1e5: {  	v9 =	vshra.s32 v11, $0x1;
	v11 =	vmul.f32 $5.000000000e-01, v11;
	v7 =	vmul.f32 v63, v55  }
0x1e6: {  	v9 =	vsub.s32 $0x5F3759DF, v9;
	v61 =	vsub.f32 $1.500000000e+00, v61;
	v6 =	vmul.f32 v62, v6  }
0x1e7: {  	v12 =	vmul.f32 v9, v11;
	v7 =	vmul.f32 v63, v7  }
0x1e8: {  	v59 =	vmul.f32 v59, v61;
	v6 =	vsub.f32 $1.500000000e+00, v6  }
0x1e9: {  	v57 =	vsub.f32 $1.500000000e+00, v57;
	v12 =	vmul.f32 v9, v12;
	v7 =	vsub.f32 $1.500000000e+00, v7  }
0x1ea: {  	v60 =	vmul.f32 v59, v4;
	v6 =	vmul.f32 v62, v6  }
0x1eb: {  	v57 =	vmul.f32 v58, v57;
	v12 =	vsub.f32 $1.500000000e+00, v12;
	v7 =	vmul.f32 v63, v7  }
0x1ec: {  	v60 =	vmul.f32 v60, v59;
	v62 =	vmul.f32 v6, v5  }
0x1ed: {  	v9 =	vmul.f32 v9, v12;
	v63 =	vmul.f32 v7, v55  }
0x1ee: {  	v61 =	vmul.f32 v56, v52;
	v12 =	vsub.f32 $1.500000000e+00, v60;
	v60 =	vmul.f32 v62, v6  }
0x1ef: {  	v62 =	vmul.f32 v9, v11;
	v58 =	vmul.f32 v63, v7  }
0x1f0: {  	v12 =	vmul.f32 v12, v59;
	v59 =	vsub.f32 $1.500000000e+00, v60;
	v60 =	vmul.f32 v61, v56  }
0x1f1: {  	v61 =	vmul.f32 v62, v9;
	v62 =	vmul.f32 v57, v54;
	v58 =	vsub.f32 $1.500000000e+00, v58  }
0x1f2: {  	v4 =	vmul.f32 v12, v4;
	v6 =	vmul.f32 v59, v6;
	v59 =	vsub.f32 $1.500000000e+00, v60  }
0x1f3: {  	v60 =	vmul.f32 v62, v57;
	v7 =	vmul.f32 v58, v7;
	v58 =	vsub.f32 $1.500000000e+00, v61  }
0x1f4: {  	v4 =	vmul.f32 v4, v12;
	v5 =	vmul.f32 v6, v5  }
0x1f5: {  	v63 =	vsub.f32 $1.500000000e+00, v60;
	v56 =	vmul.f32 v59, v56;
	v9 =	vmul.f32 v58, v9  }
0x1f6: {  	v55 =	vmul.f32 v7, v55;
	v4 =	vsub.f32 $1.500000000e+00, v4;
	v5 =	vmul.f32 v5, v6  }
0x1f7: {  	v57 =	vmul.f32 v63, v57;
	v11 =	vmul.f32 v9, v11  }
0x1f8: {  	v4 =	vmul.f32 v4, v12;
	v5 =	vsub.f32 $1.500000000e+00, v5;
	v12 =	vmul.f32 v55, v7  }
0x1f9: {  	v54 =	vmul.f32 v57, v54;
	v11 =	vmul.f32 v11, v9  }
0x1fa: {  	v4 =	vmul.f32 v4, v45;
	v5 =	vmul.f32 v5, v6;
	v6 =	vsub.f32 $1.500000000e+00, v12  }
0x1fb: {  	v58 =	vmul.f32 v56, v52;
	v12 =	vmul.f32 v54, v57;
	v11 =	vsub.f32 $1.500000000e+00, v11  }
0x1fc: {  	v4 =	vadd.f32 $0.0e+00, v4;
	v5 =	vmul.f32 v5, v51;
	v6 =	vmul.f32 v6, v7  }
0x1fd: {  	v59 =	vmul.f32 v53, v44;
	v7 =	vsub.f32 $1.500000000e+00, v12;
	v12 =	vmul.f32 v58, v56  }
0x1fe: {  	v4 =	vadd.f32 v5, v4;
	v5 =	vmul.f32 v6, v50;
	v6 =	vmul.f32 v11, v9  }
0x1ff: {  	v9 =	vsub.f32 $1.500000000e+00, v12;
	v11 =	vmul.f32 v59, v53;
	v12 =	vmul.f32 v48, v42  }
0x200: {  	v4 =	vadd.f32 v5, v4;
	v5 =	vmul.f32 v6, v49;
	v6 =	vmul.f32 v7, v57  }
0x201: {  	v7 =	vsub.f32 $1.500000000e+00, v11;
	v11 =	vmul.f32 v12, v48;
	v12 =	vmul.f32 v47, v41  }
0x202: {  	v4 =	vadd.f32 v5, v4;
	v5 =	vmul.f32 v6, v43;
	v6 =	vmul.f32 v9, v56  }
0x203: {  	v9 =	vsub.f32 $1.500000000e+00, v11;
	v11 =	vmul.f32 v12, v47;
	v12 =	vmul.f32 v46, v38  }
0x204: {  	v4 =	vadd.f32 v5, v4;
	v5 =	vmul.f32 v6, v39;
	v6 =	vmul.f32 v7, v53  }
0x205: {  	v7 =	vsub.f32 $1.500000000e+00, v11;
	v11 =	vmul.f32 v12, v46;
	v12 =	vmul.f32 v40, v36  }
0x206: {  	v4 =	vadd.f32 v5, v4;
	v5 =	vmul.f32 v6, v35;
	v6 =	vmul.f32 v9, v48  }
0x207: {  	v9 =	vsub.f32 $1.500000000e+00, v11;
	v11 =	vmul.f32 v12, v40;
	v12 =	vmul.f32 v37, v33  }
0x208: {  	v4 =	vadd.f32 v5, v4;
	v5 =	vmul.f32 v6, v34;
	v6 =	vmul.f32 v7, v47  }
0x209: {  	v7 =	vsub.f32 $1.500000000e+00, v11;
	v11 =	vmul.f32 v12, v37;
	v12 =	vmul.f32 v32, v28  }
0x20a: {  	v4 =	vadd.f32 v5, v4;
	v5 =	vmul.f32 v6, v31;
	v6 =	vmul.f32 v9, v46  }
0x20b: {  	v9 =	vsub.f32 $1.500000000e+00, v11;
	v11 =	vmul.f32 v12, v32;
	v12 =	vmul.f32 v30, v26  }
0x20c: {  	v4 =	vadd.f32 v5, v4;
	v5 =	vmul.f32 v6, v27;
	v6 =	vmul.f32 v7, v40  }
0x20d: {  	v7 =	vsub.f32 $1.500000000e+00, v11;
	v11 =	vmul.f32 v12, v30  }
0x20e: {  	v4 =	vadd.f32 v5, v4;
	v5 =	vmul.f32 v6, v24;
	v6 =	vmul.f32 v9, v37  }
0x20f: {  	v9 =	vsub.f32 $1.500000000e+00, v11  }
0x210: {  	v4 =	vadd.f32 v5, v4;
	v5 =	vmul.f32 v6, v21;
	v6 =	vmul.f32 v7, v32;
	_ =	sdelay $0x1  }
0x211: {  	v4 =	vadd.f32 v5, v4;
	v5 =	vmul.f32 v6, v18;
	v6 =	vmul.f32 v9, v30  }
0x212: {  	v12 =	vmul.f32 v29, v23  }
0x213: {  	v4 =	vadd.f32 v5, v4;
	v5 =	vmul.f32 v6, v15  }
0x214: {  	v11 =	vmul.f32 v12, v29  }
0x215: {  	v4 =	vadd.f32 v5, v4;
	v5 =	vld [tilespmem:$0x1FFE0]  }
0x216: {  	v7 =	vsub.f32 $1.500000000e+00, v11;
	_ =	sdelay $0x1  }
0x217: {  	v6 =	vmul.f32 v7, v29  }
0x218: {  	v12 =	vmul.f32 v25, v20  }
0x219: {  	v5 =	vmul.f32 v6, v5  }
0x21a: {  	v11 =	vmul.f32 v12, v25  }
0x21b: {  	v4 =	vadd.f32 v5, v4;
	v5 =	vld [tilespmem:$0x1FFD0]  }
0x21c: {  	v9 =	vsub.f32 $1.500000000e+00, v11;
	_ =	sdelay $0x1  }
0x21d: {  	v6 =	vmul.f32 v9, v25  }
0x21e: {  	v12 =	vmul.f32 v22, v17  }
0x21f: {  	v5 =	vmul.f32 v6, v5  }
0x220: {  	v11 =	vmul.f32 v12, v22  }
0x221: {  	v4 =	vadd.f32 v5, v4;
	v5 =	vld [tilespmem:$0x1FFC0]  }
0x222: {  	v7 =	vsub.f32 $1.500000000e+00, v11;
	_ =	sdelay $0x1  }
0x223: {  	v6 =	vmul.f32 v7, v22  }
0x224: {  	v12 =	vmul.f32 v19, v14  }
0x225: {  	v5 =	vmul.f32 v6, v5  }
0x226: {  	v11 =	vmul.f32 v12, v19  }
0x227: {  	v4 =	vadd.f32 v5, v4;
	v5 =	vld [tilespmem:$0x1FFB0]  }
0x228: {  	v9 =	vsub.f32 $1.500000000e+00, v11;
	_ =	sdelay $0x1  }
0x229: {  	v6 =	vmul.f32 v9, v19  }
0x22a: {  	v10 =	vmul.f32 v16, v10  }
0x22b: {  	v5 =	vmul.f32 v6, v5  }
0x22c: {  	v10 =	vmul.f32 v10, v16  }
0x22d: {  	v4 =	vadd.f32 v5, v4;
	v5 =	vld [tilespmem:$0x1FFA0]  }
0x22e: {  	v7 =	vsub.f32 $1.500000000e+00, v10;
	_ =	sdelay $0x1  }
0x22f: {  	v6 =	vmul.f32 v7, v16  }
0x230: {  	v8 =	vmul.f32 v13, v8  }
0x231: {  	v5 =	vmul.f32 v6, v5  }
0x232: {  	v8 =	vmul.f32 v8, v13  }
0x233: {  	v4 =	vadd.f32 v5, v4;
	v5 =	vld [tilespmem:$0x1FF90]  }
0x234: {  	v8 =	vsub.f32 $1.500000000e+00, v8;
	_ =	sdelay $0x1  }
0x235: {  	v6 =	vmul.f32 v8, v13;
	_ =	sdelay $0x1  }
0x236: {  	v5 =	vmul.f32 v6, v5;
	_ =	sdelay $0x1  }
0x237: {  	v4 =	vadd.f32 v5, v4;
	_ =	sdelay $0x1  }
0x238: {  	v5 =	vmul.f32 v4, v4;
	_ =	sdelay $0x1  }
0x239: {  	v6 =	vperm.xlane v5, v0;
	_ =	sdelay $0x1  }
0x23a: {  	v5 =	vadd.f32 v5, v6;
	_ =	sdelay $0x1  }
0x23b: {  	v6 =	vperm.xlane v5, v1;
	_ =	sdelay $0x1  }
0x23c: {  	v5 =	vadd.f32 v5, v6;
	_ =	sdelay $0x1  }
0x23d: {  	v6 =	vperm.xlane v5, v2;
	_ =	sdelay $0x1  }
0x23e: {  	v5 =	vadd.f32 v5, v6;
	_ =	sdelay $0x1  }
0x23f: {  	v6 =	vperm.xlane v5, v3;
	_ =	sdelay $0x1  }
0x240: {  	v5 =	vadd.f32 v5, v6;
	_ =	sdelay $0x1  }
0x241: {  	v6 =	vshra.s32 v5, $0x1;
	v5 =	vmul.f32 $5.000000000e-01, v5  }
0x242: {  	v6 =	vsub.s32 $0x5F3759DF, v6  }
0x243: {  	v7 =	vmul.f32 v6, v5;
	_ =	sdelay $0x1  }
0x244: {  	v7 =	vmul.f32 v6, v7;
	_ =	sdelay $0x1  }
0x245: {  	v7 =	vsub.f32 $1.500000000e+00, v7;
	_ =	sdelay $0x1  }
0x246: {  	v6 =	vmul.f32 v6, v7;
	_ =	sdelay $0x1  }
0x247: {  	v7 =	vmul.f32 v6, v5;
	_ =	sdelay $0x1  }
0x248: {  	v7 =	vmul.f32 v7, v6;
	_ =	sdelay $0x1  }
0x249: {  	v7 =	vsub.f32 $1.500000000e+00, v7;
	_ =	sdelay $0x1  }
0x24a: {  	v6 =	vmul.f32 v7, v6;
	_ =	sdelay $0x1  }
0x24b: {  	v5 =	vmul.f32 v6, v5;
	_ =	sdelay $0x1  }
0x24c: {  	v5 =	vmul.f32 v5, v6;
	_ =	sdelay $0x1  }
0x24d: {  	v5 =	vsub.f32 $1.500000000e+00, v5;
	_ =	sdelay $0x1  }
0x24e: {  	v5 =	vmul.f32 v5, v6;
	_ =	sdelay $0x1  }
0x24f: {  	v4 =	vmul.f32 v5, v4;
	v5 =	vld [tilespmem:$0x1FFF0];
	_ =	sdelay $0x6  }
0x250: {  	s21 =	sshra.s32 s19, $0x2  }
0x251: {  	s18 =	sadd.s32 $0x140, s18;
	[tilespmem:v5+s21+$0x0 ss:$0x1] =	vst.idx.msk $0xffff, v4  }
0x252: {  	v4 =	vld [tilespmem:s18+$0x90];
	_ =	sdelay $0x4  }
0x253: {  	[tilespmem:$0x1FF90] =	vst v4;
	v4 =	vmul.f32 v4, v4;
	_ =	sdelay $0x1  }
0x254: {  	v6 =	vld [tilespmem:s18+$0x80];
	v5 =	vperm.xlane v4, v0;
	_ =	sdelay $0x1  }
0x255: {  	v4 =	vadd.f32 v5, v4;
	_ =	sdelay $0x1  }
0x256: {  	v5 =	vperm.xlane v4, v1  }
0x257: {  	[tilespmem:$0x1FFA0] =	vst v6;
	v6 =	vmul.f32 v6, v6  }
0x258: {  	v4 =	vadd.f32 v5, v4  }
0x259: {  	v8 =	vld [tilespmem:s18+$0x70];
	v5 =	vperm.xlane v6, v0  }
0x25a: {  	v7 =	vperm.xlane v4, v2  }
0x25b: {  	v5 =	vadd.f32 v5, v6  }
0x25c: {  	v4 =	vadd.f32 v7, v4  }
0x25d: {  	v6 =	vperm.xlane v5, v1  }
0x25e: {  	[tilespmem:$0x1FFB0] =	vst v8;
	v7 =	vmul.f32 v8, v8;
	v8 =	vperm.xlane v4, v3  }
0x25f: {  	v5 =	vadd.f32 v6, v5  }
0x260: {  	v6 =	vperm.xlane v7, v0;
	v4 =	vadd.f32 v8, v4  }
0x261: {  	v9 =	vperm.xlane v5, v2  }
0x262: {  	v11 =	vld [tilespmem:s18+$0x60];
	v6 =	vadd.f32 v6, v7;
	v7 =	vshra.s32 v4, $0x1;
	v8 =	vmul.f32 $5.000000000e-01, v4  }
0x263: {  	v4 =	vadd.f32 v9, v5;
	v5 =	vsub.s32 $0x5F3759DF, v7  }
0x264: {  	v7 =	vperm.xlane v6, v1;
	v9 =	vmul.f32 v5, v8  }
0x265: {  	v10 =	vperm.xlane v4, v3  }
0x266: {  	v6 =	vadd.f32 v7, v6;
	v7 =	vmul.f32 v5, v9  }
0x267: {  	v14 =	vld [tilespmem:s18+$0x50];
	v9 =	vmul.f32 v11, v11;
	v4 =	vadd.f32 v10, v4  }
0x268: {  	[tilespmem:$0x1FFC0] =	vst v11;
	v11 =	vperm.xlane v6, v2;
	v7 =	vsub.f32 $1.500000000e+00, v7  }
0x269: {  	v12 =	vperm.xlane v9, v0;
	v13 =	vshra.s32 v4, $0x1;
	v10 =	vmul.f32 $5.000000000e-01, v4  }
0x26a: {  	v4 =	vadd.f32 v11, v6;
	v6 =	vsub.s32 $0x5F3759DF, v13  }
0x26b: {  	v9 =	vadd.f32 v12, v9;
	v11 =	vmul.f32 v6, v10;
	v5 =	vmul.f32 v5, v7  }
0x26c: {  	v7 =	vmul.f32 v14, v14;
	v12 =	vperm.xlane v4, v3  }
0x26d: {  	v13 =	vperm.xlane v9, v1;
	v11 =	vmul.f32 v6, v11  }
0x26e: {  	v17 =	vld [tilespmem:s18+$0x40];
	[tilespmem:$0x1FFD0] =	vst v14;
	v14 =	vperm.xlane v7, v0;
	v4 =	vadd.f32 v12, v4  }
0x26f: {  	v12 =	vmul.f32 v5, v8;
	v9 =	vadd.f32 v13, v9;
	v11 =	vsub.f32 $1.500000000e+00, v11  }
0x270: {  	v34 =	vld [tilespmem:s18+$0xFFFFFFD0];
	v7 =	vadd.f32 v14, v7;
	v13 =	vshra.s32 v4, $0x1;
	v14 =	vmul.f32 $5.000000000e-01, v4  }
0x271: {  	v4 =	vperm.xlane v9, v2;
	v16 =	vsub.s32 $0x5F3759DF, v13;
	v6 =	vmul.f32 v6, v11  }
0x272: {  	v11 =	vperm.xlane v7, v1;
	v13 =	vmul.f32 v16, v14  }
0x273: {  	[tilespmem:$0x1FFE0] =	vst v17;
	v17 =	vmul.f32 v17, v17;
	v4 =	vadd.f32 v4, v9;
	v9 =	vmul.f32 v12, v5  }
0x274: {  	v7 =	vadd.f32 v11, v7;
	v12 =	vmul.f32 v6, v10;
	v11 =	vmul.f32 v16, v13  }
0x275: {  	v15 =	vld [tilespmem:s18+$0x30];
	v43 =	vmul.f32 v34, v34;
	v13 =	vperm.xlane v4, v3;
	v9 =	vsub.f32 $1.500000000e+00, v9  }
0x276: {  	v18 =	vperm.xlane v7, v2;
	v12 =	vmul.f32 v12, v6;
	v11 =	vsub.f32 $1.500000000e+00, v11  }
0x277: {  	v19 =	vperm.xlane v17, v0;
	v4 =	vadd.f32 v13, v4;
	v13 =	vmul.f32 v9, v5  }
0x278: {  	v5 =	vadd.f32 v18, v7;
	v9 =	vsub.f32 $1.500000000e+00, v12;
	v7 =	vmul.f32 v16, v11  }
0x279: {  	v11 =	vadd.f32 v19, v17;
	v12 =	vshra.s32 v4, $0x1;
	v17 =	vmul.f32 $5.000000000e-01, v4  }
0x27a: {  	v18 =	vld [tilespmem:s18+$0x20];
	v4 =	vmul.f32 v15, v15;
	v16 =	vperm.xlane v5, v3;
	v12 =	vsub.s32 $0x5F3759DF, v12  }
0x27b: {  	v19 =	vperm.xlane v11, v1;
	v20 =	vmul.f32 v12, v17  }
0x27c: {  	v21 =	vperm.xlane v4, v0;
	v5 =	vadd.f32 v16, v5;
	v16 =	vmul.f32 v9, v6  }
0x27d: {  	v6 =	vadd.f32 v19, v11;
	v11 =	vmul.f32 v7, v14;
	v9 =	vmul.f32 v12, v20  }
0x27e: {  	v4 =	vadd.f32 v21, v4;
	v19 =	vshra.s32 v5, $0x1;
	v20 =	vmul.f32 $5.000000000e-01, v5  }
0x27f: {  	v5 =	vmul.f32 v18, v18;
	v21 =	vperm.xlane v6, v2;
	v22 =	vsub.s32 $0x5F3759DF, v19  }
0x280: {  	v19 =	vperm.xlane v4, v1;
	v23 =	vmul.f32 v22, v20;
	v9 =	vsub.f32 $1.500000000e+00, v9  }
0x281: {  	v11 =	vmul.f32 v11, v7;
	v24 =	vperm.xlane v5, v0;
	v6 =	vadd.f32 v21, v6  }
0x282: {  	v4 =	vadd.f32 v19, v4;
	v19 =	vmul.f32 v22, v23;
	v9 =	vmul.f32 v12, v9  }
0x283: {  	v21 =	vld [tilespmem:s18+$0x10];
	v11 =	vsub.f32 $1.500000000e+00, v11;
	v5 =	vadd.f32 v24, v5;
	v12 =	vperm.xlane v6, v3  }
0x284: {  	v23 =	vperm.xlane v4, v2;
	v24 =	vsub.f32 $1.500000000e+00, v19;
	v25 =	vmul.f32 v9, v17  }
0x285: {  	v26 =	vperm.xlane v5, v1;
	v19 =	vmul.f32 v11, v7;
	v6 =	vadd.f32 v12, v6  }
0x286: {  	v4 =	vadd.f32 v23, v4;
	v7 =	vmul.f32 v22, v24;
	v11 =	vmul.f32 v25, v9  }
0x287: {  	v5 =	vadd.f32 v26, v5;
	v12 =	vshra.s32 v6, $0x1;
	v23 =	vmul.f32 $5.000000000e-01, v6  }
0x288: {  	v6 =	vmul.f32 v21, v21;
	v22 =	vperm.xlane v4, v3;
	v12 =	vsub.s32 $0x5F3759DF, v12  }
0x289: {  	v24 =	vperm.xlane v5, v2;
	v25 =	vmul.f32 v12, v23  }
0x28a: {  	v11 =	vsub.f32 $1.500000000e+00, v11;
	v26 =	vperm.xlane v6, v0;
	v4 =	vadd.f32 v22, v4  }
0x28b: {  	v5 =	vadd.f32 v24, v5;
	v24 =	vld [tilespmem:s18+$0x0];
	v22 =	vmul.f32 v12, v25;
	v25 =	vmul.f32 v7, v20  }
0x28c: {  	v6 =	vadd.f32 v26, v6;
	v27 =	vshra.s32 v4, $0x1;
	v26 =	vmul.f32 $5.000000000e-01, v4  }
0x28d: {  	v4 =	vperm.xlane v5, v3;
	v29 =	vsub.s32 $0x5F3759DF, v27;
	v25 =	vmul.f32 v25, v7  }
0x28e: {  	v27 =	vperm.xlane v6, v1;
	v30 =	vsub.f32 $1.500000000e+00, v22;
	v22 =	vmul.f32 v11, v9  }
0x28f: {  	v28 =	vmul.f32 v29, v26;
	v4 =	vadd.f32 v4, v5;
	v5 =	vsub.f32 $1.500000000e+00, v25  }
0x290: {  	v6 =	vadd.f32 v27, v6;
	v11 =	vmul.f32 v12, v30;
	v12 =	vmul.f32 v24, v24  }
0x291: {  	v27 =	vld [tilespmem:s18+$0xFFFFFFF0];
	v9 =	vmul.f32 v29, v28;
	v25 =	vshra.s32 v4, $0x1;
	v28 =	vmul.f32 $5.000000000e-01, v4  }
0x292: {  	v4 =	vperm.xlane v6, v2;
	v30 =	vsub.s32 $0x5F3759DF, v25;
	v25 =	vmul.f32 v11, v23  }
0x293: {  	v31 =	vperm.xlane v12, v0;
	v60 =	vmul.f32 v30, v28;
	v9 =	vsub.f32 $1.500000000e+00, v9  }
0x294: {  	v4 =	vadd.f32 v4, v6;
	v6 =	vmul.f32 v25, v11;
	v25 =	vmul.f32 v5, v7  }
0x295: {  	v5 =	vadd.f32 v31, v12;
	v7 =	vmul.f32 v30, v60;
	v9 =	vmul.f32 v29, v9  }
0x296: {  	v12 =	vmul.f32 v27, v27;
	v29 =	vperm.xlane v4, v3  }
0x297: {  	v31 =	vperm.xlane v5, v1;
	v7 =	vsub.f32 $1.500000000e+00, v7;
	v61 =	vmul.f32 v9, v26  }
0x298: {  	v6 =	vsub.f32 $1.500000000e+00, v6;
	v62 =	vperm.xlane v12, v0;
	v4 =	vadd.f32 v29, v4  }
0x299: {  	v5 =	vadd.f32 v31, v5;
	v31 =	vld [tilespmem:s18+$0xFFFFFFE0];
	v7 =	vmul.f32 v30, v7;
	v29 =	vmul.f32 v61, v9  }
0x29a: {  	v12 =	vadd.f32 v62, v12;
	v30 =	vshra.s32 v4, $0x1;
	v33 =	vmul.f32 $5.000000000e-01, v4  }
0x29b: {  	v4 =	vperm.xlane v5, v2;
	v63 =	vsub.s32 $0x5F3759DF, v30;
	v30 =	vmul.f32 v7, v28  }
0x29c: {  	v40 =	vperm.xlane v12, v1;
	v42 =	vsub.f32 $1.500000000e+00, v29;
	v29 =	vmul.f32 v6, v11  }
0x29d: {  	v41 =	vmul.f32 v63, v33;
	v4 =	vadd.f32 v4, v5;
	v5 =	vmul.f32 v30, v7  }
0x29e: {  	v6 =	vadd.f32 v40, v12;
	v30 =	vmul.f32 v42, v9;
	v9 =	vmul.f32 v31, v31  }
0x29f: {  	v11 =	vmul.f32 v63, v41;
	v12 =	vperm.xlane v4, v3;
	v5 =	vsub.f32 $1.500000000e+00, v5  }
0x2a0: {  	v44 =	vperm.xlane v6, v2;
	v45 =	vperm.xlane v9, v0  }
0x2a1: {  	v35 =	vld [tilespmem:s18+$0xFFFFFFC0];
	v11 =	vsub.f32 $1.500000000e+00, v11;
	v4 =	vadd.f32 v12, v4;
	v32 =	vmul.f32 v5, v7  }
0x2a2: {  	v5 =	vperm.xlane v43, v0;
	v6 =	vadd.f32 v44, v6;
	v9 =	vadd.f32 v45, v9  }
0x2a3: {  	v7 =	vmul.f32 v63, v11;
	v11 =	vshra.s32 v4, $0x1;
	v36 =	vmul.f32 $5.000000000e-01, v4  }
0x2a4: {  	v4 =	vadd.f32 v5, v43;
	v5 =	vperm.xlane v6, v3;
	v11 =	vsub.s32 $0x5F3759DF, v11  }
0x2a5: {  	v12 =	vperm.xlane v9, v1;
	v46 =	vmul.f32 v11, v36  }
0x2a6: {  	v48 =	vmul.f32 v35, v35;
	v47 =	vperm.xlane v4, v1;
	v5 =	vadd.f32 v5, v6  }
0x2a7: {  	v6 =	vmul.f32 v7, v33;
	v9 =	vadd.f32 v12, v9;
	v12 =	vmul.f32 v11, v46  }
0x2a8: {  	v4 =	vadd.f32 v47, v4;
	v49 =	vshra.s32 v5, $0x1;
	v38 =	vmul.f32 $5.000000000e-01, v5  }
0x2a9: {  	v5 =	vperm.xlane v48, v0;
	v50 =	vperm.xlane v9, v2;
	v51 =	vsub.s32 $0x5F3759DF, v49  }
0x2aa: {  	v12 =	vsub.f32 $1.500000000e+00, v12;
	v52 =	vperm.xlane v4, v2;
	v53 =	vmul.f32 v51, v38  }
0x2ab: {  	v6 =	vmul.f32 v6, v7;
	v5 =	vadd.f32 v5, v48;
	v9 =	vadd.f32 v50, v9  }
0x2ac: {  	v11 =	vmul.f32 v11, v12;
	v4 =	vadd.f32 v52, v4;
	v54 =	vmul.f32 v51, v53  }
0x2ad: {  	v6 =	vsub.f32 $1.500000000e+00, v6;
	v12 =	vperm.xlane v5, v1;
	v40 =	vperm.xlane v9, v3  }
0x2ae: {  	v39 =	vld [tilespmem:s18+$0xFFFFFFB0];
	v57 =	vmul.f32 v11, v36;
	v55 =	vperm.xlane v4, v3;
	v56 =	vsub.f32 $1.500000000e+00, v54  }
0x2af: {  	v37 =	vmul.f32 v6, v7;
	v5 =	vadd.f32 v12, v5;
	v9 =	vadd.f32 v40, v9  }
0x2b0: {  	v6 =	vmul.f32 v57, v11;
	v4 =	vadd.f32 v55, v4;
	v46 =	vmul.f32 v51, v56  }
0x2b1: {  	v7 =	vperm.xlane v5, v2;
	v12 =	vshra.s32 v9, $0x1;
	v41 =	vmul.f32 $5.000000000e-01, v9  }
0x2b2: {  	v43 =	vld [tilespmem:s18+$0xFFFFFFA0];
	v9 =	vshra.s32 v4, $0x1;
	v42 =	vmul.f32 $5.000000000e-01, v4;
	v4 =	vsub.s32 $0x5F3759DF, v12  }
0x2b3: {  	v12 =	vmul.f32 v39, v39;
	v5 =	vadd.f32 v7, v5;
	v7 =	vsub.s32 $0x5F3759DF, v9  }
0x2b4: {  	v58 =	vmul.f32 v4, v41;
	v9 =	vmul.f32 v7, v42  }
0x2b5: {  	v59 =	vperm.xlane v12, v0;
	v60 =	vperm.xlane v5, v3  }
0x2b6: {  	v6 =	vsub.f32 $1.500000000e+00, v6;
	v61 =	vmul.f32 v4, v58;
	v9 =	vmul.f32 v7, v9  }
0x2b7: {  	v55 =	vmul.f32 v43, v43;
	v12 =	vadd.f32 v59, v12;
	v5 =	vadd.f32 v60, v5  }
0x2b8: {  	v40 =	vmul.f32 v6, v11;
	v6 =	vsub.f32 $1.500000000e+00, v9;
	v9 =	vsub.f32 $1.500000000e+00, v61  }
0x2b9: {  	v62 =	vperm.xlane v12, v1;
	v63 =	vshra.s32 v5, $0x1;
	v44 =	vmul.f32 $5.000000000e-01, v5  }
0x2ba: {  	p0 =	sne.s32 s20, $0xFC0;
	v53 =	vsub.s32 $0x5F3759DF, v63;
	v54 =	vmul.f32 v7, v6;
	v48 =	vmul.f32 v4, v9  }
.Ltmp0:
0x2bb: {  	v11 =	vmul.f32 v46, v38;
	v4 =	vadd.f32 v62, v12;
	v5 =	vmul.f32 v53, v44;
	(pc) =	sbr.rel @p0 .LBB2_3-.Ltmp0, $4  }
0x2bc: {  	v6 =	vmul.f32 v54, v42;
	v7 =	vmul.f32 v48, v41  }
0x2bd: {  	v9 =	vperm.xlane v4, v2;
	v5 =	vmul.f32 v53, v5  }
0x2be: {  	v47 =	vmul.f32 v11, v46;
	v57 =	vmul.f32 v7, v48  }
0x2bf: {  	s19 =	smov.u32 s20;
	s20 =	sadd.s32 $0x40, s20;
	v45 =	vld [tilespmem:s18+$0xFFFFFF60];
	v56 =	vadd.f32 v9, v4;
	v59 =	vsub.f32 $1.500000000e+00, v5;
	v58 =	vmul.f32 v6, v54  }
0x2c0: {  	_ =	sdelay $0x1  }
0x2c1: {  	v52 =	vld [tilespmem:s18+$0xFFFFFF70]  }
0x2c2: {  	v51 =	vld [tilespmem:s18+$0xFFFFFF80]  }
0x2c3: {  	v49 =	vld [tilespmem:s18+$0xFFFFFF90];
	v6 =	vperm.xlane v55, v0;
	v4 =	vmul.f32 v45, v45  }
0x2c4: {  	v7 =	vsub.f32 $1.500000000e+00, v57;
	v9 =	vperm.xlane v56, v3  }
0x2c5: {  	v53 =	vmul.f32 v53, v59;
	v6 =	vadd.f32 v6, v55;
	v5 =	vperm.xlane v4, v0  }
0x2c6: {  	v50 =	vmul.f32 v7, v48;
	v9 =	vadd.f32 v9, v56;
	v60 =	vmul.f32 v52, v52  }
0x2c7: {  	v63 =	vperm.xlane v6, v1;
	v11 =	vmul.f32 v51, v51;
	v4 =	vadd.f32 v5, v4  }
0x2c8: {  	v61 =	vmul.f32 v49, v49;
	v62 =	vperm.xlane v60, v0;
	v5 =	vsub.f32 $1.500000000e+00, v58  }
0x2c9: {  	v56 =	vmul.f32 $5.000000000e-01, v9;
	v9 =	vshra.s32 v9, $0x1;
	v12 =	vperm.xlane v4, v1  }
0x2ca: {  	[tilespmem:$0x1FF80] =	vst v49;
	v7 =	vadd.f32 v62, v60;
	v49 =	vmul.f32 v5, v54;
	v5 =	vperm.xlane v11, v0  }
0x2cb: {  	v6 =	vadd.f32 v63, v6;
	v48 =	vperm.xlane v61, v0;
	v4 =	vadd.f32 v12, v4  }
0x2cc: {  	v9 =	vsub.s32 $0x5F3759DF, v9;
	v60 =	vperm.xlane v7, v1;
	v5 =	vadd.f32 v5, v11  }
0x2cd: {  	v55 =	vmul.f32 v9, v56;
	v12 =	vadd.f32 v48, v61;
	v59 =	vperm.xlane v4, v2  }
0x2ce: {  	v62 =	vperm.xlane v6, v2;
	v7 =	vadd.f32 v60, v7;
	v61 =	vperm.xlane v5, v1  }
0x2cf: {  	v55 =	vmul.f32 v9, v55;
	v63 =	vperm.xlane v12, v1;
	v4 =	vadd.f32 v59, v4  }
0x2d0: {  	v6 =	vadd.f32 v62, v6;
	v60 =	vperm.xlane v7, v2;
	v5 =	vadd.f32 v61, v5  }
0x2d1: {  	v55 =	vsub.f32 $1.500000000e+00, v55;
	v11 =	vadd.f32 v63, v12;
	v48 =	vperm.xlane v4, v3  }
0x2d2: {  	v62 =	vperm.xlane v6, v3;
	v7 =	vadd.f32 v60, v7;
	v61 =	vperm.xlane v5, v2  }
0x2d3: {  	v9 =	vmul.f32 v9, v55;
	v63 =	vperm.xlane v11, v2;
	v4 =	vadd.f32 v48, v4  }
0x2d4: {  	v6 =	vadd.f32 v62, v6;
	v5 =	vadd.f32 v61, v5;
	v61 =	vperm.xlane v7, v3  }
0x2d5: {  	v11 =	vadd.f32 v63, v11;
	v60 =	vshra.s32 v4, $0x1;
	v48 =	vmul.f32 $5.000000000e-01, v4  }
0x2d6: {  	v62 =	vperm.xlane v5, v3;
	v7 =	vadd.f32 v61, v7;
	v12 =	vsub.s32 $0x5F3759DF, v60  }
0x2d7: {  	v60 =	vperm.xlane v11, v3;
	v63 =	vmul.f32 v12, v48  }
0x2d8: {  	v5 =	vadd.f32 v62, v5;
	v62 =	vshra.s32 v7, $0x1;
	v7 =	vmul.f32 $5.000000000e-01, v7  }
0x2d9: {  	v57 =	vshra.s32 v6, $0x1;
	v58 =	vsub.s32 $0x5F3759DF, v62;
	v61 =	vmul.f32 v12, v63  }
0x2da: {  	v6 =	vmul.f32 $5.000000000e-01, v6;
	v11 =	vadd.f32 v60, v11;
	v60 =	vmul.f32 v58, v7  }
0x2db: {  	v59 =	vshra.s32 v5, $0x1;
	v5 =	vmul.f32 $5.000000000e-01, v5;
	v54 =	vsub.f32 $1.500000000e+00, v61  }
0x2dc: {  	v57 =	vsub.s32 $0x5F3759DF, v57;
	v59 =	vsub.s32 $0x5F3759DF, v59;
	v60 =	vmul.f32 v58, v60  }
0x2dd: {  	v63 =	vshra.s32 v11, $0x1;
	v61 =	vmul.f32 v59, v5;
	v12 =	vmul.f32 v12, v54  }
0x2de: {  	v54 =	vsub.s32 $0x5F3759DF, v63;
	v63 =	vmul.f32 v57, v6;
	v60 =	vsub.f32 $1.500000000e+00, v60  }
0x2df: {  	v61 =	vmul.f32 v59, v61;
	v4 =	vmul.f32 v12, v48  }
0x2e0: {  	v63 =	vmul.f32 v57, v63;
	v55 =	vmul.f32 v58, v60  }
0x2e1: {  	v61 =	vsub.f32 $1.500000000e+00, v61;
	v4 =	vmul.f32 v4, v12  }
0x2e2: {  	v11 =	vmul.f32 $5.000000000e-01, v11;
	v60 =	vsub.f32 $1.500000000e+00, v63;
	v63 =	vmul.f32 v55, v7  }
0x2e3: {  	v59 =	vmul.f32 v59, v61;
	v4 =	vsub.f32 $1.500000000e+00, v4  }
0x2e4: {  	v62 =	vmul.f32 v54, v11;
	v58 =	vmul.f32 v63, v55  }
0x2e5: {  	v4 =	vmul.f32 v4, v12;
	v12 =	vmul.f32 v59, v5  }
0x2e6: {  	v62 =	vmul.f32 v54, v62  }
0x2e7: {  	v58 =	vsub.f32 $1.500000000e+00, v58;
	v12 =	vmul.f32 v12, v59  }
0x2e8: {  	v62 =	vsub.f32 $1.500000000e+00, v62;
	v57 =	vmul.f32 v57, v60;
	v48 =	vmul.f32 v4, v48  }
0x2e9: {  	v60 =	vmul.f32 v9, v56;
	v55 =	vmul.f32 v58, v55;
	v12 =	vsub.f32 $1.500000000e+00, v12  }
0x2ea: {  	v54 =	vmul.f32 v54, v62;
	v48 =	vmul.f32 v48, v4  }
0x2eb: {  	v7 =	vmul.f32 v55, v7;
	v12 =	vmul.f32 v12, v59  }
0x2ec: {  	v60 =	vmul.f32 v60, v9;
	v61 =	vmul.f32 v54, v11  }
0x2ed: {  	v48 =	vsub.f32 $1.500000000e+00, v48;
	v7 =	vmul.f32 v7, v55;
	v5 =	vmul.f32 v12, v5  }
0x2ee: {  	v62 =	vmul.f32 v57, v6;
	v61 =	vmul.f32 v61, v54  }
0x2ef: {  	v4 =	vmul.f32 v48, v4;
	v7 =	vsub.f32 $1.500000000e+00, v7;
	v5 =	vmul.f32 v5, v12  }
0x2f0: {  	v58 =	vsub.f32 $1.500000000e+00, v60;
	v60 =	vsub.f32 $1.500000000e+00, v61;
	v61 =	vmul.f32 v62, v57  }
0x2f1: {  	v4 =	vmul.f32 v4, v45;
	v7 =	vmul.f32 v7, v55;
	v5 =	vsub.f32 $1.500000000e+00, v5  }
0x2f2: {  	v62 =	vmul.f32 v53, v44;
	v54 =	vmul.f32 v60, v54;
	v60 =	vsub.f32 $1.500000000e+00, v61  }
0x2f3: {  	v7 =	vmul.f32 v7, v52;
	v4 =	vadd.f32 $0.0e+00, v4;
	v5 =	vmul.f32 v5, v12  }
0x2f4: {  	v61 =	vmul.f32 v60, v57;
	v11 =	vmul.f32 v54, v11  }
0x2f5: {  	v45 =	vmul.f32 v62, v53;
	v4 =	vadd.f32 v7, v4;
	v5 =	vmul.f32 v5, v51  }
0x2f6: {  	v11 =	vmul.f32 v11, v54;
	v6 =	vmul.f32 v61, v6  }
0x2f7: {  	v9 =	vmul.f32 v58, v9;
	v45 =	vsub.f32 $1.500000000e+00, v45;
	v4 =	vadd.f32 v5, v4;
	v5 =	vld [tilespmem:$0x1FF80]  }
0x2f8: {  	v11 =	vsub.f32 $1.500000000e+00, v11;
	v6 =	vmul.f32 v6, v61  }
0x2f9: {  	v52 =	vmul.f32 v9, v56;
	v63 =	vmul.f32 v45, v53  }
0x2fa: {  	v42 =	vmul.f32 v49, v42;
	v11 =	vmul.f32 v11, v54;
	v6 =	vsub.f32 $1.500000000e+00, v6  }
0x2fb: {  	v7 =	vmul.f32 v52, v9;
	v53 =	vmul.f32 v63, v44  }
0x2fc: {  	v6 =	vmul.f32 v6, v61;
	v5 =	vmul.f32 v11, v5  }
0x2fd: {  	v57 =	vmul.f32 v42, v49;
	v7 =	vsub.f32 $1.500000000e+00, v7;
	v54 =	vmul.f32 v53, v63  }
0x2fe: {  	v55 =	vsub.f32 $1.500000000e+00, v47;
	v4 =	vadd.f32 v5, v4;
	v5 =	vmul.f32 v6, v43  }
0x2ff: {  	v62 =	vmul.f32 v40, v36;
	v7 =	vmul.f32 v7, v9;
	v56 =	vsub.f32 $1.500000000e+00, v54  }
0x300: {  	v6 =	vmul.f32 v55, v46;
	v4 =	vadd.f32 v5, v4;
	v5 =	vmul.f32 v50, v41  }
0x301: {  	v7 =	vmul.f32 v7, v39;
	v9 =	vmul.f32 v56, v63;
	v11 =	vsub.f32 $1.500000000e+00, v57  }
0x302: {  	v58 =	vmul.f32 v6, v38;
	v5 =	vmul.f32 v5, v50  }
0x303: {  	v59 =	vmul.f32 v9, v35;
	v60 =	vmul.f32 v11, v49  }
0x304: {  	v4 =	vadd.f32 v7, v4;
	v61 =	vmul.f32 v58, v6;
	v5 =	vsub.f32 $1.500000000e+00, v5  }
0x305: {  	v35 =	vmul.f32 v62, v40;
	v63 =	vmul.f32 v60, v34  }
0x306: {  	v4 =	vadd.f32 v59, v4;
	v34 =	vsub.f32 $1.500000000e+00, v61;
	v5 =	vmul.f32 v5, v50  }
0x307: {  	v36 =	vmul.f32 v37, v33;
	v38 =	vsub.f32 $1.500000000e+00, v35  }
0x308: {  	v4 =	vadd.f32 v63, v4;
	v6 =	vmul.f32 v34, v6;
	v5 =	vmul.f32 v5, v31  }
0x309: {  	v39 =	vmul.f32 v32, v28;
	v7 =	vmul.f32 v36, v37  }
0x30a: {  	v40 =	vmul.f32 v38, v40;
	v4 =	vadd.f32 v5, v4;
	v5 =	vmul.f32 v6, v27  }
0x30b: {  	v42 =	vmul.f32 v30, v26;
	v41 =	vmul.f32 v39, v32  }
0x30c: {  	v7 =	vsub.f32 $1.500000000e+00, v7;
	v4 =	vadd.f32 v5, v4;
	v5 =	vmul.f32 v40, v24  }
0x30d: {  	v45 =	vmul.f32 v42, v30;
	v44 =	vsub.f32 $1.500000000e+00, v41  }
0x30e: {  	v43 =	vmul.f32 v7, v37;
	v4 =	vadd.f32 v5, v4;
	v5 =	vmul.f32 v29, v23  }
0x30f: {  	v9 =	vsub.f32 $1.500000000e+00, v45;
	v7 =	vmul.f32 v44, v32  }
0x310: {  	v6 =	vmul.f32 v43, v21;
	v5 =	vmul.f32 v5, v29  }
0x311: {  	v55 =	vld [tilespmem:$0x1FFE0];
	v48 =	vmul.f32 v9, v30  }
0x312: {  	v47 =	vmul.f32 v7, v18;
	v4 =	vadd.f32 v6, v4;
	v5 =	vsub.f32 $1.500000000e+00, v5;
	_ =	sdelay $0x1  }
0x313: {  	v51 =	vmul.f32 v48, v15;
	v4 =	vadd.f32 v47, v4;
	v5 =	vmul.f32 v5, v29  }
0x314: {  	v46 =	vmul.f32 v25, v20  }
0x315: {  	v4 =	vadd.f32 v51, v4;
	v5 =	vmul.f32 v5, v55  }
0x316: {  	v49 =	vmul.f32 v46, v25  }
0x317: {  	v4 =	vadd.f32 v5, v4;
	v5 =	vld [tilespmem:$0x1FFD0]  }
0x318: {  	v52 =	vsub.f32 $1.500000000e+00, v49;
	_ =	sdelay $0x1  }
0x319: {  	v7 =	vmul.f32 v52, v25  }
0x31a: {  	v50 =	vmul.f32 v22, v17  }
0x31b: {  	v5 =	vmul.f32 v7, v5  }
0x31c: {  	v53 =	vmul.f32 v50, v22  }
0x31d: {  	v4 =	vadd.f32 v5, v4;
	v5 =	vld [tilespmem:$0x1FFC0]  }
0x31e: {  	v9 =	vsub.f32 $1.500000000e+00, v53;
	_ =	sdelay $0x1  }
0x31f: {  	v56 =	vmul.f32 v9, v22  }
0x320: {  	v54 =	vmul.f32 v19, v14  }
0x321: {  	v5 =	vmul.f32 v56, v5  }
0x322: {  	v6 =	vmul.f32 v54, v19  }
0x323: {  	v4 =	vadd.f32 v5, v4;
	v5 =	vld [tilespmem:$0x1FFB0]  }
0x324: {  	v6 =	vsub.f32 $1.500000000e+00, v6;
	_ =	sdelay $0x1  }
0x325: {  	v6 =	vmul.f32 v6, v19  }
0x326: {  	v10 =	vmul.f32 v16, v10  }
0x327: {  	v5 =	vmul.f32 v6, v5  }
0x328: {  	v57 =	vmul.f32 v10, v16  }
0x329: {  	v4 =	vadd.f32 v5, v4;
	v5 =	vld [tilespmem:$0x1FFA0]  }
0x32a: {  	v58 =	vsub.f32 $1.500000000e+00, v57;
	_ =	sdelay $0x1  }
0x32b: {  	v59 =	vmul.f32 v58, v16  }
0x32c: {  	v8 =	vmul.f32 v13, v8  }
0x32d: {  	v5 =	vmul.f32 v59, v5  }
0x32e: {  	v8 =	vmul.f32 v8, v13  }
0x32f: {  	v4 =	vadd.f32 v5, v4;
	v5 =	vld [tilespmem:$0x1FF90]  }
0x330: {  	v60 =	vsub.f32 $1.500000000e+00, v8;
	_ =	sdelay $0x1  }
0x331: {  	v61 =	vmul.f32 v60, v13;
	_ =	sdelay $0x1  }
0x332: {  	v5 =	vmul.f32 v61, v5;
	_ =	sdelay $0x1  }
0x333: {  	v4 =	vadd.f32 v5, v4;
	_ =	sdelay $0x1  }
0x334: {  	v5 =	vmul.f32 v4, v4;
	_ =	sdelay $0x1  }
0x335: {  	v62 =	vperm.xlane v5, v0;
	_ =	sdelay $0x1  }
0x336: {  	v5 =	vadd.f32 v5, v62;
	_ =	sdelay $0x1  }
0x337: {  	v6 =	vperm.xlane v5, v1;
	_ =	sdelay $0x1  }
0x338: {  	v5 =	vadd.f32 v5, v6;
	_ =	sdelay $0x1  }
0x339: {  	v6 =	vperm.xlane v5, v2;
	_ =	sdelay $0x1  }
0x33a: {  	v5 =	vadd.f32 v5, v6;
	_ =	sdelay $0x1  }
0x33b: {  	v6 =	vperm.xlane v5, v3;
	_ =	sdelay $0x1  }
0x33c: {  	v5 =	vadd.f32 v5, v6;
	_ =	sdelay $0x1  }
0x33d: {  	v6 =	vshra.s32 v5, $0x1;
	v5 =	vmul.f32 $5.000000000e-01, v5  }
0x33e: {  	v6 =	vsub.s32 $0x5F3759DF, v6  }
0x33f: {  	v63 =	vmul.f32 v6, v5;
	_ =	sdelay $0x1  }
0x340: {  	v7 =	vmul.f32 v6, v63;
	_ =	sdelay $0x1  }
0x341: {  	v7 =	vsub.f32 $1.500000000e+00, v7;
	_ =	sdelay $0x1  }
0x342: {  	v6 =	vmul.f32 v6, v7;
	_ =	sdelay $0x1  }
0x343: {  	v7 =	vmul.f32 v6, v5;
	_ =	sdelay $0x1  }
0x344: {  	v7 =	vmul.f32 v7, v6;
	_ =	sdelay $0x1  }
0x345: {  	v7 =	vsub.f32 $1.500000000e+00, v7;
	_ =	sdelay $0x1  }
0x346: {  	v6 =	vmul.f32 v7, v6;
	_ =	sdelay $0x1  }
0x347: {  	v5 =	vmul.f32 v6, v5;
	_ =	sdelay $0x1  }
0x348: {  	v5 =	vmul.f32 v5, v6;
	_ =	sdelay $0x1  }
0x349: {  	v5 =	vsub.f32 $1.500000000e+00, v5;
	_ =	sdelay $0x1  }
0x34a: {  	v5 =	vmul.f32 v5, v6;
	_ =	sdelay $0x1  }
0x34b: {  	v4 =	vmul.f32 v5, v4;
	v5 =	vld [tilespmem:$0x1FFF0];
	_ =	sdelay $0x1  }
0x34c: {  	s17 =	sadd.s32 $0x1, s17  }
0x34d: {  	p0 =	sne.s32 s17, $0x8  }
.Ltmp1:
0x34e: {  	_ = 	snop;
	(pc) =	sbr.rel @p0 .LBB2_2-.Ltmp1, $3  }
0x34f: {  	_ =	sdelay $0x1  }
0x350: {  	s21 =	sshra.s32 s19, $0x2  }
0x351: {  	s16 =	sadd.s32 $0x400, s16;
	[tilespmem:v5+s21+$0x0 ss:$0x1] =	vst.idx.msk $0xffff, v4  }
0x352: {  	s16 =	simm.s32 $0x0;
	s17 =	rddreg [dreg:$0x4];
	s18 =	simm.s32 $0x8000  }
0x353: {  	[hbm4b:s17+s16] =	stream.linear.scatter [tilespmem:s18], [sflag:$0x2], $0x2000, $0x38;
	[tilespmem:$0xA000] =	vst v63  }
0x354: {  	s18 =	simm.s32 $0x2  }
0x355: {  	_ =	swait.ge [sflag:s18], $0x2000  }
0x356: {  	s19 =	rddreg [dreg:$0x6]  }
0x357: {  	s21 =	rddreg [dreg:$0x5];
	s19 =	sadd.s32 $0x1, s19  }
0x358: {  	p0 =	sne.s32 s19, s21  }
.Ltmp2:
0x359: {  	_ = 	snop;
	(pc) =	sbr.rel @p0 .LBB2_1-.Ltmp2, $3  }
0x35a: {  	_ =	sdelay $0x1  }
0x35b: {  	[sflag:s18] =	ssyncset.done $0x0  }
0x35c: {  	[sflag:s18] =	ssyncadd.s32 $0xFFFFE000  }
0x35d: {  	_ =	sfence.sel $0x180000  }
0x35e: {  	[bflag:$0x0] =	sbarrier.arrive $0xFFFF  }
0x35f: {  	_ =	strace $0x90000047  }
0x360: {  	s0 =	stileid.u32;
	[bflag:$0x2] =	sbarrier.arrive $0xFFFF  }
0x361: {  	p0 =	sne.s32 s0, $0x0;
	s0 =	rddreg [dreg:$0x2]  }
0x362: {  	s0 =	sadd.s32 @!p0 $0x100000, s0  }
0x363: {  	[sflag:s0] =	ssyncadd.tile.s32 @!p0 $0x1;
	_ =	shalt  }
.Lfunc_end2:
_tile_overlayer_lowered:
.L_overlay_start_2:
0x364: {  	(tag) =	ssettag $0x2  }
0x365: {  	s0 =	rddreg [dreg:$0x0];
	s2 =	stileid.u32  }
0x366: {  	s1 =	rddreg [dreg:$0x1];
	p0 =	sne.s32 s2, $0x0  }
0x367: {  	s3 =	rddreg [dreg:$0x2];
	[bflag:$0x3] =	sbarrier.arrive $0xFFFF;
	s2 =	simm.s32 @!p0 $0x1C02  }
0x368: {  	[timem:s3], [sflag:s2] =	dma.local @!p0 [hbm:s0], s1  }
0x369: {  	s0 =	simm.s32 @!p0 $0x2  }
0x36a: {  	_ =	swait.ge @!p0 [sflag:s0], s1  }
0x36b: {  	s1 =	ssub.s32 @!p0 $0x0, s1;
	[sflag:s0] =	ssyncset.done @!p0 $0x0  }
0x36c: {  	[sflag:s0] =	ssyncadd.s32 @!p0 s1  }
0x36d: {  	[bflag:$0x3] =	sbarrier.arrive $0xFFFF  }
0x36e: {  	_ =	shalt  }

</sc_bundles>
